<compile_context>
chip_gen: v7x
topology: tpu7x:2x2x1
jax: 0.10.2.dev20260603
libtpu: 0.0.44.dev20260713+nightly
codegen_flags: <defaults>
</compile_context>

<pallas_src>
import functools

import jax
import jax.numpy as jnp
from jax import lax
from jax.experimental import pallas as pl
from jax.experimental.pallas import tpu as pltpu
from jax.experimental.pallas import tpu_sc as plsc

N_NODES = 10000
N_EDGES = 320000
NW = 32
CHUNK = 128
NC0 = 112
NC1 = 48
NCHUNK = (NC0 + NC1) // 2
NCMAX = max(NC0, NC1)
HALF = NCMAX // 2
EPW = NCHUNK * CHUNK
E_PAD = NW * EPW
NPAD = 10240
DUMMY = N_NODES
ROWS_PW = NPAD // 16
PACK_SHIFT = 14
PACK_MASK = (1 << PACK_SHIFT) - 1

_MESH = plsc.VectorSubcoreMesh(core_axis_name="c", subcore_axis_name="s")
_SC_PARAMS = pltpu.CompilerParams(needs_layout_passes=False)


@functools.partial(
    pl.kernel,
    mesh=_MESH,
    out_type=jax.ShapeDtypeStruct((NW, NPAD), jnp.float32),
    scratch_types=[
        pltpu.VMEM((EPW,), jnp.int32),
        pltpu.VMEM((NPAD,), jnp.float32),
    ],
    compiler_params=_SC_PARAMS,
)
def _deg_kernel(pk_hbm, deg_out, pk_v, deg_v):
    c = lax.axis_index("c")
    s = lax.axis_index("s")
    wid = s * 2 + c
    pltpu.sync_copy(pk_hbm.at[wid], pk_v)

    zeros16 = jnp.zeros((16,), jnp.float32)
    ones16 = jnp.ones((16,), jnp.float32)
    dummy16 = jnp.full((16,), DUMMY, jnp.int32)
    mask16 = jnp.full((16,), PACK_MASK, jnp.int32)

    def zero_body(i, carry):
        deg_v[pl.ds(i * 16, 16)] = zeros16
        return carry

    lax.fori_loop(0, NPAD // 16, zero_body, 0)

    def add_body(g, carry):
        pk16 = pk_v[pl.ds(g * 16, 16)]
        r16 = lax.shift_right_logical(pk16, PACK_SHIFT)
        c16 = lax.bitwise_and(pk16, mask16)
        idx = jnp.where(r16 == c16, dummy16, r16)
        plsc.addupdate_scatter(deg_v, [idx], ones16)
        return carry

    lax.fori_loop(0, EPW // 16, add_body, 0)
    pltpu.sync_copy(deg_v, deg_out.at[wid])


def _make_scatter_kernel(d):
    @functools.partial(
        pl.kernel,
        mesh=_MESH,
        out_type=jax.ShapeDtypeStruct((2, NPAD, d), jnp.float32),
        scratch_types=[
            pltpu.VMEM((HALF, CHUNK), jnp.int32),
            pltpu.VMEM((HALF, CHUNK), jnp.int32),
            pltpu.VMEM((CHUNK, d), jnp.float32),
            pltpu.VMEM((CHUNK, d), jnp.float32),
            pltpu.VMEM_SHARED((NPAD, d), jnp.float32),
            pltpu.SemaphoreType.DMA,
            pltpu.SemaphoreType.DMA,
        ],
        compiler_params=_SC_PARAMS,
    )
    def _scatter_kernel(u_hbm, pk_hbm, acc_out,
                        row_v, col_v, g0, g1, acc_s, sem0, sem1):
        c = lax.axis_index("c")
        s = lax.axis_index("s")
        wid = s * 2 + c

        zeros16 = jnp.zeros((16,), jnp.float32)
        dummy16 = jnp.full((16,), DUMMY, jnp.int32)
        mask16 = jnp.full((16,), PACK_MASK, jnp.int32)

        def gz_body(r, carry):
            for k in range(d // 16):
                g0[r, pl.ds(k * 16, 16)] = zeros16
            return carry

        lax.fori_loop(0, CHUNK, gz_body, 0)
        for z in range(ROWS_PW // CHUNK):
            pltpu.sync_copy(g0, acc_s.at[pl.ds(s * ROWS_PW + z * CHUNK, CHUNK)])
        plsc.subcore_barrier()

        def stream(nc):
            half = nc // 2
            for h in range(2):
                pltpu.sync_copy(pk_hbm.at[wid].at[pl.ds(h * half, half)],
                                row_v.at[pl.ds(0, half)])

                def unpack_body(j, carry):
                    for k in range(CHUNK // 16):
                        pk16 = row_v[j, pl.ds(k * 16, 16)]
                        r16 = lax.shift_right_logical(pk16, PACK_SHIFT)
                        c16 = lax.bitwise_and(pk16, mask16)
                        row_v[j, pl.ds(k * 16, 16)] = r16
                        col_v[j, pl.ds(k * 16, 16)] = jnp.where(
                            r16 == c16, dummy16, c16)
                    return carry

                lax.fori_loop(0, half, unpack_body, 0)

                def chunk_body(jj, carry):
                    j0 = 2 * jj
                    j1 = 2 * jj + 1
                    cp0 = pltpu.async_copy(u_hbm.at[row_v.at[j0]], g0, sem0)
                    cp1 = pltpu.async_copy(u_hbm.at[row_v.at[j1]], g1, sem1)
                    cp0.wait()
                    pltpu.sync_copy(g0, acc_s.at[col_v.at[j0]], add=True)
                    cp1.wait()
                    pltpu.sync_copy(g1, acc_s.at[col_v.at[j1]], add=True)
                    return carry

                lax.fori_loop(0, half // 2, chunk_body, 0)

        @pl.when(c == 0)
        def _():
            stream(NC0)

        @pl.when(c == 1)
        def _():
            stream(NC1)

        plsc.subcore_barrier()
        pltpu.sync_copy(acc_s.at[pl.ds(s * ROWS_PW, ROWS_PW)],
                        acc_out.at[c].at[pl.ds(s * ROWS_PW, ROWS_PW)])

    return _scatter_kernel


_scatter_128 = _make_scatter_kernel(128)


_BLK = 1024
_GRID = NPAD // _BLK


def _dinv_of(dp_block):
    deg = jnp.sum(dp_block, axis=0)
    return jnp.where(deg > 0, lax.rsqrt(deg), 0.0)


def _b_body(x_ref, dp_ref, w10_ref, w11_ref, xw10_ref, u1_ref):
    dinv = _dinv_of(dp_ref[...])
    xb = x_ref[...]
    xw10_ref[...] = jnp.dot(xb, w10_ref[...], preferred_element_type=jnp.float32)
    u1_ref[...] = dinv[:, None] * jnp.dot(xb, w11_ref[...],
                                          preferred_element_type=jnp.float32)


def _d1_body(xw10_ref, acc_ref, dp_ref, b1_ref, w20_ref, w21_ref,
             y1w20_ref, u2_ref):
    dinv = _dinv_of(dp_ref[...])
    accsum = acc_ref[0] + acc_ref[1]
    y1 = jax.nn.relu(xw10_ref[...] - dinv[:, None] * accsum + b1_ref[...])
    y1w20_ref[...] = jnp.dot(y1, w20_ref[...], preferred_element_type=jnp.float32)
    u2_ref[...] = dinv[:, None] * jnp.dot(y1, w21_ref[...],
                                          preferred_element_type=jnp.float32)


def _d2_body(y1w20_ref, acc_ref, dp_ref, b2_ref, wl_ref, bl_ref, out_ref):
    dinv = _dinv_of(dp_ref[...])
    accsum = acc_ref[0] + acc_ref[1]
    y2 = jax.nn.relu(y1w20_ref[...] - dinv[:, None] * accsum + b2_ref[...])
    out_ref[...] = jnp.dot(y2, wl_ref[...],
                           preferred_element_type=jnp.float32) + bl_ref[...]


def _full(shape):
    return pl.BlockSpec(shape, lambda i: (0,) * len(shape))


def _rows(d):
    return pl.BlockSpec((_BLK, d), lambda i: (i, 0))


_DP_SPEC = pl.BlockSpec((NW, _BLK), lambda i: (0, i))


def _acc_spec(d):
    return pl.BlockSpec((2, _BLK, d), lambda i: (0, i, 0))


def kernel(x, edge_index, W10, W11, b1, W20, W21, b2, Wl, bl):
    f32 = jnp.float32
    row = edge_index[0].astype(jnp.int32)
    col = edge_index[1].astype(jnp.int32)
    pad = E_PAD - N_EDGES
    packed = jnp.concatenate(
        [row * (PACK_MASK + 1) + col, jnp.zeros((pad,), jnp.int32)])
    pk2 = packed.reshape(NW, EPW)
    pk_c0 = packed[:16 * NC0 * CHUNK].reshape(16, NC0, CHUNK)
    pk_c1 = packed[16 * NC0 * CHUNK:].reshape(16, NC1, CHUNK)
    pk_c0 = jnp.pad(pk_c0, ((0, 0), (0, NCMAX - NC0), (0, 0)))
    pk_c1 = jnp.pad(pk_c1, ((0, 0), (0, NCMAX - NC1), (0, 0)))
    pk3 = jnp.stack([pk_c0, pk_c1], axis=1).reshape(NW, NCMAX, CHUNK)

    W10p = jnp.pad(W10, ((0, 0), (0, 28)))
    W11p = jnp.pad(W11, ((0, 0), (0, 28)))
    b1p = jnp.pad(b1, (0, 28)).reshape(1, 128)
    W20p = jnp.pad(W20, ((0, 28), (0, 0)))
    W21p = jnp.pad(W21, ((0, 28), (0, 0)))
    b2p = b2.reshape(1, 128)
    blp = bl.reshape(1, 512)

    deg_parts = _deg_kernel(pk2)

    x_p = jnp.pad(x, ((0, NPAD - N_NODES), (0, 0)))
    xw10, u1 = pl.pallas_call(
        _b_body,
        grid=(_GRID,),
        in_specs=[_rows(128), _DP_SPEC, _full((128, 128)), _full((128, 128))],
        out_specs=[_rows(128), _rows(128)],
        out_shape=[jax.ShapeDtypeStruct((NPAD, 128), f32)] * 2,
    )(x_p, deg_parts, W10p, W11p)

    acc1 = _scatter_128(u1, pk3)

    y1w20, u2 = pl.pallas_call(
        _d1_body,
        grid=(_GRID,),
        in_specs=[_rows(128), _acc_spec(128), _DP_SPEC, _full((1, 128)),
                  _full((128, 128)), _full((128, 128))],
        out_specs=[_rows(128), _rows(128)],
        out_shape=[jax.ShapeDtypeStruct((NPAD, 128), f32)] * 2,
    )(xw10, acc1, deg_parts, b1p, W20p, W21p)

    acc2 = _scatter_128(u2, pk3)

    out = pl.pallas_call(
        _d2_body,
        grid=(_GRID,),
        in_specs=[_rows(128), _acc_spec(128), _DP_SPEC, _full((1, 128)),
                  _full((128, 512)), _full((1, 512))],
        out_specs=_rows(512),
        out_shape=jax.ShapeDtypeStruct((NPAD, 512), f32),
    )(y1w20, acc2, deg_parts, b2p, Wl, blp)

    return out[:N_NODES]

# --- scband reference (transcript-rebuilt; emitter-appended) ---
"""Pipeline reference for scband-gcn-7035156431047 (READ-ONLY COPY).

The authoritative reference and input builder live on the scoring server;
editing this copy changes nothing except your own understanding.
"""

import jax, jax.numpy as jnp
import numpy as np

N, E, D_IN, H, D_OUT, D_T = 10000, 320000, 128, 100, 128, 512


def cheb_conv(x, edge_index, W0, W1, b):
    # Faithful port of PyG ChebConv with K=2, sym normalization, lambda_max=2.0.
    # L_hat = 2L/lambda_max - I = -D^{-1/2} A D^{-1/2} (self-loop diagonal nets to 0).
    n = x.shape[0]
    row = edge_index[0]
    col = edge_index[1]
    # remove_self_loops: zero out weight on self-loop edges (equivalent under scatter-add)
    w = (row != col).astype(x.dtype)
    deg = jnp.zeros((n,), dtype=x.dtype).at[row].add(w)
    dinv = jnp.where(deg > 0, 1.0 / jnp.sqrt(deg), 0.0)
    norm = -dinv[row] * w * dinv[col]
    # Tx_0 = x ; Tx_1 = L_hat @ x, messages from source (row) aggregated at target (col)
    Tx1 = jnp.zeros_like(x).at[col].add(norm[:, None] * x[row])
    return x @ W0 + Tx1 @ W1 + b


def setup_inputs(seed: int = 0):
    key = jax.random.key(seed)
    ks = jax.random.split(key, 12)
    x = jax.random.normal(ks[0], (N, D_IN), dtype=jnp.float32)
    edge_index = jax.random.randint(ks[1], (2, E), 0, N)
    s1 = 1.0 / np.sqrt(D_IN)
    s2 = 1.0 / np.sqrt(H)
    s3 = 1.0 / np.sqrt(D_OUT)
    return {
        "x": x,
        "edge_index": edge_index,
        "W10": jax.random.normal(ks[2], (D_IN, H), dtype=jnp.float32) * s1,
        "W11": jax.random.normal(ks[3], (D_IN, H), dtype=jnp.float32) * s1,
        "b1": jax.random.normal(ks[4], (H,), dtype=jnp.float32) * 0.01,
        "W20": jax.random.normal(ks[5], (H, D_OUT), dtype=jnp.float32) * s2,
        "W21": jax.random.normal(ks[6], (H, D_OUT), dtype=jnp.float32) * s2,
        "b2": jax.random.normal(ks[7], (D_OUT,), dtype=jnp.float32) * 0.01,
        "Wl": jax.random.normal(ks[8], (D_OUT, D_T), dtype=jnp.float32) * s3,
        "bl": jax.random.normal(ks[9], (D_T,), dtype=jnp.float32) * 0.01,
    }


def reference(x, edge_index, W10, W11, b1, W20, W21, b2, Wl, bl):
    h = jax.nn.relu(cheb_conv(x, edge_index, W10, W11, b1))
    h = jax.nn.relu(cheb_conv(h, edge_index, W20, W21, b2))
    return h @ Wl + bl

if __name__ == "__main__":
    import jax
    _d = setup_inputs()
    print(jax.jit(kernel)(*tuple(_d.values())))

</pallas_src>

<mosaic_0001>
#map = affine_map<(d0, d1) -> (0, 0)>
#map1 = affine_map<(d0, d1) -> (0, 0, 0)>
module attributes {stable_mosaic.version = 14 : i64} {
  func.func @_scatter_kernel(%arg0: i32, %arg1: i32, %arg2: memref<10240x128xf32, #tpu.memory_space<hbm>>, %arg3: memref<32x112x128xi32, #tpu.memory_space<hbm>>, %arg4: memref<2x10240x128xf32, #tpu.memory_space<hbm>>, %arg5: memref<56x128xi32, #tpu.memory_space<vmem>>, %arg6: memref<56x128xi32, #tpu.memory_space<vmem>>, %arg7: memref<128x128xf32, #tpu.memory_space<vmem>>, %arg8: memref<128x128xf32, #tpu.memory_space<vmem>>, %arg9: memref<10240x128xf32, #tpu.memory_space<vmem_shared>>, %arg10: memref<!tpu.dma_semaphore, #tpu.memory_space<semaphore_mem>>, %arg11: memref<!tpu.dma_semaphore, #tpu.memory_space<semaphore_mem>>) attributes {dimension_semantics = [#tpu.dimension_semantics<core_parallel>, #tpu.dimension_semantics<subcore_parallel>], iteration_bounds = array<i64: 2, 16>, scalar_prefetch = 0 : i64, scratch_operands = 7 : i64, tpu.core_type = #tpu.core_type<sc_vector_subcore>, window_params = [{transform_indices = #map}, {transform_indices = #map1}, {transform_indices = #map1}]} {
    %mul3A = arith.constant 2 : i32
    %mul3A_0 = arith.muli %arg1, %mul3A : i32
    %add3A = arith.addi %mul3A_0, %arg0 : i32
    %broadcast_in_dim3A = arith.constant 0.000000e+00 : f32
    %broadcast_in_dim3A_1 = vector.broadcast %broadcast_in_dim3A : f32 to vector<16xf32>
    %broadcast_in_dim3A_2 = arith.constant 10000 : i32
    %broadcast_in_dim3A_3 = vector.broadcast %broadcast_in_dim3A_2 : i32 to vector<16xi32>
    %broadcast_in_dim3A_4 = arith.constant 16383 : i32
    %broadcast_in_dim3A_5 = vector.broadcast %broadcast_in_dim3A_4 : i32 to vector<16xi32>
    %scan3A = arith.constant 0 : i32
    %scan3A_6 = arith.constant 0 : i32
    %scan3A_7 = arith.constant 128 : i32
    %scan3A_8 = arith.addi %scan3A_6, %scan3A_7 : i32
    %scan3A_9 = arith.constant 1 : i32
    scf.for %scan3A_43 = %scan3A_6 to %scan3A_8 step %scan3A_9  : i32 {
      %swap3A = arith.index_cast %scan3A_43 : i32 to index
      %swap3A_44 = arith.constant 0 : index
      %swap3A_45 = tpu.vector_load %arg7[%swap3A, %swap3A_44] {strides = array<i32>} : memref<128x128xf32, #tpu.memory_space<vmem>>, vector<16xf32>,
      tpu.vector_store %arg7[%swap3A, %swap3A_44], %broadcast_in_dim3A_1 {strides = array<i32>} : memref<128x128xf32, #tpu.memory_space<vmem>>, vector<16xf32>,
      %swap3A_46 = arith.index_cast %scan3A_43 : i32 to index
      %swap3A_47 = arith.constant 16 : index
      %swap3A_48 = tpu.vector_load %arg7[%swap3A_46, %swap3A_47] {strides = array<i32>} : memref<128x128xf32, #tpu.memory_space<vmem>>, vector<16xf32>,
      tpu.vector_store %arg7[%swap3A_46, %swap3A_47], %broadcast_in_dim3A_1 {strides = array<i32>} : memref<128x128xf32, #tpu.memory_space<vmem>>, vector<16xf32>,
      %swap3A_49 = arith.index_cast %scan3A_43 : i32 to index
      %swap3A_50 = arith.constant 32 : index
      %swap3A_51 = tpu.vector_load %arg7[%swap3A_49, %swap3A_50] {strides = array<i32>} : memref<128x128xf32, #tpu.memory_space<vmem>>, vector<16xf32>,
      tpu.vector_store %arg7[%swap3A_49, %swap3A_50], %broadcast_in_dim3A_1 {strides = array<i32>} : memref<128x128xf32, #tpu.memory_space<vmem>>, vector<16xf32>,
      %swap3A_52 = arith.index_cast %scan3A_43 : i32 to index
      %swap3A_53 = arith.constant 48 : index
      %swap3A_54 = tpu.vector_load %arg7[%swap3A_52, %swap3A_53] {strides = array<i32>} : memref<128x128xf32, #tpu.memory_space<vmem>>, vector<16xf32>,
      tpu.vector_store %arg7[%swap3A_52, %swap3A_53], %broadcast_in_dim3A_1 {strides = array<i32>} : memref<128x128xf32, #tpu.memory_space<vmem>>, vector<16xf32>,
      %swap3A_55 = arith.index_cast %scan3A_43 : i32 to index
      %swap3A_56 = arith.constant 64 : index
      %swap3A_57 = tpu.vector_load %arg7[%swap3A_55, %swap3A_56] {strides = array<i32>} : memref<128x128xf32, #tpu.memory_space<vmem>>, vector<16xf32>,
      tpu.vector_store %arg7[%swap3A_55, %swap3A_56], %broadcast_in_dim3A_1 {strides = array<i32>} : memref<128x128xf32, #tpu.memory_space<vmem>>, vector<16xf32>,
      %swap3A_58 = arith.index_cast %scan3A_43 : i32 to index
      %swap3A_59 = arith.constant 80 : index
      %swap3A_60 = tpu.vector_load %arg7[%swap3A_58, %swap3A_59] {strides = array<i32>} : memref<128x128xf32, #tpu.memory_space<vmem>>, vector<16xf32>,
      tpu.vector_store %arg7[%swap3A_58, %swap3A_59], %broadcast_in_dim3A_1 {strides = array<i32>} : memref<128x128xf32, #tpu.memory_space<vmem>>, vector<16xf32>,
      %swap3A_61 = arith.index_cast %scan3A_43 : i32 to index
      %swap3A_62 = arith.constant 96 : index
      %swap3A_63 = tpu.vector_load %arg7[%swap3A_61, %swap3A_62] {strides = array<i32>} : memref<128x128xf32, #tpu.memory_space<vmem>>, vector<16xf32>,
      tpu.vector_store %arg7[%swap3A_61, %swap3A_62], %broadcast_in_dim3A_1 {strides = array<i32>} : memref<128x128xf32, #tpu.memory_space<vmem>>, vector<16xf32>,
      %swap3A_64 = arith.index_cast %scan3A_43 : i32 to index
      %swap3A_65 = arith.constant 112 : index
      %swap3A_66 = tpu.vector_load %arg7[%swap3A_64, %swap3A_65] {strides = array<i32>} : memref<128x128xf32, #tpu.memory_space<vmem>>, vector<16xf32>,
      tpu.vector_store %arg7[%swap3A_64, %swap3A_65], %broadcast_in_dim3A_1 {strides = array<i32>} : memref<128x128xf32, #tpu.memory_space<vmem>>, vector<16xf32>,
    }
    %scan3A_10 = arith.constant 128 : i32
    %mul3A_11 = arith.constant 640 : i32
    %mul3A_12 = arith.muli %arg1, %mul3A_11 : i32
    %add3A_13 = arith.constant 0 : i32
    %add3A_14 = arith.addi %mul3A_12, %add3A_13 : i32
    "tpu.region"() ({
      %run_scoped3A = tpu.sem_alloc : memref<!tpu.dma_semaphore, #tpu.memory_space<semaphore_mem>>
      %dma_start3A = arith.constant 0 : i32
      %dma_start3A_43 = tpu.memref_slice %arg9[%add3A_14, %dma_start3A] : memref<10240x128xf32, #tpu.memory_space<vmem_shared>> -> memref<128x128xf32, #tpu.memory_space<vmem_shared>>
      %dma_start3A_44 = arith.constant 0 : i32
      %dma_start3A_45 = tpu.memref_slice %arg9[%add3A_14, %dma_start3A_44] : memref<10240x128xf32, #tpu.memory_space<vmem_shared>> -> memref<128x128xf32, #tpu.memory_space<vmem_shared>>
      tpu.enqueue_dma source(%arg7 : memref<128x128xf32, #tpu.memory_space<vmem>>) target(%dma_start3A_45 : memref<128x128xf32, #tpu.memory_space<vmem_shared>>) target_semaphore(%run_scoped3A : memref<!tpu.dma_semaphore, #tpu.memory_space<semaphore_mem>>)
      %dma_wait3A = arith.constant 0 : i32
      %dma_wait3A_46 = tpu.memref_slice %arg9[%add3A_14, %dma_wait3A] : memref<10240x128xf32, #tpu.memory_space<vmem_shared>> -> memref<128x128xf32, #tpu.memory_space<vmem_shared>>
      %dma_wait3A_47 = arith.constant 0 : i32
      %dma_wait3A_48 = tpu.memref_slice %arg9[%add3A_14, %dma_wait3A_47] : memref<10240x128xf32, #tpu.memory_space<vmem_shared>> -> memref<128x128xf32, #tpu.memory_space<vmem_shared>>
      tpu.wait_dma2 semaphore(%run_scoped3A : memref<!tpu.dma_semaphore, #tpu.memory_space<semaphore_mem>>) src(%arg7 : memref<128x128xf32, #tpu.memory_space<vmem>>) dst(%dma_wait3A_48 : memref<128x128xf32, #tpu.memory_space<vmem_shared>>)
      tpu.yield
    }) : () -> ()
    %mul3A_15 = arith.constant 640 : i32
    %mul3A_16 = arith.muli %arg1, %mul3A_15 : i32
    %add3A_17 = arith.constant 128 : i32
    %add3A_18 = arith.addi %mul3A_16, %add3A_17 : i32
    "tpu.region"() ({
      %run_scoped3A = tpu.sem_alloc : memref<!tpu.dma_semaphore, #tpu.memory_space<semaphore_mem>>
      %dma_start3A = arith.constant 0 : i32
      %dma_start3A_43 = tpu.memref_slice %arg9[%add3A_18, %dma_start3A] : memref<10240x128xf32, #tpu.memory_space<vmem_shared>> -> memref<128x128xf32, #tpu.memory_space<vmem_shared>>
      %dma_start3A_44 = arith.constant 0 : i32
      %dma_start3A_45 = tpu.memref_slice %arg9[%add3A_18, %dma_start3A_44] : memref<10240x128xf32, #tpu.memory_space<vmem_shared>> -> memref<128x128xf32, #tpu.memory_space<vmem_shared>>
      tpu.enqueue_dma source(%arg7 : memref<128x128xf32, #tpu.memory_space<vmem>>) target(%dma_start3A_45 : memref<128x128xf32, #tpu.memory_space<vmem_shared>>) target_semaphore(%run_scoped3A : memref<!tpu.dma_semaphore, #tpu.memory_space<semaphore_mem>>)
      %dma_wait3A = arith.constant 0 : i32
      %dma_wait3A_46 = tpu.memref_slice %arg9[%add3A_18, %dma_wait3A] : memref<10240x128xf32, #tpu.memory_space<vmem_shared>> -> memref<128x128xf32, #tpu.memory_space<vmem_shared>>
      %dma_wait3A_47 = arith.constant 0 : i32
      %dma_wait3A_48 = tpu.memref_slice %arg9[%add3A_18, %dma_wait3A_47] : memref<10240x128xf32, #tpu.memory_space<vmem_shared>> -> memref<128x128xf32, #tpu.memory_space<vmem_shared>>
      tpu.wait_dma2 semaphore(%run_scoped3A : memref<!tpu.dma_semaphore, #tpu.memory_space<semaphore_mem>>) src(%arg7 : memref<128x128xf32, #tpu.memory_space<vmem>>) dst(%dma_wait3A_48 : memref<128x128xf32, #tpu.memory_space<vmem_shared>>)
      tpu.yield
    }) : () -> ()
    %mul3A_19 = arith.constant 640 : i32
    %mul3A_20 = arith.muli %arg1, %mul3A_19 : i32
    %add3A_21 = arith.constant 256 : i32
    %add3A_22 = arith.addi %mul3A_20, %add3A_21 : i32
    "tpu.region"() ({
      %run_scoped3A = tpu.sem_alloc : memref<!tpu.dma_semaphore, #tpu.memory_space<semaphore_mem>>
      %dma_start3A = arith.constant 0 : i32
      %dma_start3A_43 = tpu.memref_slice %arg9[%add3A_22, %dma_start3A] : memref<10240x128xf32, #tpu.memory_space<vmem_shared>> -> memref<128x128xf32, #tpu.memory_space<vmem_shared>>
      %dma_start3A_44 = arith.constant 0 : i32
      %dma_start3A_45 = tpu.memref_slice %arg9[%add3A_22, %dma_start3A_44] : memref<10240x128xf32, #tpu.memory_space<vmem_shared>> -> memref<128x128xf32, #tpu.memory_space<vmem_shared>>
      tpu.enqueue_dma source(%arg7 : memref<128x128xf32, #tpu.memory_space<vmem>>) target(%dma_start3A_45 : memref<128x128xf32, #tpu.memory_space<vmem_shared>>) target_semaphore(%run_scoped3A : memref<!tpu.dma_semaphore, #tpu.memory_space<semaphore_mem>>)
      %dma_wait3A = arith.constant 0 : i32
      %dma_wait3A_46 = tpu.memref_slice %arg9[%add3A_22, %dma_wait3A] : memref<10240x128xf32, #tpu.memory_space<vmem_shared>> -> memref<128x128xf32, #tpu.memory_space<vmem_shared>>
      %dma_wait3A_47 = arith.constant 0 : i32
      %dma_wait3A_48 = tpu.memref_slice %arg9[%add3A_22, %dma_wait3A_47] : memref<10240x128xf32, #tpu.memory_space<vmem_shared>> -> memref<128x128xf32, #tpu.memory_space<vmem_shared>>
      tpu.wait_dma2 semaphore(%run_scoped3A : memref<!tpu.dma_semaphore, #tpu.memory_space<semaphore_mem>>) src(%arg7 : memref<128x128xf32, #tpu.memory_space<vmem>>) dst(%dma_wait3A_48 : memref<128x128xf32, #tpu.memory_space<vmem_shared>>)
      tpu.yield
    }) : () -> ()
    %mul3A_23 = arith.constant 640 : i32
    %mul3A_24 = arith.muli %arg1, %mul3A_23 : i32
    %add3A_25 = arith.constant 384 : i32
    %add3A_26 = arith.addi %mul3A_24, %add3A_25 : i32
    "tpu.region"() ({
      %run_scoped3A = tpu.sem_alloc : memref<!tpu.dma_semaphore, #tpu.memory_space<semaphore_mem>>
      %dma_start3A = arith.constant 0 : i32
      %dma_start3A_43 = tpu.memref_slice %arg9[%add3A_26, %dma_start3A] : memref<10240x128xf32, #tpu.memory_space<vmem_shared>> -> memref<128x128xf32, #tpu.memory_space<vmem_shared>>
      %dma_start3A_44 = arith.constant 0 : i32
      %dma_start3A_45 = tpu.memref_slice %arg9[%add3A_26, %dma_start3A_44] : memref<10240x128xf32, #tpu.memory_space<vmem_shared>> -> memref<128x128xf32, #tpu.memory_space<vmem_shared>>
      tpu.enqueue_dma source(%arg7 : memref<128x128xf32, #tpu.memory_space<vmem>>) target(%dma_start3A_45 : memref<128x128xf32, #tpu.memory_space<vmem_shared>>) target_semaphore(%run_scoped3A : memref<!tpu.dma_semaphore, #tpu.memory_space<semaphore_mem>>)
      %dma_wait3A = arith.constant 0 : i32
      %dma_wait3A_46 = tpu.memref_slice %arg9[%add3A_26, %dma_wait3A] : memref<10240x128xf32, #tpu.memory_space<vmem_shared>> -> memref<128x128xf32, #tpu.memory_space<vmem_shared>>
      %dma_wait3A_47 = arith.constant 0 : i32
      %dma_wait3A_48 = tpu.memref_slice %arg9[%add3A_26, %dma_wait3A_47] : memref<10240x128xf32, #tpu.memory_space<vmem_shared>> -> memref<128x128xf32, #tpu.memory_space<vmem_shared>>
      tpu.wait_dma2 semaphore(%run_scoped3A : memref<!tpu.dma_semaphore, #tpu.memory_space<semaphore_mem>>) src(%arg7 : memref<128x128xf32, #tpu.memory_space<vmem>>) dst(%dma_wait3A_48 : memref<128x128xf32, #tpu.memory_space<vmem_shared>>)
      tpu.yield
    }) : () -> ()
    %mul3A_27 = arith.constant 640 : i32
    %mul3A_28 = arith.muli %arg1, %mul3A_27 : i32
    %add3A_29 = arith.constant 512 : i32
    %add3A_30 = arith.addi %mul3A_28, %add3A_29 : i32
    "tpu.region"() ({
      %run_scoped3A = tpu.sem_alloc : memref<!tpu.dma_semaphore, #tpu.memory_space<semaphore_mem>>
      %dma_start3A = arith.constant 0 : i32
      %dma_start3A_43 = tpu.memref_slice %arg9[%add3A_30, %dma_start3A] : memref<10240x128xf32, #tpu.memory_space<vmem_shared>> -> memref<128x128xf32, #tpu.memory_space<vmem_shared>>
      %dma_start3A_44 = arith.constant 0 : i32
      %dma_start3A_45 = tpu.memref_slice %arg9[%add3A_30, %dma_start3A_44] : memref<10240x128xf32, #tpu.memory_space<vmem_shared>> -> memref<128x128xf32, #tpu.memory_space<vmem_shared>>
      tpu.enqueue_dma source(%arg7 : memref<128x128xf32, #tpu.memory_space<vmem>>) target(%dma_start3A_45 : memref<128x128xf32, #tpu.memory_space<vmem_shared>>) target_semaphore(%run_scoped3A : memref<!tpu.dma_semaphore, #tpu.memory_space<semaphore_mem>>)
      %dma_wait3A = arith.constant 0 : i32
      %dma_wait3A_46 = tpu.memref_slice %arg9[%add3A_30, %dma_wait3A] : memref<10240x128xf32, #tpu.memory_space<vmem_shared>> -> memref<128x128xf32, #tpu.memory_space<vmem_shared>>
      %dma_wait3A_47 = arith.constant 0 : i32
      %dma_wait3A_48 = tpu.memref_slice %arg9[%add3A_30, %dma_wait3A_47] : memref<10240x128xf32, #tpu.memory_space<vmem_shared>> -> memref<128x128xf32, #tpu.memory_space<vmem_shared>>
      tpu.wait_dma2 semaphore(%run_scoped3A : memref<!tpu.dma_semaphore, #tpu.memory_space<semaphore_mem>>) src(%arg7 : memref<128x128xf32, #tpu.memory_space<vmem>>) dst(%dma_wait3A_48 : memref<128x128xf32, #tpu.memory_space<vmem_shared>>)
      tpu.yield
    }) : () -> ()
    %barrier3A = arith.constant 0 : index
    tpu.barrier barrier_id(%barrier3A)
    %eq3A = arith.constant 0 : i32
    %eq3A_31 = arith.cmpi eq, %arg0, %eq3A : i32
    %convert_element_type3A = arith.extui %eq3A_31 : i1 to i32
    %cond3A = arith.constant 0 : i32
    %cond3A_32 = arith.cmpi ne, %convert_element_type3A, %cond3A : i32
    scf.if %cond3A_32 {
      "tpu.region"() ({
        %run_scoped3A = tpu.sem_alloc : memref<!tpu.dma_semaphore, #tpu.memory_space<semaphore_mem>>
        %dma_start3A = arith.constant 0 : i32
        %dma_start3A_67 = arith.constant 0 : i32
        %dma_start3A_68 = tpu.memref_slice %arg5[%dma_start3A, %dma_start3A_67] : memref<56x128xi32, #tpu.memory_space<vmem>> -> memref<56x128xi32, #tpu.memory_space<vmem>>
        %dma_start3A_69 = arith.constant 0 : i32
        %dma_start3A_70 = arith.constant 0 : i32
        %dma_start3A_71 = tpu.memref_slice %arg3[%add3A, %dma_start3A_69, %dma_start3A_70] : memref<32x112x128xi32, #tpu.memory_space<hbm>> -> memref<1x112x128xi32, #tpu.memory_space<hbm>>
        %dma_start3A_72 = tpu.memref_squeeze %dma_start3A_71 : memref<1x112x128xi32, #tpu.memory_space<hbm>> -> memref<112x128xi32, #tpu.memory_space<hbm>>
        %dma_start3A_73 = arith.constant 0 : i32
        %dma_start3A_74 = arith.constant 0 : i32
        %dma_start3A_75 = tpu.memref_slice %dma_start3A_72[%dma_start3A_73, %dma_start3A_74] : memref<112x128xi32, #tpu.memory_space<hbm>> -> memref<56x128xi32, #tpu.memory_space<hbm>>
        %dma_start3A_76 = arith.constant 0 : i32
        %dma_start3A_77 = arith.constant 0 : i32
        %dma_start3A_78 = tpu.memref_slice %arg5[%dma_start3A_76, %dma_start3A_77] : memref<56x128xi32, #tpu.memory_space<vmem>> -> memref<56x128xi32, #tpu.memory_space<vmem>>
        %dma_start3A_79 = arith.constant 0 : i32
        %dma_start3A_80 = arith.constant 0 : i32
        %dma_start3A_81 = tpu.memref_slice %arg3[%add3A, %dma_start3A_79, %dma_start3A_80] : memref<32x112x128xi32, #tpu.memory_space<hbm>> -> memref<1x112x128xi32, #tpu.memory_space<hbm>>
        %dma_start3A_82 = tpu.memref_squeeze %dma_start3A_81 : memref<1x112x128xi32, #tpu.memory_space<hbm>> -> memref<112x128xi32, #tpu.memory_space<hbm>>
        %dma_start3A_83 = arith.constant 0 : i32
        %dma_start3A_84 = arith.constant 0 : i32
        %dma_start3A_85 = tpu.memref_slice %dma_start3A_82[%dma_start3A_83, %dma_start3A_84] : memref<112x128xi32, #tpu.memory_space<hbm>> -> memref<56x128xi32, #tpu.memory_space<hbm>>
        tpu.enqueue_dma source(%dma_start3A_85 : memref<56x128xi32, #tpu.memory_space<hbm>>) target(%dma_start3A_78 : memref<56x128xi32, #tpu.memory_space<vmem>>) target_semaphore(%run_scoped3A : memref<!tpu.dma_semaphore, #tpu.memory_space<semaphore_mem>>)
        %dma_wait3A = arith.constant 0 : i32
        %dma_wait3A_86 = arith.constant 0 : i32
        %dma_wait3A_87 = tpu.memref_slice %arg5[%dma_wait3A, %dma_wait3A_86] : memref<56x128xi32, #tpu.memory_space<vmem>> -> memref<56x128xi32, #tpu.memory_space<vmem>>
        %dma_wait3A_88 = arith.constant 0 : i32
        %dma_wait3A_89 = arith.constant 0 : i32
        %dma_wait3A_90 = tpu.memref_slice %arg3[%add3A, %dma_wait3A_88, %dma_wait3A_89] : memref<32x112x128xi32, #tpu.memory_space<hbm>> -> memref<1x112x128xi32, #tpu.memory_space<hbm>>
        %dma_wait3A_91 = tpu.memref_squeeze %dma_wait3A_90 : memref<1x112x128xi32, #tpu.memory_space<hbm>> -> memref<112x128xi32, #tpu.memory_space<hbm>>
        %dma_wait3A_92 = arith.constant 0 : i32
        %dma_wait3A_93 = arith.constant 0 : i32
        %dma_wait3A_94 = tpu.memref_slice %dma_wait3A_91[%dma_wait3A_92, %dma_wait3A_93] : memref<112x128xi32, #tpu.memory_space<hbm>> -> memref<56x128xi32, #tpu.memory_space<hbm>>
        %dma_wait3A_95 = arith.constant 0 : i32
        %dma_wait3A_96 = arith.constant 0 : i32
        %dma_wait3A_97 = tpu.memref_slice %arg5[%dma_wait3A_95, %dma_wait3A_96] : memref<56x128xi32, #tpu.memory_space<vmem>> -> memref<56x128xi32, #tpu.memory_space<vmem>>
        %dma_wait3A_98 = arith.constant 0 : i32
        %dma_wait3A_99 = arith.constant 0 : i32
        %dma_wait3A_100 = tpu.memref_slice %arg3[%add3A, %dma_wait3A_98, %dma_wait3A_99] : memref<32x112x128xi32, #tpu.memory_space<hbm>> -> memref<1x112x128xi32, #tpu.memory_space<hbm>>
        %dma_wait3A_101 = tpu.memref_squeeze %dma_wait3A_100 : memref<1x112x128xi32, #tpu.memory_space<hbm>> -> memref<112x128xi32, #tpu.memory_space<hbm>>
        %dma_wait3A_102 = arith.constant 0 : i32
        %dma_wait3A_103 = arith.constant 0 : i32
        %dma_wait3A_104 = tpu.memref_slice %dma_wait3A_101[%dma_wait3A_102, %dma_wait3A_103] : memref<112x128xi32, #tpu.memory_space<hbm>> -> memref<56x128xi32, #tpu.memory_space<hbm>>
        tpu.wait_dma2 semaphore(%run_scoped3A : memref<!tpu.dma_semaphore, #tpu.memory_space<semaphore_mem>>) src(%dma_wait3A_104 : memref<56x128xi32, #tpu.memory_space<hbm>>) dst(%dma_wait3A_97 : memref<56x128xi32, #tpu.memory_space<vmem>>)
        tpu.yield
      }) : () -> ()
      %scan3A_43 = arith.constant 0 : i32
      %scan3A_44 = arith.constant 0 : i32
      %scan3A_45 = arith.constant 56 : i32
      %scan3A_46 = arith.addi %scan3A_44, %scan3A_45 : i32
      %scan3A_47 = arith.constant 1 : i32
      scf.for %scan3A_67 = %scan3A_44 to %scan3A_46 step %scan3A_47  : i32 {
        %get3A = arith.index_cast %scan3A_67 : i32 to index
        %get3A_68 = arith.constant 0 : index
        %get3A_69 = tpu.vector_load %arg5[%get3A, %get3A_68] {strides = array<i32>} : memref<56x128xi32, #tpu.memory_space<vmem>>, vector<16xi32>,
        %shift_right_logical3A = arith.constant 14 : i32
        %shift_right_logical3A_70 = vector.broadcast %shift_right_logical3A : i32 to vector<16xi32>
        %shift_right_logical3A_71 = arith.shrui %get3A_69, %shift_right_logical3A_70 : vector<16xi32>
        %and3A = arith.andi %get3A_69, %broadcast_in_dim3A_5 : vector<16xi32>
        %swap3A = arith.index_cast %scan3A_67 : i32 to index
        %swap3A_72 = arith.constant 0 : index
        %swap3A_73 = tpu.vector_load %arg5[%swap3A, %swap3A_72] {strides = array<i32>} : memref<56x128xi32, #tpu.memory_space<vmem>>, vector<16xi32>,
        tpu.vector_store %arg5[%swap3A, %swap3A_72], %shift_right_logical3A_71 {strides = array<i32>} : memref<56x128xi32, #tpu.memory_space<vmem>>, vector<16xi32>,
        %eq3A_74 = arith.cmpi eq, %shift_right_logical3A_71, %and3A : vector<16xi32>
        %select_n3A = arith.select %eq3A_74, %broadcast_in_dim3A_3, %and3A : vector<16xi1>, vector<16xi32>
        %swap3A_75 = arith.index_cast %scan3A_67 : i32 to index
        %swap3A_76 = arith.constant 0 : index
        %swap3A_77 = tpu.vector_load %arg6[%swap3A_75, %swap3A_76] {strides = array<i32>} : memref<56x128xi32, #tpu.memory_space<vmem>>, vector<16xi32>,
        tpu.vector_store %arg6[%swap3A_75, %swap3A_76], %select_n3A {strides = array<i32>} : memref<56x128xi32, #tpu.memory_space<vmem>>, vector<16xi32>,
        %get3A_78 = arith.index_cast %scan3A_67 : i32 to index
        %get3A_79 = arith.constant 16 : index
        %get3A_80 = tpu.vector_load %arg5[%get3A_78, %get3A_79] {strides = array<i32>} : memref<56x128xi32, #tpu.memory_space<vmem>>, vector<16xi32>,
        %shift_right_logical3A_81 = arith.constant 14 : i32
        %shift_right_logical3A_82 = vector.broadcast %shift_right_logical3A_81 : i32 to vector<16xi32>
        %shift_right_logical3A_83 = arith.shrui %get3A_80, %shift_right_logical3A_82 : vector<16xi32>
        %and3A_84 = arith.andi %get3A_80, %broadcast_in_dim3A_5 : vector<16xi32>
        %swap3A_85 = arith.index_cast %scan3A_67 : i32 to index
        %swap3A_86 = arith.constant 16 : index
        %swap3A_87 = tpu.vector_load %arg5[%swap3A_85, %swap3A_86] {strides = array<i32>} : memref<56x128xi32, #tpu.memory_space<vmem>>, vector<16xi32>,
        tpu.vector_store %arg5[%swap3A_85, %swap3A_86], %shift_right_logical3A_83 {strides = array<i32>} : memref<56x128xi32, #tpu.memory_space<vmem>>, vector<16xi32>,
        %eq3A_88 = arith.cmpi eq, %shift_right_logical3A_83, %and3A_84 : vector<16xi32>
        %select_n3A_89 = arith.select %eq3A_88, %broadcast_in_dim3A_3, %and3A_84 : vector<16xi1>, vector<16xi32>
        %swap3A_90 = arith.index_cast %scan3A_67 : i32 to index
        %swap3A_91 = arith.constant 16 : index
        %swap3A_92 = tpu.vector_load %arg6[%swap3A_90, %swap3A_91] {strides = array<i32>} : memref<56x128xi32, #tpu.memory_space<vmem>>, vector<16xi32>,
        tpu.vector_store %arg6[%swap3A_90, %swap3A_91], %select_n3A_89 {strides = array<i32>} : memref<56x128xi32, #tpu.memory_space<vmem>>, vector<16xi32>,
        %get3A_93 = arith.index_cast %scan3A_67 : i32 to index
        %get3A_94 = arith.constant 32 : index
        %get3A_95 = tpu.vector_load %arg5[%get3A_93, %get3A_94] {strides = array<i32>} : memref<56x128xi32, #tpu.memory_space<vmem>>, vector<16xi32>,
        %shift_right_logical3A_96 = arith.constant 14 : i32
        %shift_right_logical3A_97 = vector.broadcast %shift_right_logical3A_96 : i32 to vector<16xi32>
        %shift_right_logical3A_98 = arith.shrui %get3A_95, %shift_right_logical3A_97 : vector<16xi32>
        %and3A_99 = arith.andi %get3A_95, %broadcast_in_dim3A_5 : vector<16xi32>
        %swap3A_100 = arith.index_cast %scan3A_67 : i32 to index
        %swap3A_101 = arith.constant 32 : index
        %swap3A_102 = tpu.vector_load %arg5[%swap3A_100, %swap3A_101] {strides = array<i32>} : memref<56x128xi32, #tpu.memory_space<vmem>>, vector<16xi32>,
        tpu.vector_store %arg5[%swap3A_100, %swap3A_101], %shift_right_logical3A_98 {strides = array<i32>} : memref<56x128xi32, #tpu.memory_space<vmem>>, vector<16xi32>,
        %eq3A_103 = arith.cmpi eq, %shift_right_logical3A_98, %and3A_99 : vector<16xi32>
        %select_n3A_104 = arith.select %eq3A_103, %broadcast_in_dim3A_3, %and3A_99 : vector<16xi1>, vector<16xi32>
        %swap3A_105 = arith.index_cast %scan3A_67 : i32 to index
        %swap3A_106 = arith.constant 32 : index
        %swap3A_107 = tpu.vector_load %arg6[%swap3A_105, %swap3A_106] {strides = array<i32>} : memref<56x128xi32, #tpu.memory_space<vmem>>, vector<16xi32>,
        tpu.vector_store %arg6[%swap3A_105, %swap3A_106], %select_n3A_104 {strides = array<i32>} : memref<56x128xi32, #tpu.memory_space<vmem>>, vector<16xi32>,
        %get3A_108 = arith.index_cast %scan3A_67 : i32 to index
        %get3A_109 = arith.constant 48 : index
        %get3A_110 = tpu.vector_load %arg5[%get3A_108, %get3A_109] {strides = array<i32>} : memref<56x128xi32, #tpu.memory_space<vmem>>, vector<16xi32>,
        %shift_right_logical3A_111 = arith.constant 14 : i32
        %shift_right_logical3A_112 = vector.broadcast %shift_right_logical3A_111 : i32 to vector<16xi32>
        %shift_right_logical3A_113 = arith.shrui %get3A_110, %shift_right_logical3A_112 : vector<16xi32>
        %and3A_114 = arith.andi %get3A_110, %broadcast_in_dim3A_5 : vector<16xi32>
        %swap3A_115 = arith.index_cast %scan3A_67 : i32 to index
        %swap3A_116 = arith.constant 48 : index
        %swap3A_117 = tpu.vector_load %arg5[%swap3A_115, %swap3A_116] {strides = array<i32>} : memref<56x128xi32, #tpu.memory_space<vmem>>, vector<16xi32>,
        tpu.vector_store %arg5[%swap3A_115, %swap3A_116], %shift_right_logical3A_113 {strides = array<i32>} : memref<56x128xi32, #tpu.memory_space<vmem>>, vector<16xi32>,
        %eq3A_118 = arith.cmpi eq, %shift_right_logical3A_113, %and3A_114 : vector<16xi32>
        %select_n3A_119 = arith.select %eq3A_118, %broadcast_in_dim3A_3, %and3A_114 : vector<16xi1>, vector<16xi32>
        %swap3A_120 = arith.index_cast %scan3A_67 : i32 to index
        %swap3A_121 = arith.constant 48 : index
        %swap3A_122 = tpu.vector_load %arg6[%swap3A_120, %swap3A_121] {strides = array<i32>} : memref<56x128xi32, #tpu.memory_space<vmem>>, vector<16xi32>,
        tpu.vector_store %arg6[%swap3A_120, %swap3A_121], %select_n3A_119 {strides = array<i32>} : memref<56x128xi32, #tpu.memory_space<vmem>>, vector<16xi32>,
        %get3A_123 = arith.index_cast %scan3A_67 : i32 to index
        %get3A_124 = arith.constant 64 : index
        %get3A_125 = tpu.vector_load %arg5[%get3A_123, %get3A_124] {strides = array<i32>} : memref<56x128xi32, #tpu.memory_space<vmem>>, vector<16xi32>,
        %shift_right_logical3A_126 = arith.constant 14 : i32
        %shift_right_logical3A_127 = vector.broadcast %shift_right_logical3A_126 : i32 to vector<16xi32>
        %shift_right_logical3A_128 = arith.shrui %get3A_125, %shift_right_logical3A_127 : vector<16xi32>
        %and3A_129 = arith.andi %get3A_125, %broadcast_in_dim3A_5 : vector<16xi32>
        %swap3A_130 = arith.index_cast %scan3A_67 : i32 to index
        %swap3A_131 = arith.constant 64 : index
        %swap3A_132 = tpu.vector_load %arg5[%swap3A_130, %swap3A_131] {strides = array<i32>} : memref<56x128xi32, #tpu.memory_space<vmem>>, vector<16xi32>,
        tpu.vector_store %arg5[%swap3A_130, %swap3A_131], %shift_right_logical3A_128 {strides = array<i32>} : memref<56x128xi32, #tpu.memory_space<vmem>>, vector<16xi32>,
        %eq3A_133 = arith.cmpi eq, %shift_right_logical3A_128, %and3A_129 : vector<16xi32>
        %select_n3A_134 = arith.select %eq3A_133, %broadcast_in_dim3A_3, %and3A_129 : vector<16xi1>, vector<16xi32>
        %swap3A_135 = arith.index_cast %scan3A_67 : i32 to index
        %swap3A_136 = arith.constant 64 : index
        %swap3A_137 = tpu.vector_load %arg6[%swap3A_135, %swap3A_136] {strides = array<i32>} : memref<56x128xi32, #tpu.memory_space<vmem>>, vector<16xi32>,
        tpu.vector_store %arg6[%swap3A_135, %swap3A_136], %select_n3A_134 {strides = array<i32>} : memref<56x128xi32, #tpu.memory_space<vmem>>, vector<16xi32>,
        %get3A_138 = arith.index_cast %scan3A_67 : i32 to index
        %get3A_139 = arith.constant 80 : index
        %get3A_140 = tpu.vector_load %arg5[%get3A_138, %get3A_139] {strides = array<i32>} : memref<56x128xi32, #tpu.memory_space<vmem>>, vector<16xi32>,
        %shift_right_logical3A_141 = arith.constant 14 : i32
        %shift_right_logical3A_142 = vector.broadcast %shift_right_logical3A_141 : i32 to vector<16xi32>
        %shift_right_logical3A_143 = arith.shrui %get3A_140, %shift_right_logical3A_142 : vector<16xi32>
        %and3A_144 = arith.andi %get3A_140, %broadcast_in_dim3A_5 : vector<16xi32>
        %swap3A_145 = arith.index_cast %scan3A_67 : i32 to index
        %swap3A_146 = arith.constant 80 : index
        %swap3A_147 = tpu.vector_load %arg5[%swap3A_145, %swap3A_146] {strides = array<i32>} : memref<56x128xi32, #tpu.memory_space<vmem>>, vector<16xi32>,
        tpu.vector_store %arg5[%swap3A_145, %swap3A_146], %shift_right_logical3A_143 {strides = array<i32>} : memref<56x128xi32, #tpu.memory_space<vmem>>, vector<16xi32>,
        %eq3A_148 = arith.cmpi eq, %shift_right_logical3A_143, %and3A_144 : vector<16xi32>
        %select_n3A_149 = arith.select %eq3A_148, %broadcast_in_dim3A_3, %and3A_144 : vector<16xi1>, vector<16xi32>
        %swap3A_150 = arith.index_cast %scan3A_67 : i32 to index
        %swap3A_151 = arith.constant 80 : index
        %swap3A_152 = tpu.vector_load %arg6[%swap3A_150, %swap3A_151] {strides = array<i32>} : memref<56x128xi32, #tpu.memory_space<vmem>>, vector<16xi32>,
        tpu.vector_store %arg6[%swap3A_150, %swap3A_151], %select_n3A_149 {strides = array<i32>} : memref<56x128xi32, #tpu.memory_space<vmem>>, vector<16xi32>,
        %get3A_153 = arith.index_cast %scan3A_67 : i32 to index
        %get3A_154 = arith.constant 96 : index
        %get3A_155 = tpu.vector_load %arg5[%get3A_153, %get3A_154] {strides = array<i32>} : memref<56x128xi32, #tpu.memory_space<vmem>>, vector<16xi32>,
        %shift_right_logical3A_156 = arith.constant 14 : i32
        %shift_right_logical3A_157 = vector.broadcast %shift_right_logical3A_156 : i32 to vector<16xi32>
        %shift_right_logical3A_158 = arith.shrui %get3A_155, %shift_right_logical3A_157 : vector<16xi32>
        %and3A_159 = arith.andi %get3A_155, %broadcast_in_dim3A_5 : vector<16xi32>
        %swap3A_160 = arith.index_cast %scan3A_67 : i32 to index
        %swap3A_161 = arith.constant 96 : index
        %swap3A_162 = tpu.vector_load %arg5[%swap3A_160, %swap3A_161] {strides = array<i32>} : memref<56x128xi32, #tpu.memory_space<vmem>>, vector<16xi32>,
        tpu.vector_store %arg5[%swap3A_160, %swap3A_161], %shift_right_logical3A_158 {strides = array<i32>} : memref<56x128xi32, #tpu.memory_space<vmem>>, vector<16xi32>,
        %eq3A_163 = arith.cmpi eq, %shift_right_logical3A_158, %and3A_159 : vector<16xi32>
        %select_n3A_164 = arith.select %eq3A_163, %broadcast_in_dim3A_3, %and3A_159 : vector<16xi1>, vector<16xi32>
        %swap3A_165 = arith.index_cast %scan3A_67 : i32 to index
        %swap3A_166 = arith.constant 96 : index
        %swap3A_167 = tpu.vector_load %arg6[%swap3A_165, %swap3A_166] {strides = array<i32>} : memref<56x128xi32, #tpu.memory_space<vmem>>, vector<16xi32>,
        tpu.vector_store %arg6[%swap3A_165, %swap3A_166], %select_n3A_164 {strides = array<i32>} : memref<56x128xi32, #tpu.memory_space<vmem>>, vector<16xi32>,
        %get3A_168 = arith.index_cast %scan3A_67 : i32 to index
        %get3A_169 = arith.constant 112 : index
        %get3A_170 = tpu.vector_load %arg5[%get3A_168, %get3A_169] {strides = array<i32>} : memref<56x128xi32, #tpu.memory_space<vmem>>, vector<16xi32>,
        %shift_right_logical3A_171 = arith.constant 14 : i32
        %shift_right_logical3A_172 = vector.broadcast %shift_right_logical3A_171 : i32 to vector<16xi32>
        %shift_right_logical3A_173 = arith.shrui %get3A_170, %shift_right_logical3A_172 : vector<16xi32>
        %and3A_174 = arith.andi %get3A_170, %broadcast_in_dim3A_5 : vector<16xi32>
        %swap3A_175 = arith.index_cast %scan3A_67 : i32 to index
        %swap3A_176 = arith.constant 112 : index
        %swap3A_177 = tpu.vector_load %arg5[%swap3A_175, %swap3A_176] {strides = array<i32>} : memref<56x128xi32, #tpu.memory_space<vmem>>, vector<16xi32>,
        tpu.vector_store %arg5[%swap3A_175, %swap3A_176], %shift_right_logical3A_173 {strides = array<i32>} : memref<56x128xi32, #tpu.memory_space<vmem>>, vector<16xi32>,
        %eq3A_178 = arith.cmpi eq, %shift_right_logical3A_173, %and3A_174 : vector<16xi32>
        %select_n3A_179 = arith.select %eq3A_178, %broadcast_in_dim3A_3, %and3A_174 : vector<16xi1>, vector<16xi32>
        %swap3A_180 = arith.index_cast %scan3A_67 : i32 to index
        %swap3A_181 = arith.constant 112 : index
        %swap3A_182 = tpu.vector_load %arg6[%swap3A_180, %swap3A_181] {strides = array<i32>} : memref<56x128xi32, #tpu.memory_space<vmem>>, vector<16xi32>,
        tpu.vector_store %arg6[%swap3A_180, %swap3A_181], %select_n3A_179 {strides = array<i32>} : memref<56x128xi32, #tpu.memory_space<vmem>>, vector<16xi32>,
      }
      %scan3A_48 = arith.constant 56 : i32
      %scan3A_49 = arith.constant 0 : i32
      %scan3A_50 = arith.constant 0 : i32
      %scan3A_51 = arith.constant 28 : i32
      %scan3A_52 = arith.addi %scan3A_50, %scan3A_51 : i32
      %scan3A_53 = arith.constant 1 : i32
      scf.for %scan3A_67 = %scan3A_50 to %scan3A_52 step %scan3A_53  : i32 {
        %mul3A_68 = arith.constant 2 : i32
        %mul3A_69 = arith.muli %mul3A_68, %scan3A_67 : i32
        %mul3A_70 = arith.constant 2 : i32
        %mul3A_71 = arith.muli %mul3A_70, %scan3A_67 : i32
        %add3A_72 = arith.constant 1 : i32
        %add3A_73 = arith.addi %mul3A_71, %add3A_72 : i32
        %dma_start3A = arith.constant 0 : i32
        %dma_start3A_74 = tpu.memref_slice %arg5[%mul3A_69, %dma_start3A] : memref<56x128xi32, #tpu.memory_space<vmem>> -> memref<1x128xi32, #tpu.memory_space<vmem>>
        %dma_start3A_75 = tpu.memref_squeeze %dma_start3A_74 : memref<1x128xi32, #tpu.memory_space<vmem>> -> memref<128xi32, #tpu.memory_space<vmem>>
        %dma_start3A_76 = arith.constant 0 : i32
        %dma_start3A_77 = arith.constant 0 : i32
        %dma_start3A_78 = tpu.memref_slice %arg2[%dma_start3A_76, %dma_start3A_77] : memref<10240x128xf32, #tpu.memory_space<hbm>> -> memref<10240x128xf32, #tpu.memory_space<hbm>>
        tpu.enqueue_indirect_dma source(%dma_start3A_78 : memref<10240x128xf32, #tpu.memory_space<hbm>>) target(%arg7 : memref<128x128xf32, #tpu.memory_space<vmem>>) offsets(%dma_start3A_75 : memref<128xi32, #tpu.memory_space<vmem>>) semaphore(%arg10 : memref<!tpu.dma_semaphore, #tpu.memory_space<semaphore_mem>>)
        %dma_start3A_79 = arith.constant 0 : i32
        %dma_start3A_80 = tpu.memref_slice %arg5[%add3A_73, %dma_start3A_79] : memref<56x128xi32, #tpu.memory_space<vmem>> -> memref<1x128xi32, #tpu.memory_space<vmem>>
        %dma_start3A_81 = tpu.memref_squeeze %dma_start3A_80 : memref<1x128xi32, #tpu.memory_space<vmem>> -> memref<128xi32, #tpu.memory_space<vmem>>
        %dma_start3A_82 = arith.constant 0 : i32
        %dma_start3A_83 = arith.constant 0 : i32
        %dma_start3A_84 = tpu.memref_slice %arg2[%dma_start3A_82, %dma_start3A_83] : memref<10240x128xf32, #tpu.memory_space<hbm>> -> memref<10240x128xf32, #tpu.memory_space<hbm>>
        tpu.enqueue_indirect_dma source(%dma_start3A_84 : memref<10240x128xf32, #tpu.memory_space<hbm>>) target(%arg8 : memref<128x128xf32, #tpu.memory_space<vmem>>) offsets(%dma_start3A_81 : memref<128xi32, #tpu.memory_space<vmem>>) semaphore(%arg11 : memref<!tpu.dma_semaphore, #tpu.memory_space<semaphore_mem>>)
        %dma_wait3A = arith.constant 0 : i32
        %dma_wait3A_85 = tpu.memref_slice %arg5[%mul3A_69, %dma_wait3A] : memref<56x128xi32, #tpu.memory_space<vmem>> -> memref<1x128xi32, #tpu.memory_space<vmem>>
        %dma_wait3A_86 = tpu.memref_squeeze %dma_wait3A_85 : memref<1x128xi32, #tpu.memory_space<vmem>> -> memref<128xi32, #tpu.memory_space<vmem>>
        %dma_wait3A_87 = arith.constant 0 : i32
        %dma_wait3A_88 = arith.constant 0 : i32
        %dma_wait3A_89 = tpu.memref_slice %arg2[%dma_wait3A_87, %dma_wait3A_88] : memref<10240x128xf32, #tpu.memory_space<hbm>> -> memref<10240x128xf32, #tpu.memory_space<hbm>>
        tpu.wait_indirect_dma semaphore(%arg10 : memref<!tpu.dma_semaphore, #tpu.memory_space<semaphore_mem>>) src(%dma_wait3A_89 : memref<10240x128xf32, #tpu.memory_space<hbm>>) dst(%arg7 : memref<128x128xf32, #tpu.memory_space<vmem>>)
        "tpu.region"() ({
          %run_scoped3A = tpu.sem_alloc : memref<!tpu.dma_semaphore, #tpu.memory_space<semaphore_mem>>
          %dma_start3A_96 = arith.constant 0 : i32
          %dma_start3A_97 = tpu.memref_slice %arg6[%mul3A_69, %dma_start3A_96] : memref<56x128xi32, #tpu.memory_space<vmem>> -> memref<1x128xi32, #tpu.memory_space<vmem>>
          %dma_start3A_98 = tpu.memref_squeeze %dma_start3A_97 : memref<1x128xi32, #tpu.memory_space<vmem>> -> memref<128xi32, #tpu.memory_space<vmem>>
          %dma_start3A_99 = arith.constant 0 : i32
          %dma_start3A_100 = arith.constant 0 : i32
          %dma_start3A_101 = tpu.memref_slice %arg9[%dma_start3A_99, %dma_start3A_100] : memref<10240x128xf32, #tpu.memory_space<vmem_shared>> -> memref<10240x128xf32, #tpu.memory_space<vmem_shared>>
          tpu.enqueue_indirect_dma source(%arg7 : memref<128x128xf32, #tpu.memory_space<vmem>>) target(%dma_start3A_101 : memref<10240x128xf32, #tpu.memory_space<vmem_shared>>) offsets(%dma_start3A_98 : memref<128xi32, #tpu.memory_space<vmem>>) semaphore(%run_scoped3A : memref<!tpu.dma_semaphore, #tpu.memory_space<semaphore_mem>>) {add = true}
          %dma_wait3A_102 = arith.constant 0 : i32
          %dma_wait3A_103 = tpu.memref_slice %arg6[%mul3A_69, %dma_wait3A_102] : memref<56x128xi32, #tpu.memory_space<vmem>> -> memref<1x128xi32, #tpu.memory_space<vmem>>
          %dma_wait3A_104 = tpu.memref_squeeze %dma_wait3A_103 : memref<1x128xi32, #tpu.memory_space<vmem>> -> memref<128xi32, #tpu.memory_space<vmem>>
          %dma_wait3A_105 = arith.constant 0 : i32
          %dma_wait3A_106 = arith.constant 0 : i32
          %dma_wait3A_107 = tpu.memref_slice %arg9[%dma_wait3A_105, %dma_wait3A_106] : memref<10240x128xf32, #tpu.memory_space<vmem_shared>> -> memref<10240x128xf32, #tpu.memory_space<vmem_shared>>
          tpu.wait_indirect_dma semaphore(%run_scoped3A : memref<!tpu.dma_semaphore, #tpu.memory_space<semaphore_mem>>) src(%arg7 : memref<128x128xf32, #tpu.memory_space<vmem>>) dst(%dma_wait3A_107 : memref<10240x128xf32, #tpu.memory_space<vmem_shared>>)
          tpu.yield
        }) : () -> ()
        %dma_wait3A_90 = arith.constant 0 : i32
        %dma_wait3A_91 = tpu.memref_slice %arg5[%add3A_73, %dma_wait3A_90] : memref<56x128xi32, #tpu.memory_space<vmem>> -> memref<1x128xi32, #tpu.memory_space<vmem>>
        %dma_wait3A_92 = tpu.memref_squeeze %dma_wait3A_91 : memref<1x128xi32, #tpu.memory_space<vmem>> -> memref<128xi32, #tpu.memory_space<vmem>>
        %dma_wait3A_93 = arith.constant 0 : i32
        %dma_wait3A_94 = arith.constant 0 : i32
        %dma_wait3A_95 = tpu.memref_slice %arg2[%dma_wait3A_93, %dma_wait3A_94] : memref<10240x128xf32, #tpu.memory_space<hbm>> -> memref<10240x128xf32, #tpu.memory_space<hbm>>
        tpu.wait_indirect_dma semaphore(%arg11 : memref<!tpu.dma_semaphore, #tpu.memory_space<semaphore_mem>>) src(%dma_wait3A_95 : memref<10240x128xf32, #tpu.memory_space<hbm>>) dst(%arg8 : memref<128x128xf32, #tpu.memory_space<vmem>>)
        "tpu.region"() ({
          %run_scoped3A = tpu.sem_alloc : memref<!tpu.dma_semaphore, #tpu.memory_space<semaphore_mem>>
          %dma_start3A_96 = arith.constant 0 : i32
          %dma_start3A_97 = tpu.memref_slice %arg6[%add3A_73, %dma_start3A_96] : memref<56x128xi32, #tpu.memory_space<vmem>> -> memref<1x128xi32, #tpu.memory_space<vmem>>
          %dma_start3A_98 = tpu.memref_squeeze %dma_start3A_97 : memref<1x128xi32, #tpu.memory_space<vmem>> -> memref<128xi32, #tpu.memory_space<vmem>>
          %dma_start3A_99 = arith.constant 0 : i32
          %dma_start3A_100 = arith.constant 0 : i32
          %dma_start3A_101 = tpu.memref_slice %arg9[%dma_start3A_99, %dma_start3A_100] : memref<10240x128xf32, #tpu.memory_space<vmem_shared>> -> memref<10240x128xf32, #tpu.memory_space<vmem_shared>>
          tpu.enqueue_indirect_dma source(%arg8 : memref<128x128xf32, #tpu.memory_space<vmem>>) target(%dma_start3A_101 : memref<10240x128xf32, #tpu.memory_space<vmem_shared>>) offsets(%dma_start3A_98 : memref<128xi32, #tpu.memory_space<vmem>>) semaphore(%run_scoped3A : memref<!tpu.dma_semaphore, #tpu.memory_space<semaphore_mem>>) {add = true}
          %dma_wait3A_102 = arith.constant 0 : i32
          %dma_wait3A_103 = tpu.memref_slice %arg6[%add3A_73, %dma_wait3A_102] : memref<56x128xi32, #tpu.memory_space<vmem>> -> memref<1x128xi32, #tpu.memory_space<vmem>>
          %dma_wait3A_104 = tpu.memref_squeeze %dma_wait3A_103 : memref<1x128xi32, #tpu.memory_space<vmem>> -> memref<128xi32, #tpu.memory_space<vmem>>
          %dma_wait3A_105 = arith.constant 0 : i32
          %dma_wait3A_106 = arith.constant 0 : i32
          %dma_wait3A_107 = tpu.memref_slice %arg9[%dma_wait3A_105, %dma_wait3A_106] : memref<10240x128xf32, #tpu.memory_space<vmem_shared>> -> memref<10240x128xf32, #tpu.memory_space<vmem_shared>>
          tpu.wait_indirect_dma semaphore(%run_scoped3A : memref<!tpu.dma_semaphore, #tpu.memory_space<semaphore_mem>>) src(%arg8 : memref<128x128xf32, #tpu.memory_space<vmem>>) dst(%dma_wait3A_107 : memref<10240x128xf32, #tpu.memory_space<vmem_shared>>)
          tpu.yield
        }) : () -> ()
      }
      %scan3A_54 = arith.constant 28 : i32
      "tpu.region"() ({
        %run_scoped3A = tpu.sem_alloc : memref<!tpu.dma_semaphore, #tpu.memory_space<semaphore_mem>>
        %dma_start3A = arith.constant 0 : i32
        %dma_start3A_67 = arith.constant 0 : i32
        %dma_start3A_68 = tpu.memref_slice %arg5[%dma_start3A, %dma_start3A_67] : memref<56x128xi32, #tpu.memory_space<vmem>> -> memref<56x128xi32, #tpu.memory_space<vmem>>
        %dma_start3A_69 = arith.constant 0 : i32
        %dma_start3A_70 = arith.constant 0 : i32
        %dma_start3A_71 = tpu.memref_slice %arg3[%add3A, %dma_start3A_69, %dma_start3A_70] : memref<32x112x128xi32, #tpu.memory_space<hbm>> -> memref<1x112x128xi32, #tpu.memory_space<hbm>>
        %dma_start3A_72 = tpu.memref_squeeze %dma_start3A_71 : memref<1x112x128xi32, #tpu.memory_space<hbm>> -> memref<112x128xi32, #tpu.memory_space<hbm>>
        %dma_start3A_73 = arith.constant 56 : i32
        %dma_start3A_74 = arith.constant 0 : i32
        %dma_start3A_75 = tpu.memref_slice %dma_start3A_72[%dma_start3A_73, %dma_start3A_74] : memref<112x128xi32, #tpu.memory_space<hbm>> -> memref<56x128xi32, #tpu.memory_space<hbm>>
        %dma_start3A_76 = arith.constant 0 : i32
        %dma_start3A_77 = arith.constant 0 : i32
        %dma_start3A_78 = tpu.memref_slice %arg5[%dma_start3A_76, %dma_start3A_77] : memref<56x128xi32, #tpu.memory_space<vmem>> -> memref<56x128xi32, #tpu.memory_space<vmem>>
        %dma_start3A_79 = arith.constant 0 : i32
        %dma_start3A_80 = arith.constant 0 : i32
        %dma_start3A_81 = tpu.memref_slice %arg3[%add3A, %dma_start3A_79, %dma_start3A_80] : memref<32x112x128xi32, #tpu.memory_space<hbm>> -> memref<1x112x128xi32, #tpu.memory_space<hbm>>
        %dma_start3A_82 = tpu.memref_squeeze %dma_start3A_81 : memref<1x112x128xi32, #tpu.memory_space<hbm>> -> memref<112x128xi32, #tpu.memory_space<hbm>>
        %dma_start3A_83 = arith.constant 56 : i32
        %dma_start3A_84 = arith.constant 0 : i32
        %dma_start3A_85 = tpu.memref_slice %dma_start3A_82[%dma_start3A_83, %dma_start3A_84] : memref<112x128xi32, #tpu.memory_space<hbm>> -> memref<56x128xi32, #tpu.memory_space<hbm>>
        tpu.enqueue_dma source(%dma_start3A_85 : memref<56x128xi32, #tpu.memory_space<hbm>>) target(%dma_start3A_78 : memref<56x128xi32, #tpu.memory_space<vmem>>) target_semaphore(%run_scoped3A : memref<!tpu.dma_semaphore, #tpu.memory_space<semaphore_mem>>)
        %dma_wait3A = arith.constant 0 : i32
        %dma_wait3A_86 = arith.constant 0 : i32
        %dma_wait3A_87 = tpu.memref_slice %arg5[%dma_wait3A, %dma_wait3A_86] : memref<56x128xi32, #tpu.memory_space<vmem>> -> memref<56x128xi32, #tpu.memory_space<vmem>>
        %dma_wait3A_88 = arith.constant 0 : i32
        %dma_wait3A_89 = arith.constant 0 : i32
        %dma_wait3A_90 = tpu.memref_slice %arg3[%add3A, %dma_wait3A_88, %dma_wait3A_89] : memref<32x112x128xi32, #tpu.memory_space<hbm>> -> memref<1x112x128xi32, #tpu.memory_space<hbm>>
        %dma_wait3A_91 = tpu.memref_squeeze %dma_wait3A_90 : memref<1x112x128xi32, #tpu.memory_space<hbm>> -> memref<112x128xi32, #tpu.memory_space<hbm>>
        %dma_wait3A_92 = arith.constant 56 : i32
        %dma_wait3A_93 = arith.constant 0 : i32
        %dma_wait3A_94 = tpu.memref_slice %dma_wait3A_91[%dma_wait3A_92, %dma_wait3A_93] : memref<112x128xi32, #tpu.memory_space<hbm>> -> memref<56x128xi32, #tpu.memory_space<hbm>>
        %dma_wait3A_95 = arith.constant 0 : i32
        %dma_wait3A_96 = arith.constant 0 : i32
        %dma_wait3A_97 = tpu.memref_slice %arg5[%dma_wait3A_95, %dma_wait3A_96] : memref<56x128xi32, #tpu.memory_space<vmem>> -> memref<56x128xi32, #tpu.memory_space<vmem>>
        %dma_wait3A_98 = arith.constant 0 : i32
        %dma_wait3A_99 = arith.constant 0 : i32
        %dma_wait3A_100 = tpu.memref_slice %arg3[%add3A, %dma_wait3A_98, %dma_wait3A_99] : memref<32x112x128xi32, #tpu.memory_space<hbm>> -> memref<1x112x128xi32, #tpu.memory_space<hbm>>
        %dma_wait3A_101 = tpu.memref_squeeze %dma_wait3A_100 : memref<1x112x128xi32, #tpu.memory_space<hbm>> -> memref<112x128xi32, #tpu.memory_space<hbm>>
        %dma_wait3A_102 = arith.constant 56 : i32
        %dma_wait3A_103 = arith.constant 0 : i32
        %dma_wait3A_104 = tpu.memref_slice %dma_wait3A_101[%dma_wait3A_102, %dma_wait3A_103] : memref<112x128xi32, #tpu.memory_space<hbm>> -> memref<56x128xi32, #tpu.memory_space<hbm>>
        tpu.wait_dma2 semaphore(%run_scoped3A : memref<!tpu.dma_semaphore, #tpu.memory_space<semaphore_mem>>) src(%dma_wait3A_104 : memref<56x128xi32, #tpu.memory_space<hbm>>) dst(%dma_wait3A_97 : memref<56x128xi32, #tpu.memory_space<vmem>>)
        tpu.yield
      }) : () -> ()
      %scan3A_55 = arith.constant 0 : i32
      %scan3A_56 = arith.constant 0 : i32
      %scan3A_57 = arith.constant 56 : i32
      %scan3A_58 = arith.addi %scan3A_56, %scan3A_57 : i32
      %scan3A_59 = arith.constant 1 : i32
      scf.for %scan3A_67 = %scan3A_56 to %scan3A_58 step %scan3A_59  : i32 {
        %get3A = arith.index_cast %scan3A_67 : i32 to index
        %get3A_68 = arith.constant 0 : index
        %get3A_69 = tpu.vector_load %arg5[%get3A, %get3A_68] {strides = array<i32>} : memref<56x128xi32, #tpu.memory_space<vmem>>, vector<16xi32>,
        %shift_right_logical3A = arith.constant 14 : i32
        %shift_right_logical3A_70 = vector.broadcast %shift_right_logical3A : i32 to vector<16xi32>
        %shift_right_logical3A_71 = arith.shrui %get3A_69, %shift_right_logical3A_70 : vector<16xi32>
        %and3A = arith.andi %get3A_69, %broadcast_in_dim3A_5 : vector<16xi32>
        %swap3A = arith.index_cast %scan3A_67 : i32 to index
        %swap3A_72 = arith.constant 0 : index
        %swap3A_73 = tpu.vector_load %arg5[%swap3A, %swap3A_72] {strides = array<i32>} : memref<56x128xi32, #tpu.memory_space<vmem>>, vector<16xi32>,
        tpu.vector_store %arg5[%swap3A, %swap3A_72], %shift_right_logical3A_71 {strides = array<i32>} : memref<56x128xi32, #tpu.memory_space<vmem>>, vector<16xi32>,
        %eq3A_74 = arith.cmpi eq, %shift_right_logical3A_71, %and3A : vector<16xi32>
        %select_n3A = arith.select %eq3A_74, %broadcast_in_dim3A_3, %and3A : vector<16xi1>, vector<16xi32>
        %swap3A_75 = arith.index_cast %scan3A_67 : i32 to index
        %swap3A_76 = arith.constant 0 : index
        %swap3A_77 = tpu.vector_load %arg6[%swap3A_75, %swap3A_76] {strides = array<i32>} : memref<56x128xi32, #tpu.memory_space<vmem>>, vector<16xi32>,
        tpu.vector_store %arg6[%swap3A_75, %swap3A_76], %select_n3A {strides = array<i32>} : memref<56x128xi32, #tpu.memory_space<vmem>>, vector<16xi32>,
        %get3A_78 = arith.index_cast %scan3A_67 : i32 to index
        %get3A_79 = arith.constant 16 : index
        %get3A_80 = tpu.vector_load %arg5[%get3A_78, %get3A_79] {strides = array<i32>} : memref<56x128xi32, #tpu.memory_space<vmem>>, vector<16xi32>,
        %shift_right_logical3A_81 = arith.constant 14 : i32
        %shift_right_logical3A_82 = vector.broadcast %shift_right_logical3A_81 : i32 to vector<16xi32>
        %shift_right_logical3A_83 = arith.shrui %get3A_80, %shift_right_logical3A_82 : vector<16xi32>
        %and3A_84 = arith.andi %get3A_80, %broadcast_in_dim3A_5 : vector<16xi32>
        %swap3A_85 = arith.index_cast %scan3A_67 : i32 to index
        %swap3A_86 = arith.constant 16 : index
        %swap3A_87 = tpu.vector_load %arg5[%swap3A_85, %swap3A_86] {strides = array<i32>} : memref<56x128xi32, #tpu.memory_space<vmem>>, vector<16xi32>,
        tpu.vector_store %arg5[%swap3A_85, %swap3A_86], %shift_right_logical3A_83 {strides = array<i32>} : memref<56x128xi32, #tpu.memory_space<vmem>>, vector<16xi32>,
        %eq3A_88 = arith.cmpi eq, %shift_right_logical3A_83, %and3A_84 : vector<16xi32>
        %select_n3A_89 = arith.select %eq3A_88, %broadcast_in_dim3A_3, %and3A_84 : vector<16xi1>, vector<16xi32>
        %swap3A_90 = arith.index_cast %scan3A_67 : i32 to index
        %swap3A_91 = arith.constant 16 : index
        %swap3A_92 = tpu.vector_load %arg6[%swap3A_90, %swap3A_91] {strides = array<i32>} : memref<56x128xi32, #tpu.memory_space<vmem>>, vector<16xi32>,
        tpu.vector_store %arg6[%swap3A_90, %swap3A_91], %select_n3A_89 {strides = array<i32>} : memref<56x128xi32, #tpu.memory_space<vmem>>, vector<16xi32>,
        %get3A_93 = arith.index_cast %scan3A_67 : i32 to index
        %get3A_94 = arith.constant 32 : index
        %get3A_95 = tpu.vector_load %arg5[%get3A_93, %get3A_94] {strides = array<i32>} : memref<56x128xi32, #tpu.memory_space<vmem>>, vector<16xi32>,
        %shift_right_logical3A_96 = arith.constant 14 : i32
        %shift_right_logical3A_97 = vector.broadcast %shift_right_logical3A_96 : i32 to vector<16xi32>
        %shift_right_logical3A_98 = arith.shrui %get3A_95, %shift_right_logical3A_97 : vector<16xi32>
        %and3A_99 = arith.andi %get3A_95, %broadcast_in_dim3A_5 : vector<16xi32>
        %swap3A_100 = arith.index_cast %scan3A_67 : i32 to index
        %swap3A_101 = arith.constant 32 : index
        %swap3A_102 = tpu.vector_load %arg5[%swap3A_100, %swap3A_101] {strides = array<i32>} : memref<56x128xi32, #tpu.memory_space<vmem>>, vector<16xi32>,
        tpu.vector_store %arg5[%swap3A_100, %swap3A_101], %shift_right_logical3A_98 {strides = array<i32>} : memref<56x128xi32, #tpu.memory_space<vmem>>, vector<16xi32>,
        %eq3A_103 = arith.cmpi eq, %shift_right_logical3A_98, %and3A_99 : vector<16xi32>
        %select_n3A_104 = arith.select %eq3A_103, %broadcast_in_dim3A_3, %and3A_99 : vector<16xi1>, vector<16xi32>
        %swap3A_105 = arith.index_cast %scan3A_67 : i32 to index
        %swap3A_106 = arith.constant 32 : index
        %swap3A_107 = tpu.vector_load %arg6[%swap3A_105, %swap3A_106] {strides = array<i32>} : memref<56x128xi32, #tpu.memory_space<vmem>>, vector<16xi32>,
        tpu.vector_store %arg6[%swap3A_105, %swap3A_106], %select_n3A_104 {strides = array<i32>} : memref<56x128xi32, #tpu.memory_space<vmem>>, vector<16xi32>,
        %get3A_108 = arith.index_cast %scan3A_67 : i32 to index
        %get3A_109 = arith.constant 48 : index
        %get3A_110 = tpu.vector_load %arg5[%get3A_108, %get3A_109] {strides = array<i32>} : memref<56x128xi32, #tpu.memory_space<vmem>>, vector<16xi32>,
        %shift_right_logical3A_111 = arith.constant 14 : i32
        %shift_right_logical3A_112 = vector.broadcast %shift_right_logical3A_111 : i32 to vector<16xi32>
        %shift_right_logical3A_113 = arith.shrui %get3A_110, %shift_right_logical3A_112 : vector<16xi32>
        %and3A_114 = arith.andi %get3A_110, %broadcast_in_dim3A_5 : vector<16xi32>
        %swap3A_115 = arith.index_cast %scan3A_67 : i32 to index
        %swap3A_116 = arith.constant 48 : index
        %swap3A_117 = tpu.vector_load %arg5[%swap3A_115, %swap3A_116] {strides = array<i32>} : memref<56x128xi32, #tpu.memory_space<vmem>>, vector<16xi32>,
        tpu.vector_store %arg5[%swap3A_115, %swap3A_116], %shift_right_logical3A_113 {strides = array<i32>} : memref<56x128xi32, #tpu.memory_space<vmem>>, vector<16xi32>,
        %eq3A_118 = arith.cmpi eq, %shift_right_logical3A_113, %and3A_114 : vector<16xi32>
        %select_n3A_119 = arith.select %eq3A_118, %broadcast_in_dim3A_3, %and3A_114 : vector<16xi1>, vector<16xi32>
        %swap3A_120 = arith.index_cast %scan3A_67 : i32 to index
        %swap3A_121 = arith.constant 48 : index
        %swap3A_122 = tpu.vector_load %arg6[%swap3A_120, %swap3A_121] {strides = array<i32>} : memref<56x128xi32, #tpu.memory_space<vmem>>, vector<16xi32>,
        tpu.vector_store %arg6[%swap3A_120, %swap3A_121], %select_n3A_119 {strides = array<i32>} : memref<56x128xi32, #tpu.memory_space<vmem>>, vector<16xi32>,
        %get3A_123 = arith.index_cast %scan3A_67 : i32 to index
        %get3A_124 = arith.constant 64 : index
        %get3A_125 = tpu.vector_load %arg5[%get3A_123, %get3A_124] {strides = array<i32>} : memref<56x128xi32, #tpu.memory_space<vmem>>, vector<16xi32>,
        %shift_right_logical3A_126 = arith.constant 14 : i32
        %shift_right_logical3A_127 = vector.broadcast %shift_right_logical3A_126 : i32 to vector<16xi32>
        %shift_right_logical3A_128 = arith.shrui %get3A_125, %shift_right_logical3A_127 : vector<16xi32>
        %and3A_129 = arith.andi %get3A_125, %broadcast_in_dim3A_5 : vector<16xi32>
        %swap3A_130 = arith.index_cast %scan3A_67 : i32 to index
        %swap3A_131 = arith.constant 64 : index
        %swap3A_132 = tpu.vector_load %arg5[%swap3A_130, %swap3A_131] {strides = array<i32>} : memref<56x128xi32, #tpu.memory_space<vmem>>, vector<16xi32>,
        tpu.vector_store %arg5[%swap3A_130, %swap3A_131], %shift_right_logical3A_128 {strides = array<i32>} : memref<56x128xi32, #tpu.memory_space<vmem>>, vector<16xi32>,
        %eq3A_133 = arith.cmpi eq, %shift_right_logical3A_128, %and3A_129 : vector<16xi32>
        %select_n3A_134 = arith.select %eq3A_133, %broadcast_in_dim3A_3, %and3A_129 : vector<16xi1>, vector<16xi32>
        %swap3A_135 = arith.index_cast %scan3A_67 : i32 to index
        %swap3A_136 = arith.constant 64 : index
        %swap3A_137 = tpu.vector_load %arg6[%swap3A_135, %swap3A_136] {strides = array<i32>} : memref<56x128xi32, #tpu.memory_space<vmem>>, vector<16xi32>,
        tpu.vector_store %arg6[%swap3A_135, %swap3A_136], %select_n3A_134 {strides = array<i32>} : memref<56x128xi32, #tpu.memory_space<vmem>>, vector<16xi32>,
        %get3A_138 = arith.index_cast %scan3A_67 : i32 to index
        %get3A_139 = arith.constant 80 : index
        %get3A_140 = tpu.vector_load %arg5[%get3A_138, %get3A_139] {strides = array<i32>} : memref<56x128xi32, #tpu.memory_space<vmem>>, vector<16xi32>,
        %shift_right_logical3A_141 = arith.constant 14 : i32
        %shift_right_logical3A_142 = vector.broadcast %shift_right_logical3A_141 : i32 to vector<16xi32>
        %shift_right_logical3A_143 = arith.shrui %get3A_140, %shift_right_logical3A_142 : vector<16xi32>
        %and3A_144 = arith.andi %get3A_140, %broadcast_in_dim3A_5 : vector<16xi32>
        %swap3A_145 = arith.index_cast %scan3A_67 : i32 to index
        %swap3A_146 = arith.constant 80 : index
        %swap3A_147 = tpu.vector_load %arg5[%swap3A_145, %swap3A_146] {strides = array<i32>} : memref<56x128xi32, #tpu.memory_space<vmem>>, vector<16xi32>,
        tpu.vector_store %arg5[%swap3A_145, %swap3A_146], %shift_right_logical3A_143 {strides = array<i32>} : memref<56x128xi32, #tpu.memory_space<vmem>>, vector<16xi32>,
        %eq3A_148 = arith.cmpi eq, %shift_right_logical3A_143, %and3A_144 : vector<16xi32>
        %select_n3A_149 = arith.select %eq3A_148, %broadcast_in_dim3A_3, %and3A_144 : vector<16xi1>, vector<16xi32>
        %swap3A_150 = arith.index_cast %scan3A_67 : i32 to index
        %swap3A_151 = arith.constant 80 : index
        %swap3A_152 = tpu.vector_load %arg6[%swap3A_150, %swap3A_151] {strides = array<i32>} : memref<56x128xi32, #tpu.memory_space<vmem>>, vector<16xi32>,
        tpu.vector_store %arg6[%swap3A_150, %swap3A_151], %select_n3A_149 {strides = array<i32>} : memref<56x128xi32, #tpu.memory_space<vmem>>, vector<16xi32>,
        %get3A_153 = arith.index_cast %scan3A_67 : i32 to index
        %get3A_154 = arith.constant 96 : index
        %get3A_155 = tpu.vector_load %arg5[%get3A_153, %get3A_154] {strides = array<i32>} : memref<56x128xi32, #tpu.memory_space<vmem>>, vector<16xi32>,
        %shift_right_logical3A_156 = arith.constant 14 : i32
        %shift_right_logical3A_157 = vector.broadcast %shift_right_logical3A_156 : i32 to vector<16xi32>
        %shift_right_logical3A_158 = arith.shrui %get3A_155, %shift_right_logical3A_157 : vector<16xi32>
        %and3A_159 = arith.andi %get3A_155, %broadcast_in_dim3A_5 : vector<16xi32>
        %swap3A_160 = arith.index_cast %scan3A_67 : i32 to index
        %swap3A_161 = arith.constant 96 : index
        %swap3A_162 = tpu.vector_load %arg5[%swap3A_160, %swap3A_161] {strides = array<i32>} : memref<56x128xi32, #tpu.memory_space<vmem>>, vector<16xi32>,
        tpu.vector_store %arg5[%swap3A_160, %swap3A_161], %shift_right_logical3A_158 {strides = array<i32>} : memref<56x128xi32, #tpu.memory_space<vmem>>, vector<16xi32>,
        %eq3A_163 = arith.cmpi eq, %shift_right_logical3A_158, %and3A_159 : vector<16xi32>
        %select_n3A_164 = arith.select %eq3A_163, %broadcast_in_dim3A_3, %and3A_159 : vector<16xi1>, vector<16xi32>
        %swap3A_165 = arith.index_cast %scan3A_67 : i32 to index
        %swap3A_166 = arith.constant 96 : index
        %swap3A_167 = tpu.vector_load %arg6[%swap3A_165, %swap3A_166] {strides = array<i32>} : memref<56x128xi32, #tpu.memory_space<vmem>>, vector<16xi32>,
        tpu.vector_store %arg6[%swap3A_165, %swap3A_166], %select_n3A_164 {strides = array<i32>} : memref<56x128xi32, #tpu.memory_space<vmem>>, vector<16xi32>,
        %get3A_168 = arith.index_cast %scan3A_67 : i32 to index
        %get3A_169 = arith.constant 112 : index
        %get3A_170 = tpu.vector_load %arg5[%get3A_168, %get3A_169] {strides = array<i32>} : memref<56x128xi32, #tpu.memory_space<vmem>>, vector<16xi32>,
        %shift_right_logical3A_171 = arith.constant 14 : i32
        %shift_right_logical3A_172 = vector.broadcast %shift_right_logical3A_171 : i32 to vector<16xi32>
        %shift_right_logical3A_173 = arith.shrui %get3A_170, %shift_right_logical3A_172 : vector<16xi32>
        %and3A_174 = arith.andi %get3A_170, %broadcast_in_dim3A_5 : vector<16xi32>
        %swap3A_175 = arith.index_cast %scan3A_67 : i32 to index
        %swap3A_176 = arith.constant 112 : index
        %swap3A_177 = tpu.vector_load %arg5[%swap3A_175, %swap3A_176] {strides = array<i32>} : memref<56x128xi32, #tpu.memory_space<vmem>>, vector<16xi32>,
        tpu.vector_store %arg5[%swap3A_175, %swap3A_176], %shift_right_logical3A_173 {strides = array<i32>} : memref<56x128xi32, #tpu.memory_space<vmem>>, vector<16xi32>,
        %eq3A_178 = arith.cmpi eq, %shift_right_logical3A_173, %and3A_174 : vector<16xi32>
        %select_n3A_179 = arith.select %eq3A_178, %broadcast_in_dim3A_3, %and3A_174 : vector<16xi1>, vector<16xi32>
        %swap3A_180 = arith.index_cast %scan3A_67 : i32 to index
        %swap3A_181 = arith.constant 112 : index
        %swap3A_182 = tpu.vector_load %arg6[%swap3A_180, %swap3A_181] {strides = array<i32>} : memref<56x128xi32, #tpu.memory_space<vmem>>, vector<16xi32>,
        tpu.vector_store %arg6[%swap3A_180, %swap3A_181], %select_n3A_179 {strides = array<i32>} : memref<56x128xi32, #tpu.memory_space<vmem>>, vector<16xi32>,
      }
      %scan3A_60 = arith.constant 56 : i32
      %scan3A_61 = arith.constant 0 : i32
      %scan3A_62 = arith.constant 0 : i32
      %scan3A_63 = arith.constant 28 : i32
      %scan3A_64 = arith.addi %scan3A_62, %scan3A_63 : i32
      %scan3A_65 = arith.constant 1 : i32
      scf.for %scan3A_67 = %scan3A_62 to %scan3A_64 step %scan3A_65  : i32 {
        %mul3A_68 = arith.constant 2 : i32
        %mul3A_69 = arith.muli %mul3A_68, %scan3A_67 : i32
        %mul3A_70 = arith.constant 2 : i32
        %mul3A_71 = arith.muli %mul3A_70, %scan3A_67 : i32
        %add3A_72 = arith.constant 1 : i32
        %add3A_73 = arith.addi %mul3A_71, %add3A_72 : i32
        %dma_start3A = arith.constant 0 : i32
        %dma_start3A_74 = tpu.memref_slice %arg5[%mul3A_69, %dma_start3A] : memref<56x128xi32, #tpu.memory_space<vmem>> -> memref<1x128xi32, #tpu.memory_space<vmem>>
        %dma_start3A_75 = tpu.memref_squeeze %dma_start3A_74 : memref<1x128xi32, #tpu.memory_space<vmem>> -> memref<128xi32, #tpu.memory_space<vmem>>
        %dma_start3A_76 = arith.constant 0 : i32
        %dma_start3A_77 = arith.constant 0 : i32
        %dma_start3A_78 = tpu.memref_slice %arg2[%dma_start3A_76, %dma_start3A_77] : memref<10240x128xf32, #tpu.memory_space<hbm>> -> memref<10240x128xf32, #tpu.memory_space<hbm>>
        tpu.enqueue_indirect_dma source(%dma_start3A_78 : memref<10240x128xf32, #tpu.memory_space<hbm>>) target(%arg7 : memref<128x128xf32, #tpu.memory_space<vmem>>) offsets(%dma_start3A_75 : memref<128xi32, #tpu.memory_space<vmem>>) semaphore(%arg10 : memref<!tpu.dma_semaphore, #tpu.memory_space<semaphore_mem>>)
        %dma_start3A_79 = arith.constant 0 : i32
        %dma_start3A_80 = tpu.memref_slice %arg5[%add3A_73, %dma_start3A_79] : memref<56x128xi32, #tpu.memory_space<vmem>> -> memref<1x128xi32, #tpu.memory_space<vmem>>
        %dma_start3A_81 = tpu.memref_squeeze %dma_start3A_80 : memref<1x128xi32, #tpu.memory_space<vmem>> -> memref<128xi32, #tpu.memory_space<vmem>>
        %dma_start3A_82 = arith.constant 0 : i32
        %dma_start3A_83 = arith.constant 0 : i32
        %dma_start3A_84 = tpu.memref_slice %arg2[%dma_start3A_82, %dma_start3A_83] : memref<10240x128xf32, #tpu.memory_space<hbm>> -> memref<10240x128xf32, #tpu.memory_space<hbm>>
        tpu.enqueue_indirect_dma source(%dma_start3A_84 : memref<10240x128xf32, #tpu.memory_space<hbm>>) target(%arg8 : memref<128x128xf32, #tpu.memory_space<vmem>>) offsets(%dma_start3A_81 : memref<128xi32, #tpu.memory_space<vmem>>) semaphore(%arg11 : memref<!tpu.dma_semaphore, #tpu.memory_space<semaphore_mem>>)
        %dma_wait3A = arith.constant 0 : i32
        %dma_wait3A_85 = tpu.memref_slice %arg5[%mul3A_69, %dma_wait3A] : memref<56x128xi32, #tpu.memory_space<vmem>> -> memref<1x128xi32, #tpu.memory_space<vmem>>
        %dma_wait3A_86 = tpu.memref_squeeze %dma_wait3A_85 : memref<1x128xi32, #tpu.memory_space<vmem>> -> memref<128xi32, #tpu.memory_space<vmem>>
        %dma_wait3A_87 = arith.constant 0 : i32
        %dma_wait3A_88 = arith.constant 0 : i32
        %dma_wait3A_89 = tpu.memref_slice %arg2[%dma_wait3A_87, %dma_wait3A_88] : memref<10240x128xf32, #tpu.memory_space<hbm>> -> memref<10240x128xf32, #tpu.memory_space<hbm>>
        tpu.wait_indirect_dma semaphore(%arg10 : memref<!tpu.dma_semaphore, #tpu.memory_space<semaphore_mem>>) src(%dma_wait3A_89 : memref<10240x128xf32, #tpu.memory_space<hbm>>) dst(%arg7 : memref<128x128xf32, #tpu.memory_space<vmem>>)
        "tpu.region"() ({
          %run_scoped3A = tpu.sem_alloc : memref<!tpu.dma_semaphore, #tpu.memory_space<semaphore_mem>>
          %dma_start3A_96 = arith.constant 0 : i32
          %dma_start3A_97 = tpu.memref_slice %arg6[%mul3A_69, %dma_start3A_96] : memref<56x128xi32, #tpu.memory_space<vmem>> -> memref<1x128xi32, #tpu.memory_space<vmem>>
          %dma_start3A_98 = tpu.memref_squeeze %dma_start3A_97 : memref<1x128xi32, #tpu.memory_space<vmem>> -> memref<128xi32, #tpu.memory_space<vmem>>
          %dma_start3A_99 = arith.constant 0 : i32
          %dma_start3A_100 = arith.constant 0 : i32
          %dma_start3A_101 = tpu.memref_slice %arg9[%dma_start3A_99, %dma_start3A_100] : memref<10240x128xf32, #tpu.memory_space<vmem_shared>> -> memref<10240x128xf32, #tpu.memory_space<vmem_shared>>
          tpu.enqueue_indirect_dma source(%arg7 : memref<128x128xf32, #tpu.memory_space<vmem>>) target(%dma_start3A_101 : memref<10240x128xf32, #tpu.memory_space<vmem_shared>>) offsets(%dma_start3A_98 : memref<128xi32, #tpu.memory_space<vmem>>) semaphore(%run_scoped3A : memref<!tpu.dma_semaphore, #tpu.memory_space<semaphore_mem>>) {add = true}
          %dma_wait3A_102 = arith.constant 0 : i32
          %dma_wait3A_103 = tpu.memref_slice %arg6[%mul3A_69, %dma_wait3A_102] : memref<56x128xi32, #tpu.memory_space<vmem>> -> memref<1x128xi32, #tpu.memory_space<vmem>>
          %dma_wait3A_104 = tpu.memref_squeeze %dma_wait3A_103 : memref<1x128xi32, #tpu.memory_space<vmem>> -> memref<128xi32, #tpu.memory_space<vmem>>
          %dma_wait3A_105 = arith.constant 0 : i32
          %dma_wait3A_106 = arith.constant 0 : i32
          %dma_wait3A_107 = tpu.memref_slice %arg9[%dma_wait3A_105, %dma_wait3A_106] : memref<10240x128xf32, #tpu.memory_space<vmem_shared>> -> memref<10240x128xf32, #tpu.memory_space<vmem_shared>>
          tpu.wait_indirect_dma semaphore(%run_scoped3A : memref<!tpu.dma_semaphore, #tpu.memory_space<semaphore_mem>>) src(%arg7 : memref<128x128xf32, #tpu.memory_space<vmem>>) dst(%dma_wait3A_107 : memref<10240x128xf32, #tpu.memory_space<vmem_shared>>)
          tpu.yield
        }) : () -> ()
        %dma_wait3A_90 = arith.constant 0 : i32
        %dma_wait3A_91 = tpu.memref_slice %arg5[%add3A_73, %dma_wait3A_90] : memref<56x128xi32, #tpu.memory_space<vmem>> -> memref<1x128xi32, #tpu.memory_space<vmem>>
        %dma_wait3A_92 = tpu.memref_squeeze %dma_wait3A_91 : memref<1x128xi32, #tpu.memory_space<vmem>> -> memref<128xi32, #tpu.memory_space<vmem>>
        %dma_wait3A_93 = arith.constant 0 : i32
        %dma_wait3A_94 = arith.constant 0 : i32
        %dma_wait3A_95 = tpu.memref_slice %arg2[%dma_wait3A_93, %dma_wait3A_94] : memref<10240x128xf32, #tpu.memory_space<hbm>> -> memref<10240x128xf32, #tpu.memory_space<hbm>>
        tpu.wait_indirect_dma semaphore(%arg11 : memref<!tpu.dma_semaphore, #tpu.memory_space<semaphore_mem>>) src(%dma_wait3A_95 : memref<10240x128xf32, #tpu.memory_space<hbm>>) dst(%arg8 : memref<128x128xf32, #tpu.memory_space<vmem>>)
        "tpu.region"() ({
          %run_scoped3A = tpu.sem_alloc : memref<!tpu.dma_semaphore, #tpu.memory_space<semaphore_mem>>
          %dma_start3A_96 = arith.constant 0 : i32
          %dma_start3A_97 = tpu.memref_slice %arg6[%add3A_73, %dma_start3A_96] : memref<56x128xi32, #tpu.memory_space<vmem>> -> memref<1x128xi32, #tpu.memory_space<vmem>>
          %dma_start3A_98 = tpu.memref_squeeze %dma_start3A_97 : memref<1x128xi32, #tpu.memory_space<vmem>> -> memref<128xi32, #tpu.memory_space<vmem>>
          %dma_start3A_99 = arith.constant 0 : i32
          %dma_start3A_100 = arith.constant 0 : i32
          %dma_start3A_101 = tpu.memref_slice %arg9[%dma_start3A_99, %dma_start3A_100] : memref<10240x128xf32, #tpu.memory_space<vmem_shared>> -> memref<10240x128xf32, #tpu.memory_space<vmem_shared>>
          tpu.enqueue_indirect_dma source(%arg8 : memref<128x128xf32, #tpu.memory_space<vmem>>) target(%dma_start3A_101 : memref<10240x128xf32, #tpu.memory_space<vmem_shared>>) offsets(%dma_start3A_98 : memref<128xi32, #tpu.memory_space<vmem>>) semaphore(%run_scoped3A : memref<!tpu.dma_semaphore, #tpu.memory_space<semaphore_mem>>) {add = true}
          %dma_wait3A_102 = arith.constant 0 : i32
          %dma_wait3A_103 = tpu.memref_slice %arg6[%add3A_73, %dma_wait3A_102] : memref<56x128xi32, #tpu.memory_space<vmem>> -> memref<1x128xi32, #tpu.memory_space<vmem>>
          %dma_wait3A_104 = tpu.memref_squeeze %dma_wait3A_103 : memref<1x128xi32, #tpu.memory_space<vmem>> -> memref<128xi32, #tpu.memory_space<vmem>>
          %dma_wait3A_105 = arith.constant 0 : i32
          %dma_wait3A_106 = arith.constant 0 : i32
          %dma_wait3A_107 = tpu.memref_slice %arg9[%dma_wait3A_105, %dma_wait3A_106] : memref<10240x128xf32, #tpu.memory_space<vmem_shared>> -> memref<10240x128xf32, #tpu.memory_space<vmem_shared>>
          tpu.wait_indirect_dma semaphore(%run_scoped3A : memref<!tpu.dma_semaphore, #tpu.memory_space<semaphore_mem>>) src(%arg8 : memref<128x128xf32, #tpu.memory_space<vmem>>) dst(%dma_wait3A_107 : memref<10240x128xf32, #tpu.memory_space<vmem_shared>>)
          tpu.yield
        }) : () -> ()
      }
      %scan3A_66 = arith.constant 28 : i32
    } else {
    }
    %eq3A_33 = arith.constant 1 : i32
    %eq3A_34 = arith.cmpi eq, %arg0, %eq3A_33 : i32
    %convert_element_type3A_35 = arith.extui %eq3A_34 : i1 to i32
    %cond3A_36 = arith.constant 0 : i32
    %cond3A_37 = arith.cmpi ne, %convert_element_type3A_35, %cond3A_36 : i32
    scf.if %cond3A_37 {
      "tpu.region"() ({
        %run_scoped3A = tpu.sem_alloc : memref<!tpu.dma_semaphore, #tpu.memory_space<semaphore_mem>>
        %dma_start3A = arith.constant 0 : i32
        %dma_start3A_67 = arith.constant 0 : i32
        %dma_start3A_68 = tpu.memref_slice %arg5[%dma_start3A, %dma_start3A_67] : memref<56x128xi32, #tpu.memory_space<vmem>> -> memref<24x128xi32, #tpu.memory_space<vmem>>
        %dma_start3A_69 = arith.constant 0 : i32
        %dma_start3A_70 = arith.constant 0 : i32
        %dma_start3A_71 = tpu.memref_slice %arg3[%add3A, %dma_start3A_69, %dma_start3A_70] : memref<32x112x128xi32, #tpu.memory_space<hbm>> -> memref<1x112x128xi32, #tpu.memory_space<hbm>>
        %dma_start3A_72 = tpu.memref_squeeze %dma_start3A_71 : memref<1x112x128xi32, #tpu.memory_space<hbm>> -> memref<112x128xi32, #tpu.memory_space<hbm>>
        %dma_start3A_73 = arith.constant 0 : i32
        %dma_start3A_74 = arith.constant 0 : i32
        %dma_start3A_75 = tpu.memref_slice %dma_start3A_72[%dma_start3A_73, %dma_start3A_74] : memref<112x128xi32, #tpu.memory_space<hbm>> -> memref<24x128xi32, #tpu.memory_space<hbm>>
        %dma_start3A_76 = arith.constant 0 : i32
        %dma_start3A_77 = arith.constant 0 : i32
        %dma_start3A_78 = tpu.memref_slice %arg5[%dma_start3A_76, %dma_start3A_77] : memref<56x128xi32, #tpu.memory_space<vmem>> -> memref<24x128xi32, #tpu.memory_space<vmem>>
        %dma_start3A_79 = arith.constant 0 : i32
        %dma_start3A_80 = arith.constant 0 : i32
        %dma_start3A_81 = tpu.memref_slice %arg3[%add3A, %dma_start3A_79, %dma_start3A_80] : memref<32x112x128xi32, #tpu.memory_space<hbm>> -> memref<1x112x128xi32, #tpu.memory_space<hbm>>
        %dma_start3A_82 = tpu.memref_squeeze %dma_start3A_81 : memref<1x112x128xi32, #tpu.memory_space<hbm>> -> memref<112x128xi32, #tpu.memory_space<hbm>>
        %dma_start3A_83 = arith.constant 0 : i32
        %dma_start3A_84 = arith.constant 0 : i32
        %dma_start3A_85 = tpu.memref_slice %dma_start3A_82[%dma_start3A_83, %dma_start3A_84] : memref<112x128xi32, #tpu.memory_space<hbm>> -> memref<24x128xi32, #tpu.memory_space<hbm>>
        tpu.enqueue_dma source(%dma_start3A_85 : memref<24x128xi32, #tpu.memory_space<hbm>>) target(%dma_start3A_78 : memref<24x128xi32, #tpu.memory_space<vmem>>) target_semaphore(%run_scoped3A : memref<!tpu.dma_semaphore, #tpu.memory_space<semaphore_mem>>)
        %dma_wait3A = arith.constant 0 : i32
        %dma_wait3A_86 = arith.constant 0 : i32
        %dma_wait3A_87 = tpu.memref_slice %arg5[%dma_wait3A, %dma_wait3A_86] : memref<56x128xi32, #tpu.memory_space<vmem>> -> memref<24x128xi32, #tpu.memory_space<vmem>>
        %dma_wait3A_88 = arith.constant 0 : i32
        %dma_wait3A_89 = arith.constant 0 : i32
        %dma_wait3A_90 = tpu.memref_slice %arg3[%add3A, %dma_wait3A_88, %dma_wait3A_89] : memref<32x112x128xi32, #tpu.memory_space<hbm>> -> memref<1x112x128xi32, #tpu.memory_space<hbm>>
        %dma_wait3A_91 = tpu.memref_squeeze %dma_wait3A_90 : memref<1x112x128xi32, #tpu.memory_space<hbm>> -> memref<112x128xi32, #tpu.memory_space<hbm>>
        %dma_wait3A_92 = arith.constant 0 : i32
        %dma_wait3A_93 = arith.constant 0 : i32
        %dma_wait3A_94 = tpu.memref_slice %dma_wait3A_91[%dma_wait3A_92, %dma_wait3A_93] : memref<112x128xi32, #tpu.memory_space<hbm>> -> memref<24x128xi32, #tpu.memory_space<hbm>>
        %dma_wait3A_95 = arith.constant 0 : i32
        %dma_wait3A_96 = arith.constant 0 : i32
        %dma_wait3A_97 = tpu.memref_slice %arg5[%dma_wait3A_95, %dma_wait3A_96] : memref<56x128xi32, #tpu.memory_space<vmem>> -> memref<24x128xi32, #tpu.memory_space<vmem>>
        %dma_wait3A_98 = arith.constant 0 : i32
        %dma_wait3A_99 = arith.constant 0 : i32
        %dma_wait3A_100 = tpu.memref_slice %arg3[%add3A, %dma_wait3A_98, %dma_wait3A_99] : memref<32x112x128xi32, #tpu.memory_space<hbm>> -> memref<1x112x128xi32, #tpu.memory_space<hbm>>
        %dma_wait3A_101 = tpu.memref_squeeze %dma_wait3A_100 : memref<1x112x128xi32, #tpu.memory_space<hbm>> -> memref<112x128xi32, #tpu.memory_space<hbm>>
        %dma_wait3A_102 = arith.constant 0 : i32
        %dma_wait3A_103 = arith.constant 0 : i32
        %dma_wait3A_104 = tpu.memref_slice %dma_wait3A_101[%dma_wait3A_102, %dma_wait3A_103] : memref<112x128xi32, #tpu.memory_space<hbm>> -> memref<24x128xi32, #tpu.memory_space<hbm>>
        tpu.wait_dma2 semaphore(%run_scoped3A : memref<!tpu.dma_semaphore, #tpu.memory_space<semaphore_mem>>) src(%dma_wait3A_104 : memref<24x128xi32, #tpu.memory_space<hbm>>) dst(%dma_wait3A_97 : memref<24x128xi32, #tpu.memory_space<vmem>>)
        tpu.yield
      }) : () -> ()
      %scan3A_43 = arith.constant 0 : i32
      %scan3A_44 = arith.constant 0 : i32
      %scan3A_45 = arith.constant 24 : i32
      %scan3A_46 = arith.addi %scan3A_44, %scan3A_45 : i32
      %scan3A_47 = arith.constant 1 : i32
      scf.for %scan3A_67 = %scan3A_44 to %scan3A_46 step %scan3A_47  : i32 {
        %get3A = arith.index_cast %scan3A_67 : i32 to index
        %get3A_68 = arith.constant 0 : index
        %get3A_69 = tpu.vector_load %arg5[%get3A, %get3A_68] {strides = array<i32>} : memref<56x128xi32, #tpu.memory_space<vmem>>, vector<16xi32>,
        %shift_right_logical3A = arith.constant 14 : i32
        %shift_right_logical3A_70 = vector.broadcast %shift_right_logical3A : i32 to vector<16xi32>
        %shift_right_logical3A_71 = arith.shrui %get3A_69, %shift_right_logical3A_70 : vector<16xi32>
        %and3A = arith.andi %get3A_69, %broadcast_in_dim3A_5 : vector<16xi32>
        %swap3A = arith.index_cast %scan3A_67 : i32 to index
        %swap3A_72 = arith.constant 0 : index
        %swap3A_73 = tpu.vector_load %arg5[%swap3A, %swap3A_72] {strides = array<i32>} : memref<56x128xi32, #tpu.memory_space<vmem>>, vector<16xi32>,
        tpu.vector_store %arg5[%swap3A, %swap3A_72], %shift_right_logical3A_71 {strides = array<i32>} : memref<56x128xi32, #tpu.memory_space<vmem>>, vector<16xi32>,
        %eq3A_74 = arith.cmpi eq, %shift_right_logical3A_71, %and3A : vector<16xi32>
        %select_n3A = arith.select %eq3A_74, %broadcast_in_dim3A_3, %and3A : vector<16xi1>, vector<16xi32>
        %swap3A_75 = arith.index_cast %scan3A_67 : i32 to index
        %swap3A_76 = arith.constant 0 : index
        %swap3A_77 = tpu.vector_load %arg6[%swap3A_75, %swap3A_76] {strides = array<i32>} : memref<56x128xi32, #tpu.memory_space<vmem>>, vector<16xi32>,
        tpu.vector_store %arg6[%swap3A_75, %swap3A_76], %select_n3A {strides = array<i32>} : memref<56x128xi32, #tpu.memory_space<vmem>>, vector<16xi32>,
        %get3A_78 = arith.index_cast %scan3A_67 : i32 to index
        %get3A_79 = arith.constant 16 : index
        %get3A_80 = tpu.vector_load %arg5[%get3A_78, %get3A_79] {strides = array<i32>} : memref<56x128xi32, #tpu.memory_space<vmem>>, vector<16xi32>,
        %shift_right_logical3A_81 = arith.constant 14 : i32
        %shift_right_logical3A_82 = vector.broadcast %shift_right_logical3A_81 : i32 to vector<16xi32>
        %shift_right_logical3A_83 = arith.shrui %get3A_80, %shift_right_logical3A_82 : vector<16xi32>
        %and3A_84 = arith.andi %get3A_80, %broadcast_in_dim3A_5 : vector<16xi32>
        %swap3A_85 = arith.index_cast %scan3A_67 : i32 to index
        %swap3A_86 = arith.constant 16 : index
        %swap3A_87 = tpu.vector_load %arg5[%swap3A_85, %swap3A_86] {strides = array<i32>} : memref<56x128xi32, #tpu.memory_space<vmem>>, vector<16xi32>,
        tpu.vector_store %arg5[%swap3A_85, %swap3A_86], %shift_right_logical3A_83 {strides = array<i32>} : memref<56x128xi32, #tpu.memory_space<vmem>>, vector<16xi32>,
        %eq3A_88 = arith.cmpi eq, %shift_right_logical3A_83, %and3A_84 : vector<16xi32>
        %select_n3A_89 = arith.select %eq3A_88, %broadcast_in_dim3A_3, %and3A_84 : vector<16xi1>, vector<16xi32>
        %swap3A_90 = arith.index_cast %scan3A_67 : i32 to index
        %swap3A_91 = arith.constant 16 : index
        %swap3A_92 = tpu.vector_load %arg6[%swap3A_90, %swap3A_91] {strides = array<i32>} : memref<56x128xi32, #tpu.memory_space<vmem>>, vector<16xi32>,
        tpu.vector_store %arg6[%swap3A_90, %swap3A_91], %select_n3A_89 {strides = array<i32>} : memref<56x128xi32, #tpu.memory_space<vmem>>, vector<16xi32>,
        %get3A_93 = arith.index_cast %scan3A_67 : i32 to index
        %get3A_94 = arith.constant 32 : index
        %get3A_95 = tpu.vector_load %arg5[%get3A_93, %get3A_94] {strides = array<i32>} : memref<56x128xi32, #tpu.memory_space<vmem>>, vector<16xi32>,
        %shift_right_logical3A_96 = arith.constant 14 : i32
        %shift_right_logical3A_97 = vector.broadcast %shift_right_logical3A_96 : i32 to vector<16xi32>
        %shift_right_logical3A_98 = arith.shrui %get3A_95, %shift_right_logical3A_97 : vector<16xi32>
        %and3A_99 = arith.andi %get3A_95, %broadcast_in_dim3A_5 : vector<16xi32>
        %swap3A_100 = arith.index_cast %scan3A_67 : i32 to index
        %swap3A_101 = arith.constant 32 : index
        %swap3A_102 = tpu.vector_load %arg5[%swap3A_100, %swap3A_101] {strides = array<i32>} : memref<56x128xi32, #tpu.memory_space<vmem>>, vector<16xi32>,
        tpu.vector_store %arg5[%swap3A_100, %swap3A_101], %shift_right_logical3A_98 {strides = array<i32>} : memref<56x128xi32, #tpu.memory_space<vmem>>, vector<16xi32>,
        %eq3A_103 = arith.cmpi eq, %shift_right_logical3A_98, %and3A_99 : vector<16xi32>
        %select_n3A_104 = arith.select %eq3A_103, %broadcast_in_dim3A_3, %and3A_99 : vector<16xi1>, vector<16xi32>
        %swap3A_105 = arith.index_cast %scan3A_67 : i32 to index
        %swap3A_106 = arith.constant 32 : index
        %swap3A_107 = tpu.vector_load %arg6[%swap3A_105, %swap3A_106] {strides = array<i32>} : memref<56x128xi32, #tpu.memory_space<vmem>>, vector<16xi32>,
        tpu.vector_store %arg6[%swap3A_105, %swap3A_106], %select_n3A_104 {strides = array<i32>} : memref<56x128xi32, #tpu.memory_space<vmem>>, vector<16xi32>,
        %get3A_108 = arith.index_cast %scan3A_67 : i32 to index
        %get3A_109 = arith.constant 48 : index
        %get3A_110 = tpu.vector_load %arg5[%get3A_108, %get3A_109] {strides = array<i32>} : memref<56x128xi32, #tpu.memory_space<vmem>>, vector<16xi32>,
        %shift_right_logical3A_111 = arith.constant 14 : i32
        %shift_right_logical3A_112 = vector.broadcast %shift_right_logical3A_111 : i32 to vector<16xi32>
        %shift_right_logical3A_113 = arith.shrui %get3A_110, %shift_right_logical3A_112 : vector<16xi32>
        %and3A_114 = arith.andi %get3A_110, %broadcast_in_dim3A_5 : vector<16xi32>
        %swap3A_115 = arith.index_cast %scan3A_67 : i32 to index
        %swap3A_116 = arith.constant 48 : index
        %swap3A_117 = tpu.vector_load %arg5[%swap3A_115, %swap3A_116] {strides = array<i32>} : memref<56x128xi32, #tpu.memory_space<vmem>>, vector<16xi32>,
        tpu.vector_store %arg5[%swap3A_115, %swap3A_116], %shift_right_logical3A_113 {strides = array<i32>} : memref<56x128xi32, #tpu.memory_space<vmem>>, vector<16xi32>,
        %eq3A_118 = arith.cmpi eq, %shift_right_logical3A_113, %and3A_114 : vector<16xi32>
        %select_n3A_119 = arith.select %eq3A_118, %broadcast_in_dim3A_3, %and3A_114 : vector<16xi1>, vector<16xi32>
        %swap3A_120 = arith.index_cast %scan3A_67 : i32 to index
        %swap3A_121 = arith.constant 48 : index
        %swap3A_122 = tpu.vector_load %arg6[%swap3A_120, %swap3A_121] {strides = array<i32>} : memref<56x128xi32, #tpu.memory_space<vmem>>, vector<16xi32>,
        tpu.vector_store %arg6[%swap3A_120, %swap3A_121], %select_n3A_119 {strides = array<i32>} : memref<56x128xi32, #tpu.memory_space<vmem>>, vector<16xi32>,
        %get3A_123 = arith.index_cast %scan3A_67 : i32 to index
        %get3A_124 = arith.constant 64 : index
        %get3A_125 = tpu.vector_load %arg5[%get3A_123, %get3A_124] {strides = array<i32>} : memref<56x128xi32, #tpu.memory_space<vmem>>, vector<16xi32>,
        %shift_right_logical3A_126 = arith.constant 14 : i32
        %shift_right_logical3A_127 = vector.broadcast %shift_right_logical3A_126 : i32 to vector<16xi32>
        %shift_right_logical3A_128 = arith.shrui %get3A_125, %shift_right_logical3A_127 : vector<16xi32>
        %and3A_129 = arith.andi %get3A_125, %broadcast_in_dim3A_5 : vector<16xi32>
        %swap3A_130 = arith.index_cast %scan3A_67 : i32 to index
        %swap3A_131 = arith.constant 64 : index
        %swap3A_132 = tpu.vector_load %arg5[%swap3A_130, %swap3A_131] {strides = array<i32>} : memref<56x128xi32, #tpu.memory_space<vmem>>, vector<16xi32>,
        tpu.vector_store %arg5[%swap3A_130, %swap3A_131], %shift_right_logical3A_128 {strides = array<i32>} : memref<56x128xi32, #tpu.memory_space<vmem>>, vector<16xi32>,
        %eq3A_133 = arith.cmpi eq, %shift_right_logical3A_128, %and3A_129 : vector<16xi32>
        %select_n3A_134 = arith.select %eq3A_133, %broadcast_in_dim3A_3, %and3A_129 : vector<16xi1>, vector<16xi32>
        %swap3A_135 = arith.index_cast %scan3A_67 : i32 to index
        %swap3A_136 = arith.constant 64 : index
        %swap3A_137 = tpu.vector_load %arg6[%swap3A_135, %swap3A_136] {strides = array<i32>} : memref<56x128xi32, #tpu.memory_space<vmem>>, vector<16xi32>,
        tpu.vector_store %arg6[%swap3A_135, %swap3A_136], %select_n3A_134 {strides = array<i32>} : memref<56x128xi32, #tpu.memory_space<vmem>>, vector<16xi32>,
        %get3A_138 = arith.index_cast %scan3A_67 : i32 to index
        %get3A_139 = arith.constant 80 : index
        %get3A_140 = tpu.vector_load %arg5[%get3A_138, %get3A_139] {strides = array<i32>} : memref<56x128xi32, #tpu.memory_space<vmem>>, vector<16xi32>,
        %shift_right_logical3A_141 = arith.constant 14 : i32
        %shift_right_logical3A_142 = vector.broadcast %shift_right_logical3A_141 : i32 to vector<16xi32>
        %shift_right_logical3A_143 = arith.shrui %get3A_140, %shift_right_logical3A_142 : vector<16xi32>
        %and3A_144 = arith.andi %get3A_140, %broadcast_in_dim3A_5 : vector<16xi32>
        %swap3A_145 = arith.index_cast %scan3A_67 : i32 to index
        %swap3A_146 = arith.constant 80 : index
        %swap3A_147 = tpu.vector_load %arg5[%swap3A_145, %swap3A_146] {strides = array<i32>} : memref<56x128xi32, #tpu.memory_space<vmem>>, vector<16xi32>,
        tpu.vector_store %arg5[%swap3A_145, %swap3A_146], %shift_right_logical3A_143 {strides = array<i32>} : memref<56x128xi32, #tpu.memory_space<vmem>>, vector<16xi32>,
        %eq3A_148 = arith.cmpi eq, %shift_right_logical3A_143, %and3A_144 : vector<16xi32>
        %select_n3A_149 = arith.select %eq3A_148, %broadcast_in_dim3A_3, %and3A_144 : vector<16xi1>, vector<16xi32>
        %swap3A_150 = arith.index_cast %scan3A_67 : i32 to index
        %swap3A_151 = arith.constant 80 : index
        %swap3A_152 = tpu.vector_load %arg6[%swap3A_150, %swap3A_151] {strides = array<i32>} : memref<56x128xi32, #tpu.memory_space<vmem>>, vector<16xi32>,
        tpu.vector_store %arg6[%swap3A_150, %swap3A_151], %select_n3A_149 {strides = array<i32>} : memref<56x128xi32, #tpu.memory_space<vmem>>, vector<16xi32>,
        %get3A_153 = arith.index_cast %scan3A_67 : i32 to index
        %get3A_154 = arith.constant 96 : index
        %get3A_155 = tpu.vector_load %arg5[%get3A_153, %get3A_154] {strides = array<i32>} : memref<56x128xi32, #tpu.memory_space<vmem>>, vector<16xi32>,
        %shift_right_logical3A_156 = arith.constant 14 : i32
        %shift_right_logical3A_157 = vector.broadcast %shift_right_logical3A_156 : i32 to vector<16xi32>
        %shift_right_logical3A_158 = arith.shrui %get3A_155, %shift_right_logical3A_157 : vector<16xi32>
        %and3A_159 = arith.andi %get3A_155, %broadcast_in_dim3A_5 : vector<16xi32>
        %swap3A_160 = arith.index_cast %scan3A_67 : i32 to index
        %swap3A_161 = arith.constant 96 : index
        %swap3A_162 = tpu.vector_load %arg5[%swap3A_160, %swap3A_161] {strides = array<i32>} : memref<56x128xi32, #tpu.memory_space<vmem>>, vector<16xi32>,
        tpu.vector_store %arg5[%swap3A_160, %swap3A_161], %shift_right_logical3A_158 {strides = array<i32>} : memref<56x128xi32, #tpu.memory_space<vmem>>, vector<16xi32>,
        %eq3A_163 = arith.cmpi eq, %shift_right_logical3A_158, %and3A_159 : vector<16xi32>
        %select_n3A_164 = arith.select %eq3A_163, %broadcast_in_dim3A_3, %and3A_159 : vector<16xi1>, vector<16xi32>
        %swap3A_165 = arith.index_cast %scan3A_67 : i32 to index
        %swap3A_166 = arith.constant 96 : index
        %swap3A_167 = tpu.vector_load %arg6[%swap3A_165, %swap3A_166] {strides = array<i32>} : memref<56x128xi32, #tpu.memory_space<vmem>>, vector<16xi32>,
        tpu.vector_store %arg6[%swap3A_165, %swap3A_166], %select_n3A_164 {strides = array<i32>} : memref<56x128xi32, #tpu.memory_space<vmem>>, vector<16xi32>,
        %get3A_168 = arith.index_cast %scan3A_67 : i32 to index
        %get3A_169 = arith.constant 112 : index
        %get3A_170 = tpu.vector_load %arg5[%get3A_168, %get3A_169] {strides = array<i32>} : memref<56x128xi32, #tpu.memory_space<vmem>>, vector<16xi32>,
        %shift_right_logical3A_171 = arith.constant 14 : i32
        %shift_right_logical3A_172 = vector.broadcast %shift_right_logical3A_171 : i32 to vector<16xi32>
        %shift_right_logical3A_173 = arith.shrui %get3A_170, %shift_right_logical3A_172 : vector<16xi32>
        %and3A_174 = arith.andi %get3A_170, %broadcast_in_dim3A_5 : vector<16xi32>
        %swap3A_175 = arith.index_cast %scan3A_67 : i32 to index
        %swap3A_176 = arith.constant 112 : index
        %swap3A_177 = tpu.vector_load %arg5[%swap3A_175, %swap3A_176] {strides = array<i32>} : memref<56x128xi32, #tpu.memory_space<vmem>>, vector<16xi32>,
        tpu.vector_store %arg5[%swap3A_175, %swap3A_176], %shift_right_logical3A_173 {strides = array<i32>} : memref<56x128xi32, #tpu.memory_space<vmem>>, vector<16xi32>,
        %eq3A_178 = arith.cmpi eq, %shift_right_logical3A_173, %and3A_174 : vector<16xi32>
        %select_n3A_179 = arith.select %eq3A_178, %broadcast_in_dim3A_3, %and3A_174 : vector<16xi1>, vector<16xi32>
        %swap3A_180 = arith.index_cast %scan3A_67 : i32 to index
        %swap3A_181 = arith.constant 112 : index
        %swap3A_182 = tpu.vector_load %arg6[%swap3A_180, %swap3A_181] {strides = array<i32>} : memref<56x128xi32, #tpu.memory_space<vmem>>, vector<16xi32>,
        tpu.vector_store %arg6[%swap3A_180, %swap3A_181], %select_n3A_179 {strides = array<i32>} : memref<56x128xi32, #tpu.memory_space<vmem>>, vector<16xi32>,
      }
      %scan3A_48 = arith.constant 24 : i32
      %scan3A_49 = arith.constant 0 : i32
      %scan3A_50 = arith.constant 0 : i32
      %scan3A_51 = arith.constant 12 : i32
      %scan3A_52 = arith.addi %scan3A_50, %scan3A_51 : i32
      %scan3A_53 = arith.constant 1 : i32
      scf.for %scan3A_67 = %scan3A_50 to %scan3A_52 step %scan3A_53  : i32 {
        %mul3A_68 = arith.constant 2 : i32
        %mul3A_69 = arith.muli %mul3A_68, %scan3A_67 : i32
        %mul3A_70 = arith.constant 2 : i32
        %mul3A_71 = arith.muli %mul3A_70, %scan3A_67 : i32
        %add3A_72 = arith.constant 1 : i32
        %add3A_73 = arith.addi %mul3A_71, %add3A_72 : i32
        %dma_start3A = arith.constant 0 : i32
        %dma_start3A_74 = tpu.memref_slice %arg5[%mul3A_69, %dma_start3A] : memref<56x128xi32, #tpu.memory_space<vmem>> -> memref<1x128xi32, #tpu.memory_space<vmem>>
        %dma_start3A_75 = tpu.memref_squeeze %dma_start3A_74 : memref<1x128xi32, #tpu.memory_space<vmem>> -> memref<128xi32, #tpu.memory_space<vmem>>
        %dma_start3A_76 = arith.constant 0 : i32
        %dma_start3A_77 = arith.constant 0 : i32
        %dma_start3A_78 = tpu.memref_slice %arg2[%dma_start3A_76, %dma_start3A_77] : memref<10240x128xf32, #tpu.memory_space<hbm>> -> memref<10240x128xf32, #tpu.memory_space<hbm>>
        tpu.enqueue_indirect_dma source(%dma_start3A_78 : memref<10240x128xf32, #tpu.memory_space<hbm>>) target(%arg7 : memref<128x128xf32, #tpu.memory_space<vmem>>) offsets(%dma_start3A_75 : memref<128xi32, #tpu.memory_space<vmem>>) semaphore(%arg10 : memref<!tpu.dma_semaphore, #tpu.memory_space<semaphore_mem>>)
        %dma_start3A_79 = arith.constant 0 : i32
        %dma_start3A_80 = tpu.memref_slice %arg5[%add3A_73, %dma_start3A_79] : memref<56x128xi32, #tpu.memory_space<vmem>> -> memref<1x128xi32, #tpu.memory_space<vmem>>
        %dma_start3A_81 = tpu.memref_squeeze %dma_start3A_80 : memref<1x128xi32, #tpu.memory_space<vmem>> -> memref<128xi32, #tpu.memory_space<vmem>>
        %dma_start3A_82 = arith.constant 0 : i32
        %dma_start3A_83 = arith.constant 0 : i32
        %dma_start3A_84 = tpu.memref_slice %arg2[%dma_start3A_82, %dma_start3A_83] : memref<10240x128xf32, #tpu.memory_space<hbm>> -> memref<10240x128xf32, #tpu.memory_space<hbm>>
        tpu.enqueue_indirect_dma source(%dma_start3A_84 : memref<10240x128xf32, #tpu.memory_space<hbm>>) target(%arg8 : memref<128x128xf32, #tpu.memory_space<vmem>>) offsets(%dma_start3A_81 : memref<128xi32, #tpu.memory_space<vmem>>) semaphore(%arg11 : memref<!tpu.dma_semaphore, #tpu.memory_space<semaphore_mem>>)
        %dma_wait3A = arith.constant 0 : i32
        %dma_wait3A_85 = tpu.memref_slice %arg5[%mul3A_69, %dma_wait3A] : memref<56x128xi32, #tpu.memory_space<vmem>> -> memref<1x128xi32, #tpu.memory_space<vmem>>
        %dma_wait3A_86 = tpu.memref_squeeze %dma_wait3A_85 : memref<1x128xi32, #tpu.memory_space<vmem>> -> memref<128xi32, #tpu.memory_space<vmem>>
        %dma_wait3A_87 = arith.constant 0 : i32
        %dma_wait3A_88 = arith.constant 0 : i32
        %dma_wait3A_89 = tpu.memref_slice %arg2[%dma_wait3A_87, %dma_wait3A_88] : memref<10240x128xf32, #tpu.memory_space<hbm>> -> memref<10240x128xf32, #tpu.memory_space<hbm>>
        tpu.wait_indirect_dma semaphore(%arg10 : memref<!tpu.dma_semaphore, #tpu.memory_space<semaphore_mem>>) src(%dma_wait3A_89 : memref<10240x128xf32, #tpu.memory_space<hbm>>) dst(%arg7 : memref<128x128xf32, #tpu.memory_space<vmem>>)
        "tpu.region"() ({
          %run_scoped3A = tpu.sem_alloc : memref<!tpu.dma_semaphore, #tpu.memory_space<semaphore_mem>>
          %dma_start3A_96 = arith.constant 0 : i32
          %dma_start3A_97 = tpu.memref_slice %arg6[%mul3A_69, %dma_start3A_96] : memref<56x128xi32, #tpu.memory_space<vmem>> -> memref<1x128xi32, #tpu.memory_space<vmem>>
          %dma_start3A_98 = tpu.memref_squeeze %dma_start3A_97 : memref<1x128xi32, #tpu.memory_space<vmem>> -> memref<128xi32, #tpu.memory_space<vmem>>
          %dma_start3A_99 = arith.constant 0 : i32
          %dma_start3A_100 = arith.constant 0 : i32
          %dma_start3A_101 = tpu.memref_slice %arg9[%dma_start3A_99, %dma_start3A_100] : memref<10240x128xf32, #tpu.memory_space<vmem_shared>> -> memref<10240x128xf32, #tpu.memory_space<vmem_shared>>
          tpu.enqueue_indirect_dma source(%arg7 : memref<128x128xf32, #tpu.memory_space<vmem>>) target(%dma_start3A_101 : memref<10240x128xf32, #tpu.memory_space<vmem_shared>>) offsets(%dma_start3A_98 : memref<128xi32, #tpu.memory_space<vmem>>) semaphore(%run_scoped3A : memref<!tpu.dma_semaphore, #tpu.memory_space<semaphore_mem>>) {add = true}
          %dma_wait3A_102 = arith.constant 0 : i32
          %dma_wait3A_103 = tpu.memref_slice %arg6[%mul3A_69, %dma_wait3A_102] : memref<56x128xi32, #tpu.memory_space<vmem>> -> memref<1x128xi32, #tpu.memory_space<vmem>>
          %dma_wait3A_104 = tpu.memref_squeeze %dma_wait3A_103 : memref<1x128xi32, #tpu.memory_space<vmem>> -> memref<128xi32, #tpu.memory_space<vmem>>
          %dma_wait3A_105 = arith.constant 0 : i32
          %dma_wait3A_106 = arith.constant 0 : i32
          %dma_wait3A_107 = tpu.memref_slice %arg9[%dma_wait3A_105, %dma_wait3A_106] : memref<10240x128xf32, #tpu.memory_space<vmem_shared>> -> memref<10240x128xf32, #tpu.memory_space<vmem_shared>>
          tpu.wait_indirect_dma semaphore(%run_scoped3A : memref<!tpu.dma_semaphore, #tpu.memory_space<semaphore_mem>>) src(%arg7 : memref<128x128xf32, #tpu.memory_space<vmem>>) dst(%dma_wait3A_107 : memref<10240x128xf32, #tpu.memory_space<vmem_shared>>)
          tpu.yield
        }) : () -> ()
        %dma_wait3A_90 = arith.constant 0 : i32
        %dma_wait3A_91 = tpu.memref_slice %arg5[%add3A_73, %dma_wait3A_90] : memref<56x128xi32, #tpu.memory_space<vmem>> -> memref<1x128xi32, #tpu.memory_space<vmem>>
        %dma_wait3A_92 = tpu.memref_squeeze %dma_wait3A_91 : memref<1x128xi32, #tpu.memory_space<vmem>> -> memref<128xi32, #tpu.memory_space<vmem>>
        %dma_wait3A_93 = arith.constant 0 : i32
        %dma_wait3A_94 = arith.constant 0 : i32
        %dma_wait3A_95 = tpu.memref_slice %arg2[%dma_wait3A_93, %dma_wait3A_94] : memref<10240x128xf32, #tpu.memory_space<hbm>> -> memref<10240x128xf32, #tpu.memory_space<hbm>>
        tpu.wait_indirect_dma semaphore(%arg11 : memref<!tpu.dma_semaphore, #tpu.memory_space<semaphore_mem>>) src(%dma_wait3A_95 : memref<10240x128xf32, #tpu.memory_space<hbm>>) dst(%arg8 : memref<128x128xf32, #tpu.memory_space<vmem>>)
        "tpu.region"() ({
          %run_scoped3A = tpu.sem_alloc : memref<!tpu.dma_semaphore, #tpu.memory_space<semaphore_mem>>
          %dma_start3A_96 = arith.constant 0 : i32
          %dma_start3A_97 = tpu.memref_slice %arg6[%add3A_73, %dma_start3A_96] : memref<56x128xi32, #tpu.memory_space<vmem>> -> memref<1x128xi32, #tpu.memory_space<vmem>>
          %dma_start3A_98 = tpu.memref_squeeze %dma_start3A_97 : memref<1x128xi32, #tpu.memory_space<vmem>> -> memref<128xi32, #tpu.memory_space<vmem>>
          %dma_start3A_99 = arith.constant 0 : i32
          %dma_start3A_100 = arith.constant 0 : i32
          %dma_start3A_101 = tpu.memref_slice %arg9[%dma_start3A_99, %dma_start3A_100] : memref<10240x128xf32, #tpu.memory_space<vmem_shared>> -> memref<10240x128xf32, #tpu.memory_space<vmem_shared>>
          tpu.enqueue_indirect_dma source(%arg8 : memref<128x128xf32, #tpu.memory_space<vmem>>) target(%dma_start3A_101 : memref<10240x128xf32, #tpu.memory_space<vmem_shared>>) offsets(%dma_start3A_98 : memref<128xi32, #tpu.memory_space<vmem>>) semaphore(%run_scoped3A : memref<!tpu.dma_semaphore, #tpu.memory_space<semaphore_mem>>) {add = true}
          %dma_wait3A_102 = arith.constant 0 : i32
          %dma_wait3A_103 = tpu.memref_slice %arg6[%add3A_73, %dma_wait3A_102] : memref<56x128xi32, #tpu.memory_space<vmem>> -> memref<1x128xi32, #tpu.memory_space<vmem>>
          %dma_wait3A_104 = tpu.memref_squeeze %dma_wait3A_103 : memref<1x128xi32, #tpu.memory_space<vmem>> -> memref<128xi32, #tpu.memory_space<vmem>>
          %dma_wait3A_105 = arith.constant 0 : i32
          %dma_wait3A_106 = arith.constant 0 : i32
          %dma_wait3A_107 = tpu.memref_slice %arg9[%dma_wait3A_105, %dma_wait3A_106] : memref<10240x128xf32, #tpu.memory_space<vmem_shared>> -> memref<10240x128xf32, #tpu.memory_space<vmem_shared>>
          tpu.wait_indirect_dma semaphore(%run_scoped3A : memref<!tpu.dma_semaphore, #tpu.memory_space<semaphore_mem>>) src(%arg8 : memref<128x128xf32, #tpu.memory_space<vmem>>) dst(%dma_wait3A_107 : memref<10240x128xf32, #tpu.memory_space<vmem_shared>>)
          tpu.yield
        }) : () -> ()
      }
      %scan3A_54 = arith.constant 12 : i32
      "tpu.region"() ({
        %run_scoped3A = tpu.sem_alloc : memref<!tpu.dma_semaphore, #tpu.memory_space<semaphore_mem>>
        %dma_start3A = arith.constant 0 : i32
        %dma_start3A_67 = arith.constant 0 : i32
        %dma_start3A_68 = tpu.memref_slice %arg5[%dma_start3A, %dma_start3A_67] : memref<56x128xi32, #tpu.memory_space<vmem>> -> memref<24x128xi32, #tpu.memory_space<vmem>>
        %dma_start3A_69 = arith.constant 0 : i32
        %dma_start3A_70 = arith.constant 0 : i32
        %dma_start3A_71 = tpu.memref_slice %arg3[%add3A, %dma_start3A_69, %dma_start3A_70] : memref<32x112x128xi32, #tpu.memory_space<hbm>> -> memref<1x112x128xi32, #tpu.memory_space<hbm>>
        %dma_start3A_72 = tpu.memref_squeeze %dma_start3A_71 : memref<1x112x128xi32, #tpu.memory_space<hbm>> -> memref<112x128xi32, #tpu.memory_space<hbm>>
        %dma_start3A_73 = arith.constant 24 : i32
        %dma_start3A_74 = arith.constant 0 : i32
        %dma_start3A_75 = tpu.memref_slice %dma_start3A_72[%dma_start3A_73, %dma_start3A_74] : memref<112x128xi32, #tpu.memory_space<hbm>> -> memref<24x128xi32, #tpu.memory_space<hbm>>
        %dma_start3A_76 = arith.constant 0 : i32
        %dma_start3A_77 = arith.constant 0 : i32
        %dma_start3A_78 = tpu.memref_slice %arg5[%dma_start3A_76, %dma_start3A_77] : memref<56x128xi32, #tpu.memory_space<vmem>> -> memref<24x128xi32, #tpu.memory_space<vmem>>
        %dma_start3A_79 = arith.constant 0 : i32
        %dma_start3A_80 = arith.constant 0 : i32
        %dma_start3A_81 = tpu.memref_slice %arg3[%add3A, %dma_start3A_79, %dma_start3A_80] : memref<32x112x128xi32, #tpu.memory_space<hbm>> -> memref<1x112x128xi32, #tpu.memory_space<hbm>>
        %dma_start3A_82 = tpu.memref_squeeze %dma_start3A_81 : memref<1x112x128xi32, #tpu.memory_space<hbm>> -> memref<112x128xi32, #tpu.memory_space<hbm>>
        %dma_start3A_83 = arith.constant 24 : i32
        %dma_start3A_84 = arith.constant 0 : i32
        %dma_start3A_85 = tpu.memref_slice %dma_start3A_82[%dma_start3A_83, %dma_start3A_84] : memref<112x128xi32, #tpu.memory_space<hbm>> -> memref<24x128xi32, #tpu.memory_space<hbm>>
        tpu.enqueue_dma source(%dma_start3A_85 : memref<24x128xi32, #tpu.memory_space<hbm>>) target(%dma_start3A_78 : memref<24x128xi32, #tpu.memory_space<vmem>>) target_semaphore(%run_scoped3A : memref<!tpu.dma_semaphore, #tpu.memory_space<semaphore_mem>>)
        %dma_wait3A = arith.constant 0 : i32
        %dma_wait3A_86 = arith.constant 0 : i32
        %dma_wait3A_87 = tpu.memref_slice %arg5[%dma_wait3A, %dma_wait3A_86] : memref<56x128xi32, #tpu.memory_space<vmem>> -> memref<24x128xi32, #tpu.memory_space<vmem>>
        %dma_wait3A_88 = arith.constant 0 : i32
        %dma_wait3A_89 = arith.constant 0 : i32
        %dma_wait3A_90 = tpu.memref_slice %arg3[%add3A, %dma_wait3A_88, %dma_wait3A_89] : memref<32x112x128xi32, #tpu.memory_space<hbm>> -> memref<1x112x128xi32, #tpu.memory_space<hbm>>
        %dma_wait3A_91 = tpu.memref_squeeze %dma_wait3A_90 : memref<1x112x128xi32, #tpu.memory_space<hbm>> -> memref<112x128xi32, #tpu.memory_space<hbm>>
        %dma_wait3A_92 = arith.constant 24 : i32
        %dma_wait3A_93 = arith.constant 0 : i32
        %dma_wait3A_94 = tpu.memref_slice %dma_wait3A_91[%dma_wait3A_92, %dma_wait3A_93] : memref<112x128xi32, #tpu.memory_space<hbm>> -> memref<24x128xi32, #tpu.memory_space<hbm>>
        %dma_wait3A_95 = arith.constant 0 : i32
        %dma_wait3A_96 = arith.constant 0 : i32
        %dma_wait3A_97 = tpu.memref_slice %arg5[%dma_wait3A_95, %dma_wait3A_96] : memref<56x128xi32, #tpu.memory_space<vmem>> -> memref<24x128xi32, #tpu.memory_space<vmem>>
        %dma_wait3A_98 = arith.constant 0 : i32
        %dma_wait3A_99 = arith.constant 0 : i32
        %dma_wait3A_100 = tpu.memref_slice %arg3[%add3A, %dma_wait3A_98, %dma_wait3A_99] : memref<32x112x128xi32, #tpu.memory_space<hbm>> -> memref<1x112x128xi32, #tpu.memory_space<hbm>>
        %dma_wait3A_101 = tpu.memref_squeeze %dma_wait3A_100 : memref<1x112x128xi32, #tpu.memory_space<hbm>> -> memref<112x128xi32, #tpu.memory_space<hbm>>
        %dma_wait3A_102 = arith.constant 24 : i32
        %dma_wait3A_103 = arith.constant 0 : i32
        %dma_wait3A_104 = tpu.memref_slice %dma_wait3A_101[%dma_wait3A_102, %dma_wait3A_103] : memref<112x128xi32, #tpu.memory_space<hbm>> -> memref<24x128xi32, #tpu.memory_space<hbm>>
        tpu.wait_dma2 semaphore(%run_scoped3A : memref<!tpu.dma_semaphore, #tpu.memory_space<semaphore_mem>>) src(%dma_wait3A_104 : memref<24x128xi32, #tpu.memory_space<hbm>>) dst(%dma_wait3A_97 : memref<24x128xi32, #tpu.memory_space<vmem>>)
        tpu.yield
      }) : () -> ()
      %scan3A_55 = arith.constant 0 : i32
      %scan3A_56 = arith.constant 0 : i32
      %scan3A_57 = arith.constant 24 : i32
      %scan3A_58 = arith.addi %scan3A_56, %scan3A_57 : i32
      %scan3A_59 = arith.constant 1 : i32
      scf.for %scan3A_67 = %scan3A_56 to %scan3A_58 step %scan3A_59  : i32 {
        %get3A = arith.index_cast %scan3A_67 : i32 to index
        %get3A_68 = arith.constant 0 : index
        %get3A_69 = tpu.vector_load %arg5[%get3A, %get3A_68] {strides = array<i32>} : memref<56x128xi32, #tpu.memory_space<vmem>>, vector<16xi32>,
        %shift_right_logical3A = arith.constant 14 : i32
        %shift_right_logical3A_70 = vector.broadcast %shift_right_logical3A : i32 to vector<16xi32>
        %shift_right_logical3A_71 = arith.shrui %get3A_69, %shift_right_logical3A_70 : vector<16xi32>
        %and3A = arith.andi %get3A_69, %broadcast_in_dim3A_5 : vector<16xi32>
        %swap3A = arith.index_cast %scan3A_67 : i32 to index
        %swap3A_72 = arith.constant 0 : index
        %swap3A_73 = tpu.vector_load %arg5[%swap3A, %swap3A_72] {strides = array<i32>} : memref<56x128xi32, #tpu.memory_space<vmem>>, vector<16xi32>,
        tpu.vector_store %arg5[%swap3A, %swap3A_72], %shift_right_logical3A_71 {strides = array<i32>} : memref<56x128xi32, #tpu.memory_space<vmem>>, vector<16xi32>,
        %eq3A_74 = arith.cmpi eq, %shift_right_logical3A_71, %and3A : vector<16xi32>
        %select_n3A = arith.select %eq3A_74, %broadcast_in_dim3A_3, %and3A : vector<16xi1>, vector<16xi32>
        %swap3A_75 = arith.index_cast %scan3A_67 : i32 to index
        %swap3A_76 = arith.constant 0 : index
        %swap3A_77 = tpu.vector_load %arg6[%swap3A_75, %swap3A_76] {strides = array<i32>} : memref<56x128xi32, #tpu.memory_space<vmem>>, vector<16xi32>,
        tpu.vector_store %arg6[%swap3A_75, %swap3A_76], %select_n3A {strides = array<i32>} : memref<56x128xi32, #tpu.memory_space<vmem>>, vector<16xi32>,
        %get3A_78 = arith.index_cast %scan3A_67 : i32 to index
        %get3A_79 = arith.constant 16 : index
        %get3A_80 = tpu.vector_load %arg5[%get3A_78, %get3A_79] {strides = array<i32>} : memref<56x128xi32, #tpu.memory_space<vmem>>, vector<16xi32>,
        %shift_right_logical3A_81 = arith.constant 14 : i32
        %shift_right_logical3A_82 = vector.broadcast %shift_right_logical3A_81 : i32 to vector<16xi32>
        %shift_right_logical3A_83 = arith.shrui %get3A_80, %shift_right_logical3A_82 : vector<16xi32>
        %and3A_84 = arith.andi %get3A_80, %broadcast_in_dim3A_5 : vector<16xi32>
        %swap3A_85 = arith.index_cast %scan3A_67 : i32 to index
        %swap3A_86 = arith.constant 16 : index
        %swap3A_87 = tpu.vector_load %arg5[%swap3A_85, %swap3A_86] {strides = array<i32>} : memref<56x128xi32, #tpu.memory_space<vmem>>, vector<16xi32>,
        tpu.vector_store %arg5[%swap3A_85, %swap3A_86], %shift_right_logical3A_83 {strides = array<i32>} : memref<56x128xi32, #tpu.memory_space<vmem>>, vector<16xi32>,
        %eq3A_88 = arith.cmpi eq, %shift_right_logical3A_83, %and3A_84 : vector<16xi32>
        %select_n3A_89 = arith.select %eq3A_88, %broadcast_in_dim3A_3, %and3A_84 : vector<16xi1>, vector<16xi32>
        %swap3A_90 = arith.index_cast %scan3A_67 : i32 to index
        %swap3A_91 = arith.constant 16 : index
        %swap3A_92 = tpu.vector_load %arg6[%swap3A_90, %swap3A_91] {strides = array<i32>} : memref<56x128xi32, #tpu.memory_space<vmem>>, vector<16xi32>,
        tpu.vector_store %arg6[%swap3A_90, %swap3A_91], %select_n3A_89 {strides = array<i32>} : memref<56x128xi32, #tpu.memory_space<vmem>>, vector<16xi32>,
        %get3A_93 = arith.index_cast %scan3A_67 : i32 to index
        %get3A_94 = arith.constant 32 : index
        %get3A_95 = tpu.vector_load %arg5[%get3A_93, %get3A_94] {strides = array<i32>} : memref<56x128xi32, #tpu.memory_space<vmem>>, vector<16xi32>,
        %shift_right_logical3A_96 = arith.constant 14 : i32
        %shift_right_logical3A_97 = vector.broadcast %shift_right_logical3A_96 : i32 to vector<16xi32>
        %shift_right_logical3A_98 = arith.shrui %get3A_95, %shift_right_logical3A_97 : vector<16xi32>
        %and3A_99 = arith.andi %get3A_95, %broadcast_in_dim3A_5 : vector<16xi32>
        %swap3A_100 = arith.index_cast %scan3A_67 : i32 to index
        %swap3A_101 = arith.constant 32 : index
        %swap3A_102 = tpu.vector_load %arg5[%swap3A_100, %swap3A_101] {strides = array<i32>} : memref<56x128xi32, #tpu.memory_space<vmem>>, vector<16xi32>,
        tpu.vector_store %arg5[%swap3A_100, %swap3A_101], %shift_right_logical3A_98 {strides = array<i32>} : memref<56x128xi32, #tpu.memory_space<vmem>>, vector<16xi32>,
        %eq3A_103 = arith.cmpi eq, %shift_right_logical3A_98, %and3A_99 : vector<16xi32>
        %select_n3A_104 = arith.select %eq3A_103, %broadcast_in_dim3A_3, %and3A_99 : vector<16xi1>, vector<16xi32>
        %swap3A_105 = arith.index_cast %scan3A_67 : i32 to index
        %swap3A_106 = arith.constant 32 : index
        %swap3A_107 = tpu.vector_load %arg6[%swap3A_105, %swap3A_106] {strides = array<i32>} : memref<56x128xi32, #tpu.memory_space<vmem>>, vector<16xi32>,
        tpu.vector_store %arg6[%swap3A_105, %swap3A_106], %select_n3A_104 {strides = array<i32>} : memref<56x128xi32, #tpu.memory_space<vmem>>, vector<16xi32>,
        %get3A_108 = arith.index_cast %scan3A_67 : i32 to index
        %get3A_109 = arith.constant 48 : index
        %get3A_110 = tpu.vector_load %arg5[%get3A_108, %get3A_109] {strides = array<i32>} : memref<56x128xi32, #tpu.memory_space<vmem>>, vector<16xi32>,
        %shift_right_logical3A_111 = arith.constant 14 : i32
        %shift_right_logical3A_112 = vector.broadcast %shift_right_logical3A_111 : i32 to vector<16xi32>
        %shift_right_logical3A_113 = arith.shrui %get3A_110, %shift_right_logical3A_112 : vector<16xi32>
        %and3A_114 = arith.andi %get3A_110, %broadcast_in_dim3A_5 : vector<16xi32>
        %swap3A_115 = arith.index_cast %scan3A_67 : i32 to index
        %swap3A_116 = arith.constant 48 : index
        %swap3A_117 = tpu.vector_load %arg5[%swap3A_115, %swap3A_116] {strides = array<i32>} : memref<56x128xi32, #tpu.memory_space<vmem>>, vector<16xi32>,
        tpu.vector_store %arg5[%swap3A_115, %swap3A_116], %shift_right_logical3A_113 {strides = array<i32>} : memref<56x128xi32, #tpu.memory_space<vmem>>, vector<16xi32>,
        %eq3A_118 = arith.cmpi eq, %shift_right_logical3A_113, %and3A_114 : vector<16xi32>
        %select_n3A_119 = arith.select %eq3A_118, %broadcast_in_dim3A_3, %and3A_114 : vector<16xi1>, vector<16xi32>
        %swap3A_120 = arith.index_cast %scan3A_67 : i32 to index
        %swap3A_121 = arith.constant 48 : index
        %swap3A_122 = tpu.vector_load %arg6[%swap3A_120, %swap3A_121] {strides = array<i32>} : memref<56x128xi32, #tpu.memory_space<vmem>>, vector<16xi32>,
        tpu.vector_store %arg6[%swap3A_120, %swap3A_121], %select_n3A_119 {strides = array<i32>} : memref<56x128xi32, #tpu.memory_space<vmem>>, vector<16xi32>,
        %get3A_123 = arith.index_cast %scan3A_67 : i32 to index
        %get3A_124 = arith.constant 64 : index
        %get3A_125 = tpu.vector_load %arg5[%get3A_123, %get3A_124] {strides = array<i32>} : memref<56x128xi32, #tpu.memory_space<vmem>>, vector<16xi32>,
        %shift_right_logical3A_126 = arith.constant 14 : i32
        %shift_right_logical3A_127 = vector.broadcast %shift_right_logical3A_126 : i32 to vector<16xi32>
        %shift_right_logical3A_128 = arith.shrui %get3A_125, %shift_right_logical3A_127 : vector<16xi32>
        %and3A_129 = arith.andi %get3A_125, %broadcast_in_dim3A_5 : vector<16xi32>
        %swap3A_130 = arith.index_cast %scan3A_67 : i32 to index
        %swap3A_131 = arith.constant 64 : index
        %swap3A_132 = tpu.vector_load %arg5[%swap3A_130, %swap3A_131] {strides = array<i32>} : memref<56x128xi32, #tpu.memory_space<vmem>>, vector<16xi32>,
        tpu.vector_store %arg5[%swap3A_130, %swap3A_131], %shift_right_logical3A_128 {strides = array<i32>} : memref<56x128xi32, #tpu.memory_space<vmem>>, vector<16xi32>,
        %eq3A_133 = arith.cmpi eq, %shift_right_logical3A_128, %and3A_129 : vector<16xi32>
        %select_n3A_134 = arith.select %eq3A_133, %broadcast_in_dim3A_3, %and3A_129 : vector<16xi1>, vector<16xi32>
        %swap3A_135 = arith.index_cast %scan3A_67 : i32 to index
        %swap3A_136 = arith.constant 64 : index
        %swap3A_137 = tpu.vector_load %arg6[%swap3A_135, %swap3A_136] {strides = array<i32>} : memref<56x128xi32, #tpu.memory_space<vmem>>, vector<16xi32>,
        tpu.vector_store %arg6[%swap3A_135, %swap3A_136], %select_n3A_134 {strides = array<i32>} : memref<56x128xi32, #tpu.memory_space<vmem>>, vector<16xi32>,
        %get3A_138 = arith.index_cast %scan3A_67 : i32 to index
        %get3A_139 = arith.constant 80 : index
        %get3A_140 = tpu.vector_load %arg5[%get3A_138, %get3A_139] {strides = array<i32>} : memref<56x128xi32, #tpu.memory_space<vmem>>, vector<16xi32>,
        %shift_right_logical3A_141 = arith.constant 14 : i32
        %shift_right_logical3A_142 = vector.broadcast %shift_right_logical3A_141 : i32 to vector<16xi32>
        %shift_right_logical3A_143 = arith.shrui %get3A_140, %shift_right_logical3A_142 : vector<16xi32>
        %and3A_144 = arith.andi %get3A_140, %broadcast_in_dim3A_5 : vector<16xi32>
        %swap3A_145 = arith.index_cast %scan3A_67 : i32 to index
        %swap3A_146 = arith.constant 80 : index
        %swap3A_147 = tpu.vector_load %arg5[%swap3A_145, %swap3A_146] {strides = array<i32>} : memref<56x128xi32, #tpu.memory_space<vmem>>, vector<16xi32>,
        tpu.vector_store %arg5[%swap3A_145, %swap3A_146], %shift_right_logical3A_143 {strides = array<i32>} : memref<56x128xi32, #tpu.memory_space<vmem>>, vector<16xi32>,
        %eq3A_148 = arith.cmpi eq, %shift_right_logical3A_143, %and3A_144 : vector<16xi32>
        %select_n3A_149 = arith.select %eq3A_148, %broadcast_in_dim3A_3, %and3A_144 : vector<16xi1>, vector<16xi32>
        %swap3A_150 = arith.index_cast %scan3A_67 : i32 to index
        %swap3A_151 = arith.constant 80 : index
        %swap3A_152 = tpu.vector_load %arg6[%swap3A_150, %swap3A_151] {strides = array<i32>} : memref<56x128xi32, #tpu.memory_space<vmem>>, vector<16xi32>,
        tpu.vector_store %arg6[%swap3A_150, %swap3A_151], %select_n3A_149 {strides = array<i32>} : memref<56x128xi32, #tpu.memory_space<vmem>>, vector<16xi32>,
        %get3A_153 = arith.index_cast %scan3A_67 : i32 to index
        %get3A_154 = arith.constant 96 : index
        %get3A_155 = tpu.vector_load %arg5[%get3A_153, %get3A_154] {strides = array<i32>} : memref<56x128xi32, #tpu.memory_space<vmem>>, vector<16xi32>,
        %shift_right_logical3A_156 = arith.constant 14 : i32
        %shift_right_logical3A_157 = vector.broadcast %shift_right_logical3A_156 : i32 to vector<16xi32>
        %shift_right_logical3A_158 = arith.shrui %get3A_155, %shift_right_logical3A_157 : vector<16xi32>
        %and3A_159 = arith.andi %get3A_155, %broadcast_in_dim3A_5 : vector<16xi32>
        %swap3A_160 = arith.index_cast %scan3A_67 : i32 to index
        %swap3A_161 = arith.constant 96 : index
        %swap3A_162 = tpu.vector_load %arg5[%swap3A_160, %swap3A_161] {strides = array<i32>} : memref<56x128xi32, #tpu.memory_space<vmem>>, vector<16xi32>,
        tpu.vector_store %arg5[%swap3A_160, %swap3A_161], %shift_right_logical3A_158 {strides = array<i32>} : memref<56x128xi32, #tpu.memory_space<vmem>>, vector<16xi32>,
        %eq3A_163 = arith.cmpi eq, %shift_right_logical3A_158, %and3A_159 : vector<16xi32>
        %select_n3A_164 = arith.select %eq3A_163, %broadcast_in_dim3A_3, %and3A_159 : vector<16xi1>, vector<16xi32>
        %swap3A_165 = arith.index_cast %scan3A_67 : i32 to index
        %swap3A_166 = arith.constant 96 : index
        %swap3A_167 = tpu.vector_load %arg6[%swap3A_165, %swap3A_166] {strides = array<i32>} : memref<56x128xi32, #tpu.memory_space<vmem>>, vector<16xi32>,
        tpu.vector_store %arg6[%swap3A_165, %swap3A_166], %select_n3A_164 {strides = array<i32>} : memref<56x128xi32, #tpu.memory_space<vmem>>, vector<16xi32>,
        %get3A_168 = arith.index_cast %scan3A_67 : i32 to index
        %get3A_169 = arith.constant 112 : index
        %get3A_170 = tpu.vector_load %arg5[%get3A_168, %get3A_169] {strides = array<i32>} : memref<56x128xi32, #tpu.memory_space<vmem>>, vector<16xi32>,
        %shift_right_logical3A_171 = arith.constant 14 : i32
        %shift_right_logical3A_172 = vector.broadcast %shift_right_logical3A_171 : i32 to vector<16xi32>
        %shift_right_logical3A_173 = arith.shrui %get3A_170, %shift_right_logical3A_172 : vector<16xi32>
        %and3A_174 = arith.andi %get3A_170, %broadcast_in_dim3A_5 : vector<16xi32>
        %swap3A_175 = arith.index_cast %scan3A_67 : i32 to index
        %swap3A_176 = arith.constant 112 : index
        %swap3A_177 = tpu.vector_load %arg5[%swap3A_175, %swap3A_176] {strides = array<i32>} : memref<56x128xi32, #tpu.memory_space<vmem>>, vector<16xi32>,
        tpu.vector_store %arg5[%swap3A_175, %swap3A_176], %shift_right_logical3A_173 {strides = array<i32>} : memref<56x128xi32, #tpu.memory_space<vmem>>, vector<16xi32>,
        %eq3A_178 = arith.cmpi eq, %shift_right_logical3A_173, %and3A_174 : vector<16xi32>
        %select_n3A_179 = arith.select %eq3A_178, %broadcast_in_dim3A_3, %and3A_174 : vector<16xi1>, vector<16xi32>
        %swap3A_180 = arith.index_cast %scan3A_67 : i32 to index
        %swap3A_181 = arith.constant 112 : index
        %swap3A_182 = tpu.vector_load %arg6[%swap3A_180, %swap3A_181] {strides = array<i32>} : memref<56x128xi32, #tpu.memory_space<vmem>>, vector<16xi32>,
        tpu.vector_store %arg6[%swap3A_180, %swap3A_181], %select_n3A_179 {strides = array<i32>} : memref<56x128xi32, #tpu.memory_space<vmem>>, vector<16xi32>,
      }
      %scan3A_60 = arith.constant 24 : i32
      %scan3A_61 = arith.constant 0 : i32
      %scan3A_62 = arith.constant 0 : i32
      %scan3A_63 = arith.constant 12 : i32
      %scan3A_64 = arith.addi %scan3A_62, %scan3A_63 : i32
      %scan3A_65 = arith.constant 1 : i32
      scf.for %scan3A_67 = %scan3A_62 to %scan3A_64 step %scan3A_65  : i32 {
        %mul3A_68 = arith.constant 2 : i32
        %mul3A_69 = arith.muli %mul3A_68, %scan3A_67 : i32
        %mul3A_70 = arith.constant 2 : i32
        %mul3A_71 = arith.muli %mul3A_70, %scan3A_67 : i32
        %add3A_72 = arith.constant 1 : i32
        %add3A_73 = arith.addi %mul3A_71, %add3A_72 : i32
        %dma_start3A = arith.constant 0 : i32
        %dma_start3A_74 = tpu.memref_slice %arg5[%mul3A_69, %dma_start3A] : memref<56x128xi32, #tpu.memory_space<vmem>> -> memref<1x128xi32, #tpu.memory_space<vmem>>
        %dma_start3A_75 = tpu.memref_squeeze %dma_start3A_74 : memref<1x128xi32, #tpu.memory_space<vmem>> -> memref<128xi32, #tpu.memory_space<vmem>>
        %dma_start3A_76 = arith.constant 0 : i32
        %dma_start3A_77 = arith.constant 0 : i32
        %dma_start3A_78 = tpu.memref_slice %arg2[%dma_start3A_76, %dma_start3A_77] : memref<10240x128xf32, #tpu.memory_space<hbm>> -> memref<10240x128xf32, #tpu.memory_space<hbm>>
        tpu.enqueue_indirect_dma source(%dma_start3A_78 : memref<10240x128xf32, #tpu.memory_space<hbm>>) target(%arg7 : memref<128x128xf32, #tpu.memory_space<vmem>>) offsets(%dma_start3A_75 : memref<128xi32, #tpu.memory_space<vmem>>) semaphore(%arg10 : memref<!tpu.dma_semaphore, #tpu.memory_space<semaphore_mem>>)
        %dma_start3A_79 = arith.constant 0 : i32
        %dma_start3A_80 = tpu.memref_slice %arg5[%add3A_73, %dma_start3A_79] : memref<56x128xi32, #tpu.memory_space<vmem>> -> memref<1x128xi32, #tpu.memory_space<vmem>>
        %dma_start3A_81 = tpu.memref_squeeze %dma_start3A_80 : memref<1x128xi32, #tpu.memory_space<vmem>> -> memref<128xi32, #tpu.memory_space<vmem>>
        %dma_start3A_82 = arith.constant 0 : i32
        %dma_start3A_83 = arith.constant 0 : i32
        %dma_start3A_84 = tpu.memref_slice %arg2[%dma_start3A_82, %dma_start3A_83] : memref<10240x128xf32, #tpu.memory_space<hbm>> -> memref<10240x128xf32, #tpu.memory_space<hbm>>
        tpu.enqueue_indirect_dma source(%dma_start3A_84 : memref<10240x128xf32, #tpu.memory_space<hbm>>) target(%arg8 : memref<128x128xf32, #tpu.memory_space<vmem>>) offsets(%dma_start3A_81 : memref<128xi32, #tpu.memory_space<vmem>>) semaphore(%arg11 : memref<!tpu.dma_semaphore, #tpu.memory_space<semaphore_mem>>)
        %dma_wait3A = arith.constant 0 : i32
        %dma_wait3A_85 = tpu.memref_slice %arg5[%mul3A_69, %dma_wait3A] : memref<56x128xi32, #tpu.memory_space<vmem>> -> memref<1x128xi32, #tpu.memory_space<vmem>>
        %dma_wait3A_86 = tpu.memref_squeeze %dma_wait3A_85 : memref<1x128xi32, #tpu.memory_space<vmem>> -> memref<128xi32, #tpu.memory_space<vmem>>
        %dma_wait3A_87 = arith.constant 0 : i32
        %dma_wait3A_88 = arith.constant 0 : i32
        %dma_wait3A_89 = tpu.memref_slice %arg2[%dma_wait3A_87, %dma_wait3A_88] : memref<10240x128xf32, #tpu.memory_space<hbm>> -> memref<10240x128xf32, #tpu.memory_space<hbm>>
        tpu.wait_indirect_dma semaphore(%arg10 : memref<!tpu.dma_semaphore, #tpu.memory_space<semaphore_mem>>) src(%dma_wait3A_89 : memref<10240x128xf32, #tpu.memory_space<hbm>>) dst(%arg7 : memref<128x128xf32, #tpu.memory_space<vmem>>)
        "tpu.region"() ({
          %run_scoped3A = tpu.sem_alloc : memref<!tpu.dma_semaphore, #tpu.memory_space<semaphore_mem>>
          %dma_start3A_96 = arith.constant 0 : i32
          %dma_start3A_97 = tpu.memref_slice %arg6[%mul3A_69, %dma_start3A_96] : memref<56x128xi32, #tpu.memory_space<vmem>> -> memref<1x128xi32, #tpu.memory_space<vmem>>
          %dma_start3A_98 = tpu.memref_squeeze %dma_start3A_97 : memref<1x128xi32, #tpu.memory_space<vmem>> -> memref<128xi32, #tpu.memory_space<vmem>>
          %dma_start3A_99 = arith.constant 0 : i32
          %dma_start3A_100 = arith.constant 0 : i32
          %dma_start3A_101 = tpu.memref_slice %arg9[%dma_start3A_99, %dma_start3A_100] : memref<10240x128xf32, #tpu.memory_space<vmem_shared>> -> memref<10240x128xf32, #tpu.memory_space<vmem_shared>>
          tpu.enqueue_indirect_dma source(%arg7 : memref<128x128xf32, #tpu.memory_space<vmem>>) target(%dma_start3A_101 : memref<10240x128xf32, #tpu.memory_space<vmem_shared>>) offsets(%dma_start3A_98 : memref<128xi32, #tpu.memory_space<vmem>>) semaphore(%run_scoped3A : memref<!tpu.dma_semaphore, #tpu.memory_space<semaphore_mem>>) {add = true}
          %dma_wait3A_102 = arith.constant 0 : i32
          %dma_wait3A_103 = tpu.memref_slice %arg6[%mul3A_69, %dma_wait3A_102] : memref<56x128xi32, #tpu.memory_space<vmem>> -> memref<1x128xi32, #tpu.memory_space<vmem>>
          %dma_wait3A_104 = tpu.memref_squeeze %dma_wait3A_103 : memref<1x128xi32, #tpu.memory_space<vmem>> -> memref<128xi32, #tpu.memory_space<vmem>>
          %dma_wait3A_105 = arith.constant 0 : i32
          %dma_wait3A_106 = arith.constant 0 : i32
          %dma_wait3A_107 = tpu.memref_slice %arg9[%dma_wait3A_105, %dma_wait3A_106] : memref<10240x128xf32, #tpu.memory_space<vmem_shared>> -> memref<10240x128xf32, #tpu.memory_space<vmem_shared>>
          tpu.wait_indirect_dma semaphore(%run_scoped3A : memref<!tpu.dma_semaphore, #tpu.memory_space<semaphore_mem>>) src(%arg7 : memref<128x128xf32, #tpu.memory_space<vmem>>) dst(%dma_wait3A_107 : memref<10240x128xf32, #tpu.memory_space<vmem_shared>>)
          tpu.yield
        }) : () -> ()
        %dma_wait3A_90 = arith.constant 0 : i32
        %dma_wait3A_91 = tpu.memref_slice %arg5[%add3A_73, %dma_wait3A_90] : memref<56x128xi32, #tpu.memory_space<vmem>> -> memref<1x128xi32, #tpu.memory_space<vmem>>
        %dma_wait3A_92 = tpu.memref_squeeze %dma_wait3A_91 : memref<1x128xi32, #tpu.memory_space<vmem>> -> memref<128xi32, #tpu.memory_space<vmem>>
        %dma_wait3A_93 = arith.constant 0 : i32
        %dma_wait3A_94 = arith.constant 0 : i32
        %dma_wait3A_95 = tpu.memref_slice %arg2[%dma_wait3A_93, %dma_wait3A_94] : memref<10240x128xf32, #tpu.memory_space<hbm>> -> memref<10240x128xf32, #tpu.memory_space<hbm>>
        tpu.wait_indirect_dma semaphore(%arg11 : memref<!tpu.dma_semaphore, #tpu.memory_space<semaphore_mem>>) src(%dma_wait3A_95 : memref<10240x128xf32, #tpu.memory_space<hbm>>) dst(%arg8 : memref<128x128xf32, #tpu.memory_space<vmem>>)
        "tpu.region"() ({
          %run_scoped3A = tpu.sem_alloc : memref<!tpu.dma_semaphore, #tpu.memory_space<semaphore_mem>>
          %dma_start3A_96 = arith.constant 0 : i32
          %dma_start3A_97 = tpu.memref_slice %arg6[%add3A_73, %dma_start3A_96] : memref<56x128xi32, #tpu.memory_space<vmem>> -> memref<1x128xi32, #tpu.memory_space<vmem>>
          %dma_start3A_98 = tpu.memref_squeeze %dma_start3A_97 : memref<1x128xi32, #tpu.memory_space<vmem>> -> memref<128xi32, #tpu.memory_space<vmem>>
          %dma_start3A_99 = arith.constant 0 : i32
          %dma_start3A_100 = arith.constant 0 : i32
          %dma_start3A_101 = tpu.memref_slice %arg9[%dma_start3A_99, %dma_start3A_100] : memref<10240x128xf32, #tpu.memory_space<vmem_shared>> -> memref<10240x128xf32, #tpu.memory_space<vmem_shared>>
          tpu.enqueue_indirect_dma source(%arg8 : memref<128x128xf32, #tpu.memory_space<vmem>>) target(%dma_start3A_101 : memref<10240x128xf32, #tpu.memory_space<vmem_shared>>) offsets(%dma_start3A_98 : memref<128xi32, #tpu.memory_space<vmem>>) semaphore(%run_scoped3A : memref<!tpu.dma_semaphore, #tpu.memory_space<semaphore_mem>>) {add = true}
          %dma_wait3A_102 = arith.constant 0 : i32
          %dma_wait3A_103 = tpu.memref_slice %arg6[%add3A_73, %dma_wait3A_102] : memref<56x128xi32, #tpu.memory_space<vmem>> -> memref<1x128xi32, #tpu.memory_space<vmem>>
          %dma_wait3A_104 = tpu.memref_squeeze %dma_wait3A_103 : memref<1x128xi32, #tpu.memory_space<vmem>> -> memref<128xi32, #tpu.memory_space<vmem>>
          %dma_wait3A_105 = arith.constant 0 : i32
          %dma_wait3A_106 = arith.constant 0 : i32
          %dma_wait3A_107 = tpu.memref_slice %arg9[%dma_wait3A_105, %dma_wait3A_106] : memref<10240x128xf32, #tpu.memory_space<vmem_shared>> -> memref<10240x128xf32, #tpu.memory_space<vmem_shared>>
          tpu.wait_indirect_dma semaphore(%run_scoped3A : memref<!tpu.dma_semaphore, #tpu.memory_space<semaphore_mem>>) src(%arg8 : memref<128x128xf32, #tpu.memory_space<vmem>>) dst(%dma_wait3A_107 : memref<10240x128xf32, #tpu.memory_space<vmem_shared>>)
          tpu.yield
        }) : () -> ()
      }
      %scan3A_66 = arith.constant 12 : i32
    } else {
    }
    %barrier3A_38 = arith.constant 0 : index
    tpu.barrier barrier_id(%barrier3A_38)
    %mul3A_39 = arith.constant 640 : i32
    %mul3A_40 = arith.muli %arg1, %mul3A_39 : i32
    %mul3A_41 = arith.constant 640 : i32
    %mul3A_42 = arith.muli %arg1, %mul3A_41 : i32
    "tpu.region"() ({
      %run_scoped3A = tpu.sem_alloc : memref<!tpu.dma_semaphore, #tpu.memory_space<semaphore_mem>>
      %dma_start3A = arith.constant 0 : i32
      %dma_start3A_43 = arith.constant 0 : i32
      %dma_start3A_44 = tpu.memref_slice %arg4[%arg0, %dma_start3A, %dma_start3A_43] : memref<2x10240x128xf32, #tpu.memory_space<hbm>> -> memref<1x10240x128xf32, #tpu.memory_space<hbm>>
      %dma_start3A_45 = tpu.memref_squeeze %dma_start3A_44 : memref<1x10240x128xf32, #tpu.memory_space<hbm>> -> memref<10240x128xf32, #tpu.memory_space<hbm>>
      %dma_start3A_46 = arith.constant 0 : i32
      %dma_start3A_47 = tpu.memref_slice %dma_start3A_45[%mul3A_42, %dma_start3A_46] : memref<10240x128xf32, #tpu.memory_space<hbm>> -> memref<640x128xf32, #tpu.memory_space<hbm>>
      %dma_start3A_48 = arith.constant 0 : i32
      %dma_start3A_49 = tpu.memref_slice %arg9[%mul3A_40, %dma_start3A_48] : memref<10240x128xf32, #tpu.memory_space<vmem_shared>> -> memref<640x128xf32, #tpu.memory_space<vmem_shared>>
      tpu.enqueue_dma source(%dma_start3A_49 : memref<640x128xf32, #tpu.memory_space<vmem_shared>>) target(%dma_start3A_47 : memref<640x128xf32, #tpu.memory_space<hbm>>) target_semaphore(%run_scoped3A : memref<!tpu.dma_semaphore, #tpu.memory_space<semaphore_mem>>)
      %dma_wait3A = arith.constant 0 : i32
      %dma_wait3A_50 = arith.constant 0 : i32
      %dma_wait3A_51 = tpu.memref_slice %arg4[%arg0, %dma_wait3A, %dma_wait3A_50] : memref<2x10240x128xf32, #tpu.memory_space<hbm>> -> memref<1x10240x128xf32, #tpu.memory_space<hbm>>
      %dma_wait3A_52 = tpu.memref_squeeze %dma_wait3A_51 : memref<1x10240x128xf32, #tpu.memory_space<hbm>> -> memref<10240x128xf32, #tpu.memory_space<hbm>>
      %dma_wait3A_53 = arith.constant 0 : i32
      %dma_wait3A_54 = tpu.memref_slice %dma_wait3A_52[%mul3A_42, %dma_wait3A_53] : memref<10240x128xf32, #tpu.memory_space<hbm>> -> memref<640x128xf32, #tpu.memory_space<hbm>>
      %dma_wait3A_55 = arith.constant 0 : i32
      %dma_wait3A_56 = tpu.memref_slice %arg9[%mul3A_40, %dma_wait3A_55] : memref<10240x128xf32, #tpu.memory_space<vmem_shared>> -> memref<640x128xf32, #tpu.memory_space<vmem_shared>>
      tpu.wait_dma2 semaphore(%run_scoped3A : memref<!tpu.dma_semaphore, #tpu.memory_space<semaphore_mem>>) src(%dma_wait3A_56 : memref<640x128xf32, #tpu.memory_space<vmem_shared>>) dst(%dma_wait3A_54 : memref<640x128xf32, #tpu.memory_space<hbm>>)
      tpu.yield
    }) : () -> ()
    return
  }
}

#map = affine_map<(d0, d1) -> (0, 0)>
module attributes {stable_mosaic.version = 14 : i64} {
  func.func @_deg_kernel(%arg0: i32, %arg1: i32, %arg2: memref<32x10240xi32, #tpu.memory_space<hbm>>, %arg3: memref<32x10240xf32, #tpu.memory_space<hbm>>, %arg4: memref<10240xi32, #tpu.memory_space<vmem>>, %arg5: memref<10240xf32, #tpu.memory_space<vmem>>) attributes {dimension_semantics = [#tpu.dimension_semantics<core_parallel>, #tpu.dimension_semantics<subcore_parallel>], iteration_bounds = array<i64: 2, 16>, scalar_prefetch = 0 : i64, scratch_operands = 2 : i64, tpu.core_type = #tpu.core_type<sc_vector_subcore>, window_params = [{transform_indices = #map}, {transform_indices = #map}]} {
    %mul3A = arith.constant 2 : i32
    %mul3A_0 = arith.muli %arg1, %mul3A : i32
    %add3A = arith.addi %mul3A_0, %arg0 : i32
    "tpu.region"() ({
      %run_scoped3A = tpu.sem_alloc : memref<!tpu.dma_semaphore, #tpu.memory_space<semaphore_mem>>
      %dma_start3A = arith.constant 0 : i32
      %dma_start3A_19 = tpu.memref_slice %arg2[%add3A, %dma_start3A] : memref<32x10240xi32, #tpu.memory_space<hbm>> -> memref<1x10240xi32, #tpu.memory_space<hbm>>
      %dma_start3A_20 = tpu.memref_squeeze %dma_start3A_19 : memref<1x10240xi32, #tpu.memory_space<hbm>> -> memref<10240xi32, #tpu.memory_space<hbm>>
      %dma_start3A_21 = arith.constant 0 : i32
      %dma_start3A_22 = tpu.memref_slice %arg2[%add3A, %dma_start3A_21] : memref<32x10240xi32, #tpu.memory_space<hbm>> -> memref<1x10240xi32, #tpu.memory_space<hbm>>
      %dma_start3A_23 = tpu.memref_squeeze %dma_start3A_22 : memref<1x10240xi32, #tpu.memory_space<hbm>> -> memref<10240xi32, #tpu.memory_space<hbm>>
      tpu.enqueue_dma source(%dma_start3A_23 : memref<10240xi32, #tpu.memory_space<hbm>>) target(%arg4 : memref<10240xi32, #tpu.memory_space<vmem>>) target_semaphore(%run_scoped3A : memref<!tpu.dma_semaphore, #tpu.memory_space<semaphore_mem>>)
      %dma_wait3A = arith.constant 0 : i32
      %dma_wait3A_24 = tpu.memref_slice %arg2[%add3A, %dma_wait3A] : memref<32x10240xi32, #tpu.memory_space<hbm>> -> memref<1x10240xi32, #tpu.memory_space<hbm>>
      %dma_wait3A_25 = tpu.memref_squeeze %dma_wait3A_24 : memref<1x10240xi32, #tpu.memory_space<hbm>> -> memref<10240xi32, #tpu.memory_space<hbm>>
      %dma_wait3A_26 = arith.constant 0 : i32
      %dma_wait3A_27 = tpu.memref_slice %arg2[%add3A, %dma_wait3A_26] : memref<32x10240xi32, #tpu.memory_space<hbm>> -> memref<1x10240xi32, #tpu.memory_space<hbm>>
      %dma_wait3A_28 = tpu.memref_squeeze %dma_wait3A_27 : memref<1x10240xi32, #tpu.memory_space<hbm>> -> memref<10240xi32, #tpu.memory_space<hbm>>
      tpu.wait_dma2 semaphore(%run_scoped3A : memref<!tpu.dma_semaphore, #tpu.memory_space<semaphore_mem>>) src(%dma_wait3A_28 : memref<10240xi32, #tpu.memory_space<hbm>>) dst(%arg4 : memref<10240xi32, #tpu.memory_space<vmem>>)
      tpu.yield
    }) : () -> ()
    %broadcast_in_dim3A = arith.constant 0.000000e+00 : f32
    %broadcast_in_dim3A_1 = vector.broadcast %broadcast_in_dim3A : f32 to vector<16xf32>
    %broadcast_in_dim3A_2 = arith.constant 1.000000e+00 : f32
    %broadcast_in_dim3A_3 = vector.broadcast %broadcast_in_dim3A_2 : f32 to vector<16xf32>
    %broadcast_in_dim3A_4 = arith.constant 10000 : i32
    %broadcast_in_dim3A_5 = vector.broadcast %broadcast_in_dim3A_4 : i32 to vector<16xi32>
    %broadcast_in_dim3A_6 = arith.constant 16383 : i32
    %broadcast_in_dim3A_7 = vector.broadcast %broadcast_in_dim3A_6 : i32 to vector<16xi32>
    %scan3A = arith.constant 0 : i32
    %scan3A_8 = arith.constant 0 : i32
    %scan3A_9 = arith.constant 640 : i32
    %scan3A_10 = arith.addi %scan3A_8, %scan3A_9 : i32
    %scan3A_11 = arith.constant 1 : i32
    scf.for %scan3A_19 = %scan3A_8 to %scan3A_10 step %scan3A_11  : i32 {
      %mul3A_20 = arith.constant 16 : i32
      %mul3A_21 = arith.muli %scan3A_19, %mul3A_20 : i32
      %swap3A = arith.index_cast %mul3A_21 : i32 to index
      %swap3A_22 = tpu.vector_load %arg5[%swap3A] {strides = array<i32>} : memref<10240xf32, #tpu.memory_space<vmem>>, vector<16xf32>,
      tpu.vector_store %arg5[%swap3A], %broadcast_in_dim3A_1 {strides = array<i32>} : memref<10240xf32, #tpu.memory_space<vmem>>, vector<16xf32>,
    }
    %scan3A_12 = arith.constant 640 : i32
    %scan3A_13 = arith.constant 0 : i32
    %scan3A_14 = arith.constant 0 : i32
    %scan3A_15 = arith.constant 640 : i32
    %scan3A_16 = arith.addi %scan3A_14, %scan3A_15 : i32
    %scan3A_17 = arith.constant 1 : i32
    scf.for %scan3A_19 = %scan3A_14 to %scan3A_16 step %scan3A_17  : i32 {
      %mul3A_20 = arith.constant 16 : i32
      %mul3A_21 = arith.muli %scan3A_19, %mul3A_20 : i32
      %get3A = arith.index_cast %mul3A_21 : i32 to index
      %get3A_22 = tpu.vector_load %arg4[%get3A] {strides = array<i32>} : memref<10240xi32, #tpu.memory_space<vmem>>, vector<16xi32>,
      %shift_right_logical3A = arith.constant 14 : i32
      %shift_right_logical3A_23 = vector.broadcast %shift_right_logical3A : i32 to vector<16xi32>
      %shift_right_logical3A_24 = arith.shrui %get3A_22, %shift_right_logical3A_23 : vector<16xi32>
      %and3A = arith.andi %get3A_22, %broadcast_in_dim3A_7 : vector<16xi32>
      %eq3A = arith.cmpi eq, %shift_right_logical3A_24, %and3A : vector<16xi32>
      %select_n3A = arith.select %eq3A, %broadcast_in_dim3A_5, %shift_right_logical3A_24 : vector<16xi1>, vector<16xi32>
      tpu.vector_store_idx %arg5[%select_n3A], %broadcast_in_dim3A_3 {add = true} : memref<10240xf32, #tpu.memory_space<vmem>>[vector<16xi32>], vector<16xf32>,
    }
    %scan3A_18 = arith.constant 640 : i32
    "tpu.region"() ({
      %run_scoped3A = tpu.sem_alloc : memref<!tpu.dma_semaphore, #tpu.memory_space<semaphore_mem>>
      %dma_start3A = arith.constant 0 : i32
      %dma_start3A_19 = tpu.memref_slice %arg3[%add3A, %dma_start3A] : memref<32x10240xf32, #tpu.memory_space<hbm>> -> memref<1x10240xf32, #tpu.memory_space<hbm>>
      %dma_start3A_20 = tpu.memref_squeeze %dma_start3A_19 : memref<1x10240xf32, #tpu.memory_space<hbm>> -> memref<10240xf32, #tpu.memory_space<hbm>>
      %dma_start3A_21 = arith.constant 0 : i32
      %dma_start3A_22 = tpu.memref_slice %arg3[%add3A, %dma_start3A_21] : memref<32x10240xf32, #tpu.memory_space<hbm>> -> memref<1x10240xf32, #tpu.memory_space<hbm>>
      %dma_start3A_23 = tpu.memref_squeeze %dma_start3A_22 : memref<1x10240xf32, #tpu.memory_space<hbm>> -> memref<10240xf32, #tpu.memory_space<hbm>>
      tpu.enqueue_dma source(%arg5 : memref<10240xf32, #tpu.memory_space<vmem>>) target(%dma_start3A_23 : memref<10240xf32, #tpu.memory_space<hbm>>) target_semaphore(%run_scoped3A : memref<!tpu.dma_semaphore, #tpu.memory_space<semaphore_mem>>)
      %dma_wait3A = arith.constant 0 : i32
      %dma_wait3A_24 = tpu.memref_slice %arg3[%add3A, %dma_wait3A] : memref<32x10240xf32, #tpu.memory_space<hbm>> -> memref<1x10240xf32, #tpu.memory_space<hbm>>
      %dma_wait3A_25 = tpu.memref_squeeze %dma_wait3A_24 : memref<1x10240xf32, #tpu.memory_space<hbm>> -> memref<10240xf32, #tpu.memory_space<hbm>>
      %dma_wait3A_26 = arith.constant 0 : i32
      %dma_wait3A_27 = tpu.memref_slice %arg3[%add3A, %dma_wait3A_26] : memref<32x10240xf32, #tpu.memory_space<hbm>> -> memref<1x10240xf32, #tpu.memory_space<hbm>>
      %dma_wait3A_28 = tpu.memref_squeeze %dma_wait3A_27 : memref<1x10240xf32, #tpu.memory_space<hbm>> -> memref<10240xf32, #tpu.memory_space<hbm>>
      tpu.wait_dma2 semaphore(%run_scoped3A : memref<!tpu.dma_semaphore, #tpu.memory_space<semaphore_mem>>) src(%arg5 : memref<10240xf32, #tpu.memory_space<vmem>>) dst(%dma_wait3A_28 : memref<10240xf32, #tpu.memory_space<hbm>>)
      tpu.yield
    }) : () -> ()
    return
  }
}

#map = affine_map<(d0, d1) -> (0, 0)>
#map1 = affine_map<(d0, d1) -> (0, 0, 0)>
module attributes {stable_mosaic.version = 14 : i64} {
  func.func @_scatter_kernel(%arg0: i32, %arg1: i32, %arg2: memref<10240x128xf32, #tpu.memory_space<hbm>>, %arg3: memref<32x112x128xi32, #tpu.memory_space<hbm>>, %arg4: memref<2x10240x128xf32, #tpu.memory_space<hbm>>, %arg5: memref<56x128xi32, #tpu.memory_space<vmem>>, %arg6: memref<56x128xi32, #tpu.memory_space<vmem>>, %arg7: memref<128x128xf32, #tpu.memory_space<vmem>>, %arg8: memref<128x128xf32, #tpu.memory_space<vmem>>, %arg9: memref<10240x128xf32, #tpu.memory_space<vmem_shared>>, %arg10: memref<!tpu.dma_semaphore, #tpu.memory_space<semaphore_mem>>, %arg11: memref<!tpu.dma_semaphore, #tpu.memory_space<semaphore_mem>>) attributes {dimension_semantics = [#tpu.dimension_semantics<core_parallel>, #tpu.dimension_semantics<subcore_parallel>], iteration_bounds = array<i64: 2, 16>, scalar_prefetch = 0 : i64, scratch_operands = 7 : i64, tpu.core_type = #tpu.core_type<sc_vector_subcore>, window_params = [{transform_indices = #map}, {transform_indices = #map1}, {transform_indices = #map1}]} {
    %mul3A = arith.constant 2 : i32
    %mul3A_0 = arith.muli %arg1, %mul3A : i32
    %add3A = arith.addi %mul3A_0, %arg0 : i32
    %broadcast_in_dim3A = arith.constant 0.000000e+00 : f32
    %broadcast_in_dim3A_1 = vector.broadcast %broadcast_in_dim3A : f32 to vector<16xf32>
    %broadcast_in_dim3A_2 = arith.constant 10000 : i32
    %broadcast_in_dim3A_3 = vector.broadcast %broadcast_in_dim3A_2 : i32 to vector<16xi32>
    %broadcast_in_dim3A_4 = arith.constant 16383 : i32
    %broadcast_in_dim3A_5 = vector.broadcast %broadcast_in_dim3A_4 : i32 to vector<16xi32>
    %scan3A = arith.constant 0 : i32
    %scan3A_6 = arith.constant 0 : i32
    %scan3A_7 = arith.constant 128 : i32
    %scan3A_8 = arith.addi %scan3A_6, %scan3A_7 : i32
    %scan3A_9 = arith.constant 1 : i32
    scf.for %scan3A_43 = %scan3A_6 to %scan3A_8 step %scan3A_9  : i32 {
      %swap3A = arith.index_cast %scan3A_43 : i32 to index
      %swap3A_44 = arith.constant 0 : index
      %swap3A_45 = tpu.vector_load %arg7[%swap3A, %swap3A_44] {strides = array<i32>} : memref<128x128xf32, #tpu.memory_space<vmem>>, vector<16xf32>,
      tpu.vector_store %arg7[%swap3A, %swap3A_44], %broadcast_in_dim3A_1 {strides = array<i32>} : memref<128x128xf32, #tpu.memory_space<vmem>>, vector<16xf32>,
      %swap3A_46 = arith.index_cast %scan3A_43 : i32 to index
      %swap3A_47 = arith.constant 16 : index
      %swap3A_48 = tpu.vector_load %arg7[%swap3A_46, %swap3A_47] {strides = array<i32>} : memref<128x128xf32, #tpu.memory_space<vmem>>, vector<16xf32>,
      tpu.vector_store %arg7[%swap3A_46, %swap3A_47], %broadcast_in_dim3A_1 {strides = array<i32>} : memref<128x128xf32, #tpu.memory_space<vmem>>, vector<16xf32>,
      %swap3A_49 = arith.index_cast %scan3A_43 : i32 to index
      %swap3A_50 = arith.constant 32 : index
      %swap3A_51 = tpu.vector_load %arg7[%swap3A_49, %swap3A_50] {strides = array<i32>} : memref<128x128xf32, #tpu.memory_space<vmem>>, vector<16xf32>,
      tpu.vector_store %arg7[%swap3A_49, %swap3A_50], %broadcast_in_dim3A_1 {strides = array<i32>} : memref<128x128xf32, #tpu.memory_space<vmem>>, vector<16xf32>,
      %swap3A_52 = arith.index_cast %scan3A_43 : i32 to index
      %swap3A_53 = arith.constant 48 : index
      %swap3A_54 = tpu.vector_load %arg7[%swap3A_52, %swap3A_53] {strides = array<i32>} : memref<128x128xf32, #tpu.memory_space<vmem>>, vector<16xf32>,
      tpu.vector_store %arg7[%swap3A_52, %swap3A_53], %broadcast_in_dim3A_1 {strides = array<i32>} : memref<128x128xf32, #tpu.memory_space<vmem>>, vector<16xf32>,
      %swap3A_55 = arith.index_cast %scan3A_43 : i32 to index
      %swap3A_56 = arith.constant 64 : index
      %swap3A_57 = tpu.vector_load %arg7[%swap3A_55, %swap3A_56] {strides = array<i32>} : memref<128x128xf32, #tpu.memory_space<vmem>>, vector<16xf32>,
      tpu.vector_store %arg7[%swap3A_55, %swap3A_56], %broadcast_in_dim3A_1 {strides = array<i32>} : memref<128x128xf32, #tpu.memory_space<vmem>>, vector<16xf32>,
      %swap3A_58 = arith.index_cast %scan3A_43 : i32 to index
      %swap3A_59 = arith.constant 80 : index
      %swap3A_60 = tpu.vector_load %arg7[%swap3A_58, %swap3A_59] {strides = array<i32>} : memref<128x128xf32, #tpu.memory_space<vmem>>, vector<16xf32>,
      tpu.vector_store %arg7[%swap3A_58, %swap3A_59], %broadcast_in_dim3A_1 {strides = array<i32>} : memref<128x128xf32, #tpu.memory_space<vmem>>, vector<16xf32>,
      %swap3A_61 = arith.index_cast %scan3A_43 : i32 to index
      %swap3A_62 = arith.constant 96 : index
      %swap3A_63 = tpu.vector_load %arg7[%swap3A_61, %swap3A_62] {strides = array<i32>} : memref<128x128xf32, #tpu.memory_space<vmem>>, vector<16xf32>,
      tpu.vector_store %arg7[%swap3A_61, %swap3A_62], %broadcast_in_dim3A_1 {strides = array<i32>} : memref<128x128xf32, #tpu.memory_space<vmem>>, vector<16xf32>,
      %swap3A_64 = arith.index_cast %scan3A_43 : i32 to index
      %swap3A_65 = arith.constant 112 : index
      %swap3A_66 = tpu.vector_load %arg7[%swap3A_64, %swap3A_65] {strides = array<i32>} : memref<128x128xf32, #tpu.memory_space<vmem>>, vector<16xf32>,
      tpu.vector_store %arg7[%swap3A_64, %swap3A_65], %broadcast_in_dim3A_1 {strides = array<i32>} : memref<128x128xf32, #tpu.memory_space<vmem>>, vector<16xf32>,
    }
    %scan3A_10 = arith.constant 128 : i32
    %mul3A_11 = arith.constant 640 : i32
    %mul3A_12 = arith.muli %arg1, %mul3A_11 : i32
    %add3A_13 = arith.constant 0 : i32
    %add3A_14 = arith.addi %mul3A_12, %add3A_13 : i32
    "tpu.region"() ({
      %run_scoped3A = tpu.sem_alloc : memref<!tpu.dma_semaphore, #tpu.memory_space<semaphore_mem>>
      %dma_start3A = arith.constant 0 : i32
      %dma_start3A_43 = tpu.memref_slice %arg9[%add3A_14, %dma_start3A] : memref<10240x128xf32, #tpu.memory_space<vmem_shared>> -> memref<128x128xf32, #tpu.memory_space<vmem_shared>>
      %dma_start3A_44 = arith.constant 0 : i32
      %dma_start3A_45 = tpu.memref_slice %arg9[%add3A_14, %dma_start3A_44] : memref<10240x128xf32, #tpu.memory_space<vmem_shared>> -> memref<128x128xf32, #tpu.memory_space<vmem_shared>>
      tpu.enqueue_dma source(%arg7 : memref<128x128xf32, #tpu.memory_space<vmem>>) target(%dma_start3A_45 : memref<128x128xf32, #tpu.memory_space<vmem_shared>>) target_semaphore(%run_scoped3A : memref<!tpu.dma_semaphore, #tpu.memory_space<semaphore_mem>>)
      %dma_wait3A = arith.constant 0 : i32
      %dma_wait3A_46 = tpu.memref_slice %arg9[%add3A_14, %dma_wait3A] : memref<10240x128xf32, #tpu.memory_space<vmem_shared>> -> memref<128x128xf32, #tpu.memory_space<vmem_shared>>
      %dma_wait3A_47 = arith.constant 0 : i32
      %dma_wait3A_48 = tpu.memref_slice %arg9[%add3A_14, %dma_wait3A_47] : memref<10240x128xf32, #tpu.memory_space<vmem_shared>> -> memref<128x128xf32, #tpu.memory_space<vmem_shared>>
      tpu.wait_dma2 semaphore(%run_scoped3A : memref<!tpu.dma_semaphore, #tpu.memory_space<semaphore_mem>>) src(%arg7 : memref<128x128xf32, #tpu.memory_space<vmem>>) dst(%dma_wait3A_48 : memref<128x128xf32, #tpu.memory_space<vmem_shared>>)
      tpu.yield
    }) : () -> ()
    %mul3A_15 = arith.constant 640 : i32
    %mul3A_16 = arith.muli %arg1, %mul3A_15 : i32
    %add3A_17 = arith.constant 128 : i32
    %add3A_18 = arith.addi %mul3A_16, %add3A_17 : i32
    "tpu.region"() ({
      %run_scoped3A = tpu.sem_alloc : memref<!tpu.dma_semaphore, #tpu.memory_space<semaphore_mem>>
      %dma_start3A = arith.constant 0 : i32
      %dma_start3A_43 = tpu.memref_slice %arg9[%add3A_18, %dma_start3A] : memref<10240x128xf32, #tpu.memory_space<vmem_shared>> -> memref<128x128xf32, #tpu.memory_space<vmem_shared>>
      %dma_start3A_44 = arith.constant 0 : i32
      %dma_start3A_45 = tpu.memref_slice %arg9[%add3A_18, %dma_start3A_44] : memref<10240x128xf32, #tpu.memory_space<vmem_shared>> -> memref<128x128xf32, #tpu.memory_space<vmem_shared>>
      tpu.enqueue_dma source(%arg7 : memref<128x128xf32, #tpu.memory_space<vmem>>) target(%dma_start3A_45 : memref<128x128xf32, #tpu.memory_space<vmem_shared>>) target_semaphore(%run_scoped3A : memref<!tpu.dma_semaphore, #tpu.memory_space<semaphore_mem>>)
      %dma_wait3A = arith.constant 0 : i32
      %dma_wait3A_46 = tpu.memref_slice %arg9[%add3A_18, %dma_wait3A] : memref<10240x128xf32, #tpu.memory_space<vmem_shared>> -> memref<128x128xf32, #tpu.memory_space<vmem_shared>>
      %dma_wait3A_47 = arith.constant 0 : i32
      %dma_wait3A_48 = tpu.memref_slice %arg9[%add3A_18, %dma_wait3A_47] : memref<10240x128xf32, #tpu.memory_space<vmem_shared>> -> memref<128x128xf32, #tpu.memory_space<vmem_shared>>
      tpu.wait_dma2 semaphore(%run_scoped3A : memref<!tpu.dma_semaphore, #tpu.memory_space<semaphore_mem>>) src(%arg7 : memref<128x128xf32, #tpu.memory_space<vmem>>) dst(%dma_wait3A_48 : memref<128x128xf32, #tpu.memory_space<vmem_shared>>)
      tpu.yield
    }) : () -> ()
    %mul3A_19 = arith.constant 640 : i32
    %mul3A_20 = arith.muli %arg1, %mul3A_19 : i32
    %add3A_21 = arith.constant 256 : i32
    %add3A_22 = arith.addi %mul3A_20, %add3A_21 : i32
    "tpu.region"() ({
      %run_scoped3A = tpu.sem_alloc : memref<!tpu.dma_semaphore, #tpu.memory_space<semaphore_mem>>
      %dma_start3A = arith.constant 0 : i32
      %dma_start3A_43 = tpu.memref_slice %arg9[%add3A_22, %dma_start3A] : memref<10240x128xf32, #tpu.memory_space<vmem_shared>> -> memref<128x128xf32, #tpu.memory_space<vmem_shared>>
      %dma_start3A_44 = arith.constant 0 : i32
      %dma_start3A_45 = tpu.memref_slice %arg9[%add3A_22, %dma_start3A_44] : memref<10240x128xf32, #tpu.memory_space<vmem_shared>> -> memref<128x128xf32, #tpu.memory_space<vmem_shared>>
      tpu.enqueue_dma source(%arg7 : memref<128x128xf32, #tpu.memory_space<vmem>>) target(%dma_start3A_45 : memref<128x128xf32, #tpu.memory_space<vmem_shared>>) target_semaphore(%run_scoped3A : memref<!tpu.dma_semaphore, #tpu.memory_space<semaphore_mem>>)
      %dma_wait3A = arith.constant 0 : i32
      %dma_wait3A_46 = tpu.memref_slice %arg9[%add3A_22, %dma_wait3A] : memref<10240x128xf32, #tpu.memory_space<vmem_shared>> -> memref<128x128xf32, #tpu.memory_space<vmem_shared>>
      %dma_wait3A_47 = arith.constant 0 : i32
      %dma_wait3A_48 = tpu.memref_slice %arg9[%add3A_22, %dma_wait3A_47] : memref<10240x128xf32, #tpu.memory_space<vmem_shared>> -> memref<128x128xf32, #tpu.memory_space<vmem_shared>>
      tpu.wait_dma2 semaphore(%run_scoped3A : memref<!tpu.dma_semaphore, #tpu.memory_space<semaphore_mem>>) src(%arg7 : memref<128x128xf32, #tpu.memory_space<vmem>>) dst(%dma_wait3A_48 : memref<128x128xf32, #tpu.memory_space<vmem_shared>>)
      tpu.yield
    }) : () -> ()
    %mul3A_23 = arith.constant 640 : i32
    %mul3A_24 = arith.muli %arg1, %mul3A_23 : i32
    %add3A_25 = arith.constant 384 : i32
    %add3A_26 = arith.addi %mul3A_24, %add3A_25 : i32
    "tpu.region"() ({
      %run_scoped3A = tpu.sem_alloc : memref<!tpu.dma_semaphore, #tpu.memory_space<semaphore_mem>>
      %dma_start3A = arith.constant 0 : i32
      %dma_start3A_43 = tpu.memref_slice %arg9[%add3A_26, %dma_start3A] : memref<10240x128xf32, #tpu.memory_space<vmem_shared>> -> memref<128x128xf32, #tpu.memory_space<vmem_shared>>
      %dma_start3A_44 = arith.constant 0 : i32
      %dma_start3A_45 = tpu.memref_slice %arg9[%add3A_26, %dma_start3A_44] : memref<10240x128xf32, #tpu.memory_space<vmem_shared>> -> memref<128x128xf32, #tpu.memory_space<vmem_shared>>
      tpu.enqueue_dma source(%arg7 : memref<128x128xf32, #tpu.memory_space<vmem>>) target(%dma_start3A_45 : memref<128x128xf32, #tpu.memory_space<vmem_shared>>) target_semaphore(%run_scoped3A : memref<!tpu.dma_semaphore, #tpu.memory_space<semaphore_mem>>)
      %dma_wait3A = arith.constant 0 : i32
      %dma_wait3A_46 = tpu.memref_slice %arg9[%add3A_26, %dma_wait3A] : memref<10240x128xf32, #tpu.memory_space<vmem_shared>> -> memref<128x128xf32, #tpu.memory_space<vmem_shared>>
      %dma_wait3A_47 = arith.constant 0 : i32
      %dma_wait3A_48 = tpu.memref_slice %arg9[%add3A_26, %dma_wait3A_47] : memref<10240x128xf32, #tpu.memory_space<vmem_shared>> -> memref<128x128xf32, #tpu.memory_space<vmem_shared>>
      tpu.wait_dma2 semaphore(%run_scoped3A : memref<!tpu.dma_semaphore, #tpu.memory_space<semaphore_mem>>) src(%arg7 : memref<128x128xf32, #tpu.memory_space<vmem>>) dst(%dma_wait3A_48 : memref<128x128xf32, #tpu.memory_space<vmem_shared>>)
      tpu.yield
    }) : () -> ()
    %mul3A_27 = arith.constant 640 : i32
    %mul3A_28 = arith.muli %arg1, %mul3A_27 : i32
    %add3A_29 = arith.constant 512 : i32
    %add3A_30 = arith.addi %mul3A_28, %add3A_29 : i32
    "tpu.region"() ({
      %run_scoped3A = tpu.sem_alloc : memref<!tpu.dma_semaphore, #tpu.memory_space<semaphore_mem>>
      %dma_start3A = arith.constant 0 : i32
      %dma_start3A_43 = tpu.memref_slice %arg9[%add3A_30, %dma_start3A] : memref<10240x128xf32, #tpu.memory_space<vmem_shared>> -> memref<128x128xf32, #tpu.memory_space<vmem_shared>>
      %dma_start3A_44 = arith.constant 0 : i32
      %dma_start3A_45 = tpu.memref_slice %arg9[%add3A_30, %dma_start3A_44] : memref<10240x128xf32, #tpu.memory_space<vmem_shared>> -> memref<128x128xf32, #tpu.memory_space<vmem_shared>>
      tpu.enqueue_dma source(%arg7 : memref<128x128xf32, #tpu.memory_space<vmem>>) target(%dma_start3A_45 : memref<128x128xf32, #tpu.memory_space<vmem_shared>>) target_semaphore(%run_scoped3A : memref<!tpu.dma_semaphore, #tpu.memory_space<semaphore_mem>>)
      %dma_wait3A = arith.constant 0 : i32
      %dma_wait3A_46 = tpu.memref_slice %arg9[%add3A_30, %dma_wait3A] : memref<10240x128xf32, #tpu.memory_space<vmem_shared>> -> memref<128x128xf32, #tpu.memory_space<vmem_shared>>
      %dma_wait3A_47 = arith.constant 0 : i32
      %dma_wait3A_48 = tpu.memref_slice %arg9[%add3A_30, %dma_wait3A_47] : memref<10240x128xf32, #tpu.memory_space<vmem_shared>> -> memref<128x128xf32, #tpu.memory_space<vmem_shared>>
      tpu.wait_dma2 semaphore(%run_scoped3A : memref<!tpu.dma_semaphore, #tpu.memory_space<semaphore_mem>>) src(%arg7 : memref<128x128xf32, #tpu.memory_space<vmem>>) dst(%dma_wait3A_48 : memref<128x128xf32, #tpu.memory_space<vmem_shared>>)
      tpu.yield
    }) : () -> ()
    %barrier3A = arith.constant 0 : index
    tpu.barrier barrier_id(%barrier3A)
    %eq3A = arith.constant 0 : i32
    %eq3A_31 = arith.cmpi eq, %arg0, %eq3A : i32
    %convert_element_type3A = arith.extui %eq3A_31 : i1 to i32
    %cond3A = arith.constant 0 : i32
    %cond3A_32 = arith.cmpi ne, %convert_element_type3A, %cond3A : i32
    scf.if %cond3A_32 {
      "tpu.region"() ({
        %run_scoped3A = tpu.sem_alloc : memref<!tpu.dma_semaphore, #tpu.memory_space<semaphore_mem>>
        %dma_start3A = arith.constant 0 : i32
        %dma_start3A_67 = arith.constant 0 : i32
        %dma_start3A_68 = tpu.memref_slice %arg5[%dma_start3A, %dma_start3A_67] : memref<56x128xi32, #tpu.memory_space<vmem>> -> memref<56x128xi32, #tpu.memory_space<vmem>>
        %dma_start3A_69 = arith.constant 0 : i32
        %dma_start3A_70 = arith.constant 0 : i32
        %dma_start3A_71 = tpu.memref_slice %arg3[%add3A, %dma_start3A_69, %dma_start3A_70] : memref<32x112x128xi32, #tpu.memory_space<hbm>> -> memref<1x112x128xi32, #tpu.memory_space<hbm>>
        %dma_start3A_72 = tpu.memref_squeeze %dma_start3A_71 : memref<1x112x128xi32, #tpu.memory_space<hbm>> -> memref<112x128xi32, #tpu.memory_space<hbm>>
        %dma_start3A_73 = arith.constant 0 : i32
        %dma_start3A_74 = arith.constant 0 : i32
        %dma_start3A_75 = tpu.memref_slice %dma_start3A_72[%dma_start3A_73, %dma_start3A_74] : memref<112x128xi32, #tpu.memory_space<hbm>> -> memref<56x128xi32, #tpu.memory_space<hbm>>
        %dma_start3A_76 = arith.constant 0 : i32
        %dma_start3A_77 = arith.constant 0 : i32
        %dma_start3A_78 = tpu.memref_slice %arg5[%dma_start3A_76, %dma_start3A_77] : memref<56x128xi32, #tpu.memory_space<vmem>> -> memref<56x128xi32, #tpu.memory_space<vmem>>
        %dma_start3A_79 = arith.constant 0 : i32
        %dma_start3A_80 = arith.constant 0 : i32
        %dma_start3A_81 = tpu.memref_slice %arg3[%add3A, %dma_start3A_79, %dma_start3A_80] : memref<32x112x128xi32, #tpu.memory_space<hbm>> -> memref<1x112x128xi32, #tpu.memory_space<hbm>>
        %dma_start3A_82 = tpu.memref_squeeze %dma_start3A_81 : memref<1x112x128xi32, #tpu.memory_space<hbm>> -> memref<112x128xi32, #tpu.memory_space<hbm>>
        %dma_start3A_83 = arith.constant 0 : i32
        %dma_start3A_84 = arith.constant 0 : i32
        %dma_start3A_85 = tpu.memref_slice %dma_start3A_82[%dma_start3A_83, %dma_start3A_84] : memref<112x128xi32, #tpu.memory_space<hbm>> -> memref<56x128xi32, #tpu.memory_space<hbm>>
        tpu.enqueue_dma source(%dma_start3A_85 : memref<56x128xi32, #tpu.memory_space<hbm>>) target(%dma_start3A_78 : memref<56x128xi32, #tpu.memory_space<vmem>>) target_semaphore(%run_scoped3A : memref<!tpu.dma_semaphore, #tpu.memory_space<semaphore_mem>>)
        %dma_wait3A = arith.constant 0 : i32
        %dma_wait3A_86 = arith.constant 0 : i32
        %dma_wait3A_87 = tpu.memref_slice %arg5[%dma_wait3A, %dma_wait3A_86] : memref<56x128xi32, #tpu.memory_space<vmem>> -> memref<56x128xi32, #tpu.memory_space<vmem>>
        %dma_wait3A_88 = arith.constant 0 : i32
        %dma_wait3A_89 = arith.constant 0 : i32
        %dma_wait3A_90 = tpu.memref_slice %arg3[%add3A, %dma_wait3A_88, %dma_wait3A_89] : memref<32x112x128xi32, #tpu.memory_space<hbm>> -> memref<1x112x128xi32, #tpu.memory_space<hbm>>
        %dma_wait3A_91 = tpu.memref_squeeze %dma_wait3A_90 : memref<1x112x128xi32, #tpu.memory_space<hbm>> -> memref<112x128xi32, #tpu.memory_space<hbm>>
        %dma_wait3A_92 = arith.constant 0 : i32
        %dma_wait3A_93 = arith.constant 0 : i32
        %dma_wait3A_94 = tpu.memref_slice %dma_wait3A_91[%dma_wait3A_92, %dma_wait3A_93] : memref<112x128xi32, #tpu.memory_space<hbm>> -> memref<56x128xi32, #tpu.memory_space<hbm>>
        %dma_wait3A_95 = arith.constant 0 : i32
        %dma_wait3A_96 = arith.constant 0 : i32
        %dma_wait3A_97 = tpu.memref_slice %arg5[%dma_wait3A_95, %dma_wait3A_96] : memref<56x128xi32, #tpu.memory_space<vmem>> -> memref<56x128xi32, #tpu.memory_space<vmem>>
        %dma_wait3A_98 = arith.constant 0 : i32
        %dma_wait3A_99 = arith.constant 0 : i32
        %dma_wait3A_100 = tpu.memref_slice %arg3[%add3A, %dma_wait3A_98, %dma_wait3A_99] : memref<32x112x128xi32, #tpu.memory_space<hbm>> -> memref<1x112x128xi32, #tpu.memory_space<hbm>>
        %dma_wait3A_101 = tpu.memref_squeeze %dma_wait3A_100 : memref<1x112x128xi32, #tpu.memory_space<hbm>> -> memref<112x128xi32, #tpu.memory_space<hbm>>
        %dma_wait3A_102 = arith.constant 0 : i32
        %dma_wait3A_103 = arith.constant 0 : i32
        %dma_wait3A_104 = tpu.memref_slice %dma_wait3A_101[%dma_wait3A_102, %dma_wait3A_103] : memref<112x128xi32, #tpu.memory_space<hbm>> -> memref<56x128xi32, #tpu.memory_space<hbm>>
        tpu.wait_dma2 semaphore(%run_scoped3A : memref<!tpu.dma_semaphore, #tpu.memory_space<semaphore_mem>>) src(%dma_wait3A_104 : memref<56x128xi32, #tpu.memory_space<hbm>>) dst(%dma_wait3A_97 : memref<56x128xi32, #tpu.memory_space<vmem>>)
        tpu.yield
      }) : () -> ()
      %scan3A_43 = arith.constant 0 : i32
      %scan3A_44 = arith.constant 0 : i32
      %scan3A_45 = arith.constant 56 : i32
      %scan3A_46 = arith.addi %scan3A_44, %scan3A_45 : i32
      %scan3A_47 = arith.constant 1 : i32
      scf.for %scan3A_67 = %scan3A_44 to %scan3A_46 step %scan3A_47  : i32 {
        %get3A = arith.index_cast %scan3A_67 : i32 to index
        %get3A_68 = arith.constant 0 : index
        %get3A_69 = tpu.vector_load %arg5[%get3A, %get3A_68] {strides = array<i32>} : memref<56x128xi32, #tpu.memory_space<vmem>>, vector<16xi32>,
        %shift_right_logical3A = arith.constant 14 : i32
        %shift_right_logical3A_70 = vector.broadcast %shift_right_logical3A : i32 to vector<16xi32>
        %shift_right_logical3A_71 = arith.shrui %get3A_69, %shift_right_logical3A_70 : vector<16xi32>
        %and3A = arith.andi %get3A_69, %broadcast_in_dim3A_5 : vector<16xi32>
        %swap3A = arith.index_cast %scan3A_67 : i32 to index
        %swap3A_72 = arith.constant 0 : index
        %swap3A_73 = tpu.vector_load %arg5[%swap3A, %swap3A_72] {strides = array<i32>} : memref<56x128xi32, #tpu.memory_space<vmem>>, vector<16xi32>,
        tpu.vector_store %arg5[%swap3A, %swap3A_72], %shift_right_logical3A_71 {strides = array<i32>} : memref<56x128xi32, #tpu.memory_space<vmem>>, vector<16xi32>,
        %eq3A_74 = arith.cmpi eq, %shift_right_logical3A_71, %and3A : vector<16xi32>
        %select_n3A = arith.select %eq3A_74, %broadcast_in_dim3A_3, %and3A : vector<16xi1>, vector<16xi32>
        %swap3A_75 = arith.index_cast %scan3A_67 : i32 to index
        %swap3A_76 = arith.constant 0 : index
        %swap3A_77 = tpu.vector_load %arg6[%swap3A_75, %swap3A_76] {strides = array<i32>} : memref<56x128xi32, #tpu.memory_space<vmem>>, vector<16xi32>,
        tpu.vector_store %arg6[%swap3A_75, %swap3A_76], %select_n3A {strides = array<i32>} : memref<56x128xi32, #tpu.memory_space<vmem>>, vector<16xi32>,
        %get3A_78 = arith.index_cast %scan3A_67 : i32 to index
        %get3A_79 = arith.constant 16 : index
        %get3A_80 = tpu.vector_load %arg5[%get3A_78, %get3A_79] {strides = array<i32>} : memref<56x128xi32, #tpu.memory_space<vmem>>, vector<16xi32>,
        %shift_right_logical3A_81 = arith.constant 14 : i32
        %shift_right_logical3A_82 = vector.broadcast %shift_right_logical3A_81 : i32 to vector<16xi32>
        %shift_right_logical3A_83 = arith.shrui %get3A_80, %shift_right_logical3A_82 : vector<16xi32>
        %and3A_84 = arith.andi %get3A_80, %broadcast_in_dim3A_5 : vector<16xi32>
        %swap3A_85 = arith.index_cast %scan3A_67 : i32 to index
        %swap3A_86 = arith.constant 16 : index
        %swap3A_87 = tpu.vector_load %arg5[%swap3A_85, %swap3A_86] {strides = array<i32>} : memref<56x128xi32, #tpu.memory_space<vmem>>, vector<16xi32>,
        tpu.vector_store %arg5[%swap3A_85, %swap3A_86], %shift_right_logical3A_83 {strides = array<i32>} : memref<56x128xi32, #tpu.memory_space<vmem>>, vector<16xi32>,
        %eq3A_88 = arith.cmpi eq, %shift_right_logical3A_83, %and3A_84 : vector<16xi32>
        %select_n3A_89 = arith.select %eq3A_88, %broadcast_in_dim3A_3, %and3A_84 : vector<16xi1>, vector<16xi32>
        %swap3A_90 = arith.index_cast %scan3A_67 : i32 to index
        %swap3A_91 = arith.constant 16 : index
        %swap3A_92 = tpu.vector_load %arg6[%swap3A_90, %swap3A_91] {strides = array<i32>} : memref<56x128xi32, #tpu.memory_space<vmem>>, vector<16xi32>,
        tpu.vector_store %arg6[%swap3A_90, %swap3A_91], %select_n3A_89 {strides = array<i32>} : memref<56x128xi32, #tpu.memory_space<vmem>>, vector<16xi32>,
        %get3A_93 = arith.index_cast %scan3A_67 : i32 to index
        %get3A_94 = arith.constant 32 : index
        %get3A_95 = tpu.vector_load %arg5[%get3A_93, %get3A_94] {strides = array<i32>} : memref<56x128xi32, #tpu.memory_space<vmem>>, vector<16xi32>,
        %shift_right_logical3A_96 = arith.constant 14 : i32
        %shift_right_logical3A_97 = vector.broadcast %shift_right_logical3A_96 : i32 to vector<16xi32>
        %shift_right_logical3A_98 = arith.shrui %get3A_95, %shift_right_logical3A_97 : vector<16xi32>
        %and3A_99 = arith.andi %get3A_95, %broadcast_in_dim3A_5 : vector<16xi32>
        %swap3A_100 = arith.index_cast %scan3A_67 : i32 to index
        %swap3A_101 = arith.constant 32 : index
        %swap3A_102 = tpu.vector_load %arg5[%swap3A_100, %swap3A_101] {strides = array<i32>} : memref<56x128xi32, #tpu.memory_space<vmem>>, vector<16xi32>,
        tpu.vector_store %arg5[%swap3A_100, %swap3A_101], %shift_right_logical3A_98 {strides = array<i32>} : memref<56x128xi32, #tpu.memory_space<vmem>>, vector<16xi32>,
        %eq3A_103 = arith.cmpi eq, %shift_right_logical3A_98, %and3A_99 : vector<16xi32>
        %select_n3A_104 = arith.select %eq3A_103, %broadcast_in_dim3A_3, %and3A_99 : vector<16xi1>, vector<16xi32>
        %swap3A_105 = arith.index_cast %scan3A_67 : i32 to index
        %swap3A_106 = arith.constant 32 : index
        %swap3A_107 = tpu.vector_load %arg6[%swap3A_105, %swap3A_106] {strides = array<i32>} : memref<56x128xi32, #tpu.memory_space<vmem>>, vector<16xi32>,
        tpu.vector_store %arg6[%swap3A_105, %swap3A_106], %select_n3A_104 {strides = array<i32>} : memref<56x128xi32, #tpu.memory_space<vmem>>, vector<16xi32>,
        %get3A_108 = arith.index_cast %scan3A_67 : i32 to index
        %get3A_109 = arith.constant 48 : index
        %get3A_110 = tpu.vector_load %arg5[%get3A_108, %get3A_109] {strides = array<i32>} : memref<56x128xi32, #tpu.memory_space<vmem>>, vector<16xi32>,
        %shift_right_logical3A_111 = arith.constant 14 : i32
        %shift_right_logical3A_112 = vector.broadcast %shift_right_logical3A_111 : i32 to vector<16xi32>
        %shift_right_logical3A_113 = arith.shrui %get3A_110, %shift_right_logical3A_112 : vector<16xi32>
        %and3A_114 = arith.andi %get3A_110, %broadcast_in_dim3A_5 : vector<16xi32>
        %swap3A_115 = arith.index_cast %scan3A_67 : i32 to index
        %swap3A_116 = arith.constant 48 : index
        %swap3A_117 = tpu.vector_load %arg5[%swap3A_115, %swap3A_116] {strides = array<i32>} : memref<56x128xi32, #tpu.memory_space<vmem>>, vector<16xi32>,
        tpu.vector_store %arg5[%swap3A_115, %swap3A_116], %shift_right_logical3A_113 {strides = array<i32>} : memref<56x128xi32, #tpu.memory_space<vmem>>, vector<16xi32>,
        %eq3A_118 = arith.cmpi eq, %shift_right_logical3A_113, %and3A_114 : vector<16xi32>
        %select_n3A_119 = arith.select %eq3A_118, %broadcast_in_dim3A_3, %and3A_114 : vector<16xi1>, vector<16xi32>
        %swap3A_120 = arith.index_cast %scan3A_67 : i32 to index
        %swap3A_121 = arith.constant 48 : index
        %swap3A_122 = tpu.vector_load %arg6[%swap3A_120, %swap3A_121] {strides = array<i32>} : memref<56x128xi32, #tpu.memory_space<vmem>>, vector<16xi32>,
        tpu.vector_store %arg6[%swap3A_120, %swap3A_121], %select_n3A_119 {strides = array<i32>} : memref<56x128xi32, #tpu.memory_space<vmem>>, vector<16xi32>,
        %get3A_123 = arith.index_cast %scan3A_67 : i32 to index
        %get3A_124 = arith.constant 64 : index
        %get3A_125 = tpu.vector_load %arg5[%get3A_123, %get3A_124] {strides = array<i32>} : memref<56x128xi32, #tpu.memory_space<vmem>>, vector<16xi32>,
        %shift_right_logical3A_126 = arith.constant 14 : i32
        %shift_right_logical3A_127 = vector.broadcast %shift_right_logical3A_126 : i32 to vector<16xi32>
        %shift_right_logical3A_128 = arith.shrui %get3A_125, %shift_right_logical3A_127 : vector<16xi32>
        %and3A_129 = arith.andi %get3A_125, %broadcast_in_dim3A_5 : vector<16xi32>
        %swap3A_130 = arith.index_cast %scan3A_67 : i32 to index
        %swap3A_131 = arith.constant 64 : index
        %swap3A_132 = tpu.vector_load %arg5[%swap3A_130, %swap3A_131] {strides = array<i32>} : memref<56x128xi32, #tpu.memory_space<vmem>>, vector<16xi32>,
        tpu.vector_store %arg5[%swap3A_130, %swap3A_131], %shift_right_logical3A_128 {strides = array<i32>} : memref<56x128xi32, #tpu.memory_space<vmem>>, vector<16xi32>,
        %eq3A_133 = arith.cmpi eq, %shift_right_logical3A_128, %and3A_129 : vector<16xi32>
        %select_n3A_134 = arith.select %eq3A_133, %broadcast_in_dim3A_3, %and3A_129 : vector<16xi1>, vector<16xi32>
        %swap3A_135 = arith.index_cast %scan3A_67 : i32 to index
        %swap3A_136 = arith.constant 64 : index
        %swap3A_137 = tpu.vector_load %arg6[%swap3A_135, %swap3A_136] {strides = array<i32>} : memref<56x128xi32, #tpu.memory_space<vmem>>, vector<16xi32>,
        tpu.vector_store %arg6[%swap3A_135, %swap3A_136], %select_n3A_134 {strides = array<i32>} : memref<56x128xi32, #tpu.memory_space<vmem>>, vector<16xi32>,
        %get3A_138 = arith.index_cast %scan3A_67 : i32 to index
        %get3A_139 = arith.constant 80 : index
        %get3A_140 = tpu.vector_load %arg5[%get3A_138, %get3A_139] {strides = array<i32>} : memref<56x128xi32, #tpu.memory_space<vmem>>, vector<16xi32>,
        %shift_right_logical3A_141 = arith.constant 14 : i32
        %shift_right_logical3A_142 = vector.broadcast %shift_right_logical3A_141 : i32 to vector<16xi32>
        %shift_right_logical3A_143 = arith.shrui %get3A_140, %shift_right_logical3A_142 : vector<16xi32>
        %and3A_144 = arith.andi %get3A_140, %broadcast_in_dim3A_5 : vector<16xi32>
        %swap3A_145 = arith.index_cast %scan3A_67 : i32 to index
        %swap3A_146 = arith.constant 80 : index
        %swap3A_147 = tpu.vector_load %arg5[%swap3A_145, %swap3A_146] {strides = array<i32>} : memref<56x128xi32, #tpu.memory_space<vmem>>, vector<16xi32>,
        tpu.vector_store %arg5[%swap3A_145, %swap3A_146], %shift_right_logical3A_143 {strides = array<i32>} : memref<56x128xi32, #tpu.memory_space<vmem>>, vector<16xi32>,
        %eq3A_148 = arith.cmpi eq, %shift_right_logical3A_143, %and3A_144 : vector<16xi32>
        %select_n3A_149 = arith.select %eq3A_148, %broadcast_in_dim3A_3, %and3A_144 : vector<16xi1>, vector<16xi32>
        %swap3A_150 = arith.index_cast %scan3A_67 : i32 to index
        %swap3A_151 = arith.constant 80 : index
        %swap3A_152 = tpu.vector_load %arg6[%swap3A_150, %swap3A_151] {strides = array<i32>} : memref<56x128xi32, #tpu.memory_space<vmem>>, vector<16xi32>,
        tpu.vector_store %arg6[%swap3A_150, %swap3A_151], %select_n3A_149 {strides = array<i32>} : memref<56x128xi32, #tpu.memory_space<vmem>>, vector<16xi32>,
        %get3A_153 = arith.index_cast %scan3A_67 : i32 to index
        %get3A_154 = arith.constant 96 : index
        %get3A_155 = tpu.vector_load %arg5[%get3A_153, %get3A_154] {strides = array<i32>} : memref<56x128xi32, #tpu.memory_space<vmem>>, vector<16xi32>,
        %shift_right_logical3A_156 = arith.constant 14 : i32
        %shift_right_logical3A_157 = vector.broadcast %shift_right_logical3A_156 : i32 to vector<16xi32>
        %shift_right_logical3A_158 = arith.shrui %get3A_155, %shift_right_logical3A_157 : vector<16xi32>
        %and3A_159 = arith.andi %get3A_155, %broadcast_in_dim3A_5 : vector<16xi32>
        %swap3A_160 = arith.index_cast %scan3A_67 : i32 to index
        %swap3A_161 = arith.constant 96 : index
        %swap3A_162 = tpu.vector_load %arg5[%swap3A_160, %swap3A_161] {strides = array<i32>} : memref<56x128xi32, #tpu.memory_space<vmem>>, vector<16xi32>,
        tpu.vector_store %arg5[%swap3A_160, %swap3A_161], %shift_right_logical3A_158 {strides = array<i32>} : memref<56x128xi32, #tpu.memory_space<vmem>>, vector<16xi32>,
        %eq3A_163 = arith.cmpi eq, %shift_right_logical3A_158, %and3A_159 : vector<16xi32>
        %select_n3A_164 = arith.select %eq3A_163, %broadcast_in_dim3A_3, %and3A_159 : vector<16xi1>, vector<16xi32>
        %swap3A_165 = arith.index_cast %scan3A_67 : i32 to index
        %swap3A_166 = arith.constant 96 : index
        %swap3A_167 = tpu.vector_load %arg6[%swap3A_165, %swap3A_166] {strides = array<i32>} : memref<56x128xi32, #tpu.memory_space<vmem>>, vector<16xi32>,
        tpu.vector_store %arg6[%swap3A_165, %swap3A_166], %select_n3A_164 {strides = array<i32>} : memref<56x128xi32, #tpu.memory_space<vmem>>, vector<16xi32>,
        %get3A_168 = arith.index_cast %scan3A_67 : i32 to index
        %get3A_169 = arith.constant 112 : index
        %get3A_170 = tpu.vector_load %arg5[%get3A_168, %get3A_169] {strides = array<i32>} : memref<56x128xi32, #tpu.memory_space<vmem>>, vector<16xi32>,
        %shift_right_logical3A_171 = arith.constant 14 : i32
        %shift_right_logical3A_172 = vector.broadcast %shift_right_logical3A_171 : i32 to vector<16xi32>
        %shift_right_logical3A_173 = arith.shrui %get3A_170, %shift_right_logical3A_172 : vector<16xi32>
        %and3A_174 = arith.andi %get3A_170, %broadcast_in_dim3A_5 : vector<16xi32>
        %swap3A_175 = arith.index_cast %scan3A_67 : i32 to index
        %swap3A_176 = arith.constant 112 : index
        %swap3A_177 = tpu.vector_load %arg5[%swap3A_175, %swap3A_176] {strides = array<i32>} : memref<56x128xi32, #tpu.memory_space<vmem>>, vector<16xi32>,
        tpu.vector_store %arg5[%swap3A_175, %swap3A_176], %shift_right_logical3A_173 {strides = array<i32>} : memref<56x128xi32, #tpu.memory_space<vmem>>, vector<16xi32>,
        %eq3A_178 = arith.cmpi eq, %shift_right_logical3A_173, %and3A_174 : vector<16xi32>
        %select_n3A_179 = arith.select %eq3A_178, %broadcast_in_dim3A_3, %and3A_174 : vector<16xi1>, vector<16xi32>
        %swap3A_180 = arith.index_cast %scan3A_67 : i32 to index
        %swap3A_181 = arith.constant 112 : index
        %swap3A_182 = tpu.vector_load %arg6[%swap3A_180, %swap3A_181] {strides = array<i32>} : memref<56x128xi32, #tpu.memory_space<vmem>>, vector<16xi32>,
        tpu.vector_store %arg6[%swap3A_180, %swap3A_181], %select_n3A_179 {strides = array<i32>} : memref<56x128xi32, #tpu.memory_space<vmem>>, vector<16xi32>,
      }
      %scan3A_48 = arith.constant 56 : i32
      %scan3A_49 = arith.constant 0 : i32
      %scan3A_50 = arith.constant 0 : i32
      %scan3A_51 = arith.constant 28 : i32
      %scan3A_52 = arith.addi %scan3A_50, %scan3A_51 : i32
      %scan3A_53 = arith.constant 1 : i32
      scf.for %scan3A_67 = %scan3A_50 to %scan3A_52 step %scan3A_53  : i32 {
        %mul3A_68 = arith.constant 2 : i32
        %mul3A_69 = arith.muli %mul3A_68, %scan3A_67 : i32
        %mul3A_70 = arith.constant 2 : i32
        %mul3A_71 = arith.muli %mul3A_70, %scan3A_67 : i32
        %add3A_72 = arith.constant 1 : i32
        %add3A_73 = arith.addi %mul3A_71, %add3A_72 : i32
        %dma_start3A = arith.constant 0 : i32
        %dma_start3A_74 = tpu.memref_slice %arg5[%mul3A_69, %dma_start3A] : memref<56x128xi32, #tpu.memory_space<vmem>> -> memref<1x128xi32, #tpu.memory_space<vmem>>
        %dma_start3A_75 = tpu.memref_squeeze %dma_start3A_74 : memref<1x128xi32, #tpu.memory_space<vmem>> -> memref<128xi32, #tpu.memory_space<vmem>>
        %dma_start3A_76 = arith.constant 0 : i32
        %dma_start3A_77 = arith.constant 0 : i32
        %dma_start3A_78 = tpu.memref_slice %arg2[%dma_start3A_76, %dma_start3A_77] : memref<10240x128xf32, #tpu.memory_space<hbm>> -> memref<10240x128xf32, #tpu.memory_space<hbm>>
        tpu.enqueue_indirect_dma source(%dma_start3A_78 : memref<10240x128xf32, #tpu.memory_space<hbm>>) target(%arg7 : memref<128x128xf32, #tpu.memory_space<vmem>>) offsets(%dma_start3A_75 : memref<128xi32, #tpu.memory_space<vmem>>) semaphore(%arg10 : memref<!tpu.dma_semaphore, #tpu.memory_space<semaphore_mem>>)
        %dma_start3A_79 = arith.constant 0 : i32
        %dma_start3A_80 = tpu.memref_slice %arg5[%add3A_73, %dma_start3A_79] : memref<56x128xi32, #tpu.memory_space<vmem>> -> memref<1x128xi32, #tpu.memory_space<vmem>>
        %dma_start3A_81 = tpu.memref_squeeze %dma_start3A_80 : memref<1x128xi32, #tpu.memory_space<vmem>> -> memref<128xi32, #tpu.memory_space<vmem>>
        %dma_start3A_82 = arith.constant 0 : i32
        %dma_start3A_83 = arith.constant 0 : i32
        %dma_start3A_84 = tpu.memref_slice %arg2[%dma_start3A_82, %dma_start3A_83] : memref<10240x128xf32, #tpu.memory_space<hbm>> -> memref<10240x128xf32, #tpu.memory_space<hbm>>
        tpu.enqueue_indirect_dma source(%dma_start3A_84 : memref<10240x128xf32, #tpu.memory_space<hbm>>) target(%arg8 : memref<128x128xf32, #tpu.memory_space<vmem>>) offsets(%dma_start3A_81 : memref<128xi32, #tpu.memory_space<vmem>>) semaphore(%arg11 : memref<!tpu.dma_semaphore, #tpu.memory_space<semaphore_mem>>)
        %dma_wait3A = arith.constant 0 : i32
        %dma_wait3A_85 = tpu.memref_slice %arg5[%mul3A_69, %dma_wait3A] : memref<56x128xi32, #tpu.memory_space<vmem>> -> memref<1x128xi32, #tpu.memory_space<vmem>>
        %dma_wait3A_86 = tpu.memref_squeeze %dma_wait3A_85 : memref<1x128xi32, #tpu.memory_space<vmem>> -> memref<128xi32, #tpu.memory_space<vmem>>
        %dma_wait3A_87 = arith.constant 0 : i32
        %dma_wait3A_88 = arith.constant 0 : i32
        %dma_wait3A_89 = tpu.memref_slice %arg2[%dma_wait3A_87, %dma_wait3A_88] : memref<10240x128xf32, #tpu.memory_space<hbm>> -> memref<10240x128xf32, #tpu.memory_space<hbm>>
        tpu.wait_indirect_dma semaphore(%arg10 : memref<!tpu.dma_semaphore, #tpu.memory_space<semaphore_mem>>) src(%dma_wait3A_89 : memref<10240x128xf32, #tpu.memory_space<hbm>>) dst(%arg7 : memref<128x128xf32, #tpu.memory_space<vmem>>)
        "tpu.region"() ({
          %run_scoped3A = tpu.sem_alloc : memref<!tpu.dma_semaphore, #tpu.memory_space<semaphore_mem>>
          %dma_start3A_96 = arith.constant 0 : i32
          %dma_start3A_97 = tpu.memref_slice %arg6[%mul3A_69, %dma_start3A_96] : memref<56x128xi32, #tpu.memory_space<vmem>> -> memref<1x128xi32, #tpu.memory_space<vmem>>
          %dma_start3A_98 = tpu.memref_squeeze %dma_start3A_97 : memref<1x128xi32, #tpu.memory_space<vmem>> -> memref<128xi32, #tpu.memory_space<vmem>>
          %dma_start3A_99 = arith.constant 0 : i32
          %dma_start3A_100 = arith.constant 0 : i32
          %dma_start3A_101 = tpu.memref_slice %arg9[%dma_start3A_99, %dma_start3A_100] : memref<10240x128xf32, #tpu.memory_space<vmem_shared>> -> memref<10240x128xf32, #tpu.memory_space<vmem_shared>>
          tpu.enqueue_indirect_dma source(%arg7 : memref<128x128xf32, #tpu.memory_space<vmem>>) target(%dma_start3A_101 : memref<10240x128xf32, #tpu.memory_space<vmem_shared>>) offsets(%dma_start3A_98 : memref<128xi32, #tpu.memory_space<vmem>>) semaphore(%run_scoped3A : memref<!tpu.dma_semaphore, #tpu.memory_space<semaphore_mem>>) {add = true}
          %dma_wait3A_102 = arith.constant 0 : i32
          %dma_wait3A_103 = tpu.memref_slice %arg6[%mul3A_69, %dma_wait3A_102] : memref<56x128xi32, #tpu.memory_space<vmem>> -> memref<1x128xi32, #tpu.memory_space<vmem>>
          %dma_wait3A_104 = tpu.memref_squeeze %dma_wait3A_103 : memref<1x128xi32, #tpu.memory_space<vmem>> -> memref<128xi32, #tpu.memory_space<vmem>>
          %dma_wait3A_105 = arith.constant 0 : i32
          %dma_wait3A_106 = arith.constant 0 : i32
          %dma_wait3A_107 = tpu.memref_slice %arg9[%dma_wait3A_105, %dma_wait3A_106] : memref<10240x128xf32, #tpu.memory_space<vmem_shared>> -> memref<10240x128xf32, #tpu.memory_space<vmem_shared>>
          tpu.wait_indirect_dma semaphore(%run_scoped3A : memref<!tpu.dma_semaphore, #tpu.memory_space<semaphore_mem>>) src(%arg7 : memref<128x128xf32, #tpu.memory_space<vmem>>) dst(%dma_wait3A_107 : memref<10240x128xf32, #tpu.memory_space<vmem_shared>>)
          tpu.yield
        }) : () -> ()
        %dma_wait3A_90 = arith.constant 0 : i32
        %dma_wait3A_91 = tpu.memref_slice %arg5[%add3A_73, %dma_wait3A_90] : memref<56x128xi32, #tpu.memory_space<vmem>> -> memref<1x128xi32, #tpu.memory_space<vmem>>
        %dma_wait3A_92 = tpu.memref_squeeze %dma_wait3A_91 : memref<1x128xi32, #tpu.memory_space<vmem>> -> memref<128xi32, #tpu.memory_space<vmem>>
        %dma_wait3A_93 = arith.constant 0 : i32
        %dma_wait3A_94 = arith.constant 0 : i32
        %dma_wait3A_95 = tpu.memref_slice %arg2[%dma_wait3A_93, %dma_wait3A_94] : memref<10240x128xf32, #tpu.memory_space<hbm>> -> memref<10240x128xf32, #tpu.memory_space<hbm>>
        tpu.wait_indirect_dma semaphore(%arg11 : memref<!tpu.dma_semaphore, #tpu.memory_space<semaphore_mem>>) src(%dma_wait3A_95 : memref<10240x128xf32, #tpu.memory_space<hbm>>) dst(%arg8 : memref<128x128xf32, #tpu.memory_space<vmem>>)
        "tpu.region"() ({
          %run_scoped3A = tpu.sem_alloc : memref<!tpu.dma_semaphore, #tpu.memory_space<semaphore_mem>>
          %dma_start3A_96 = arith.constant 0 : i32
          %dma_start3A_97 = tpu.memref_slice %arg6[%add3A_73, %dma_start3A_96] : memref<56x128xi32, #tpu.memory_space<vmem>> -> memref<1x128xi32, #tpu.memory_space<vmem>>
          %dma_start3A_98 = tpu.memref_squeeze %dma_start3A_97 : memref<1x128xi32, #tpu.memory_space<vmem>> -> memref<128xi32, #tpu.memory_space<vmem>>
          %dma_start3A_99 = arith.constant 0 : i32
          %dma_start3A_100 = arith.constant 0 : i32
          %dma_start3A_101 = tpu.memref_slice %arg9[%dma_start3A_99, %dma_start3A_100] : memref<10240x128xf32, #tpu.memory_space<vmem_shared>> -> memref<10240x128xf32, #tpu.memory_space<vmem_shared>>
          tpu.enqueue_indirect_dma source(%arg8 : memref<128x128xf32, #tpu.memory_space<vmem>>) target(%dma_start3A_101 : memref<10240x128xf32, #tpu.memory_space<vmem_shared>>) offsets(%dma_start3A_98 : memref<128xi32, #tpu.memory_space<vmem>>) semaphore(%run_scoped3A : memref<!tpu.dma_semaphore, #tpu.memory_space<semaphore_mem>>) {add = true}
          %dma_wait3A_102 = arith.constant 0 : i32
          %dma_wait3A_103 = tpu.memref_slice %arg6[%add3A_73, %dma_wait3A_102] : memref<56x128xi32, #tpu.memory_space<vmem>> -> memref<1x128xi32, #tpu.memory_space<vmem>>
          %dma_wait3A_104 = tpu.memref_squeeze %dma_wait3A_103 : memref<1x128xi32, #tpu.memory_space<vmem>> -> memref<128xi32, #tpu.memory_space<vmem>>
          %dma_wait3A_105 = arith.constant 0 : i32
          %dma_wait3A_106 = arith.constant 0 : i32
          %dma_wait3A_107 = tpu.memref_slice %arg9[%dma_wait3A_105, %dma_wait3A_106] : memref<10240x128xf32, #tpu.memory_space<vmem_shared>> -> memref<10240x128xf32, #tpu.memory_space<vmem_shared>>
          tpu.wait_indirect_dma semaphore(%run_scoped3A : memref<!tpu.dma_semaphore, #tpu.memory_space<semaphore_mem>>) src(%arg8 : memref<128x128xf32, #tpu.memory_space<vmem>>) dst(%dma_wait3A_107 : memref<10240x128xf32, #tpu.memory_space<vmem_shared>>)
          tpu.yield
        }) : () -> ()
      }
      %scan3A_54 = arith.constant 28 : i32
      "tpu.region"() ({
        %run_scoped3A = tpu.sem_alloc : memref<!tpu.dma_semaphore, #tpu.memory_space<semaphore_mem>>
        %dma_start3A = arith.constant 0 : i32
        %dma_start3A_67 = arith.constant 0 : i32
        %dma_start3A_68 = tpu.memref_slice %arg5[%dma_start3A, %dma_start3A_67] : memref<56x128xi32, #tpu.memory_space<vmem>> -> memref<56x128xi32, #tpu.memory_space<vmem>>
        %dma_start3A_69 = arith.constant 0 : i32
        %dma_start3A_70 = arith.constant 0 : i32
        %dma_start3A_71 = tpu.memref_slice %arg3[%add3A, %dma_start3A_69, %dma_start3A_70] : memref<32x112x128xi32, #tpu.memory_space<hbm>> -> memref<1x112x128xi32, #tpu.memory_space<hbm>>
        %dma_start3A_72 = tpu.memref_squeeze %dma_start3A_71 : memref<1x112x128xi32, #tpu.memory_space<hbm>> -> memref<112x128xi32, #tpu.memory_space<hbm>>
        %dma_start3A_73 = arith.constant 56 : i32
        %dma_start3A_74 = arith.constant 0 : i32
        %dma_start3A_75 = tpu.memref_slice %dma_start3A_72[%dma_start3A_73, %dma_start3A_74] : memref<112x128xi32, #tpu.memory_space<hbm>> -> memref<56x128xi32, #tpu.memory_space<hbm>>
        %dma_start3A_76 = arith.constant 0 : i32
        %dma_start3A_77 = arith.constant 0 : i32
        %dma_start3A_78 = tpu.memref_slice %arg5[%dma_start3A_76, %dma_start3A_77] : memref<56x128xi32, #tpu.memory_space<vmem>> -> memref<56x128xi32, #tpu.memory_space<vmem>>
        %dma_start3A_79 = arith.constant 0 : i32
        %dma_start3A_80 = arith.constant 0 : i32
        %dma_start3A_81 = tpu.memref_slice %arg3[%add3A, %dma_start3A_79, %dma_start3A_80] : memref<32x112x128xi32, #tpu.memory_space<hbm>> -> memref<1x112x128xi32, #tpu.memory_space<hbm>>
        %dma_start3A_82 = tpu.memref_squeeze %dma_start3A_81 : memref<1x112x128xi32, #tpu.memory_space<hbm>> -> memref<112x128xi32, #tpu.memory_space<hbm>>
        %dma_start3A_83 = arith.constant 56 : i32
        %dma_start3A_84 = arith.constant 0 : i32
        %dma_start3A_85 = tpu.memref_slice %dma_start3A_82[%dma_start3A_83, %dma_start3A_84] : memref<112x128xi32, #tpu.memory_space<hbm>> -> memref<56x128xi32, #tpu.memory_space<hbm>>
        tpu.enqueue_dma source(%dma_start3A_85 : memref<56x128xi32, #tpu.memory_space<hbm>>) target(%dma_start3A_78 : memref<56x128xi32, #tpu.memory_space<vmem>>) target_semaphore(%run_scoped3A : memref<!tpu.dma_semaphore, #tpu.memory_space<semaphore_mem>>)
        %dma_wait3A = arith.constant 0 : i32
        %dma_wait3A_86 = arith.constant 0 : i32
        %dma_wait3A_87 = tpu.memref_slice %arg5[%dma_wait3A, %dma_wait3A_86] : memref<56x128xi32, #tpu.memory_space<vmem>> -> memref<56x128xi32, #tpu.memory_space<vmem>>
        %dma_wait3A_88 = arith.constant 0 : i32
        %dma_wait3A_89 = arith.constant 0 : i32
        %dma_wait3A_90 = tpu.memref_slice %arg3[%add3A, %dma_wait3A_88, %dma_wait3A_89] : memref<32x112x128xi32, #tpu.memory_space<hbm>> -> memref<1x112x128xi32, #tpu.memory_space<hbm>>
        %dma_wait3A_91 = tpu.memref_squeeze %dma_wait3A_90 : memref<1x112x128xi32, #tpu.memory_space<hbm>> -> memref<112x128xi32, #tpu.memory_space<hbm>>
        %dma_wait3A_92 = arith.constant 56 : i32
        %dma_wait3A_93 = arith.constant 0 : i32
        %dma_wait3A_94 = tpu.memref_slice %dma_wait3A_91[%dma_wait3A_92, %dma_wait3A_93] : memref<112x128xi32, #tpu.memory_space<hbm>> -> memref<56x128xi32, #tpu.memory_space<hbm>>
        %dma_wait3A_95 = arith.constant 0 : i32
        %dma_wait3A_96 = arith.constant 0 : i32
        %dma_wait3A_97 = tpu.memref_slice %arg5[%dma_wait3A_95, %dma_wait3A_96] : memref<56x128xi32, #tpu.memory_space<vmem>> -> memref<56x128xi32, #tpu.memory_space<vmem>>
        %dma_wait3A_98 = arith.constant 0 : i32
        %dma_wait3A_99 = arith.constant 0 : i32
        %dma_wait3A_100 = tpu.memref_slice %arg3[%add3A, %dma_wait3A_98, %dma_wait3A_99] : memref<32x112x128xi32, #tpu.memory_space<hbm>> -> memref<1x112x128xi32, #tpu.memory_space<hbm>>
        %dma_wait3A_101 = tpu.memref_squeeze %dma_wait3A_100 : memref<1x112x128xi32, #tpu.memory_space<hbm>> -> memref<112x128xi32, #tpu.memory_space<hbm>>
        %dma_wait3A_102 = arith.constant 56 : i32
        %dma_wait3A_103 = arith.constant 0 : i32
        %dma_wait3A_104 = tpu.memref_slice %dma_wait3A_101[%dma_wait3A_102, %dma_wait3A_103] : memref<112x128xi32, #tpu.memory_space<hbm>> -> memref<56x128xi32, #tpu.memory_space<hbm>>
        tpu.wait_dma2 semaphore(%run_scoped3A : memref<!tpu.dma_semaphore, #tpu.memory_space<semaphore_mem>>) src(%dma_wait3A_104 : memref<56x128xi32, #tpu.memory_space<hbm>>) dst(%dma_wait3A_97 : memref<56x128xi32, #tpu.memory_space<vmem>>)
        tpu.yield
      }) : () -> ()
      %scan3A_55 = arith.constant 0 : i32
      %scan3A_56 = arith.constant 0 : i32
      %scan3A_57 = arith.constant 56 : i32
      %scan3A_58 = arith.addi %scan3A_56, %scan3A_57 : i32
      %scan3A_59 = arith.constant 1 : i32
      scf.for %scan3A_67 = %scan3A_56 to %scan3A_58 step %scan3A_59  : i32 {
        %get3A = arith.index_cast %scan3A_67 : i32 to index
        %get3A_68 = arith.constant 0 : index
        %get3A_69 = tpu.vector_load %arg5[%get3A, %get3A_68] {strides = array<i32>} : memref<56x128xi32, #tpu.memory_space<vmem>>, vector<16xi32>,
        %shift_right_logical3A = arith.constant 14 : i32
        %shift_right_logical3A_70 = vector.broadcast %shift_right_logical3A : i32 to vector<16xi32>
        %shift_right_logical3A_71 = arith.shrui %get3A_69, %shift_right_logical3A_70 : vector<16xi32>
        %and3A = arith.andi %get3A_69, %broadcast_in_dim3A_5 : vector<16xi32>
        %swap3A = arith.index_cast %scan3A_67 : i32 to index
        %swap3A_72 = arith.constant 0 : index
        %swap3A_73 = tpu.vector_load %arg5[%swap3A, %swap3A_72] {strides = array<i32>} : memref<56x128xi32, #tpu.memory_space<vmem>>, vector<16xi32>,
        tpu.vector_store %arg5[%swap3A, %swap3A_72], %shift_right_logical3A_71 {strides = array<i32>} : memref<56x128xi32, #tpu.memory_space<vmem>>, vector<16xi32>,
        %eq3A_74 = arith.cmpi eq, %shift_right_logical3A_71, %and3A : vector<16xi32>
        %select_n3A = arith.select %eq3A_74, %broadcast_in_dim3A_3, %and3A : vector<16xi1>, vector<16xi32>
        %swap3A_75 = arith.index_cast %scan3A_67 : i32 to index
        %swap3A_76 = arith.constant 0 : index
        %swap3A_77 = tpu.vector_load %arg6[%swap3A_75, %swap3A_76] {strides = array<i32>} : memref<56x128xi32, #tpu.memory_space<vmem>>, vector<16xi32>,
        tpu.vector_store %arg6[%swap3A_75, %swap3A_76], %select_n3A {strides = array<i32>} : memref<56x128xi32, #tpu.memory_space<vmem>>, vector<16xi32>,
        %get3A_78 = arith.index_cast %scan3A_67 : i32 to index
        %get3A_79 = arith.constant 16 : index
        %get3A_80 = tpu.vector_load %arg5[%get3A_78, %get3A_79] {strides = array<i32>} : memref<56x128xi32, #tpu.memory_space<vmem>>, vector<16xi32>,
        %shift_right_logical3A_81 = arith.constant 14 : i32
        %shift_right_logical3A_82 = vector.broadcast %shift_right_logical3A_81 : i32 to vector<16xi32>
        %shift_right_logical3A_83 = arith.shrui %get3A_80, %shift_right_logical3A_82 : vector<16xi32>
        %and3A_84 = arith.andi %get3A_80, %broadcast_in_dim3A_5 : vector<16xi32>
        %swap3A_85 = arith.index_cast %scan3A_67 : i32 to index
        %swap3A_86 = arith.constant 16 : index
        %swap3A_87 = tpu.vector_load %arg5[%swap3A_85, %swap3A_86] {strides = array<i32>} : memref<56x128xi32, #tpu.memory_space<vmem>>, vector<16xi32>,
        tpu.vector_store %arg5[%swap3A_85, %swap3A_86], %shift_right_logical3A_83 {strides = array<i32>} : memref<56x128xi32, #tpu.memory_space<vmem>>, vector<16xi32>,
        %eq3A_88 = arith.cmpi eq, %shift_right_logical3A_83, %and3A_84 : vector<16xi32>
        %select_n3A_89 = arith.select %eq3A_88, %broadcast_in_dim3A_3, %and3A_84 : vector<16xi1>, vector<16xi32>
        %swap3A_90 = arith.index_cast %scan3A_67 : i32 to index
        %swap3A_91 = arith.constant 16 : index
        %swap3A_92 = tpu.vector_load %arg6[%swap3A_90, %swap3A_91] {strides = array<i32>} : memref<56x128xi32, #tpu.memory_space<vmem>>, vector<16xi32>,
        tpu.vector_store %arg6[%swap3A_90, %swap3A_91], %select_n3A_89 {strides = array<i32>} : memref<56x128xi32, #tpu.memory_space<vmem>>, vector<16xi32>,
        %get3A_93 = arith.index_cast %scan3A_67 : i32 to index
        %get3A_94 = arith.constant 32 : index
        %get3A_95 = tpu.vector_load %arg5[%get3A_93, %get3A_94] {strides = array<i32>} : memref<56x128xi32, #tpu.memory_space<vmem>>, vector<16xi32>,
        %shift_right_logical3A_96 = arith.constant 14 : i32
        %shift_right_logical3A_97 = vector.broadcast %shift_right_logical3A_96 : i32 to vector<16xi32>
        %shift_right_logical3A_98 = arith.shrui %get3A_95, %shift_right_logical3A_97 : vector<16xi32>
        %and3A_99 = arith.andi %get3A_95, %broadcast_in_dim3A_5 : vector<16xi32>
        %swap3A_100 = arith.index_cast %scan3A_67 : i32 to index
        %swap3A_101 = arith.constant 32 : index
        %swap3A_102 = tpu.vector_load %arg5[%swap3A_100, %swap3A_101] {strides = array<i32>} : memref<56x128xi32, #tpu.memory_space<vmem>>, vector<16xi32>,
        tpu.vector_store %arg5[%swap3A_100, %swap3A_101], %shift_right_logical3A_98 {strides = array<i32>} : memref<56x128xi32, #tpu.memory_space<vmem>>, vector<16xi32>,
        %eq3A_103 = arith.cmpi eq, %shift_right_logical3A_98, %and3A_99 : vector<16xi32>
        %select_n3A_104 = arith.select %eq3A_103, %broadcast_in_dim3A_3, %and3A_99 : vector<16xi1>, vector<16xi32>
        %swap3A_105 = arith.index_cast %scan3A_67 : i32 to index
        %swap3A_106 = arith.constant 32 : index
        %swap3A_107 = tpu.vector_load %arg6[%swap3A_105, %swap3A_106] {strides = array<i32>} : memref<56x128xi32, #tpu.memory_space<vmem>>, vector<16xi32>,
        tpu.vector_store %arg6[%swap3A_105, %swap3A_106], %select_n3A_104 {strides = array<i32>} : memref<56x128xi32, #tpu.memory_space<vmem>>, vector<16xi32>,
        %get3A_108 = arith.index_cast %scan3A_67 : i32 to index
        %get3A_109 = arith.constant 48 : index
        %get3A_110 = tpu.vector_load %arg5[%get3A_108, %get3A_109] {strides = array<i32>} : memref<56x128xi32, #tpu.memory_space<vmem>>, vector<16xi32>,
        %shift_right_logical3A_111 = arith.constant 14 : i32
        %shift_right_logical3A_112 = vector.broadcast %shift_right_logical3A_111 : i32 to vector<16xi32>
        %shift_right_logical3A_113 = arith.shrui %get3A_110, %shift_right_logical3A_112 : vector<16xi32>
        %and3A_114 = arith.andi %get3A_110, %broadcast_in_dim3A_5 : vector<16xi32>
        %swap3A_115 = arith.index_cast %scan3A_67 : i32 to index
        %swap3A_116 = arith.constant 48 : index
        %swap3A_117 = tpu.vector_load %arg5[%swap3A_115, %swap3A_116] {strides = array<i32>} : memref<56x128xi32, #tpu.memory_space<vmem>>, vector<16xi32>,
        tpu.vector_store %arg5[%swap3A_115, %swap3A_116], %shift_right_logical3A_113 {strides = array<i32>} : memref<56x128xi32, #tpu.memory_space<vmem>>, vector<16xi32>,
        %eq3A_118 = arith.cmpi eq, %shift_right_logical3A_113, %and3A_114 : vector<16xi32>
        %select_n3A_119 = arith.select %eq3A_118, %broadcast_in_dim3A_3, %and3A_114 : vector<16xi1>, vector<16xi32>
        %swap3A_120 = arith.index_cast %scan3A_67 : i32 to index
        %swap3A_121 = arith.constant 48 : index
        %swap3A_122 = tpu.vector_load %arg6[%swap3A_120, %swap3A_121] {strides = array<i32>} : memref<56x128xi32, #tpu.memory_space<vmem>>, vector<16xi32>,
        tpu.vector_store %arg6[%swap3A_120, %swap3A_121], %select_n3A_119 {strides = array<i32>} : memref<56x128xi32, #tpu.memory_space<vmem>>, vector<16xi32>,
        %get3A_123 = arith.index_cast %scan3A_67 : i32 to index
        %get3A_124 = arith.constant 64 : index
        %get3A_125 = tpu.vector_load %arg5[%get3A_123, %get3A_124] {strides = array<i32>} : memref<56x128xi32, #tpu.memory_space<vmem>>, vector<16xi32>,
        %shift_right_logical3A_126 = arith.constant 14 : i32
        %shift_right_logical3A_127 = vector.broadcast %shift_right_logical3A_126 : i32 to vector<16xi32>
        %shift_right_logical3A_128 = arith.shrui %get3A_125, %shift_right_logical3A_127 : vector<16xi32>
        %and3A_129 = arith.andi %get3A_125, %broadcast_in_dim3A_5 : vector<16xi32>
        %swap3A_130 = arith.index_cast %scan3A_67 : i32 to index
        %swap3A_131 = arith.constant 64 : index
        %swap3A_132 = tpu.vector_load %arg5[%swap3A_130, %swap3A_131] {strides = array<i32>} : memref<56x128xi32, #tpu.memory_space<vmem>>, vector<16xi32>,
        tpu.vector_store %arg5[%swap3A_130, %swap3A_131], %shift_right_logical3A_128 {strides = array<i32>} : memref<56x128xi32, #tpu.memory_space<vmem>>, vector<16xi32>,
        %eq3A_133 = arith.cmpi eq, %shift_right_logical3A_128, %and3A_129 : vector<16xi32>
        %select_n3A_134 = arith.select %eq3A_133, %broadcast_in_dim3A_3, %and3A_129 : vector<16xi1>, vector<16xi32>
        %swap3A_135 = arith.index_cast %scan3A_67 : i32 to index
        %swap3A_136 = arith.constant 64 : index
        %swap3A_137 = tpu.vector_load %arg6[%swap3A_135, %swap3A_136] {strides = array<i32>} : memref<56x128xi32, #tpu.memory_space<vmem>>, vector<16xi32>,
        tpu.vector_store %arg6[%swap3A_135, %swap3A_136], %select_n3A_134 {strides = array<i32>} : memref<56x128xi32, #tpu.memory_space<vmem>>, vector<16xi32>,
        %get3A_138 = arith.index_cast %scan3A_67 : i32 to index
        %get3A_139 = arith.constant 80 : index
        %get3A_140 = tpu.vector_load %arg5[%get3A_138, %get3A_139] {strides = array<i32>} : memref<56x128xi32, #tpu.memory_space<vmem>>, vector<16xi32>,
        %shift_right_logical3A_141 = arith.constant 14 : i32
        %shift_right_logical3A_142 = vector.broadcast %shift_right_logical3A_141 : i32 to vector<16xi32>
        %shift_right_logical3A_143 = arith.shrui %get3A_140, %shift_right_logical3A_142 : vector<16xi32>
        %and3A_144 = arith.andi %get3A_140, %broadcast_in_dim3A_5 : vector<16xi32>
        %swap3A_145 = arith.index_cast %scan3A_67 : i32 to index
        %swap3A_146 = arith.constant 80 : index
        %swap3A_147 = tpu.vector_load %arg5[%swap3A_145, %swap3A_146] {strides = array<i32>} : memref<56x128xi32, #tpu.memory_space<vmem>>, vector<16xi32>,
        tpu.vector_store %arg5[%swap3A_145, %swap3A_146], %shift_right_logical3A_143 {strides = array<i32>} : memref<56x128xi32, #tpu.memory_space<vmem>>, vector<16xi32>,
        %eq3A_148 = arith.cmpi eq, %shift_right_logical3A_143, %and3A_144 : vector<16xi32>
        %select_n3A_149 = arith.select %eq3A_148, %broadcast_in_dim3A_3, %and3A_144 : vector<16xi1>, vector<16xi32>
        %swap3A_150 = arith.index_cast %scan3A_67 : i32 to index
        %swap3A_151 = arith.constant 80 : index
        %swap3A_152 = tpu.vector_load %arg6[%swap3A_150, %swap3A_151] {strides = array<i32>} : memref<56x128xi32, #tpu.memory_space<vmem>>, vector<16xi32>,
        tpu.vector_store %arg6[%swap3A_150, %swap3A_151], %select_n3A_149 {strides = array<i32>} : memref<56x128xi32, #tpu.memory_space<vmem>>, vector<16xi32>,
        %get3A_153 = arith.index_cast %scan3A_67 : i32 to index
        %get3A_154 = arith.constant 96 : index
        %get3A_155 = tpu.vector_load %arg5[%get3A_153, %get3A_154] {strides = array<i32>} : memref<56x128xi32, #tpu.memory_space<vmem>>, vector<16xi32>,
        %shift_right_logical3A_156 = arith.constant 14 : i32
        %shift_right_logical3A_157 = vector.broadcast %shift_right_logical3A_156 : i32 to vector<16xi32>
        %shift_right_logical3A_158 = arith.shrui %get3A_155, %shift_right_logical3A_157 : vector<16xi32>
        %and3A_159 = arith.andi %get3A_155, %broadcast_in_dim3A_5 : vector<16xi32>
        %swap3A_160 = arith.index_cast %scan3A_67 : i32 to index
        %swap3A_161 = arith.constant 96 : index
        %swap3A_162 = tpu.vector_load %arg5[%swap3A_160, %swap3A_161] {strides = array<i32>} : memref<56x128xi32, #tpu.memory_space<vmem>>, vector<16xi32>,
        tpu.vector_store %arg5[%swap3A_160, %swap3A_161], %shift_right_logical3A_158 {strides = array<i32>} : memref<56x128xi32, #tpu.memory_space<vmem>>, vector<16xi32>,
        %eq3A_163 = arith.cmpi eq, %shift_right_logical3A_158, %and3A_159 : vector<16xi32>
        %select_n3A_164 = arith.select %eq3A_163, %broadcast_in_dim3A_3, %and3A_159 : vector<16xi1>, vector<16xi32>
        %swap3A_165 = arith.index_cast %scan3A_67 : i32 to index
        %swap3A_166 = arith.constant 96 : index
        %swap3A_167 = tpu.vector_load %arg6[%swap3A_165, %swap3A_166] {strides = array<i32>} : memref<56x128xi32, #tpu.memory_space<vmem>>, vector<16xi32>,
        tpu.vector_store %arg6[%swap3A_165, %swap3A_166], %select_n3A_164 {strides = array<i32>} : memref<56x128xi32, #tpu.memory_space<vmem>>, vector<16xi32>,
        %get3A_168 = arith.index_cast %scan3A_67 : i32 to index
        %get3A_169 = arith.constant 112 : index
        %get3A_170 = tpu.vector_load %arg5[%get3A_168, %get3A_169] {strides = array<i32>} : memref<56x128xi32, #tpu.memory_space<vmem>>, vector<16xi32>,
        %shift_right_logical3A_171 = arith.constant 14 : i32
        %shift_right_logical3A_172 = vector.broadcast %shift_right_logical3A_171 : i32 to vector<16xi32>
        %shift_right_logical3A_173 = arith.shrui %get3A_170, %shift_right_logical3A_172 : vector<16xi32>
        %and3A_174 = arith.andi %get3A_170, %broadcast_in_dim3A_5 : vector<16xi32>
        %swap3A_175 = arith.index_cast %scan3A_67 : i32 to index
        %swap3A_176 = arith.constant 112 : index
        %swap3A_177 = tpu.vector_load %arg5[%swap3A_175, %swap3A_176] {strides = array<i32>} : memref<56x128xi32, #tpu.memory_space<vmem>>, vector<16xi32>,
        tpu.vector_store %arg5[%swap3A_175, %swap3A_176], %shift_right_logical3A_173 {strides = array<i32>} : memref<56x128xi32, #tpu.memory_space<vmem>>, vector<16xi32>,
        %eq3A_178 = arith.cmpi eq, %shift_right_logical3A_173, %and3A_174 : vector<16xi32>
        %select_n3A_179 = arith.select %eq3A_178, %broadcast_in_dim3A_3, %and3A_174 : vector<16xi1>, vector<16xi32>
        %swap3A_180 = arith.index_cast %scan3A_67 : i32 to index
        %swap3A_181 = arith.constant 112 : index
        %swap3A_182 = tpu.vector_load %arg6[%swap3A_180, %swap3A_181] {strides = array<i32>} : memref<56x128xi32, #tpu.memory_space<vmem>>, vector<16xi32>,
        tpu.vector_store %arg6[%swap3A_180, %swap3A_181], %select_n3A_179 {strides = array<i32>} : memref<56x128xi32, #tpu.memory_space<vmem>>, vector<16xi32>,
      }
      %scan3A_60 = arith.constant 56 : i32
      %scan3A_61 = arith.constant 0 : i32
      %scan3A_62 = arith.constant 0 : i32
      %scan3A_63 = arith.constant 28 : i32
      %scan3A_64 = arith.addi %scan3A_62, %scan3A_63 : i32
      %scan3A_65 = arith.constant 1 : i32
      scf.for %scan3A_67 = %scan3A_62 to %scan3A_64 step %scan3A_65  : i32 {
        %mul3A_68 = arith.constant 2 : i32
        %mul3A_69 = arith.muli %mul3A_68, %scan3A_67 : i32
        %mul3A_70 = arith.constant 2 : i32
        %mul3A_71 = arith.muli %mul3A_70, %scan3A_67 : i32
        %add3A_72 = arith.constant 1 : i32
        %add3A_73 = arith.addi %mul3A_71, %add3A_72 : i32
        %dma_start3A = arith.constant 0 : i32
        %dma_start3A_74 = tpu.memref_slice %arg5[%mul3A_69, %dma_start3A] : memref<56x128xi32, #tpu.memory_space<vmem>> -> memref<1x128xi32, #tpu.memory_space<vmem>>
        %dma_start3A_75 = tpu.memref_squeeze %dma_start3A_74 : memref<1x128xi32, #tpu.memory_space<vmem>> -> memref<128xi32, #tpu.memory_space<vmem>>
        %dma_start3A_76 = arith.constant 0 : i32
        %dma_start3A_77 = arith.constant 0 : i32
        %dma_start3A_78 = tpu.memref_slice %arg2[%dma_start3A_76, %dma_start3A_77] : memref<10240x128xf32, #tpu.memory_space<hbm>> -> memref<10240x128xf32, #tpu.memory_space<hbm>>
        tpu.enqueue_indirect_dma source(%dma_start3A_78 : memref<10240x128xf32, #tpu.memory_space<hbm>>) target(%arg7 : memref<128x128xf32, #tpu.memory_space<vmem>>) offsets(%dma_start3A_75 : memref<128xi32, #tpu.memory_space<vmem>>) semaphore(%arg10 : memref<!tpu.dma_semaphore, #tpu.memory_space<semaphore_mem>>)
        %dma_start3A_79 = arith.constant 0 : i32
        %dma_start3A_80 = tpu.memref_slice %arg5[%add3A_73, %dma_start3A_79] : memref<56x128xi32, #tpu.memory_space<vmem>> -> memref<1x128xi32, #tpu.memory_space<vmem>>
        %dma_start3A_81 = tpu.memref_squeeze %dma_start3A_80 : memref<1x128xi32, #tpu.memory_space<vmem>> -> memref<128xi32, #tpu.memory_space<vmem>>
        %dma_start3A_82 = arith.constant 0 : i32
        %dma_start3A_83 = arith.constant 0 : i32
        %dma_start3A_84 = tpu.memref_slice %arg2[%dma_start3A_82, %dma_start3A_83] : memref<10240x128xf32, #tpu.memory_space<hbm>> -> memref<10240x128xf32, #tpu.memory_space<hbm>>
        tpu.enqueue_indirect_dma source(%dma_start3A_84 : memref<10240x128xf32, #tpu.memory_space<hbm>>) target(%arg8 : memref<128x128xf32, #tpu.memory_space<vmem>>) offsets(%dma_start3A_81 : memref<128xi32, #tpu.memory_space<vmem>>) semaphore(%arg11 : memref<!tpu.dma_semaphore, #tpu.memory_space<semaphore_mem>>)
        %dma_wait3A = arith.constant 0 : i32
        %dma_wait3A_85 = tpu.memref_slice %arg5[%mul3A_69, %dma_wait3A] : memref<56x128xi32, #tpu.memory_space<vmem>> -> memref<1x128xi32, #tpu.memory_space<vmem>>
        %dma_wait3A_86 = tpu.memref_squeeze %dma_wait3A_85 : memref<1x128xi32, #tpu.memory_space<vmem>> -> memref<128xi32, #tpu.memory_space<vmem>>
        %dma_wait3A_87 = arith.constant 0 : i32
        %dma_wait3A_88 = arith.constant 0 : i32
        %dma_wait3A_89 = tpu.memref_slice %arg2[%dma_wait3A_87, %dma_wait3A_88] : memref<10240x128xf32, #tpu.memory_space<hbm>> -> memref<10240x128xf32, #tpu.memory_space<hbm>>
        tpu.wait_indirect_dma semaphore(%arg10 : memref<!tpu.dma_semaphore, #tpu.memory_space<semaphore_mem>>) src(%dma_wait3A_89 : memref<10240x128xf32, #tpu.memory_space<hbm>>) dst(%arg7 : memref<128x128xf32, #tpu.memory_space<vmem>>)
        "tpu.region"() ({
          %run_scoped3A = tpu.sem_alloc : memref<!tpu.dma_semaphore, #tpu.memory_space<semaphore_mem>>
          %dma_start3A_96 = arith.constant 0 : i32
          %dma_start3A_97 = tpu.memref_slice %arg6[%mul3A_69, %dma_start3A_96] : memref<56x128xi32, #tpu.memory_space<vmem>> -> memref<1x128xi32, #tpu.memory_space<vmem>>
          %dma_start3A_98 = tpu.memref_squeeze %dma_start3A_97 : memref<1x128xi32, #tpu.memory_space<vmem>> -> memref<128xi32, #tpu.memory_space<vmem>>
          %dma_start3A_99 = arith.constant 0 : i32
          %dma_start3A_100 = arith.constant 0 : i32
          %dma_start3A_101 = tpu.memref_slice %arg9[%dma_start3A_99, %dma_start3A_100] : memref<10240x128xf32, #tpu.memory_space<vmem_shared>> -> memref<10240x128xf32, #tpu.memory_space<vmem_shared>>
          tpu.enqueue_indirect_dma source(%arg7 : memref<128x128xf32, #tpu.memory_space<vmem>>) target(%dma_start3A_101 : memref<10240x128xf32, #tpu.memory_space<vmem_shared>>) offsets(%dma_start3A_98 : memref<128xi32, #tpu.memory_space<vmem>>) semaphore(%run_scoped3A : memref<!tpu.dma_semaphore, #tpu.memory_space<semaphore_mem>>) {add = true}
          %dma_wait3A_102 = arith.constant 0 : i32
          %dma_wait3A_103 = tpu.memref_slice %arg6[%mul3A_69, %dma_wait3A_102] : memref<56x128xi32, #tpu.memory_space<vmem>> -> memref<1x128xi32, #tpu.memory_space<vmem>>
          %dma_wait3A_104 = tpu.memref_squeeze %dma_wait3A_103 : memref<1x128xi32, #tpu.memory_space<vmem>> -> memref<128xi32, #tpu.memory_space<vmem>>
          %dma_wait3A_105 = arith.constant 0 : i32
          %dma_wait3A_106 = arith.constant 0 : i32
          %dma_wait3A_107 = tpu.memref_slice %arg9[%dma_wait3A_105, %dma_wait3A_106] : memref<10240x128xf32, #tpu.memory_space<vmem_shared>> -> memref<10240x128xf32, #tpu.memory_space<vmem_shared>>
          tpu.wait_indirect_dma semaphore(%run_scoped3A : memref<!tpu.dma_semaphore, #tpu.memory_space<semaphore_mem>>) src(%arg7 : memref<128x128xf32, #tpu.memory_space<vmem>>) dst(%dma_wait3A_107 : memref<10240x128xf32, #tpu.memory_space<vmem_shared>>)
          tpu.yield
        }) : () -> ()
        %dma_wait3A_90 = arith.constant 0 : i32
        %dma_wait3A_91 = tpu.memref_slice %arg5[%add3A_73, %dma_wait3A_90] : memref<56x128xi32, #tpu.memory_space<vmem>> -> memref<1x128xi32, #tpu.memory_space<vmem>>
        %dma_wait3A_92 = tpu.memref_squeeze %dma_wait3A_91 : memref<1x128xi32, #tpu.memory_space<vmem>> -> memref<128xi32, #tpu.memory_space<vmem>>
        %dma_wait3A_93 = arith.constant 0 : i32
        %dma_wait3A_94 = arith.constant 0 : i32
        %dma_wait3A_95 = tpu.memref_slice %arg2[%dma_wait3A_93, %dma_wait3A_94] : memref<10240x128xf32, #tpu.memory_space<hbm>> -> memref<10240x128xf32, #tpu.memory_space<hbm>>
        tpu.wait_indirect_dma semaphore(%arg11 : memref<!tpu.dma_semaphore, #tpu.memory_space<semaphore_mem>>) src(%dma_wait3A_95 : memref<10240x128xf32, #tpu.memory_space<hbm>>) dst(%arg8 : memref<128x128xf32, #tpu.memory_space<vmem>>)
        "tpu.region"() ({
          %run_scoped3A = tpu.sem_alloc : memref<!tpu.dma_semaphore, #tpu.memory_space<semaphore_mem>>
          %dma_start3A_96 = arith.constant 0 : i32
          %dma_start3A_97 = tpu.memref_slice %arg6[%add3A_73, %dma_start3A_96] : memref<56x128xi32, #tpu.memory_space<vmem>> -> memref<1x128xi32, #tpu.memory_space<vmem>>
          %dma_start3A_98 = tpu.memref_squeeze %dma_start3A_97 : memref<1x128xi32, #tpu.memory_space<vmem>> -> memref<128xi32, #tpu.memory_space<vmem>>
          %dma_start3A_99 = arith.constant 0 : i32
          %dma_start3A_100 = arith.constant 0 : i32
          %dma_start3A_101 = tpu.memref_slice %arg9[%dma_start3A_99, %dma_start3A_100] : memref<10240x128xf32, #tpu.memory_space<vmem_shared>> -> memref<10240x128xf32, #tpu.memory_space<vmem_shared>>
          tpu.enqueue_indirect_dma source(%arg8 : memref<128x128xf32, #tpu.memory_space<vmem>>) target(%dma_start3A_101 : memref<10240x128xf32, #tpu.memory_space<vmem_shared>>) offsets(%dma_start3A_98 : memref<128xi32, #tpu.memory_space<vmem>>) semaphore(%run_scoped3A : memref<!tpu.dma_semaphore, #tpu.memory_space<semaphore_mem>>) {add = true}
          %dma_wait3A_102 = arith.constant 0 : i32
          %dma_wait3A_103 = tpu.memref_slice %arg6[%add3A_73, %dma_wait3A_102] : memref<56x128xi32, #tpu.memory_space<vmem>> -> memref<1x128xi32, #tpu.memory_space<vmem>>
          %dma_wait3A_104 = tpu.memref_squeeze %dma_wait3A_103 : memref<1x128xi32, #tpu.memory_space<vmem>> -> memref<128xi32, #tpu.memory_space<vmem>>
          %dma_wait3A_105 = arith.constant 0 : i32
          %dma_wait3A_106 = arith.constant 0 : i32
          %dma_wait3A_107 = tpu.memref_slice %arg9[%dma_wait3A_105, %dma_wait3A_106] : memref<10240x128xf32, #tpu.memory_space<vmem_shared>> -> memref<10240x128xf32, #tpu.memory_space<vmem_shared>>
          tpu.wait_indirect_dma semaphore(%run_scoped3A : memref<!tpu.dma_semaphore, #tpu.memory_space<semaphore_mem>>) src(%arg8 : memref<128x128xf32, #tpu.memory_space<vmem>>) dst(%dma_wait3A_107 : memref<10240x128xf32, #tpu.memory_space<vmem_shared>>)
          tpu.yield
        }) : () -> ()
      }
      %scan3A_66 = arith.constant 28 : i32
    } else {
    }
    %eq3A_33 = arith.constant 1 : i32
    %eq3A_34 = arith.cmpi eq, %arg0, %eq3A_33 : i32
    %convert_element_type3A_35 = arith.extui %eq3A_34 : i1 to i32
    %cond3A_36 = arith.constant 0 : i32
    %cond3A_37 = arith.cmpi ne, %convert_element_type3A_35, %cond3A_36 : i32
    scf.if %cond3A_37 {
      "tpu.region"() ({
        %run_scoped3A = tpu.sem_alloc : memref<!tpu.dma_semaphore, #tpu.memory_space<semaphore_mem>>
        %dma_start3A = arith.constant 0 : i32
        %dma_start3A_67 = arith.constant 0 : i32
        %dma_start3A_68 = tpu.memref_slice %arg5[%dma_start3A, %dma_start3A_67] : memref<56x128xi32, #tpu.memory_space<vmem>> -> memref<24x128xi32, #tpu.memory_space<vmem>>
        %dma_start3A_69 = arith.constant 0 : i32
        %dma_start3A_70 = arith.constant 0 : i32
        %dma_start3A_71 = tpu.memref_slice %arg3[%add3A, %dma_start3A_69, %dma_start3A_70] : memref<32x112x128xi32, #tpu.memory_space<hbm>> -> memref<1x112x128xi32, #tpu.memory_space<hbm>>
        %dma_start3A_72 = tpu.memref_squeeze %dma_start3A_71 : memref<1x112x128xi32, #tpu.memory_space<hbm>> -> memref<112x128xi32, #tpu.memory_space<hbm>>
        %dma_start3A_73 = arith.constant 0 : i32
        %dma_start3A_74 = arith.constant 0 : i32
        %dma_start3A_75 = tpu.memref_slice %dma_start3A_72[%dma_start3A_73, %dma_start3A_74] : memref<112x128xi32, #tpu.memory_space<hbm>> -> memref<24x128xi32, #tpu.memory_space<hbm>>
        %dma_start3A_76 = arith.constant 0 : i32
        %dma_start3A_77 = arith.constant 0 : i32
        %dma_start3A_78 = tpu.memref_slice %arg5[%dma_start3A_76, %dma_start3A_77] : memref<56x128xi32, #tpu.memory_space<vmem>> -> memref<24x128xi32, #tpu.memory_space<vmem>>
        %dma_start3A_79 = arith.constant 0 : i32
        %dma_start3A_80 = arith.constant 0 : i32
        %dma_start3A_81 = tpu.memref_slice %arg3[%add3A, %dma_start3A_79, %dma_start3A_80] : memref<32x112x128xi32, #tpu.memory_space<hbm>> -> memref<1x112x128xi32, #tpu.memory_space<hbm>>
        %dma_start3A_82 = tpu.memref_squeeze %dma_start3A_81 : memref<1x112x128xi32, #tpu.memory_space<hbm>> -> memref<112x128xi32, #tpu.memory_space<hbm>>
        %dma_start3A_83 = arith.constant 0 : i32
        %dma_start3A_84 = arith.constant 0 : i32
        %dma_start3A_85 = tpu.memref_slice %dma_start3A_82[%dma_start3A_83, %dma_start3A_84] : memref<112x128xi32, #tpu.memory_space<hbm>> -> memref<24x128xi32, #tpu.memory_space<hbm>>
        tpu.enqueue_dma source(%dma_start3A_85 : memref<24x128xi32, #tpu.memory_space<hbm>>) target(%dma_start3A_78 : memref<24x128xi32, #tpu.memory_space<vmem>>) target_semaphore(%run_scoped3A : memref<!tpu.dma_semaphore, #tpu.memory_space<semaphore_mem>>)
        %dma_wait3A = arith.constant 0 : i32
        %dma_wait3A_86 = arith.constant 0 : i32
        %dma_wait3A_87 = tpu.memref_slice %arg5[%dma_wait3A, %dma_wait3A_86] : memref<56x128xi32, #tpu.memory_space<vmem>> -> memref<24x128xi32, #tpu.memory_space<vmem>>
        %dma_wait3A_88 = arith.constant 0 : i32
        %dma_wait3A_89 = arith.constant 0 : i32
        %dma_wait3A_90 = tpu.memref_slice %arg3[%add3A, %dma_wait3A_88, %dma_wait3A_89] : memref<32x112x128xi32, #tpu.memory_space<hbm>> -> memref<1x112x128xi32, #tpu.memory_space<hbm>>
        %dma_wait3A_91 = tpu.memref_squeeze %dma_wait3A_90 : memref<1x112x128xi32, #tpu.memory_space<hbm>> -> memref<112x128xi32, #tpu.memory_space<hbm>>
        %dma_wait3A_92 = arith.constant 0 : i32
        %dma_wait3A_93 = arith.constant 0 : i32
        %dma_wait3A_94 = tpu.memref_slice %dma_wait3A_91[%dma_wait3A_92, %dma_wait3A_93] : memref<112x128xi32, #tpu.memory_space<hbm>> -> memref<24x128xi32, #tpu.memory_space<hbm>>
        %dma_wait3A_95 = arith.constant 0 : i32
        %dma_wait3A_96 = arith.constant 0 : i32
        %dma_wait3A_97 = tpu.memref_slice %arg5[%dma_wait3A_95, %dma_wait3A_96] : memref<56x128xi32, #tpu.memory_space<vmem>> -> memref<24x128xi32, #tpu.memory_space<vmem>>
        %dma_wait3A_98 = arith.constant 0 : i32
        %dma_wait3A_99 = arith.constant 0 : i32
        %dma_wait3A_100 = tpu.memref_slice %arg3[%add3A, %dma_wait3A_98, %dma_wait3A_99] : memref<32x112x128xi32, #tpu.memory_space<hbm>> -> memref<1x112x128xi32, #tpu.memory_space<hbm>>
        %dma_wait3A_101 = tpu.memref_squeeze %dma_wait3A_100 : memref<1x112x128xi32, #tpu.memory_space<hbm>> -> memref<112x128xi32, #tpu.memory_space<hbm>>
        %dma_wait3A_102 = arith.constant 0 : i32
        %dma_wait3A_103 = arith.constant 0 : i32
        %dma_wait3A_104 = tpu.memref_slice %dma_wait3A_101[%dma_wait3A_102, %dma_wait3A_103] : memref<112x128xi32, #tpu.memory_space<hbm>> -> memref<24x128xi32, #tpu.memory_space<hbm>>
        tpu.wait_dma2 semaphore(%run_scoped3A : memref<!tpu.dma_semaphore, #tpu.memory_space<semaphore_mem>>) src(%dma_wait3A_104 : memref<24x128xi32, #tpu.memory_space<hbm>>) dst(%dma_wait3A_97 : memref<24x128xi32, #tpu.memory_space<vmem>>)
        tpu.yield
      }) : () -> ()
      %scan3A_43 = arith.constant 0 : i32
      %scan3A_44 = arith.constant 0 : i32
      %scan3A_45 = arith.constant 24 : i32
      %scan3A_46 = arith.addi %scan3A_44, %scan3A_45 : i32
      %scan3A_47 = arith.constant 1 : i32
      scf.for %scan3A_67 = %scan3A_44 to %scan3A_46 step %scan3A_47  : i32 {
        %get3A = arith.index_cast %scan3A_67 : i32 to index
        %get3A_68 = arith.constant 0 : index
        %get3A_69 = tpu.vector_load %arg5[%get3A, %get3A_68] {strides = array<i32>} : memref<56x128xi32, #tpu.memory_space<vmem>>, vector<16xi32>,
        %shift_right_logical3A = arith.constant 14 : i32
        %shift_right_logical3A_70 = vector.broadcast %shift_right_logical3A : i32 to vector<16xi32>
        %shift_right_logical3A_71 = arith.shrui %get3A_69, %shift_right_logical3A_70 : vector<16xi32>
        %and3A = arith.andi %get3A_69, %broadcast_in_dim3A_5 : vector<16xi32>
        %swap3A = arith.index_cast %scan3A_67 : i32 to index
        %swap3A_72 = arith.constant 0 : index
        %swap3A_73 = tpu.vector_load %arg5[%swap3A, %swap3A_72] {strides = array<i32>} : memref<56x128xi32, #tpu.memory_space<vmem>>, vector<16xi32>,
        tpu.vector_store %arg5[%swap3A, %swap3A_72], %shift_right_logical3A_71 {strides = array<i32>} : memref<56x128xi32, #tpu.memory_space<vmem>>, vector<16xi32>,
        %eq3A_74 = arith.cmpi eq, %shift_right_logical3A_71, %and3A : vector<16xi32>
        %select_n3A = arith.select %eq3A_74, %broadcast_in_dim3A_3, %and3A : vector<16xi1>, vector<16xi32>
        %swap3A_75 = arith.index_cast %scan3A_67 : i32 to index
        %swap3A_76 = arith.constant 0 : index
        %swap3A_77 = tpu.vector_load %arg6[%swap3A_75, %swap3A_76] {strides = array<i32>} : memref<56x128xi32, #tpu.memory_space<vmem>>, vector<16xi32>,
        tpu.vector_store %arg6[%swap3A_75, %swap3A_76], %select_n3A {strides = array<i32>} : memref<56x128xi32, #tpu.memory_space<vmem>>, vector<16xi32>,
        %get3A_78 = arith.index_cast %scan3A_67 : i32 to index
        %get3A_79 = arith.constant 16 : index
        %get3A_80 = tpu.vector_load %arg5[%get3A_78, %get3A_79] {strides = array<i32>} : memref<56x128xi32, #tpu.memory_space<vmem>>, vector<16xi32>,
        %shift_right_logical3A_81 = arith.constant 14 : i32
        %shift_right_logical3A_82 = vector.broadcast %shift_right_logical3A_81 : i32 to vector<16xi32>
        %shift_right_logical3A_83 = arith.shrui %get3A_80, %shift_right_logical3A_82 : vector<16xi32>
        %and3A_84 = arith.andi %get3A_80, %broadcast_in_dim3A_5 : vector<16xi32>
        %swap3A_85 = arith.index_cast %scan3A_67 : i32 to index
        %swap3A_86 = arith.constant 16 : index
        %swap3A_87 = tpu.vector_load %arg5[%swap3A_85, %swap3A_86] {strides = array<i32>} : memref<56x128xi32, #tpu.memory_space<vmem>>, vector<16xi32>,
        tpu.vector_store %arg5[%swap3A_85, %swap3A_86], %shift_right_logical3A_83 {strides = array<i32>} : memref<56x128xi32, #tpu.memory_space<vmem>>, vector<16xi32>,
        %eq3A_88 = arith.cmpi eq, %shift_right_logical3A_83, %and3A_84 : vector<16xi32>
        %select_n3A_89 = arith.select %eq3A_88, %broadcast_in_dim3A_3, %and3A_84 : vector<16xi1>, vector<16xi32>
        %swap3A_90 = arith.index_cast %scan3A_67 : i32 to index
        %swap3A_91 = arith.constant 16 : index
        %swap3A_92 = tpu.vector_load %arg6[%swap3A_90, %swap3A_91] {strides = array<i32>} : memref<56x128xi32, #tpu.memory_space<vmem>>, vector<16xi32>,
        tpu.vector_store %arg6[%swap3A_90, %swap3A_91], %select_n3A_89 {strides = array<i32>} : memref<56x128xi32, #tpu.memory_space<vmem>>, vector<16xi32>,
        %get3A_93 = arith.index_cast %scan3A_67 : i32 to index
        %get3A_94 = arith.constant 32 : index
        %get3A_95 = tpu.vector_load %arg5[%get3A_93, %get3A_94] {strides = array<i32>} : memref<56x128xi32, #tpu.memory_space<vmem>>, vector<16xi32>,
        %shift_right_logical3A_96 = arith.constant 14 : i32
        %shift_right_logical3A_97 = vector.broadcast %shift_right_logical3A_96 : i32 to vector<16xi32>
        %shift_right_logical3A_98 = arith.shrui %get3A_95, %shift_right_logical3A_97 : vector<16xi32>
        %and3A_99 = arith.andi %get3A_95, %broadcast_in_dim3A_5 : vector<16xi32>
        %swap3A_100 = arith.index_cast %scan3A_67 : i32 to index
        %swap3A_101 = arith.constant 32 : index
        %swap3A_102 = tpu.vector_load %arg5[%swap3A_100, %swap3A_101] {strides = array<i32>} : memref<56x128xi32, #tpu.memory_space<vmem>>, vector<16xi32>,
        tpu.vector_store %arg5[%swap3A_100, %swap3A_101], %shift_right_logical3A_98 {strides = array<i32>} : memref<56x128xi32, #tpu.memory_space<vmem>>, vector<16xi32>,
        %eq3A_103 = arith.cmpi eq, %shift_right_logical3A_98, %and3A_99 : vector<16xi32>
        %select_n3A_104 = arith.select %eq3A_103, %broadcast_in_dim3A_3, %and3A_99 : vector<16xi1>, vector<16xi32>
        %swap3A_105 = arith.index_cast %scan3A_67 : i32 to index
        %swap3A_106 = arith.constant 32 : index
        %swap3A_107 = tpu.vector_load %arg6[%swap3A_105, %swap3A_106] {strides = array<i32>} : memref<56x128xi32, #tpu.memory_space<vmem>>, vector<16xi32>,
        tpu.vector_store %arg6[%swap3A_105, %swap3A_106], %select_n3A_104 {strides = array<i32>} : memref<56x128xi32, #tpu.memory_space<vmem>>, vector<16xi32>,
        %get3A_108 = arith.index_cast %scan3A_67 : i32 to index
        %get3A_109 = arith.constant 48 : index
        %get3A_110 = tpu.vector_load %arg5[%get3A_108, %get3A_109] {strides = array<i32>} : memref<56x128xi32, #tpu.memory_space<vmem>>, vector<16xi32>,
        %shift_right_logical3A_111 = arith.constant 14 : i32
        %shift_right_logical3A_112 = vector.broadcast %shift_right_logical3A_111 : i32 to vector<16xi32>
        %shift_right_logical3A_113 = arith.shrui %get3A_110, %shift_right_logical3A_112 : vector<16xi32>
        %and3A_114 = arith.andi %get3A_110, %broadcast_in_dim3A_5 : vector<16xi32>
        %swap3A_115 = arith.index_cast %scan3A_67 : i32 to index
        %swap3A_116 = arith.constant 48 : index
        %swap3A_117 = tpu.vector_load %arg5[%swap3A_115, %swap3A_116] {strides = array<i32>} : memref<56x128xi32, #tpu.memory_space<vmem>>, vector<16xi32>,
        tpu.vector_store %arg5[%swap3A_115, %swap3A_116], %shift_right_logical3A_113 {strides = array<i32>} : memref<56x128xi32, #tpu.memory_space<vmem>>, vector<16xi32>,
        %eq3A_118 = arith.cmpi eq, %shift_right_logical3A_113, %and3A_114 : vector<16xi32>
        %select_n3A_119 = arith.select %eq3A_118, %broadcast_in_dim3A_3, %and3A_114 : vector<16xi1>, vector<16xi32>
        %swap3A_120 = arith.index_cast %scan3A_67 : i32 to index
        %swap3A_121 = arith.constant 48 : index
        %swap3A_122 = tpu.vector_load %arg6[%swap3A_120, %swap3A_121] {strides = array<i32>} : memref<56x128xi32, #tpu.memory_space<vmem>>, vector<16xi32>,
        tpu.vector_store %arg6[%swap3A_120, %swap3A_121], %select_n3A_119 {strides = array<i32>} : memref<56x128xi32, #tpu.memory_space<vmem>>, vector<16xi32>,
        %get3A_123 = arith.index_cast %scan3A_67 : i32 to index
        %get3A_124 = arith.constant 64 : index
        %get3A_125 = tpu.vector_load %arg5[%get3A_123, %get3A_124] {strides = array<i32>} : memref<56x128xi32, #tpu.memory_space<vmem>>, vector<16xi32>,
        %shift_right_logical3A_126 = arith.constant 14 : i32
        %shift_right_logical3A_127 = vector.broadcast %shift_right_logical3A_126 : i32 to vector<16xi32>
        %shift_right_logical3A_128 = arith.shrui %get3A_125, %shift_right_logical3A_127 : vector<16xi32>
        %and3A_129 = arith.andi %get3A_125, %broadcast_in_dim3A_5 : vector<16xi32>
        %swap3A_130 = arith.index_cast %scan3A_67 : i32 to index
        %swap3A_131 = arith.constant 64 : index
        %swap3A_132 = tpu.vector_load %arg5[%swap3A_130, %swap3A_131] {strides = array<i32>} : memref<56x128xi32, #tpu.memory_space<vmem>>, vector<16xi32>,
        tpu.vector_store %arg5[%swap3A_130, %swap3A_131], %shift_right_logical3A_128 {strides = array<i32>} : memref<56x128xi32, #tpu.memory_space<vmem>>, vector<16xi32>,
        %eq3A_133 = arith.cmpi eq, %shift_right_logical3A_128, %and3A_129 : vector<16xi32>
        %select_n3A_134 = arith.select %eq3A_133, %broadcast_in_dim3A_3, %and3A_129 : vector<16xi1>, vector<16xi32>
        %swap3A_135 = arith.index_cast %scan3A_67 : i32 to index
        %swap3A_136 = arith.constant 64 : index
        %swap3A_137 = tpu.vector_load %arg6[%swap3A_135, %swap3A_136] {strides = array<i32>} : memref<56x128xi32, #tpu.memory_space<vmem>>, vector<16xi32>,
        tpu.vector_store %arg6[%swap3A_135, %swap3A_136], %select_n3A_134 {strides = array<i32>} : memref<56x128xi32, #tpu.memory_space<vmem>>, vector<16xi32>,
        %get3A_138 = arith.index_cast %scan3A_67 : i32 to index
        %get3A_139 = arith.constant 80 : index
        %get3A_140 = tpu.vector_load %arg5[%get3A_138, %get3A_139] {strides = array<i32>} : memref<56x128xi32, #tpu.memory_space<vmem>>, vector<16xi32>,
        %shift_right_logical3A_141 = arith.constant 14 : i32
        %shift_right_logical3A_142 = vector.broadcast %shift_right_logical3A_141 : i32 to vector<16xi32>
        %shift_right_logical3A_143 = arith.shrui %get3A_140, %shift_right_logical3A_142 : vector<16xi32>
        %and3A_144 = arith.andi %get3A_140, %broadcast_in_dim3A_5 : vector<16xi32>
        %swap3A_145 = arith.index_cast %scan3A_67 : i32 to index
        %swap3A_146 = arith.constant 80 : index
        %swap3A_147 = tpu.vector_load %arg5[%swap3A_145, %swap3A_146] {strides = array<i32>} : memref<56x128xi32, #tpu.memory_space<vmem>>, vector<16xi32>,
        tpu.vector_store %arg5[%swap3A_145, %swap3A_146], %shift_right_logical3A_143 {strides = array<i32>} : memref<56x128xi32, #tpu.memory_space<vmem>>, vector<16xi32>,
        %eq3A_148 = arith.cmpi eq, %shift_right_logical3A_143, %and3A_144 : vector<16xi32>
        %select_n3A_149 = arith.select %eq3A_148, %broadcast_in_dim3A_3, %and3A_144 : vector<16xi1>, vector<16xi32>
        %swap3A_150 = arith.index_cast %scan3A_67 : i32 to index
        %swap3A_151 = arith.constant 80 : index
        %swap3A_152 = tpu.vector_load %arg6[%swap3A_150, %swap3A_151] {strides = array<i32>} : memref<56x128xi32, #tpu.memory_space<vmem>>, vector<16xi32>,
        tpu.vector_store %arg6[%swap3A_150, %swap3A_151], %select_n3A_149 {strides = array<i32>} : memref<56x128xi32, #tpu.memory_space<vmem>>, vector<16xi32>,
        %get3A_153 = arith.index_cast %scan3A_67 : i32 to index
        %get3A_154 = arith.constant 96 : index
        %get3A_155 = tpu.vector_load %arg5[%get3A_153, %get3A_154] {strides = array<i32>} : memref<56x128xi32, #tpu.memory_space<vmem>>, vector<16xi32>,
        %shift_right_logical3A_156 = arith.constant 14 : i32
        %shift_right_logical3A_157 = vector.broadcast %shift_right_logical3A_156 : i32 to vector<16xi32>
        %shift_right_logical3A_158 = arith.shrui %get3A_155, %shift_right_logical3A_157 : vector<16xi32>
        %and3A_159 = arith.andi %get3A_155, %broadcast_in_dim3A_5 : vector<16xi32>
        %swap3A_160 = arith.index_cast %scan3A_67 : i32 to index
        %swap3A_161 = arith.constant 96 : index
        %swap3A_162 = tpu.vector_load %arg5[%swap3A_160, %swap3A_161] {strides = array<i32>} : memref<56x128xi32, #tpu.memory_space<vmem>>, vector<16xi32>,
        tpu.vector_store %arg5[%swap3A_160, %swap3A_161], %shift_right_logical3A_158 {strides = array<i32>} : memref<56x128xi32, #tpu.memory_space<vmem>>, vector<16xi32>,
        %eq3A_163 = arith.cmpi eq, %shift_right_logical3A_158, %and3A_159 : vector<16xi32>
        %select_n3A_164 = arith.select %eq3A_163, %broadcast_in_dim3A_3, %and3A_159 : vector<16xi1>, vector<16xi32>
        %swap3A_165 = arith.index_cast %scan3A_67 : i32 to index
        %swap3A_166 = arith.constant 96 : index
        %swap3A_167 = tpu.vector_load %arg6[%swap3A_165, %swap3A_166] {strides = array<i32>} : memref<56x128xi32, #tpu.memory_space<vmem>>, vector<16xi32>,
        tpu.vector_store %arg6[%swap3A_165, %swap3A_166], %select_n3A_164 {strides = array<i32>} : memref<56x128xi32, #tpu.memory_space<vmem>>, vector<16xi32>,
        %get3A_168 = arith.index_cast %scan3A_67 : i32 to index
        %get3A_169 = arith.constant 112 : index
        %get3A_170 = tpu.vector_load %arg5[%get3A_168, %get3A_169] {strides = array<i32>} : memref<56x128xi32, #tpu.memory_space<vmem>>, vector<16xi32>,
        %shift_right_logical3A_171 = arith.constant 14 : i32
        %shift_right_logical3A_172 = vector.broadcast %shift_right_logical3A_171 : i32 to vector<16xi32>
        %shift_right_logical3A_173 = arith.shrui %get3A_170, %shift_right_logical3A_172 : vector<16xi32>
        %and3A_174 = arith.andi %get3A_170, %broadcast_in_dim3A_5 : vector<16xi32>
        %swap3A_175 = arith.index_cast %scan3A_67 : i32 to index
        %swap3A_176 = arith.constant 112 : index
        %swap3A_177 = tpu.vector_load %arg5[%swap3A_175, %swap3A_176] {strides = array<i32>} : memref<56x128xi32, #tpu.memory_space<vmem>>, vector<16xi32>,
        tpu.vector_store %arg5[%swap3A_175, %swap3A_176], %shift_right_logical3A_173 {strides = array<i32>} : memref<56x128xi32, #tpu.memory_space<vmem>>, vector<16xi32>,
        %eq3A_178 = arith.cmpi eq, %shift_right_logical3A_173, %and3A_174 : vector<16xi32>
        %select_n3A_179 = arith.select %eq3A_178, %broadcast_in_dim3A_3, %and3A_174 : vector<16xi1>, vector<16xi32>
        %swap3A_180 = arith.index_cast %scan3A_67 : i32 to index
        %swap3A_181 = arith.constant 112 : index
        %swap3A_182 = tpu.vector_load %arg6[%swap3A_180, %swap3A_181] {strides = array<i32>} : memref<56x128xi32, #tpu.memory_space<vmem>>, vector<16xi32>,
        tpu.vector_store %arg6[%swap3A_180, %swap3A_181], %select_n3A_179 {strides = array<i32>} : memref<56x128xi32, #tpu.memory_space<vmem>>, vector<16xi32>,
      }
      %scan3A_48 = arith.constant 24 : i32
      %scan3A_49 = arith.constant 0 : i32
      %scan3A_50 = arith.constant 0 : i32
      %scan3A_51 = arith.constant 12 : i32
      %scan3A_52 = arith.addi %scan3A_50, %scan3A_51 : i32
      %scan3A_53 = arith.constant 1 : i32
      scf.for %scan3A_67 = %scan3A_50 to %scan3A_52 step %scan3A_53  : i32 {
        %mul3A_68 = arith.constant 2 : i32
        %mul3A_69 = arith.muli %mul3A_68, %scan3A_67 : i32
        %mul3A_70 = arith.constant 2 : i32
        %mul3A_71 = arith.muli %mul3A_70, %scan3A_67 : i32
        %add3A_72 = arith.constant 1 : i32
        %add3A_73 = arith.addi %mul3A_71, %add3A_72 : i32
        %dma_start3A = arith.constant 0 : i32
        %dma_start3A_74 = tpu.memref_slice %arg5[%mul3A_69, %dma_start3A] : memref<56x128xi32, #tpu.memory_space<vmem>> -> memref<1x128xi32, #tpu.memory_space<vmem>>
        %dma_start3A_75 = tpu.memref_squeeze %dma_start3A_74 : memref<1x128xi32, #tpu.memory_space<vmem>> -> memref<128xi32, #tpu.memory_space<vmem>>
        %dma_start3A_76 = arith.constant 0 : i32
        %dma_start3A_77 = arith.constant 0 : i32
        %dma_start3A_78 = tpu.memref_slice %arg2[%dma_start3A_76, %dma_start3A_77] : memref<10240x128xf32, #tpu.memory_space<hbm>> -> memref<10240x128xf32, #tpu.memory_space<hbm>>
        tpu.enqueue_indirect_dma source(%dma_start3A_78 : memref<10240x128xf32, #tpu.memory_space<hbm>>) target(%arg7 : memref<128x128xf32, #tpu.memory_space<vmem>>) offsets(%dma_start3A_75 : memref<128xi32, #tpu.memory_space<vmem>>) semaphore(%arg10 : memref<!tpu.dma_semaphore, #tpu.memory_space<semaphore_mem>>)
        %dma_start3A_79 = arith.constant 0 : i32
        %dma_start3A_80 = tpu.memref_slice %arg5[%add3A_73, %dma_start3A_79] : memref<56x128xi32, #tpu.memory_space<vmem>> -> memref<1x128xi32, #tpu.memory_space<vmem>>
        %dma_start3A_81 = tpu.memref_squeeze %dma_start3A_80 : memref<1x128xi32, #tpu.memory_space<vmem>> -> memref<128xi32, #tpu.memory_space<vmem>>
        %dma_start3A_82 = arith.constant 0 : i32
        %dma_start3A_83 = arith.constant 0 : i32
        %dma_start3A_84 = tpu.memref_slice %arg2[%dma_start3A_82, %dma_start3A_83] : memref<10240x128xf32, #tpu.memory_space<hbm>> -> memref<10240x128xf32, #tpu.memory_space<hbm>>
        tpu.enqueue_indirect_dma source(%dma_start3A_84 : memref<10240x128xf32, #tpu.memory_space<hbm>>) target(%arg8 : memref<128x128xf32, #tpu.memory_space<vmem>>) offsets(%dma_start3A_81 : memref<128xi32, #tpu.memory_space<vmem>>) semaphore(%arg11 : memref<!tpu.dma_semaphore, #tpu.memory_space<semaphore_mem>>)
        %dma_wait3A = arith.constant 0 : i32
        %dma_wait3A_85 = tpu.memref_slice %arg5[%mul3A_69, %dma_wait3A] : memref<56x128xi32, #tpu.memory_space<vmem>> -> memref<1x128xi32, #tpu.memory_space<vmem>>
        %dma_wait3A_86 = tpu.memref_squeeze %dma_wait3A_85 : memref<1x128xi32, #tpu.memory_space<vmem>> -> memref<128xi32, #tpu.memory_space<vmem>>
        %dma_wait3A_87 = arith.constant 0 : i32
        %dma_wait3A_88 = arith.constant 0 : i32
        %dma_wait3A_89 = tpu.memref_slice %arg2[%dma_wait3A_87, %dma_wait3A_88] : memref<10240x128xf32, #tpu.memory_space<hbm>> -> memref<10240x128xf32, #tpu.memory_space<hbm>>
        tpu.wait_indirect_dma semaphore(%arg10 : memref<!tpu.dma_semaphore, #tpu.memory_space<semaphore_mem>>) src(%dma_wait3A_89 : memref<10240x128xf32, #tpu.memory_space<hbm>>) dst(%arg7 : memref<128x128xf32, #tpu.memory_space<vmem>>)
        "tpu.region"() ({
          %run_scoped3A = tpu.sem_alloc : memref<!tpu.dma_semaphore, #tpu.memory_space<semaphore_mem>>
          %dma_start3A_96 = arith.constant 0 : i32
          %dma_start3A_97 = tpu.memref_slice %arg6[%mul3A_69, %dma_start3A_96] : memref<56x128xi32, #tpu.memory_space<vmem>> -> memref<1x128xi32, #tpu.memory_space<vmem>>
          %dma_start3A_98 = tpu.memref_squeeze %dma_start3A_97 : memref<1x128xi32, #tpu.memory_space<vmem>> -> memref<128xi32, #tpu.memory_space<vmem>>
          %dma_start3A_99 = arith.constant 0 : i32
          %dma_start3A_100 = arith.constant 0 : i32
          %dma_start3A_101 = tpu.memref_slice %arg9[%dma_start3A_99, %dma_start3A_100] : memref<10240x128xf32, #tpu.memory_space<vmem_shared>> -> memref<10240x128xf32, #tpu.memory_space<vmem_shared>>
          tpu.enqueue_indirect_dma source(%arg7 : memref<128x128xf32, #tpu.memory_space<vmem>>) target(%dma_start3A_101 : memref<10240x128xf32, #tpu.memory_space<vmem_shared>>) offsets(%dma_start3A_98 : memref<128xi32, #tpu.memory_space<vmem>>) semaphore(%run_scoped3A : memref<!tpu.dma_semaphore, #tpu.memory_space<semaphore_mem>>) {add = true}
          %dma_wait3A_102 = arith.constant 0 : i32
          %dma_wait3A_103 = tpu.memref_slice %arg6[%mul3A_69, %dma_wait3A_102] : memref<56x128xi32, #tpu.memory_space<vmem>> -> memref<1x128xi32, #tpu.memory_space<vmem>>
          %dma_wait3A_104 = tpu.memref_squeeze %dma_wait3A_103 : memref<1x128xi32, #tpu.memory_space<vmem>> -> memref<128xi32, #tpu.memory_space<vmem>>
          %dma_wait3A_105 = arith.constant 0 : i32
          %dma_wait3A_106 = arith.constant 0 : i32
          %dma_wait3A_107 = tpu.memref_slice %arg9[%dma_wait3A_105, %dma_wait3A_106] : memref<10240x128xf32, #tpu.memory_space<vmem_shared>> -> memref<10240x128xf32, #tpu.memory_space<vmem_shared>>
          tpu.wait_indirect_dma semaphore(%run_scoped3A : memref<!tpu.dma_semaphore, #tpu.memory_space<semaphore_mem>>) src(%arg7 : memref<128x128xf32, #tpu.memory_space<vmem>>) dst(%dma_wait3A_107 : memref<10240x128xf32, #tpu.memory_space<vmem_shared>>)
          tpu.yield
        }) : () -> ()
        %dma_wait3A_90 = arith.constant 0 : i32
        %dma_wait3A_91 = tpu.memref_slice %arg5[%add3A_73, %dma_wait3A_90] : memref<56x128xi32, #tpu.memory_space<vmem>> -> memref<1x128xi32, #tpu.memory_space<vmem>>
        %dma_wait3A_92 = tpu.memref_squeeze %dma_wait3A_91 : memref<1x128xi32, #tpu.memory_space<vmem>> -> memref<128xi32, #tpu.memory_space<vmem>>
        %dma_wait3A_93 = arith.constant 0 : i32
        %dma_wait3A_94 = arith.constant 0 : i32
        %dma_wait3A_95 = tpu.memref_slice %arg2[%dma_wait3A_93, %dma_wait3A_94] : memref<10240x128xf32, #tpu.memory_space<hbm>> -> memref<10240x128xf32, #tpu.memory_space<hbm>>
        tpu.wait_indirect_dma semaphore(%arg11 : memref<!tpu.dma_semaphore, #tpu.memory_space<semaphore_mem>>) src(%dma_wait3A_95 : memref<10240x128xf32, #tpu.memory_space<hbm>>) dst(%arg8 : memref<128x128xf32, #tpu.memory_space<vmem>>)
        "tpu.region"() ({
          %run_scoped3A = tpu.sem_alloc : memref<!tpu.dma_semaphore, #tpu.memory_space<semaphore_mem>>
          %dma_start3A_96 = arith.constant 0 : i32
          %dma_start3A_97 = tpu.memref_slice %arg6[%add3A_73, %dma_start3A_96] : memref<56x128xi32, #tpu.memory_space<vmem>> -> memref<1x128xi32, #tpu.memory_space<vmem>>
          %dma_start3A_98 = tpu.memref_squeeze %dma_start3A_97 : memref<1x128xi32, #tpu.memory_space<vmem>> -> memref<128xi32, #tpu.memory_space<vmem>>
          %dma_start3A_99 = arith.constant 0 : i32
          %dma_start3A_100 = arith.constant 0 : i32
          %dma_start3A_101 = tpu.memref_slice %arg9[%dma_start3A_99, %dma_start3A_100] : memref<10240x128xf32, #tpu.memory_space<vmem_shared>> -> memref<10240x128xf32, #tpu.memory_space<vmem_shared>>
          tpu.enqueue_indirect_dma source(%arg8 : memref<128x128xf32, #tpu.memory_space<vmem>>) target(%dma_start3A_101 : memref<10240x128xf32, #tpu.memory_space<vmem_shared>>) offsets(%dma_start3A_98 : memref<128xi32, #tpu.memory_space<vmem>>) semaphore(%run_scoped3A : memref<!tpu.dma_semaphore, #tpu.memory_space<semaphore_mem>>) {add = true}
          %dma_wait3A_102 = arith.constant 0 : i32
          %dma_wait3A_103 = tpu.memref_slice %arg6[%add3A_73, %dma_wait3A_102] : memref<56x128xi32, #tpu.memory_space<vmem>> -> memref<1x128xi32, #tpu.memory_space<vmem>>
          %dma_wait3A_104 = tpu.memref_squeeze %dma_wait3A_103 : memref<1x128xi32, #tpu.memory_space<vmem>> -> memref<128xi32, #tpu.memory_space<vmem>>
          %dma_wait3A_105 = arith.constant 0 : i32
          %dma_wait3A_106 = arith.constant 0 : i32
          %dma_wait3A_107 = tpu.memref_slice %arg9[%dma_wait3A_105, %dma_wait3A_106] : memref<10240x128xf32, #tpu.memory_space<vmem_shared>> -> memref<10240x128xf32, #tpu.memory_space<vmem_shared>>
          tpu.wait_indirect_dma semaphore(%run_scoped3A : memref<!tpu.dma_semaphore, #tpu.memory_space<semaphore_mem>>) src(%arg8 : memref<128x128xf32, #tpu.memory_space<vmem>>) dst(%dma_wait3A_107 : memref<10240x128xf32, #tpu.memory_space<vmem_shared>>)
          tpu.yield
        }) : () -> ()
      }
      %scan3A_54 = arith.constant 12 : i32
      "tpu.region"() ({
        %run_scoped3A = tpu.sem_alloc : memref<!tpu.dma_semaphore, #tpu.memory_space<semaphore_mem>>
        %dma_start3A = arith.constant 0 : i32
        %dma_start3A_67 = arith.constant 0 : i32
        %dma_start3A_68 = tpu.memref_slice %arg5[%dma_start3A, %dma_start3A_67] : memref<56x128xi32, #tpu.memory_space<vmem>> -> memref<24x128xi32, #tpu.memory_space<vmem>>
        %dma_start3A_69 = arith.constant 0 : i32
        %dma_start3A_70 = arith.constant 0 : i32
        %dma_start3A_71 = tpu.memref_slice %arg3[%add3A, %dma_start3A_69, %dma_start3A_70] : memref<32x112x128xi32, #tpu.memory_space<hbm>> -> memref<1x112x128xi32, #tpu.memory_space<hbm>>
        %dma_start3A_72 = tpu.memref_squeeze %dma_start3A_71 : memref<1x112x128xi32, #tpu.memory_space<hbm>> -> memref<112x128xi32, #tpu.memory_space<hbm>>
        %dma_start3A_73 = arith.constant 24 : i32
        %dma_start3A_74 = arith.constant 0 : i32
        %dma_start3A_75 = tpu.memref_slice %dma_start3A_72[%dma_start3A_73, %dma_start3A_74] : memref<112x128xi32, #tpu.memory_space<hbm>> -> memref<24x128xi32, #tpu.memory_space<hbm>>
        %dma_start3A_76 = arith.constant 0 : i32
        %dma_start3A_77 = arith.constant 0 : i32
        %dma_start3A_78 = tpu.memref_slice %arg5[%dma_start3A_76, %dma_start3A_77] : memref<56x128xi32, #tpu.memory_space<vmem>> -> memref<24x128xi32, #tpu.memory_space<vmem>>
        %dma_start3A_79 = arith.constant 0 : i32
        %dma_start3A_80 = arith.constant 0 : i32
        %dma_start3A_81 = tpu.memref_slice %arg3[%add3A, %dma_start3A_79, %dma_start3A_80] : memref<32x112x128xi32, #tpu.memory_space<hbm>> -> memref<1x112x128xi32, #tpu.memory_space<hbm>>
        %dma_start3A_82 = tpu.memref_squeeze %dma_start3A_81 : memref<1x112x128xi32, #tpu.memory_space<hbm>> -> memref<112x128xi32, #tpu.memory_space<hbm>>
        %dma_start3A_83 = arith.constant 24 : i32
        %dma_start3A_84 = arith.constant 0 : i32
        %dma_start3A_85 = tpu.memref_slice %dma_start3A_82[%dma_start3A_83, %dma_start3A_84] : memref<112x128xi32, #tpu.memory_space<hbm>> -> memref<24x128xi32, #tpu.memory_space<hbm>>
        tpu.enqueue_dma source(%dma_start3A_85 : memref<24x128xi32, #tpu.memory_space<hbm>>) target(%dma_start3A_78 : memref<24x128xi32, #tpu.memory_space<vmem>>) target_semaphore(%run_scoped3A : memref<!tpu.dma_semaphore, #tpu.memory_space<semaphore_mem>>)
        %dma_wait3A = arith.constant 0 : i32
        %dma_wait3A_86 = arith.constant 0 : i32
        %dma_wait3A_87 = tpu.memref_slice %arg5[%dma_wait3A, %dma_wait3A_86] : memref<56x128xi32, #tpu.memory_space<vmem>> -> memref<24x128xi32, #tpu.memory_space<vmem>>
        %dma_wait3A_88 = arith.constant 0 : i32
        %dma_wait3A_89 = arith.constant 0 : i32
        %dma_wait3A_90 = tpu.memref_slice %arg3[%add3A, %dma_wait3A_88, %dma_wait3A_89] : memref<32x112x128xi32, #tpu.memory_space<hbm>> -> memref<1x112x128xi32, #tpu.memory_space<hbm>>
        %dma_wait3A_91 = tpu.memref_squeeze %dma_wait3A_90 : memref<1x112x128xi32, #tpu.memory_space<hbm>> -> memref<112x128xi32, #tpu.memory_space<hbm>>
        %dma_wait3A_92 = arith.constant 24 : i32
        %dma_wait3A_93 = arith.constant 0 : i32
        %dma_wait3A_94 = tpu.memref_slice %dma_wait3A_91[%dma_wait3A_92, %dma_wait3A_93] : memref<112x128xi32, #tpu.memory_space<hbm>> -> memref<24x128xi32, #tpu.memory_space<hbm>>
        %dma_wait3A_95 = arith.constant 0 : i32
        %dma_wait3A_96 = arith.constant 0 : i32
        %dma_wait3A_97 = tpu.memref_slice %arg5[%dma_wait3A_95, %dma_wait3A_96] : memref<56x128xi32, #tpu.memory_space<vmem>> -> memref<24x128xi32, #tpu.memory_space<vmem>>
        %dma_wait3A_98 = arith.constant 0 : i32
        %dma_wait3A_99 = arith.constant 0 : i32
        %dma_wait3A_100 = tpu.memref_slice %arg3[%add3A, %dma_wait3A_98, %dma_wait3A_99] : memref<32x112x128xi32, #tpu.memory_space<hbm>> -> memref<1x112x128xi32, #tpu.memory_space<hbm>>
        %dma_wait3A_101 = tpu.memref_squeeze %dma_wait3A_100 : memref<1x112x128xi32, #tpu.memory_space<hbm>> -> memref<112x128xi32, #tpu.memory_space<hbm>>
        %dma_wait3A_102 = arith.constant 24 : i32
        %dma_wait3A_103 = arith.constant 0 : i32
        %dma_wait3A_104 = tpu.memref_slice %dma_wait3A_101[%dma_wait3A_102, %dma_wait3A_103] : memref<112x128xi32, #tpu.memory_space<hbm>> -> memref<24x128xi32, #tpu.memory_space<hbm>>
        tpu.wait_dma2 semaphore(%run_scoped3A : memref<!tpu.dma_semaphore, #tpu.memory_space<semaphore_mem>>) src(%dma_wait3A_104 : memref<24x128xi32, #tpu.memory_space<hbm>>) dst(%dma_wait3A_97 : memref<24x128xi32, #tpu.memory_space<vmem>>)
        tpu.yield
      }) : () -> ()
      %scan3A_55 = arith.constant 0 : i32
      %scan3A_56 = arith.constant 0 : i32
      %scan3A_57 = arith.constant 24 : i32
      %scan3A_58 = arith.addi %scan3A_56, %scan3A_57 : i32
      %scan3A_59 = arith.constant 1 : i32
      scf.for %scan3A_67 = %scan3A_56 to %scan3A_58 step %scan3A_59  : i32 {
        %get3A = arith.index_cast %scan3A_67 : i32 to index
        %get3A_68 = arith.constant 0 : index
        %get3A_69 = tpu.vector_load %arg5[%get3A, %get3A_68] {strides = array<i32>} : memref<56x128xi32, #tpu.memory_space<vmem>>, vector<16xi32>,
        %shift_right_logical3A = arith.constant 14 : i32
        %shift_right_logical3A_70 = vector.broadcast %shift_right_logical3A : i32 to vector<16xi32>
        %shift_right_logical3A_71 = arith.shrui %get3A_69, %shift_right_logical3A_70 : vector<16xi32>
        %and3A = arith.andi %get3A_69, %broadcast_in_dim3A_5 : vector<16xi32>
        %swap3A = arith.index_cast %scan3A_67 : i32 to index
        %swap3A_72 = arith.constant 0 : index
        %swap3A_73 = tpu.vector_load %arg5[%swap3A, %swap3A_72] {strides = array<i32>} : memref<56x128xi32, #tpu.memory_space<vmem>>, vector<16xi32>,
        tpu.vector_store %arg5[%swap3A, %swap3A_72], %shift_right_logical3A_71 {strides = array<i32>} : memref<56x128xi32, #tpu.memory_space<vmem>>, vector<16xi32>,
        %eq3A_74 = arith.cmpi eq, %shift_right_logical3A_71, %and3A : vector<16xi32>
        %select_n3A = arith.select %eq3A_74, %broadcast_in_dim3A_3, %and3A : vector<16xi1>, vector<16xi32>
        %swap3A_75 = arith.index_cast %scan3A_67 : i32 to index
        %swap3A_76 = arith.constant 0 : index
        %swap3A_77 = tpu.vector_load %arg6[%swap3A_75, %swap3A_76] {strides = array<i32>} : memref<56x128xi32, #tpu.memory_space<vmem>>, vector<16xi32>,
        tpu.vector_store %arg6[%swap3A_75, %swap3A_76], %select_n3A {strides = array<i32>} : memref<56x128xi32, #tpu.memory_space<vmem>>, vector<16xi32>,
        %get3A_78 = arith.index_cast %scan3A_67 : i32 to index
        %get3A_79 = arith.constant 16 : index
        %get3A_80 = tpu.vector_load %arg5[%get3A_78, %get3A_79] {strides = array<i32>} : memref<56x128xi32, #tpu.memory_space<vmem>>, vector<16xi32>,
        %shift_right_logical3A_81 = arith.constant 14 : i32
        %shift_right_logical3A_82 = vector.broadcast %shift_right_logical3A_81 : i32 to vector<16xi32>
        %shift_right_logical3A_83 = arith.shrui %get3A_80, %shift_right_logical3A_82 : vector<16xi32>
        %and3A_84 = arith.andi %get3A_80, %broadcast_in_dim3A_5 : vector<16xi32>
        %swap3A_85 = arith.index_cast %scan3A_67 : i32 to index
        %swap3A_86 = arith.constant 16 : index
        %swap3A_87 = tpu.vector_load %arg5[%swap3A_85, %swap3A_86] {strides = array<i32>} : memref<56x128xi32, #tpu.memory_space<vmem>>, vector<16xi32>,
        tpu.vector_store %arg5[%swap3A_85, %swap3A_86], %shift_right_logical3A_83 {strides = array<i32>} : memref<56x128xi32, #tpu.memory_space<vmem>>, vector<16xi32>,
        %eq3A_88 = arith.cmpi eq, %shift_right_logical3A_83, %and3A_84 : vector<16xi32>
        %select_n3A_89 = arith.select %eq3A_88, %broadcast_in_dim3A_3, %and3A_84 : vector<16xi1>, vector<16xi32>
        %swap3A_90 = arith.index_cast %scan3A_67 : i32 to index
        %swap3A_91 = arith.constant 16 : index
        %swap3A_92 = tpu.vector_load %arg6[%swap3A_90, %swap3A_91] {strides = array<i32>} : memref<56x128xi32, #tpu.memory_space<vmem>>, vector<16xi32>,
        tpu.vector_store %arg6[%swap3A_90, %swap3A_91], %select_n3A_89 {strides = array<i32>} : memref<56x128xi32, #tpu.memory_space<vmem>>, vector<16xi32>,
        %get3A_93 = arith.index_cast %scan3A_67 : i32 to index
        %get3A_94 = arith.constant 32 : index
        %get3A_95 = tpu.vector_load %arg5[%get3A_93, %get3A_94] {strides = array<i32>} : memref<56x128xi32, #tpu.memory_space<vmem>>, vector<16xi32>,
        %shift_right_logical3A_96 = arith.constant 14 : i32
        %shift_right_logical3A_97 = vector.broadcast %shift_right_logical3A_96 : i32 to vector<16xi32>
        %shift_right_logical3A_98 = arith.shrui %get3A_95, %shift_right_logical3A_97 : vector<16xi32>
        %and3A_99 = arith.andi %get3A_95, %broadcast_in_dim3A_5 : vector<16xi32>
        %swap3A_100 = arith.index_cast %scan3A_67 : i32 to index
        %swap3A_101 = arith.constant 32 : index
        %swap3A_102 = tpu.vector_load %arg5[%swap3A_100, %swap3A_101] {strides = array<i32>} : memref<56x128xi32, #tpu.memory_space<vmem>>, vector<16xi32>,
        tpu.vector_store %arg5[%swap3A_100, %swap3A_101], %shift_right_logical3A_98 {strides = array<i32>} : memref<56x128xi32, #tpu.memory_space<vmem>>, vector<16xi32>,
        %eq3A_103 = arith.cmpi eq, %shift_right_logical3A_98, %and3A_99 : vector<16xi32>
        %select_n3A_104 = arith.select %eq3A_103, %broadcast_in_dim3A_3, %and3A_99 : vector<16xi1>, vector<16xi32>
        %swap3A_105 = arith.index_cast %scan3A_67 : i32 to index
        %swap3A_106 = arith.constant 32 : index
        %swap3A_107 = tpu.vector_load %arg6[%swap3A_105, %swap3A_106] {strides = array<i32>} : memref<56x128xi32, #tpu.memory_space<vmem>>, vector<16xi32>,
        tpu.vector_store %arg6[%swap3A_105, %swap3A_106], %select_n3A_104 {strides = array<i32>} : memref<56x128xi32, #tpu.memory_space<vmem>>, vector<16xi32>,
        %get3A_108 = arith.index_cast %scan3A_67 : i32 to index
        %get3A_109 = arith.constant 48 : index
        %get3A_110 = tpu.vector_load %arg5[%get3A_108, %get3A_109] {strides = array<i32>} : memref<56x128xi32, #tpu.memory_space<vmem>>, vector<16xi32>,
        %shift_right_logical3A_111 = arith.constant 14 : i32
        %shift_right_logical3A_112 = vector.broadcast %shift_right_logical3A_111 : i32 to vector<16xi32>
        %shift_right_logical3A_113 = arith.shrui %get3A_110, %shift_right_logical3A_112 : vector<16xi32>
        %and3A_114 = arith.andi %get3A_110, %broadcast_in_dim3A_5 : vector<16xi32>
        %swap3A_115 = arith.index_cast %scan3A_67 : i32 to index
        %swap3A_116 = arith.constant 48 : index
        %swap3A_117 = tpu.vector_load %arg5[%swap3A_115, %swap3A_116] {strides = array<i32>} : memref<56x128xi32, #tpu.memory_space<vmem>>, vector<16xi32>,
        tpu.vector_store %arg5[%swap3A_115, %swap3A_116], %shift_right_logical3A_113 {strides = array<i32>} : memref<56x128xi32, #tpu.memory_space<vmem>>, vector<16xi32>,
        %eq3A_118 = arith.cmpi eq, %shift_right_logical3A_113, %and3A_114 : vector<16xi32>
        %select_n3A_119 = arith.select %eq3A_118, %broadcast_in_dim3A_3, %and3A_114 : vector<16xi1>, vector<16xi32>
        %swap3A_120 = arith.index_cast %scan3A_67 : i32 to index
        %swap3A_121 = arith.constant 48 : index
        %swap3A_122 = tpu.vector_load %arg6[%swap3A_120, %swap3A_121] {strides = array<i32>} : memref<56x128xi32, #tpu.memory_space<vmem>>, vector<16xi32>,
        tpu.vector_store %arg6[%swap3A_120, %swap3A_121], %select_n3A_119 {strides = array<i32>} : memref<56x128xi32, #tpu.memory_space<vmem>>, vector<16xi32>,
        %get3A_123 = arith.index_cast %scan3A_67 : i32 to index
        %get3A_124 = arith.constant 64 : index
        %get3A_125 = tpu.vector_load %arg5[%get3A_123, %get3A_124] {strides = array<i32>} : memref<56x128xi32, #tpu.memory_space<vmem>>, vector<16xi32>,
        %shift_right_logical3A_126 = arith.constant 14 : i32
        %shift_right_logical3A_127 = vector.broadcast %shift_right_logical3A_126 : i32 to vector<16xi32>
        %shift_right_logical3A_128 = arith.shrui %get3A_125, %shift_right_logical3A_127 : vector<16xi32>
        %and3A_129 = arith.andi %get3A_125, %broadcast_in_dim3A_5 : vector<16xi32>
        %swap3A_130 = arith.index_cast %scan3A_67 : i32 to index
        %swap3A_131 = arith.constant 64 : index
        %swap3A_132 = tpu.vector_load %arg5[%swap3A_130, %swap3A_131] {strides = array<i32>} : memref<56x128xi32, #tpu.memory_space<vmem>>, vector<16xi32>,
        tpu.vector_store %arg5[%swap3A_130, %swap3A_131], %shift_right_logical3A_128 {strides = array<i32>} : memref<56x128xi32, #tpu.memory_space<vmem>>, vector<16xi32>,
        %eq3A_133 = arith.cmpi eq, %shift_right_logical3A_128, %and3A_129 : vector<16xi32>
        %select_n3A_134 = arith.select %eq3A_133, %broadcast_in_dim3A_3, %and3A_129 : vector<16xi1>, vector<16xi32>
        %swap3A_135 = arith.index_cast %scan3A_67 : i32 to index
        %swap3A_136 = arith.constant 64 : index
        %swap3A_137 = tpu.vector_load %arg6[%swap3A_135, %swap3A_136] {strides = array<i32>} : memref<56x128xi32, #tpu.memory_space<vmem>>, vector<16xi32>,
        tpu.vector_store %arg6[%swap3A_135, %swap3A_136], %select_n3A_134 {strides = array<i32>} : memref<56x128xi32, #tpu.memory_space<vmem>>, vector<16xi32>,
        %get3A_138 = arith.index_cast %scan3A_67 : i32 to index
        %get3A_139 = arith.constant 80 : index
        %get3A_140 = tpu.vector_load %arg5[%get3A_138, %get3A_139] {strides = array<i32>} : memref<56x128xi32, #tpu.memory_space<vmem>>, vector<16xi32>,
        %shift_right_logical3A_141 = arith.constant 14 : i32
        %shift_right_logical3A_142 = vector.broadcast %shift_right_logical3A_141 : i32 to vector<16xi32>
        %shift_right_logical3A_143 = arith.shrui %get3A_140, %shift_right_logical3A_142 : vector<16xi32>
        %and3A_144 = arith.andi %get3A_140, %broadcast_in_dim3A_5 : vector<16xi32>
        %swap3A_145 = arith.index_cast %scan3A_67 : i32 to index
        %swap3A_146 = arith.constant 80 : index
        %swap3A_147 = tpu.vector_load %arg5[%swap3A_145, %swap3A_146] {strides = array<i32>} : memref<56x128xi32, #tpu.memory_space<vmem>>, vector<16xi32>,
        tpu.vector_store %arg5[%swap3A_145, %swap3A_146], %shift_right_logical3A_143 {strides = array<i32>} : memref<56x128xi32, #tpu.memory_space<vmem>>, vector<16xi32>,
        %eq3A_148 = arith.cmpi eq, %shift_right_logical3A_143, %and3A_144 : vector<16xi32>
        %select_n3A_149 = arith.select %eq3A_148, %broadcast_in_dim3A_3, %and3A_144 : vector<16xi1>, vector<16xi32>
        %swap3A_150 = arith.index_cast %scan3A_67 : i32 to index
        %swap3A_151 = arith.constant 80 : index
        %swap3A_152 = tpu.vector_load %arg6[%swap3A_150, %swap3A_151] {strides = array<i32>} : memref<56x128xi32, #tpu.memory_space<vmem>>, vector<16xi32>,
        tpu.vector_store %arg6[%swap3A_150, %swap3A_151], %select_n3A_149 {strides = array<i32>} : memref<56x128xi32, #tpu.memory_space<vmem>>, vector<16xi32>,
        %get3A_153 = arith.index_cast %scan3A_67 : i32 to index
        %get3A_154 = arith.constant 96 : index
        %get3A_155 = tpu.vector_load %arg5[%get3A_153, %get3A_154] {strides = array<i32>} : memref<56x128xi32, #tpu.memory_space<vmem>>, vector<16xi32>,
        %shift_right_logical3A_156 = arith.constant 14 : i32
        %shift_right_logical3A_157 = vector.broadcast %shift_right_logical3A_156 : i32 to vector<16xi32>
        %shift_right_logical3A_158 = arith.shrui %get3A_155, %shift_right_logical3A_157 : vector<16xi32>
        %and3A_159 = arith.andi %get3A_155, %broadcast_in_dim3A_5 : vector<16xi32>
        %swap3A_160 = arith.index_cast %scan3A_67 : i32 to index
        %swap3A_161 = arith.constant 96 : index
        %swap3A_162 = tpu.vector_load %arg5[%swap3A_160, %swap3A_161] {strides = array<i32>} : memref<56x128xi32, #tpu.memory_space<vmem>>, vector<16xi32>,
        tpu.vector_store %arg5[%swap3A_160, %swap3A_161], %shift_right_logical3A_158 {strides = array<i32>} : memref<56x128xi32, #tpu.memory_space<vmem>>, vector<16xi32>,
        %eq3A_163 = arith.cmpi eq, %shift_right_logical3A_158, %and3A_159 : vector<16xi32>
        %select_n3A_164 = arith.select %eq3A_163, %broadcast_in_dim3A_3, %and3A_159 : vector<16xi1>, vector<16xi32>
        %swap3A_165 = arith.index_cast %scan3A_67 : i32 to index
        %swap3A_166 = arith.constant 96 : index
        %swap3A_167 = tpu.vector_load %arg6[%swap3A_165, %swap3A_166] {strides = array<i32>} : memref<56x128xi32, #tpu.memory_space<vmem>>, vector<16xi32>,
        tpu.vector_store %arg6[%swap3A_165, %swap3A_166], %select_n3A_164 {strides = array<i32>} : memref<56x128xi32, #tpu.memory_space<vmem>>, vector<16xi32>,
        %get3A_168 = arith.index_cast %scan3A_67 : i32 to index
        %get3A_169 = arith.constant 112 : index
        %get3A_170 = tpu.vector_load %arg5[%get3A_168, %get3A_169] {strides = array<i32>} : memref<56x128xi32, #tpu.memory_space<vmem>>, vector<16xi32>,
        %shift_right_logical3A_171 = arith.constant 14 : i32
        %shift_right_logical3A_172 = vector.broadcast %shift_right_logical3A_171 : i32 to vector<16xi32>
        %shift_right_logical3A_173 = arith.shrui %get3A_170, %shift_right_logical3A_172 : vector<16xi32>
        %and3A_174 = arith.andi %get3A_170, %broadcast_in_dim3A_5 : vector<16xi32>
        %swap3A_175 = arith.index_cast %scan3A_67 : i32 to index
        %swap3A_176 = arith.constant 112 : index
        %swap3A_177 = tpu.vector_load %arg5[%swap3A_175, %swap3A_176] {strides = array<i32>} : memref<56x128xi32, #tpu.memory_space<vmem>>, vector<16xi32>,
        tpu.vector_store %arg5[%swap3A_175, %swap3A_176], %shift_right_logical3A_173 {strides = array<i32>} : memref<56x128xi32, #tpu.memory_space<vmem>>, vector<16xi32>,
        %eq3A_178 = arith.cmpi eq, %shift_right_logical3A_173, %and3A_174 : vector<16xi32>
        %select_n3A_179 = arith.select %eq3A_178, %broadcast_in_dim3A_3, %and3A_174 : vector<16xi1>, vector<16xi32>
        %swap3A_180 = arith.index_cast %scan3A_67 : i32 to index
        %swap3A_181 = arith.constant 112 : index
        %swap3A_182 = tpu.vector_load %arg6[%swap3A_180, %swap3A_181] {strides = array<i32>} : memref<56x128xi32, #tpu.memory_space<vmem>>, vector<16xi32>,
        tpu.vector_store %arg6[%swap3A_180, %swap3A_181], %select_n3A_179 {strides = array<i32>} : memref<56x128xi32, #tpu.memory_space<vmem>>, vector<16xi32>,
      }
      %scan3A_60 = arith.constant 24 : i32
      %scan3A_61 = arith.constant 0 : i32
      %scan3A_62 = arith.constant 0 : i32
      %scan3A_63 = arith.constant 12 : i32
      %scan3A_64 = arith.addi %scan3A_62, %scan3A_63 : i32
      %scan3A_65 = arith.constant 1 : i32
      scf.for %scan3A_67 = %scan3A_62 to %scan3A_64 step %scan3A_65  : i32 {
        %mul3A_68 = arith.constant 2 : i32
        %mul3A_69 = arith.muli %mul3A_68, %scan3A_67 : i32
        %mul3A_70 = arith.constant 2 : i32
        %mul3A_71 = arith.muli %mul3A_70, %scan3A_67 : i32
        %add3A_72 = arith.constant 1 : i32
        %add3A_73 = arith.addi %mul3A_71, %add3A_72 : i32
        %dma_start3A = arith.constant 0 : i32
        %dma_start3A_74 = tpu.memref_slice %arg5[%mul3A_69, %dma_start3A] : memref<56x128xi32, #tpu.memory_space<vmem>> -> memref<1x128xi32, #tpu.memory_space<vmem>>
        %dma_start3A_75 = tpu.memref_squeeze %dma_start3A_74 : memref<1x128xi32, #tpu.memory_space<vmem>> -> memref<128xi32, #tpu.memory_space<vmem>>
        %dma_start3A_76 = arith.constant 0 : i32
        %dma_start3A_77 = arith.constant 0 : i32
        %dma_start3A_78 = tpu.memref_slice %arg2[%dma_start3A_76, %dma_start3A_77] : memref<10240x128xf32, #tpu.memory_space<hbm>> -> memref<10240x128xf32, #tpu.memory_space<hbm>>
        tpu.enqueue_indirect_dma source(%dma_start3A_78 : memref<10240x128xf32, #tpu.memory_space<hbm>>) target(%arg7 : memref<128x128xf32, #tpu.memory_space<vmem>>) offsets(%dma_start3A_75 : memref<128xi32, #tpu.memory_space<vmem>>) semaphore(%arg10 : memref<!tpu.dma_semaphore, #tpu.memory_space<semaphore_mem>>)
        %dma_start3A_79 = arith.constant 0 : i32
        %dma_start3A_80 = tpu.memref_slice %arg5[%add3A_73, %dma_start3A_79] : memref<56x128xi32, #tpu.memory_space<vmem>> -> memref<1x128xi32, #tpu.memory_space<vmem>>
        %dma_start3A_81 = tpu.memref_squeeze %dma_start3A_80 : memref<1x128xi32, #tpu.memory_space<vmem>> -> memref<128xi32, #tpu.memory_space<vmem>>
        %dma_start3A_82 = arith.constant 0 : i32
        %dma_start3A_83 = arith.constant 0 : i32
        %dma_start3A_84 = tpu.memref_slice %arg2[%dma_start3A_82, %dma_start3A_83] : memref<10240x128xf32, #tpu.memory_space<hbm>> -> memref<10240x128xf32, #tpu.memory_space<hbm>>
        tpu.enqueue_indirect_dma source(%dma_start3A_84 : memref<10240x128xf32, #tpu.memory_space<hbm>>) target(%arg8 : memref<128x128xf32, #tpu.memory_space<vmem>>) offsets(%dma_start3A_81 : memref<128xi32, #tpu.memory_space<vmem>>) semaphore(%arg11 : memref<!tpu.dma_semaphore, #tpu.memory_space<semaphore_mem>>)
        %dma_wait3A = arith.constant 0 : i32
        %dma_wait3A_85 = tpu.memref_slice %arg5[%mul3A_69, %dma_wait3A] : memref<56x128xi32, #tpu.memory_space<vmem>> -> memref<1x128xi32, #tpu.memory_space<vmem>>
        %dma_wait3A_86 = tpu.memref_squeeze %dma_wait3A_85 : memref<1x128xi32, #tpu.memory_space<vmem>> -> memref<128xi32, #tpu.memory_space<vmem>>
        %dma_wait3A_87 = arith.constant 0 : i32
        %dma_wait3A_88 = arith.constant 0 : i32
        %dma_wait3A_89 = tpu.memref_slice %arg2[%dma_wait3A_87, %dma_wait3A_88] : memref<10240x128xf32, #tpu.memory_space<hbm>> -> memref<10240x128xf32, #tpu.memory_space<hbm>>
        tpu.wait_indirect_dma semaphore(%arg10 : memref<!tpu.dma_semaphore, #tpu.memory_space<semaphore_mem>>) src(%dma_wait3A_89 : memref<10240x128xf32, #tpu.memory_space<hbm>>) dst(%arg7 : memref<128x128xf32, #tpu.memory_space<vmem>>)
        "tpu.region"() ({
          %run_scoped3A = tpu.sem_alloc : memref<!tpu.dma_semaphore, #tpu.memory_space<semaphore_mem>>
          %dma_start3A_96 = arith.constant 0 : i32
          %dma_start3A_97 = tpu.memref_slice %arg6[%mul3A_69, %dma_start3A_96] : memref<56x128xi32, #tpu.memory_space<vmem>> -> memref<1x128xi32, #tpu.memory_space<vmem>>
          %dma_start3A_98 = tpu.memref_squeeze %dma_start3A_97 : memref<1x128xi32, #tpu.memory_space<vmem>> -> memref<128xi32, #tpu.memory_space<vmem>>
          %dma_start3A_99 = arith.constant 0 : i32
          %dma_start3A_100 = arith.constant 0 : i32
          %dma_start3A_101 = tpu.memref_slice %arg9[%dma_start3A_99, %dma_start3A_100] : memref<10240x128xf32, #tpu.memory_space<vmem_shared>> -> memref<10240x128xf32, #tpu.memory_space<vmem_shared>>
          tpu.enqueue_indirect_dma source(%arg7 : memref<128x128xf32, #tpu.memory_space<vmem>>) target(%dma_start3A_101 : memref<10240x128xf32, #tpu.memory_space<vmem_shared>>) offsets(%dma_start3A_98 : memref<128xi32, #tpu.memory_space<vmem>>) semaphore(%run_scoped3A : memref<!tpu.dma_semaphore, #tpu.memory_space<semaphore_mem>>) {add = true}
          %dma_wait3A_102 = arith.constant 0 : i32
          %dma_wait3A_103 = tpu.memref_slice %arg6[%mul3A_69, %dma_wait3A_102] : memref<56x128xi32, #tpu.memory_space<vmem>> -> memref<1x128xi32, #tpu.memory_space<vmem>>
          %dma_wait3A_104 = tpu.memref_squeeze %dma_wait3A_103 : memref<1x128xi32, #tpu.memory_space<vmem>> -> memref<128xi32, #tpu.memory_space<vmem>>
          %dma_wait3A_105 = arith.constant 0 : i32
          %dma_wait3A_106 = arith.constant 0 : i32
          %dma_wait3A_107 = tpu.memref_slice %arg9[%dma_wait3A_105, %dma_wait3A_106] : memref<10240x128xf32, #tpu.memory_space<vmem_shared>> -> memref<10240x128xf32, #tpu.memory_space<vmem_shared>>
          tpu.wait_indirect_dma semaphore(%run_scoped3A : memref<!tpu.dma_semaphore, #tpu.memory_space<semaphore_mem>>) src(%arg7 : memref<128x128xf32, #tpu.memory_space<vmem>>) dst(%dma_wait3A_107 : memref<10240x128xf32, #tpu.memory_space<vmem_shared>>)
          tpu.yield
        }) : () -> ()
        %dma_wait3A_90 = arith.constant 0 : i32
        %dma_wait3A_91 = tpu.memref_slice %arg5[%add3A_73, %dma_wait3A_90] : memref<56x128xi32, #tpu.memory_space<vmem>> -> memref<1x128xi32, #tpu.memory_space<vmem>>
        %dma_wait3A_92 = tpu.memref_squeeze %dma_wait3A_91 : memref<1x128xi32, #tpu.memory_space<vmem>> -> memref<128xi32, #tpu.memory_space<vmem>>
        %dma_wait3A_93 = arith.constant 0 : i32
        %dma_wait3A_94 = arith.constant 0 : i32
        %dma_wait3A_95 = tpu.memref_slice %arg2[%dma_wait3A_93, %dma_wait3A_94] : memref<10240x128xf32, #tpu.memory_space<hbm>> -> memref<10240x128xf32, #tpu.memory_space<hbm>>
        tpu.wait_indirect_dma semaphore(%arg11 : memref<!tpu.dma_semaphore, #tpu.memory_space<semaphore_mem>>) src(%dma_wait3A_95 : memref<10240x128xf32, #tpu.memory_space<hbm>>) dst(%arg8 : memref<128x128xf32, #tpu.memory_space<vmem>>)
        "tpu.region"() ({
          %run_scoped3A = tpu.sem_alloc : memref<!tpu.dma_semaphore, #tpu.memory_space<semaphore_mem>>
          %dma_start3A_96 = arith.constant 0 : i32
          %dma_start3A_97 = tpu.memref_slice %arg6[%add3A_73, %dma_start3A_96] : memref<56x128xi32, #tpu.memory_space<vmem>> -> memref<1x128xi32, #tpu.memory_space<vmem>>
          %dma_start3A_98 = tpu.memref_squeeze %dma_start3A_97 : memref<1x128xi32, #tpu.memory_space<vmem>> -> memref<128xi32, #tpu.memory_space<vmem>>
          %dma_start3A_99 = arith.constant 0 : i32
          %dma_start3A_100 = arith.constant 0 : i32
          %dma_start3A_101 = tpu.memref_slice %arg9[%dma_start3A_99, %dma_start3A_100] : memref<10240x128xf32, #tpu.memory_space<vmem_shared>> -> memref<10240x128xf32, #tpu.memory_space<vmem_shared>>
          tpu.enqueue_indirect_dma source(%arg8 : memref<128x128xf32, #tpu.memory_space<vmem>>) target(%dma_start3A_101 : memref<10240x128xf32, #tpu.memory_space<vmem_shared>>) offsets(%dma_start3A_98 : memref<128xi32, #tpu.memory_space<vmem>>) semaphore(%run_scoped3A : memref<!tpu.dma_semaphore, #tpu.memory_space<semaphore_mem>>) {add = true}
          %dma_wait3A_102 = arith.constant 0 : i32
          %dma_wait3A_103 = tpu.memref_slice %arg6[%add3A_73, %dma_wait3A_102] : memref<56x128xi32, #tpu.memory_space<vmem>> -> memref<1x128xi32, #tpu.memory_space<vmem>>
          %dma_wait3A_104 = tpu.memref_squeeze %dma_wait3A_103 : memref<1x128xi32, #tpu.memory_space<vmem>> -> memref<128xi32, #tpu.memory_space<vmem>>
          %dma_wait3A_105 = arith.constant 0 : i32
          %dma_wait3A_106 = arith.constant 0 : i32
          %dma_wait3A_107 = tpu.memref_slice %arg9[%dma_wait3A_105, %dma_wait3A_106] : memref<10240x128xf32, #tpu.memory_space<vmem_shared>> -> memref<10240x128xf32, #tpu.memory_space<vmem_shared>>
          tpu.wait_indirect_dma semaphore(%run_scoped3A : memref<!tpu.dma_semaphore, #tpu.memory_space<semaphore_mem>>) src(%arg8 : memref<128x128xf32, #tpu.memory_space<vmem>>) dst(%dma_wait3A_107 : memref<10240x128xf32, #tpu.memory_space<vmem_shared>>)
          tpu.yield
        }) : () -> ()
      }
      %scan3A_66 = arith.constant 12 : i32
    } else {
    }
    %barrier3A_38 = arith.constant 0 : index
    tpu.barrier barrier_id(%barrier3A_38)
    %mul3A_39 = arith.constant 640 : i32
    %mul3A_40 = arith.muli %arg1, %mul3A_39 : i32
    %mul3A_41 = arith.constant 640 : i32
    %mul3A_42 = arith.muli %arg1, %mul3A_41 : i32
    "tpu.region"() ({
      %run_scoped3A = tpu.sem_alloc : memref<!tpu.dma_semaphore, #tpu.memory_space<semaphore_mem>>
      %dma_start3A = arith.constant 0 : i32
      %dma_start3A_43 = arith.constant 0 : i32
      %dma_start3A_44 = tpu.memref_slice %arg4[%arg0, %dma_start3A, %dma_start3A_43] : memref<2x10240x128xf32, #tpu.memory_space<hbm>> -> memref<1x10240x128xf32, #tpu.memory_space<hbm>>
      %dma_start3A_45 = tpu.memref_squeeze %dma_start3A_44 : memref<1x10240x128xf32, #tpu.memory_space<hbm>> -> memref<10240x128xf32, #tpu.memory_space<hbm>>
      %dma_start3A_46 = arith.constant 0 : i32
      %dma_start3A_47 = tpu.memref_slice %dma_start3A_45[%mul3A_42, %dma_start3A_46] : memref<10240x128xf32, #tpu.memory_space<hbm>> -> memref<640x128xf32, #tpu.memory_space<hbm>>
      %dma_start3A_48 = arith.constant 0 : i32
      %dma_start3A_49 = tpu.memref_slice %arg9[%mul3A_40, %dma_start3A_48] : memref<10240x128xf32, #tpu.memory_space<vmem_shared>> -> memref<640x128xf32, #tpu.memory_space<vmem_shared>>
      tpu.enqueue_dma source(%dma_start3A_49 : memref<640x128xf32, #tpu.memory_space<vmem_shared>>) target(%dma_start3A_47 : memref<640x128xf32, #tpu.memory_space<hbm>>) target_semaphore(%run_scoped3A : memref<!tpu.dma_semaphore, #tpu.memory_space<semaphore_mem>>)
      %dma_wait3A = arith.constant 0 : i32
      %dma_wait3A_50 = arith.constant 0 : i32
      %dma_wait3A_51 = tpu.memref_slice %arg4[%arg0, %dma_wait3A, %dma_wait3A_50] : memref<2x10240x128xf32, #tpu.memory_space<hbm>> -> memref<1x10240x128xf32, #tpu.memory_space<hbm>>
      %dma_wait3A_52 = tpu.memref_squeeze %dma_wait3A_51 : memref<1x10240x128xf32, #tpu.memory_space<hbm>> -> memref<10240x128xf32, #tpu.memory_space<hbm>>
      %dma_wait3A_53 = arith.constant 0 : i32
      %dma_wait3A_54 = tpu.memref_slice %dma_wait3A_52[%mul3A_42, %dma_wait3A_53] : memref<10240x128xf32, #tpu.memory_space<hbm>> -> memref<640x128xf32, #tpu.memory_space<hbm>>
      %dma_wait3A_55 = arith.constant 0 : i32
      %dma_wait3A_56 = tpu.memref_slice %arg9[%mul3A_40, %dma_wait3A_55] : memref<10240x128xf32, #tpu.memory_space<vmem_shared>> -> memref<640x128xf32, #tpu.memory_space<vmem_shared>>
      tpu.wait_dma2 semaphore(%run_scoped3A : memref<!tpu.dma_semaphore, #tpu.memory_space<semaphore_mem>>) src(%dma_wait3A_56 : memref<640x128xf32, #tpu.memory_space<vmem_shared>>) dst(%dma_wait3A_54 : memref<640x128xf32, #tpu.memory_space<hbm>>)
      tpu.yield
    }) : () -> ()
    return
  }
}

module attributes {stable_mosaic.version = 14 : i64} {
  func.func @_b_body(%arg0: i32, %arg1: memref<1024x128xf32, #tpu.memory_space<vmem>>, %arg2: memref<32x1024xf32, #tpu.memory_space<vmem>>, %arg3: memref<128x128xf32, #tpu.memory_space<vmem>>, %arg4: memref<128x128xf32, #tpu.memory_space<vmem>>, %arg5: memref<1024x128xf32, #tpu.memory_space<vmem>>, %arg6: memref<1024x128xf32, #tpu.memory_space<vmem>>) attributes {dimension_semantics = [#tpu.dimension_semantics<arbitrary>], iteration_bounds = array<i64: 10>, scalar_prefetch = 0 : i64, scratch_operands = 0 : i64, tpu.core_type = #tpu.core_type<tc>, window_params = [{transform_indices = @transform_0, window_bounds = array<i64: 1024, 128>}, {transform_indices = @transform_1, window_bounds = array<i64: 32, 1024>}, {pipeline_mode = #tpu.pipeline_mode<synchronous>, transform_indices = @transform_2, window_bounds = array<i64: 128, 128>}, {pipeline_mode = #tpu.pipeline_mode<synchronous>, transform_indices = @transform_3, window_bounds = array<i64: 128, 128>}, {transform_indices = @transform_4, window_bounds = array<i64: 1024, 128>}, {transform_indices = @transform_5, window_bounds = array<i64: 1024, 128>}]} {
    %get3A = arith.constant 0 : index
    %get3A_0 = arith.constant 0 : index
    %get3A_1 = vector.load %arg2[%get3A, %get3A_0] : memref<32x1024xf32, #tpu.memory_space<vmem>>, vector<32x1024xf32>
    %reduce_sum3A = arith.constant dense<0.000000e+00> : vector<1024xf32>
    %reduce_sum3A_2 = vector.multi_reduction <add>, %get3A_1, %reduce_sum3A [0] : vector<32x1024xf32> to vector<1024xf32>
    %gt3A = arith.constant 0.000000e+00 : f32
    %gt3A_3 = vector.broadcast %gt3A : f32 to vector<1024xf32>
    %gt3A_4 = arith.cmpf ogt, %reduce_sum3A_2, %gt3A_3 : vector<1024xf32>
    %rsqrt3A = math.rsqrt %reduce_sum3A_2 : vector<1024xf32>
    %jit3A = arith.constant 0.000000e+00 : f32
    %broadcast_in_dim3A = vector.broadcast %jit3A : f32 to vector<1024xf32>
    %select_n3A = arith.select %gt3A_4, %rsqrt3A, %broadcast_in_dim3A : vector<1024xi1>, vector<1024xf32>
    %get3A_5 = arith.constant 0 : index
    %get3A_6 = arith.constant 0 : index
    %get3A_7 = vector.load %arg1[%get3A_5, %get3A_6] : memref<1024x128xf32, #tpu.memory_space<vmem>>, vector<1024x128xf32>
    %get3A_8 = arith.constant 0 : index
    %get3A_9 = arith.constant 0 : index
    %get3A_10 = vector.load %arg3[%get3A_8, %get3A_9] : memref<128x128xf32, #tpu.memory_space<vmem>>, vector<128x128xf32>
    %dot_general3A = arith.constant dense<0.000000e+00> : vector<1024x128xf32>
    %dot_general3A_11 = tpu.matmul %get3A_7, %get3A_10, %dot_general3A {dimension_numbers = #tpu.dot_dimension_numbers<[1], [0], [0], [1], [0, 0, 1, 1], [], []>, transpose_lhs_hint = false} : vector<1024x128xf32>, vector<128x128xf32>, vector<1024x128xf32> -> vector<1024x128xf32>
    %swap3A = arith.constant 0 : index
    %swap3A_12 = arith.constant 0 : index
    %swap3A_13 = vector.load %arg5[%swap3A, %swap3A_12] : memref<1024x128xf32, #tpu.memory_space<vmem>>, vector<1024x128xf32>
    tpu.vector_store %arg5[%swap3A, %swap3A_12], %dot_general3A_11 {strides = array<i32>} : memref<1024x128xf32, #tpu.memory_space<vmem>>, vector<1024x128xf32>,
    %broadcast_in_dim3A_14 = vector.shape_cast %select_n3A : vector<1024xf32> to vector<1024x1xf32>
    %get3A_15 = arith.constant 0 : index
    %get3A_16 = arith.constant 0 : index
    %get3A_17 = vector.load %arg4[%get3A_15, %get3A_16] : memref<128x128xf32, #tpu.memory_space<vmem>>, vector<128x128xf32>
    %dot_general3A_18 = arith.constant dense<0.000000e+00> : vector<1024x128xf32>
    %dot_general3A_19 = tpu.matmul %get3A_7, %get3A_17, %dot_general3A_18 {dimension_numbers = #tpu.dot_dimension_numbers<[1], [0], [0], [1], [0, 0, 1, 1], [], []>, transpose_lhs_hint = false} : vector<1024x128xf32>, vector<128x128xf32>, vector<1024x128xf32> -> vector<1024x128xf32>
    %mul3A = vector.broadcast %broadcast_in_dim3A_14 : vector<1024x1xf32> to vector<1024x128xf32>
    %mul3A_20 = arith.mulf %mul3A, %dot_general3A_19 : vector<1024x128xf32>
    %swap3A_21 = arith.constant 0 : index
    %swap3A_22 = arith.constant 0 : index
    %swap3A_23 = vector.load %arg6[%swap3A_21, %swap3A_22] : memref<1024x128xf32, #tpu.memory_space<vmem>>, vector<1024x128xf32>
    tpu.vector_store %arg6[%swap3A_21, %swap3A_22], %mul3A_20 {strides = array<i32>} : memref<1024x128xf32, #tpu.memory_space<vmem>>, vector<1024x128xf32>,
    return
  }
  func.func @transform_0(%arg0: i32) -> (i32, i32) {
    %c0_i32 = arith.constant 0 : i32
    %c0_i32_0 = arith.constant 0 : i32
    return %arg0, %c0_i32 : i32, i32
  }
  func.func @transform_1(%arg0: i32) -> (i32, i32) {
    %c0_i32 = arith.constant 0 : i32
    %c0_i32_0 = arith.constant 0 : i32
    return %c0_i32, %arg0 : i32, i32
  }
  func.func @transform_2(%arg0: i32) -> (i32, i32) {
    %c0_i32 = arith.constant 0 : i32
    %c0_i32_0 = arith.constant 0 : i32
    %c0_i32_1 = arith.constant 0 : i32
    return %c0_i32, %c0_i32_0 : i32, i32
  }
  func.func @transform_3(%arg0: i32) -> (i32, i32) {
    %c0_i32 = arith.constant 0 : i32
    %c0_i32_0 = arith.constant 0 : i32
    %c0_i32_1 = arith.constant 0 : i32
    return %c0_i32, %c0_i32_0 : i32, i32
  }
  func.func @transform_4(%arg0: i32) -> (i32, i32) {
    %c0_i32 = arith.constant 0 : i32
    %c0_i32_0 = arith.constant 0 : i32
    return %arg0, %c0_i32 : i32, i32
  }
  func.func @transform_5(%arg0: i32) -> (i32, i32) {
    %c0_i32 = arith.constant 0 : i32
    %c0_i32_0 = arith.constant 0 : i32
    return %arg0, %c0_i32 : i32, i32
  }
}

module attributes {stable_mosaic.version = 14 : i64} {
  func.func @_d1_body(%arg0: i32, %arg1: memref<1024x128xf32, #tpu.memory_space<vmem>>, %arg2: memref<2x1024x128xf32, #tpu.memory_space<vmem>>, %arg3: memref<32x1024xf32, #tpu.memory_space<vmem>>, %arg4: memref<1x128xf32, #tpu.memory_space<vmem>>, %arg5: memref<128x128xf32, #tpu.memory_space<vmem>>, %arg6: memref<128x128xf32, #tpu.memory_space<vmem>>, %arg7: memref<1024x128xf32, #tpu.memory_space<vmem>>, %arg8: memref<1024x128xf32, #tpu.memory_space<vmem>>) attributes {dimension_semantics = [#tpu.dimension_semantics<arbitrary>], iteration_bounds = array<i64: 10>, scalar_prefetch = 0 : i64, scratch_operands = 0 : i64, tpu.core_type = #tpu.core_type<tc>, window_params = [{transform_indices = @transform_0, window_bounds = array<i64: 1024, 128>}, {transform_indices = @transform_1, window_bounds = array<i64: 2, 1024, 128>}, {transform_indices = @transform_2, window_bounds = array<i64: 32, 1024>}, {pipeline_mode = #tpu.pipeline_mode<synchronous>, transform_indices = @transform_3, window_bounds = array<i64: 1, 128>}, {pipeline_mode = #tpu.pipeline_mode<synchronous>, transform_indices = @transform_4, window_bounds = array<i64: 128, 128>}, {pipeline_mode = #tpu.pipeline_mode<synchronous>, transform_indices = @transform_5, window_bounds = array<i64: 128, 128>}, {transform_indices = @transform_6, window_bounds = array<i64: 1024, 128>}, {transform_indices = @transform_7, window_bounds = array<i64: 1024, 128>}]} {
    %get3A = arith.constant 0 : index
    %get3A_0 = arith.constant 0 : index
    %get3A_1 = vector.load %arg3[%get3A, %get3A_0] : memref<32x1024xf32, #tpu.memory_space<vmem>>, vector<32x1024xf32>
    %reduce_sum3A = arith.constant dense<0.000000e+00> : vector<1024xf32>
    %reduce_sum3A_2 = vector.multi_reduction <add>, %get3A_1, %reduce_sum3A [0] : vector<32x1024xf32> to vector<1024xf32>
    %gt3A = arith.constant 0.000000e+00 : f32
    %gt3A_3 = vector.broadcast %gt3A : f32 to vector<1024xf32>
    %gt3A_4 = arith.cmpf ogt, %reduce_sum3A_2, %gt3A_3 : vector<1024xf32>
    %rsqrt3A = math.rsqrt %reduce_sum3A_2 : vector<1024xf32>
    %jit3A = arith.constant 0.000000e+00 : f32
    %broadcast_in_dim3A = vector.broadcast %jit3A : f32 to vector<1024xf32>
    %select_n3A = arith.select %gt3A_4, %rsqrt3A, %broadcast_in_dim3A : vector<1024xi1>, vector<1024xf32>
    %get3A_5 = arith.constant 0 : index
    %get3A_6 = arith.constant 0 : index
    %get3A_7 = arith.constant 0 : index
    %get3A_8 = vector.load %arg2[%get3A_5, %get3A_6, %get3A_7] : memref<2x1024x128xf32, #tpu.memory_space<vmem>>, vector<1x1024x128xf32>
    %get3A_9 = vector.shape_cast %get3A_8 : vector<1x1024x128xf32> to vector<1024x128xf32>
    %get3A_10 = arith.constant 1 : index
    %get3A_11 = arith.constant 0 : index
    %get3A_12 = arith.constant 0 : index
    %get3A_13 = vector.load %arg2[%get3A_10, %get3A_11, %get3A_12] : memref<2x1024x128xf32, #tpu.memory_space<vmem>>, vector<1x1024x128xf32>
    %get3A_14 = vector.shape_cast %get3A_13 : vector<1x1024x128xf32> to vector<1024x128xf32>
    %add3A = arith.addf %get3A_9, %get3A_14 : vector<1024x128xf32>
    %get3A_15 = arith.constant 0 : index
    %get3A_16 = arith.constant 0 : index
    %get3A_17 = vector.load %arg1[%get3A_15, %get3A_16] : memref<1024x128xf32, #tpu.memory_space<vmem>>, vector<1024x128xf32>
    %broadcast_in_dim3A_18 = vector.shape_cast %select_n3A : vector<1024xf32> to vector<1024x1xf32>
    %mul3A = vector.broadcast %broadcast_in_dim3A_18 : vector<1024x1xf32> to vector<1024x128xf32>
    %mul3A_19 = arith.mulf %mul3A, %add3A : vector<1024x128xf32>
    %sub3A = arith.subf %get3A_17, %mul3A_19 : vector<1024x128xf32>
    %get3A_20 = arith.constant 0 : index
    %get3A_21 = arith.constant 0 : index
    %get3A_22 = vector.load %arg4[%get3A_20, %get3A_21] : memref<1x128xf32, #tpu.memory_space<vmem>>, vector<1x128xf32>
    %add3A_23 = vector.broadcast %get3A_22 : vector<1x128xf32> to vector<1024x128xf32>
    %add3A_24 = arith.addf %sub3A, %add3A_23 : vector<1024x128xf32>
    %max3A = arith.constant 0.000000e+00 : f32
    %max3A_25 = vector.broadcast %max3A : f32 to vector<1024x128xf32>
    %max3A_26 = arith.maximumf %add3A_24, %max3A_25 : vector<1024x128xf32>
    %get3A_27 = arith.constant 0 : index
    %get3A_28 = arith.constant 0 : index
    %get3A_29 = vector.load %arg5[%get3A_27, %get3A_28] : memref<128x128xf32, #tpu.memory_space<vmem>>, vector<128x128xf32>
    %dot_general3A = arith.constant dense<0.000000e+00> : vector<1024x128xf32>
    %dot_general3A_30 = tpu.matmul %max3A_26, %get3A_29, %dot_general3A {dimension_numbers = #tpu.dot_dimension_numbers<[1], [0], [0], [1], [0, 0, 1, 1], [], []>, transpose_lhs_hint = false} : vector<1024x128xf32>, vector<128x128xf32>, vector<1024x128xf32> -> vector<1024x128xf32>
    %swap3A = arith.constant 0 : index
    %swap3A_31 = arith.constant 0 : index
    %swap3A_32 = vector.load %arg7[%swap3A, %swap3A_31] : memref<1024x128xf32, #tpu.memory_space<vmem>>, vector<1024x128xf32>
    tpu.vector_store %arg7[%swap3A, %swap3A_31], %dot_general3A_30 {strides = array<i32>} : memref<1024x128xf32, #tpu.memory_space<vmem>>, vector<1024x128xf32>,
    %broadcast_in_dim3A_33 = vector.shape_cast %select_n3A : vector<1024xf32> to vector<1024x1xf32>
    %get3A_34 = arith.constant 0 : index
    %get3A_35 = arith.constant 0 : index
    %get3A_36 = vector.load %arg6[%get3A_34, %get3A_35] : memref<128x128xf32, #tpu.memory_space<vmem>>, vector<128x128xf32>
    %dot_general3A_37 = arith.constant dense<0.000000e+00> : vector<1024x128xf32>
    %dot_general3A_38 = tpu.matmul %max3A_26, %get3A_36, %dot_general3A_37 {dimension_numbers = #tpu.dot_dimension_numbers<[1], [0], [0], [1], [0, 0, 1, 1], [], []>, transpose_lhs_hint = false} : vector<1024x128xf32>, vector<128x128xf32>, vector<1024x128xf32> -> vector<1024x128xf32>
    %mul3A_39 = vector.broadcast %broadcast_in_dim3A_33 : vector<1024x1xf32> to vector<1024x128xf32>
    %mul3A_40 = arith.mulf %mul3A_39, %dot_general3A_38 : vector<1024x128xf32>
    %swap3A_41 = arith.constant 0 : index
    %swap3A_42 = arith.constant 0 : index
    %swap3A_43 = vector.load %arg8[%swap3A_41, %swap3A_42] : memref<1024x128xf32, #tpu.memory_space<vmem>>, vector<1024x128xf32>
    tpu.vector_store %arg8[%swap3A_41, %swap3A_42], %mul3A_40 {strides = array<i32>} : memref<1024x128xf32, #tpu.memory_space<vmem>>, vector<1024x128xf32>,
    return
  }
  func.func @transform_0(%arg0: i32) -> (i32, i32) {
    %c0_i32 = arith.constant 0 : i32
    %c0_i32_0 = arith.constant 0 : i32
    return %arg0, %c0_i32 : i32, i32
  }
  func.func @transform_1(%arg0: i32) -> (i32, i32, i32) {
    %c0_i32 = arith.constant 0 : i32
    %c0_i32_0 = arith.constant 0 : i32
    %c0_i32_1 = arith.constant 0 : i32
    return %c0_i32, %arg0, %c0_i32_0 : i32, i32, i32
  }
  func.func @transform_2(%arg0: i32) -> (i32, i32) {
    %c0_i32 = arith.constant 0 : i32
    %c0_i32_0 = arith.constant 0 : i32
    return %c0_i32, %arg0 : i32, i32
  }
  func.func @transform_3(%arg0: i32) -> (i32, i32) {
    %c0_i32 = arith.constant 0 : i32
    %c0_i32_0 = arith.constant 0 : i32
    %c0_i32_1 = arith.constant 0 : i32
    return %c0_i32, %c0_i32_0 : i32, i32
  }
  func.func @transform_4(%arg0: i32) -> (i32, i32) {
    %c0_i32 = arith.constant 0 : i32
    %c0_i32_0 = arith.constant 0 : i32
    %c0_i32_1 = arith.constant 0 : i32
    return %c0_i32, %c0_i32_0 : i32, i32
  }
  func.func @transform_5(%arg0: i32) -> (i32, i32) {
    %c0_i32 = arith.constant 0 : i32
    %c0_i32_0 = arith.constant 0 : i32
    %c0_i32_1 = arith.constant 0 : i32
    return %c0_i32, %c0_i32_0 : i32, i32
  }
  func.func @transform_6(%arg0: i32) -> (i32, i32) {
    %c0_i32 = arith.constant 0 : i32
    %c0_i32_0 = arith.constant 0 : i32
    return %arg0, %c0_i32 : i32, i32
  }
  func.func @transform_7(%arg0: i32) -> (i32, i32) {
    %c0_i32 = arith.constant 0 : i32
    %c0_i32_0 = arith.constant 0 : i32
    return %arg0, %c0_i32 : i32, i32
  }
}

module attributes {stable_mosaic.version = 14 : i64} {
  func.func @_d2_body(%arg0: i32, %arg1: memref<1024x128xf32, #tpu.memory_space<vmem>>, %arg2: memref<2x1024x128xf32, #tpu.memory_space<vmem>>, %arg3: memref<32x1024xf32, #tpu.memory_space<vmem>>, %arg4: memref<1x128xf32, #tpu.memory_space<vmem>>, %arg5: memref<128x512xf32, #tpu.memory_space<vmem>>, %arg6: memref<1x512xf32, #tpu.memory_space<vmem>>, %arg7: memref<1024x512xf32, #tpu.memory_space<vmem>>) attributes {dimension_semantics = [#tpu.dimension_semantics<arbitrary>], iteration_bounds = array<i64: 10>, scalar_prefetch = 0 : i64, scratch_operands = 0 : i64, tpu.core_type = #tpu.core_type<tc>, window_params = [{transform_indices = @transform_0, window_bounds = array<i64: 1024, 128>}, {transform_indices = @transform_1, window_bounds = array<i64: 2, 1024, 128>}, {transform_indices = @transform_2, window_bounds = array<i64: 32, 1024>}, {pipeline_mode = #tpu.pipeline_mode<synchronous>, transform_indices = @transform_3, window_bounds = array<i64: 1, 128>}, {pipeline_mode = #tpu.pipeline_mode<synchronous>, transform_indices = @transform_4, window_bounds = array<i64: 128, 512>}, {pipeline_mode = #tpu.pipeline_mode<synchronous>, transform_indices = @transform_5, window_bounds = array<i64: 1, 512>}, {transform_indices = @transform_6, window_bounds = array<i64: 1024, 512>}]} {
    %get3A = arith.constant 0 : index
    %get3A_0 = arith.constant 0 : index
    %get3A_1 = vector.load %arg3[%get3A, %get3A_0] : memref<32x1024xf32, #tpu.memory_space<vmem>>, vector<32x1024xf32>
    %reduce_sum3A = arith.constant dense<0.000000e+00> : vector<1024xf32>
    %reduce_sum3A_2 = vector.multi_reduction <add>, %get3A_1, %reduce_sum3A [0] : vector<32x1024xf32> to vector<1024xf32>
    %gt3A = arith.constant 0.000000e+00 : f32
    %gt3A_3 = vector.broadcast %gt3A : f32 to vector<1024xf32>
    %gt3A_4 = arith.cmpf ogt, %reduce_sum3A_2, %gt3A_3 : vector<1024xf32>
    %rsqrt3A = math.rsqrt %reduce_sum3A_2 : vector<1024xf32>
    %jit3A = arith.constant 0.000000e+00 : f32
    %broadcast_in_dim3A = vector.broadcast %jit3A : f32 to vector<1024xf32>
    %select_n3A = arith.select %gt3A_4, %rsqrt3A, %broadcast_in_dim3A : vector<1024xi1>, vector<1024xf32>
    %get3A_5 = arith.constant 0 : index
    %get3A_6 = arith.constant 0 : index
    %get3A_7 = arith.constant 0 : index
    %get3A_8 = vector.load %arg2[%get3A_5, %get3A_6, %get3A_7] : memref<2x1024x128xf32, #tpu.memory_space<vmem>>, vector<1x1024x128xf32>
    %get3A_9 = vector.shape_cast %get3A_8 : vector<1x1024x128xf32> to vector<1024x128xf32>
    %get3A_10 = arith.constant 1 : index
    %get3A_11 = arith.constant 0 : index
    %get3A_12 = arith.constant 0 : index
    %get3A_13 = vector.load %arg2[%get3A_10, %get3A_11, %get3A_12] : memref<2x1024x128xf32, #tpu.memory_space<vmem>>, vector<1x1024x128xf32>
    %get3A_14 = vector.shape_cast %get3A_13 : vector<1x1024x128xf32> to vector<1024x128xf32>
    %add3A = arith.addf %get3A_9, %get3A_14 : vector<1024x128xf32>
    %get3A_15 = arith.constant 0 : index
    %get3A_16 = arith.constant 0 : index
    %get3A_17 = vector.load %arg1[%get3A_15, %get3A_16] : memref<1024x128xf32, #tpu.memory_space<vmem>>, vector<1024x128xf32>
    %broadcast_in_dim3A_18 = vector.shape_cast %select_n3A : vector<1024xf32> to vector<1024x1xf32>
    %mul3A = vector.broadcast %broadcast_in_dim3A_18 : vector<1024x1xf32> to vector<1024x128xf32>
    %mul3A_19 = arith.mulf %mul3A, %add3A : vector<1024x128xf32>
    %sub3A = arith.subf %get3A_17, %mul3A_19 : vector<1024x128xf32>
    %get3A_20 = arith.constant 0 : index
    %get3A_21 = arith.constant 0 : index
    %get3A_22 = vector.load %arg4[%get3A_20, %get3A_21] : memref<1x128xf32, #tpu.memory_space<vmem>>, vector<1x128xf32>
    %add3A_23 = vector.broadcast %get3A_22 : vector<1x128xf32> to vector<1024x128xf32>
    %add3A_24 = arith.addf %sub3A, %add3A_23 : vector<1024x128xf32>
    %max3A = arith.constant 0.000000e+00 : f32
    %max3A_25 = vector.broadcast %max3A : f32 to vector<1024x128xf32>
    %max3A_26 = arith.maximumf %add3A_24, %max3A_25 : vector<1024x128xf32>
    %get3A_27 = arith.constant 0 : index
    %get3A_28 = arith.constant 0 : index
    %get3A_29 = vector.load %arg5[%get3A_27, %get3A_28] : memref<128x512xf32, #tpu.memory_space<vmem>>, vector<128x512xf32>
    %dot_general3A = arith.constant dense<0.000000e+00> : vector<1024x512xf32>
    %dot_general3A_30 = tpu.matmul %max3A_26, %get3A_29, %dot_general3A {dimension_numbers = #tpu.dot_dimension_numbers<[1], [0], [0], [1], [0, 0, 1, 1], [], []>, transpose_lhs_hint = false} : vector<1024x128xf32>, vector<128x512xf32>, vector<1024x512xf32> -> vector<1024x512xf32>
    %get3A_31 = arith.constant 0 : index
    %get3A_32 = arith.constant 0 : index
    %get3A_33 = vector.load %arg6[%get3A_31, %get3A_32] : memref<1x512xf32, #tpu.memory_space<vmem>>, vector<1x512xf32>
    %add3A_34 = vector.broadcast %get3A_33 : vector<1x512xf32> to vector<1024x512xf32>
    %add3A_35 = arith.addf %dot_general3A_30, %add3A_34 : vector<1024x512xf32>
    %swap3A = arith.constant 0 : index
    %swap3A_36 = arith.constant 0 : index
    %swap3A_37 = vector.load %arg7[%swap3A, %swap3A_36] : memref<1024x512xf32, #tpu.memory_space<vmem>>, vector<1024x512xf32>
    tpu.vector_store %arg7[%swap3A, %swap3A_36], %add3A_35 {strides = array<i32>} : memref<1024x512xf32, #tpu.memory_space<vmem>>, vector<1024x512xf32>,
    return
  }
  func.func @transform_0(%arg0: i32) -> (i32, i32) {
    %c0_i32 = arith.constant 0 : i32
    %c0_i32_0 = arith.constant 0 : i32
    return %arg0, %c0_i32 : i32, i32
  }
  func.func @transform_1(%arg0: i32) -> (i32, i32, i32) {
    %c0_i32 = arith.constant 0 : i32
    %c0_i32_0 = arith.constant 0 : i32
    %c0_i32_1 = arith.constant 0 : i32
    return %c0_i32, %arg0, %c0_i32_0 : i32, i32, i32
  }
  func.func @transform_2(%arg0: i32) -> (i32, i32) {
    %c0_i32 = arith.constant 0 : i32
    %c0_i32_0 = arith.constant 0 : i32
    return %c0_i32, %arg0 : i32, i32
  }
  func.func @transform_3(%arg0: i32) -> (i32, i32) {
    %c0_i32 = arith.constant 0 : i32
    %c0_i32_0 = arith.constant 0 : i32
    %c0_i32_1 = arith.constant 0 : i32
    return %c0_i32, %c0_i32_0 : i32, i32
  }
  func.func @transform_4(%arg0: i32) -> (i32, i32) {
    %c0_i32 = arith.constant 0 : i32
    %c0_i32_0 = arith.constant 0 : i32
    %c0_i32_1 = arith.constant 0 : i32
    return %c0_i32, %c0_i32_0 : i32, i32
  }
  func.func @transform_5(%arg0: i32) -> (i32, i32) {
    %c0_i32 = arith.constant 0 : i32
    %c0_i32_0 = arith.constant 0 : i32
    %c0_i32_1 = arith.constant 0 : i32
    return %c0_i32, %c0_i32_0 : i32, i32
  }
  func.func @transform_6(%arg0: i32) -> (i32, i32) {
    %c0_i32 = arith.constant 0 : i32
    %c0_i32_0 = arith.constant 0 : i32
    return %arg0, %c0_i32 : i32, i32
  }
}

</mosaic_0001>

<sc_bundles>
// kernel: kernel.11.cloned.1.call-start
scs
__scs_entry_jumppad:
0x0: {  	(pc) =	sbr.rel $0x88, $3  }
0x1: {  	(tag) =	ssettag $0x0;
	lr =	simm.s32 $0x1  }
0x2: {  	[smem:$0x3F97] =	sst lr;
	_ =	strace $0xD0000000  }
0x3: {  	_ = 	snop  }
0x4: {  	_ = 	snop  }
0x5: {  	_ = 	snop  }
0x6: {  	_ = 	snop  }
0x7: {  	_ = 	snop  }
__scs_overlays_trampoline_lowered:
0x8: {  	[smem:$0x3FA6] =	sst s0  }
0x9: {  	[smem:$0x3FA7] =	sst s1  }
0xa: {  	[smem:$0x3FA8] =	sst s2  }
0xb: {  	[smem:$0x3FA9] =	sst s3  }
0xc: {  	[smem:$0x3FAA] =	sst s4  }
0xd: {  	[smem:$0x3FAB] =	sst s5  }
0xe: {  	[smem:$0x3FAC] =	sst s6  }
0xf: {  	[smem:$0x3FAD] =	sst s7  }
0x10: {  	[smem:$0x3FAE] =	sst s8  }
0x11: {  	[smem:$0x3FAF] =	sst s9;
	s0 =	simm.s32 @!p0 $0x0  }
0x12: {  	s1 =	sld [smem:$0x3F95];
	s0 =	simm.s32 @p0 $0x1  }
0x13: {  	[smem:$0x3FB0] =	sst s0;
	s0 =	simm.s32 @!p1 $0x0  }
0x14: {  	s2 =	sld [smem:$0x3F94];
	s0 =	simm.s32 @p1 $0x1  }
0x15: {  	[smem:$0x3FB1] =	sst s0;
	s0 =	simm.s32 @!p2 $0x0  }
0x16: {  	s3 =	sld [smem:$0x3FDB];
	s0 =	simm.s32 @p2 $0x1  }
0x17: {  	s4 =	simm.s32 $0x1BF5;
	[smem:$0x3FB3] =	sst s0  }
0x18: {  	s0 =	sld [smem:$0x3F96];
	_ =	swait.ge [sflag:s4], $0x0  }
0x19: {  	s7 =	sld [smem:$0x3F97]  }
0x1a: {  	s8 =	sadd.s32 $0xFFFFE003, lr  }
0x1b: {  	s9 =	sadd.s32 $0xFFFFFEF7, lr;
	s5 =	simm.s32 $0xFFFFFFFF;
	p2 =	slt.u32 s8, $0xFFFFF086  }
0x1c: {  	p1 =	slt.u32 s9, $0xF7A;
	s5 =	simm.s32 @!p2 $0x0  }
0x1d: {  	s5 =	simm.s32 @p1 $0x1;
	p0 =	seq.s32 s7, s2  }
0x1e: {  	s7 =	smul.u32 @!p0 $0xF7A, s2;
	p2 =	seq.s32 @!p0 s5, $0x0  }
0x1f: {  	s9 =	smul.u32 $0xF7A, s1;
	s8 =	simm.s32 @!p0 $0x1BF5;
	p2 =	por !p2, p0  }
0x20: {  	[sflag:s8] =	ssyncset.s32 @!p0 $0xFFFFF086;
	s6 =	sadd.s32 @!p0 s3, s7;
	s7 =	simm.s32 @!p0 $0x108  }
0x21: {  	s3 =	sadd.s32 s3, s9;
	s6 =	sadd.s32 @!p0 $0x88, s6;
	s7 =	simm.s32 @p2 $0x1082  }
0x22: {  	[simem:s7], [sflag:s8] =	dma.local @!p0 [hbm:s6], $0xF7A  }
0x23: {  	s9 =	sor.u32 $0xD0000000, s2;
	s6 =	simm.s32 $0x108;
	_ =	swait.ge @!p0 [sflag:s8], $0x0  }
0x24: {  	s3 =	sadd.s32 $0x88, s3;
	s6 =	simm.s32 @!p1 $0x1082;
	[sflag:s4] =	ssyncset.s32 $0xFFFFF086  }
0x25: {  	[simem:s6], [sflag:s4] =	dma.local [hbm:s3], $0xF7A  }
0x26: {  	[smem:$0x3F97] =	sst s1;
	(tag) =	ssettag s2;
	_ =	strace s9  }
0x27: {  	s1 =	sld [smem:$0x3FA7]  }
0x28: {  	s2 =	sld [smem:$0x3FA8]  }
0x29: {  	s4 =	sld [smem:$0x3FAA]  }
0x2a: {  	p0 =	seq.s32 s5, $0x0;
	s5 =	sld [smem:$0x3FAB]  }
0x2b: {  	s6 =	sld [smem:$0x3FAC]  }
0x2c: {  	s7 =	sld [smem:$0x3FAD]  }
0x2d: {  	s3 =	simm.s32 $0x108;
	s8 =	sld [smem:$0x3FAE]  }
0x2e: {  	s3 =	simm.s32 @!p0 $0x1082;
	s9 =	sld [smem:$0x3FAF]  }
0x2f: {  	lr =	sadd.s32 s0, s3;
	s0 =	sld [smem:$0x3FA6]  }
0x30: {  	s3 =	sld [smem:$0x3FA9]  }
0x31: {  	[smem:$0x3FB2] =	sst s10  }
0x32: {  	s10 =	sld [smem:$0x3FB0];
	_ =	sdelay $0x3  }
0x33: {  	p0 =	seq.s32 s10, $0x1;
	s10 =	sld [smem:$0x3FB2];
	_ =	sdelay $0x3  }
0x34: {  	[smem:$0x3FB2] =	sst s10  }
0x35: {  	s10 =	sld [smem:$0x3FB1];
	_ =	sdelay $0x3  }
0x36: {  	p1 =	seq.s32 s10, $0x1;
	s10 =	sld [smem:$0x3FB2];
	_ =	sdelay $0x3  }
0x37: {  	[smem:$0x3FB2] =	sst s10  }
0x38: {  	s10 =	sld [smem:$0x3FB3]  }
0x39: {  	_ = 	snop;
	(pc) =	sbr.ind lr, $3  }
0x3a: {  	_ = 	snop  }
0x3b: {  	_ = 	snop  }
0x3c: {  	p2 =	seq.s32 s10, $0x1;
	s10 =	sld [smem:$0x3FB2]  }
0x3d: {  	_ =	shalt  }
0x3e: {  	_ =	shalt  }
0x3f: {  	_ =	shalt  }
0x40: {  	_ =	shalt  }
0x41: {  	_ =	shalt  }
0x42: {  	_ =	shalt  }
0x43: {  	_ =	shalt  }
0x44: {  	_ =	shalt  }
0x45: {  	_ =	shalt  }
0x46: {  	_ =	shalt  }
0x47: {  	_ =	shalt  }
0x48: {  	_ =	shalt  }
0x49: {  	_ =	shalt  }
0x4a: {  	_ =	shalt  }
0x4b: {  	_ =	shalt  }
0x4c: {  	_ =	shalt  }
0x4d: {  	_ =	shalt  }
0x4e: {  	_ =	shalt  }
0x4f: {  	_ =	shalt  }
0x50: {  	_ =	shalt  }
0x51: {  	_ =	shalt  }
0x52: {  	_ =	shalt  }
0x53: {  	_ =	shalt  }
0x54: {  	_ =	shalt  }
0x55: {  	_ =	shalt  }
0x56: {  	_ =	shalt  }
0x57: {  	_ =	shalt  }
0x58: {  	_ =	shalt  }
0x59: {  	_ =	shalt  }
0x5a: {  	_ =	shalt  }
0x5b: {  	_ =	shalt  }
0x5c: {  	_ =	shalt  }
0x5d: {  	_ =	shalt  }
0x5e: {  	_ =	shalt  }
0x5f: {  	_ =	shalt  }
0x60: {  	_ =	shalt  }
0x61: {  	_ =	shalt  }
0x62: {  	_ =	shalt  }
0x63: {  	_ =	shalt  }
0x64: {  	_ =	shalt  }
0x65: {  	_ =	shalt  }
0x66: {  	_ =	shalt  }
0x67: {  	_ =	shalt  }
0x68: {  	_ =	shalt  }
0x69: {  	_ =	shalt  }
0x6a: {  	_ =	shalt  }
0x6b: {  	_ =	shalt  }
0x6c: {  	_ =	shalt  }
0x6d: {  	_ =	shalt  }
0x6e: {  	_ =	shalt  }
0x6f: {  	_ =	shalt  }
0x70: {  	_ =	shalt  }
0x71: {  	_ =	shalt  }
0x72: {  	_ =	shalt  }
0x73: {  	_ =	shalt  }
0x74: {  	_ =	shalt  }
0x75: {  	_ =	shalt  }
0x76: {  	_ =	shalt  }
0x77: {  	_ =	shalt  }
0x78: {  	_ =	shalt  }
0x79: {  	_ =	shalt  }
0x7a: {  	_ =	shalt  }
0x7b: {  	_ =	shalt  }
0x7c: {  	_ =	shalt  }
0x7d: {  	_ =	shalt  }
0x7e: {  	_ =	shalt  }
0x7f: {  	_ =	shalt  }
0x80: {  	_ =	shalt  }
0x81: {  	_ =	shalt  }
0x82: {  	_ =	shalt  }
0x83: {  	_ =	shalt  }
0x84: {  	_ =	shalt  }
0x85: {  	_ =	shalt  }
0x86: {  	_ =	shalt  }
0x87: {  	_ =	shalt  }
.Lfunc_end0:
.L_simem_size_0:
called_computation.1_lowered:
.L_overlay_start_0:
0x88: {  	s2 =	sld [smem:$0x3FD9]  }
0x89: {  	s3 =	sld [smem:$0x3FFE];
	_ =	sdelay $0x1  }
0x8a: {  	s1 =	srdreg.scid  }
0x8b: {  	s0 =	sand.u32 $0x1, s1  }
0x8c: {  	s17 =	sshll.u32 s0, $0xA;
	s2 =	sadd.s32 s3, s2  }
0x8d: {  	s2 =	sadd.s32 s2, s17  }
0x8e: {  	[smem:$0x3FBE] =	sst s2  }
0x8f: {  	_ = 	snop  }
0x90: {  	s2 =	sld [smem:$0x3FD0];
	(tm) =	ssettm $0x1  }
0x91: {  	s18 =	sld [smem:$0x3FFB];
	_ =	sdelay $0x3  }
0x92: {  	_ =	strace s18  }
0x93: {  	s3 =	sld [smem:$0x3FFC];
	_ =	sdelay $0x3  }
0x94: {  	_ =	strace s3  }
0x95: {  	s3 =	sld [smem:$0x3FFD];
	_ =	sdelay $0x3  }
0x96: {  	_ =	strace s3  }
0x97: {  	_ =	strace $0x8FFFFFFF  }
0x98: {  	s19 =	sld [smem:$0x3FDB];
	_ =	sdelay $0x1  }
0x99: {  	s4 =	simm.s32 $_scs_section_size  }
0x9a: {  	s5 =	simm.s32 $_size__tile_overlayer_lowered;
	s6 =	simm.s32 $_tile_overlayer_lowered  }
0x9b: {  	s22 =	simm.s32 $0x1BFF;
	s21 =	sshll.u32 s6, $0x1;
	s3 =	sadd.s32 s4, s19  }
0x9c: {  	s7 =	simm.s32 $0x0;
	s20 =	sshll.u32 s5, $0x1;
	s5 =	sadd.s32 s21, s3  }
0x9d: {  	[timem:s7], [sflag:s22] =	dma.local [hbm:s5], s20  }
0x9e: {  	_ =	swait.ge [sflag:s22], s20  }
0x9f: {  	s4 =	ssub.s32 $0x0, s20;
	[sflag:s22] =	ssyncset.done $0x0  }
0xa0: {  	[sflag:s22] =	ssyncadd.s32 s4;
	_ =	sdelay $0x1  }
0xa1: {  	s23 =	simm.s32 $0x1B8B  }
0xa2: {  	_ =	swait.ge [sflag:s23], $0x1  }
0xa3: {  	[sflag:s23] =	ssyncset.done $0x0  }
0xa4: {  	s25 =	simm.s32 $0x1B8E;
	s24 =	sld [smem:$0x3FFE];
	[sflag:s23] =	ssyncadd.s32 $0xFFFFFFFF  }
0xa5: {  	s26 =	simm.s32 $execute0_lowered;
	[smem:$0x3FD2] =	sst s25  }
0xa6: {  	s5 =	sshll.u32 s26, $0x1;
	_ =	strace $0x80000049;
	[dreg:$0x1] =	wrdreg $0xFFFFFFFF  }
0xa7: {  	s28 =	simm.s32 $_size_execute0_lowered;
	s3 =	sadd.s32 s3, s5;
	[dreg:$0x0] =	wrdreg $0x0  }
0xa8: {  	s5 =	sshll.u32 s28, $0x1;
	[dreg:$0x2] =	wrdreg s3  }
0xa9: {  	[dreg:$0x3] =	wrdreg s5  }
0xaa: {  	[dreg:$0x4] =	wrdreg $0xC0  }
0xab: {  	_ =	task [dreg:s7], $0x5FFFF  }
0xac: {  	[dreg:$0x1] =	wrdreg $0xFFFFFFFF  }
0xad: {  	[dreg:$0x0] =	wrdreg $0x60  }
0xae: {  	[dreg:$0x2] =	wrdreg s24  }
0xaf: {  	[dreg:$0x3] =	wrdreg s2  }
0xb0: {  	[dreg:$0x4] =	wrdreg $0xB8000  }
0xb1: {  	[dreg:$0x5] =	wrdreg $0x9  }
0xb2: {  	_ =	task.clear_ibuf [dreg:s7], $0x6FFFF;
	_ =	strace $0x90000049  }
0xb3: {  	s29 =	simm.s32 $0x9;
	_ =	strace $0x8000004B  }
0xb4: {  	_ =	swait.ge [sflag:s29], $0x1  }
0xb5: {  	[sflag:s29] =	ssyncadd.s32 $0xFFFFFFFF  }
0xb6: {  	_ =	strace $0x9000004B  }
0xb7: {  	_ =	sfence  }
0xb8: {  	s30 =	sld [smem:$0x0];
	_ =	sdelay $0x2  }
0xb9: {  	s31 =	sshll.u32 s1, $0xD;
	s1 =	sshrl.u32 s1, $0x2  }
0xba: {  	s3 =	sand.u32 $0x4000, s31;
	s1 =	sadd.s32 s1, s30  }
0xbb: {  	s0 =	sor.u32 s3, s0;
	s1 =	sshll.u32 s1, $0x11  }
0xbc: {  	s0 =	sor.u32 s1, s0  }
0xbd: {  	s0 =	sadd.s32 $0x8F2B, s0  }
0xbe: {  	[sflag:s0] =	ssyncadd.remote.s32 $0x1  }
0xbf: {  	_ =	sfence.sel $0xFFFF  }
0xc0: {  	[dreg:$0x0] =	wrdreg $0xFFFFFFFF;
	(pc) =	sbr.abs _section_cstart, $3  }
0xc1: {  	[dreg:$0x1] =	wrdreg $0xFFFFFFFF  }
0xc2: {  	_ =	task.clear_ibuf [dreg:s7], $0x2FFFF;
	_ =	strace $0x9FFFFFFF  }
0xc3: {  	(tm) =	ssettm $0x7FFFFFFF  }
tec
execute0_lowered:
.L_overlay_start_1:
0x0: {  	(tag) =	ssettag $0x1  }
0x1: {  	s5 =	rddreg [dreg:$0x0]  }
0x2: {  	s11 =	rddreg [dreg:$0x1]  }
0x3: {  	s2 =	rddreg [dreg:$0x2]  }
0x4: {  	s0 =	rddreg [dreg:$0x3]  }
0x5: {  	s4 =	srdreg.scid;
	s1 =	stileid.u32  }
0x6: {  	s3 =	simm.s32 $0x0;
	s15 =	simm.s32 $0x7800;
	s16 =	simm.s32 $0x1  }
0x7: {  	s17 =	simm.s32 $0x2;
	s10 =	sand.u32 $0x1, s4;
	s6 =	smul.u32 $0x50000, s1  }
0x8: {  	s30 =	sshll.u32 s1, $0x1;
	[smem:$0x7FF] =	sst s3;
	s19 =	smul.u32 $0x2800, s1  }
0x9: {  	s4 =	sor.u32 s10, s30;
	_ =	strace $0x8000004A;
	s14 =	smul.u32 $0x28000, s10  }
0xa: {  	s8 =	ssub.s32 $0x2, s10;
	p0 =	seq.s32 s10, $0x1;
	s7 =	smul.u32 $0x700, s4  }
0xb: {  	s4 =	sadd.s32 $0x1AE00, s5;
	s6 =	sshrl.u32 s6, $0x2;
	s31 =	sshrl.u32 s8, $0x1  }
.Ltmp0:
0xc: {  	s13 =	ssub.s32 s8, s31;
	s18 =	sadd.s32 s11, s14;
	(pc) =	sbr.rel .LBB2_1-.Ltmp0, $4  }
0xd: {  	s14 =	simm.s32 $0x80;
	s12 =	sadd.s32 s7, s5;
	s5 =	sadd.s32 s6, s2  }
0xe: {  	s11 =	smax.u32 s13, $0x1;
	s13 =	simm.s32 $0x3;
	s18 =	sadd.s32 s19, s18  }
0xf: {  	s6 =	sadd.s32 $0x4000, s5;
	s7 =	sadd.s32 $0x8000, s5;
	s8 =	sadd.s32 $0xC000, s5  }
0x10: {  	v0 =	vimm.f32 $0.0e+00;
	s9 =	sadd.s32 $0x10000, s5;
	s10 =	sadd.s32 $0xCE00, s12;
	s12 =	simm.s32 $0x3800  }
.LBB2_12:
0x11: {  	s19 =	sshra.s32 s19, $0x2;
	[sflag:s13] =	ssyncadd.s32 $0xFFFFC000  }
0x12: {  	[tilespmem:s12], [sflag:$0x1] =	stream.indirect.gather [hbm4b:s4+s14], $0x80, s19, s14, $0xb8;
	[tilespmem:$0x1F800] =	vst v63  }
0x13: {  	s20 =	sadd.s32 $0x80, s19  }
0x14: {  	[tilespmem:s15], [sflag:$0x2] =	stream.indirect.gather [hbm4b:s4+s14], $0x80, s20, s14, $0xb8;
	[tilespmem:$0x1F800] =	vst v63  }
0x15: {  	_ =	swait.ge [sflag:s16], $0x4000  }
0x16: {  	[sflag:s16] =	ssyncset.done $0x0  }
0x17: {  	s31 =	sadd.s32 $0x1C00, s19;
	[sflag:s16] =	ssyncadd.s32 $0xFFFFC000  }
0x18: {  	[spmem:s2] =	stream.indirect.scatter.add.f32 [tilespmem:s12], [sflag:$0x3], $0x80, s31, s14, $0xb8;
	[tilespmem:$0x1F800] =	vst v63  }
0x19: {  	_ =	swait.ge [sflag:s13], $0x4000  }
0x1a: {  	[sflag:s13] =	ssyncset.done $0x0  }
0x1b: {  	[sflag:s13] =	ssyncadd.s32 $0xFFFFC000  }
0x1c: {  	_ =	swait.ge [sflag:s17], $0x4000  }
0x1d: {  	[sflag:s17] =	ssyncset.done $0x0  }
0x1e: {  	s19 =	sadd.s32 $0x1C80, s19;
	[sflag:s17] =	ssyncadd.s32 $0xFFFFC000  }
0x1f: {  	[spmem:s2] =	stream.indirect.scatter.add.f32 [tilespmem:s15], [sflag:$0x3], $0x80, s19, s14, $0xb8;
	[tilespmem:$0x1F800] =	vst v63  }
0x20: {  	_ =	swait.ge [sflag:s13], $0x4000  }
0x21: {  	[sflag:s13] =	ssyncset.done $0x0  }
0x22: {  	[sflag:s13] =	ssyncadd.s32 $0xFFFFC000  }
.LBB2_22:
0x23: {  	s3 =	sadd.s32 $0x1, s3  }
0x24: {  	s19 =	sshll.u32 s1, $0x6;
	[bflag:$0x0] =	sbarrier.arrive $0xFFFF;
	p1 =	sne.s32 s3, s11  }
.Ltmp1:
0x25: {  	s20 =	sshrl.u32 s5, $0x3;
	s19 =	sor.u32 $0x1C03, s19;
	(pc) =	sbr.rel @!p1 .LBB2_23-.Ltmp1, $4  }
0x26: {  	[hbm:s18], [sflag:s19] =	dma.local [spmem:s20], $0x2800  }
0x27: {  	_ =	swait.ge [sflag:s13], $0x2800  }
0x28: {  	[sflag:s13] =	ssyncset.done $0x0  }
0x29: {  	[sflag:s13] =	ssyncadd.s32 $0xFFFFD800  }
.LBB2_1:
0x2a: {  	s19 =	simm.s32 $0x0;
	s20 =	simm.s32 $0x200  }
.LBB2_2:
0x2b: {  	p1 =	sne.s32 s20, $0xFE00;
	[tilespmem:s19+$0x3870] =	vst v0  }
0x2c: {  	[tilespmem:s19+$0x3800] =	vst v0  }
0x2d: {  	[tilespmem:s19+$0x3810] =	vst v0  }
.Ltmp2:
0x2e: {  	[tilespmem:s19+$0x3820] =	vst v0;
	(pc) =	sbr.rel @p1 .LBB2_2-.Ltmp2, $4  }
0x2f: {  	[tilespmem:s19+$0x3830] =	vst v0  }
0x30: {  	[tilespmem:s19+$0x3840] =	vst v0  }
0x31: {  	[tilespmem:s19+$0x3850] =	vst v0  }
0x32: {  	[tilespmem:s19+$0x3860] =	vst v0;
	s19 =	sshra.s32 s20, $0x2;
	s20 =	sadd.s32 $0x200, s20  }
0x33: {  	[tilespmem:s19+$0x3870] =	vst v0  }
0x34: {  	[tilespmem:s19+$0x3800] =	vst v0  }
0x35: {  	[tilespmem:s19+$0x3810] =	vst v0  }
0x36: {  	[tilespmem:s19+$0x3820] =	vst v0  }
0x37: {  	[tilespmem:s19+$0x3830] =	vst v0  }
0x38: {  	[tilespmem:s19+$0x3840] =	vst v0  }
0x39: {  	[tilespmem:s19+$0x3850] =	vst v0  }
0x3a: {  	[tilespmem:s19+$0x3860] =	vst v0  }
0x3b: {  	[spmem:s5] =	stream.linear.scatter [tilespmem:s12], [sflag:$0x3], $0x4000, $0x38;
	[tilespmem:$0x1F800] =	vst v63  }
0x3c: {  	_ =	swait.ge [sflag:s13], $0x4000  }
0x3d: {  	[sflag:s13] =	ssyncset.done $0x0  }
0x3e: {  	[sflag:s13] =	ssyncadd.s32 $0xFFFFC000  }
0x3f: {  	[spmem:s6] =	stream.linear.scatter [tilespmem:s12], [sflag:$0x3], $0x4000, $0x38;
	[tilespmem:$0x1F800] =	vst v63  }
0x40: {  	_ =	swait.ge [sflag:s13], $0x4000  }
0x41: {  	[sflag:s13] =	ssyncset.done $0x0  }
0x42: {  	[sflag:s13] =	ssyncadd.s32 $0xFFFFC000  }
0x43: {  	[spmem:s7] =	stream.linear.scatter [tilespmem:s12], [sflag:$0x3], $0x4000, $0x38;
	[tilespmem:$0x1F800] =	vst v63  }
0x44: {  	_ =	swait.ge [sflag:s13], $0x4000  }
0x45: {  	[sflag:s13] =	ssyncset.done $0x0  }
0x46: {  	[sflag:s13] =	ssyncadd.s32 $0xFFFFC000  }
0x47: {  	[spmem:s8] =	stream.linear.scatter [tilespmem:s12], [sflag:$0x3], $0x4000, $0x38;
	[tilespmem:$0x1F800] =	vst v63  }
0x48: {  	_ =	swait.ge [sflag:s13], $0x4000  }
0x49: {  	[sflag:s13] =	ssyncset.done $0x0  }
0x4a: {  	[sflag:s13] =	ssyncadd.s32 $0xFFFFC000  }
0x4b: {  	[spmem:s9] =	stream.linear.scatter [tilespmem:s12], [sflag:$0x3], $0x4000, $0x38;
	[tilespmem:$0x1F800] =	vst v63  }
.Ltmp3:
0x4c: {  	_ =	swait.ge [sflag:s13], $0x4000;
	(pc) =	sbr.rel @!p0 .LBB2_4-.Ltmp3, $4  }
0x4d: {  	[sflag:s13] =	ssyncset.done $0x0  }
0x4e: {  	[sflag:s13] =	ssyncadd.s32 $0xFFFFC000  }
0x4f: {  	[bflag:$0x0] =	sbarrier.arrive $0xFFFF  }
0x50: {  	s19 =	simm.s32 $0x0  }
0x51: {  	[tilespmem:s19], [sflag:$0x3] =	stream.linear.gather [hbm4b:s10+s19], $0xC00, $0x38;
	[tilespmem:$0x1F800] =	vst v63  }
0x52: {  	_ =	swait.ge [sflag:s13], $0xC00  }
0x53: {  	[sflag:s13] =	ssyncset.done $0x0  }
0x54: {  	s19 =	simm.s32 $0x0;
	[sflag:s13] =	ssyncadd.s32 $0xFFFFF400  }
0x55: {  	v1 =	vld [tilespmem:s19+$0x0]  }
0x56: {  	v2 =	vld [tilespmem:s19+$0x10]  }
0x57: {  	v3 =	vld [tilespmem:s19+$0x20]  }
0x58: {  	v4 =	vld [tilespmem:s19+$0x30]  }
0x59: {  	v6 =	vld [tilespmem:s19+$0x40]  }
0x5a: {  	v7 =	vld [tilespmem:s19+$0x50];
	v5 =	vshrl.u32 v1, $0xE  }
0x5b: {  	v9 =	vld [tilespmem:s19+$0x60];
	v8 =	vshrl.u32 v2, $0xE;
	[tilespmem:s19+$0x0] =	vst v5  }
0x5c: {  	v10 =	vshrl.u32 v3, $0xE;
	[tilespmem:s19+$0x10] =	vst v8  }
0x5d: {  	v12 =	vshrl.u32 v4, $0xE;
	[tilespmem:s19+$0x20] =	vst v10  }
0x5e: {  	v11 =	vld [tilespmem:s19+$0x70];
	v13 =	vshrl.u32 v6, $0xE;
	[tilespmem:s19+$0x30] =	vst v12  }
0x5f: {  	v14 =	vshrl.u32 v7, $0xE;
	v1 =	vand.u32 $0x3FFF, v1;
	[tilespmem:s19+$0x40] =	vst v13  }
0x60: {  	v15 =	vshrl.u32 v9, $0xE;
	v2 =	vand.u32 $0x3FFF, v2;
	[tilespmem:s19+$0x50] =	vst v14;
	vm0 =	veq.s32 v5, v1  }
0x61: {  	[tilespmem:s19+$0x60] =	vst v15;
	vm1 =	veq.s32 v8, v2;
	v1 =	vsel vm0, $0x2710, v1  }
0x62: {  	v2 =	vsel vm1, $0x2710, v2;
	[tilespmem:s19+$0x1C00] =	vst v1;
	v1 =	vand.u32 $0x3FFF, v3  }
0x63: {  	v16 =	vshrl.u32 v11, $0xE;
	[tilespmem:s19+$0x1C10] =	vst v2;
	v2 =	vand.u32 $0x3FFF, v4;
	vm10 =	veq.s32 v10, v1  }
0x64: {  	s20 =	simm.s32 $0x80;
	[tilespmem:s19+$0x70] =	vst v16;
	vm11 =	veq.s32 v12, v2;
	v1 =	vsel vm10, $0x2710, v1  }
0x65: {  	v5 =	vld [tilespmem:s20+$0x0];
	v2 =	vsel vm11, $0x2710, v2;
	[tilespmem:s19+$0x1C20] =	vst v1;
	v1 =	vand.u32 $0x3FFF, v6  }
0x66: {  	v4 =	vld [tilespmem:s20+$0x10];
	vm12 =	veq.s32 v13, v1;
	[tilespmem:s19+$0x1C30] =	vst v2;
	v2 =	vand.u32 $0x3FFF, v7  }
0x67: {  	v6 =	vand.u32 $0x3FFF, v9;
	v1 =	vsel vm12, $0x2710, v1;
	vm13 =	veq.s32 v14, v2  }
0x68: {  	vm14 =	veq.s32 v15, v6;
	v7 =	vand.u32 $0x3FFF, v11;
	v3 =	vld [tilespmem:s20+$0x20];
	[tilespmem:s19+$0x1C40] =	vst v1;
	v2 =	vsel vm13, $0x2710, v2  }
0x69: {  	vm15 =	veq.s32 v16, v7;
	v8 =	vsel vm14, $0x2710, v6;
	v1 =	vld [tilespmem:s20+$0x30];
	[tilespmem:s19+$0x1C50] =	vst v2  }
0x6a: {  	s21 =	simm.s32 $0x400;
	v6 =	vsel vm15, $0x2710, v7;
	v2 =	vld [tilespmem:s20+$0x40];
	[tilespmem:s19+$0x1C60] =	vst v8  }
.LBB2_14:
0x6b: {  	p1 =	sne.s32 s21, $0x2E00;
	v7 =	vshrl.u32 v5, $0xE;
	v5 =	vand.u32 $0x3FFF, v5;
	v8 =	vld [tilespmem:s20+$0x50];
	[tilespmem:s19+$0x1C70] =	vst v6;
	s19 =	smov.u32 s20  }
0x6c: {  	[tilespmem:s19+$0x0] =	vst v7;
	vm0 =	veq.s32 v7, v5;
	v6 =	vshrl.u32 v4, $0xE;
	v4 =	vand.u32 $0x3FFF, v4;
	v7 =	vld [tilespmem:s19+$0x60]  }
0x6d: {  	[tilespmem:s19+$0x10] =	vst v6;
	vm1 =	veq.s32 v6, v4;
	v6 =	vshrl.u32 v3, $0xE;
	v3 =	vand.u32 $0x3FFF, v3;
	v9 =	vld [tilespmem:s19+$0x70]  }
0x6e: {  	[tilespmem:s19+$0x20] =	vst v6;
	vm2 =	veq.s32 v6, v3;
	v6 =	vshrl.u32 v1, $0xE;
	v1 =	vand.u32 $0x3FFF, v1  }
0x6f: {  	[tilespmem:s19+$0x30] =	vst v6;
	vm3 =	veq.s32 v6, v1;
	v6 =	vshrl.u32 v2, $0xE;
	v2 =	vand.u32 $0x3FFF, v2  }
0x70: {  	[tilespmem:s19+$0x40] =	vst v6;
	vm4 =	veq.s32 v6, v2;
	v6 =	vshrl.u32 v8, $0xE;
	v8 =	vand.u32 $0x3FFF, v8  }
0x71: {  	[tilespmem:s19+$0x50] =	vst v6;
	vm5 =	veq.s32 v6, v8;
	v6 =	vshrl.u32 v7, $0xE;
	v7 =	vand.u32 $0x3FFF, v7  }
0x72: {  	[tilespmem:s19+$0x60] =	vst v6;
	vm6 =	veq.s32 v6, v7;
	v6 =	vshrl.u32 v9, $0xE;
	v9 =	vand.u32 $0x3FFF, v9  }
0x73: {  	v5 =	vsel vm0, $0x2710, v5;
	v4 =	vsel vm1, $0x2710, v4;
	[tilespmem:s19+$0x70] =	vst v6;
	vm0 =	veq.s32 v6, v9  }
0x74: {  	v3 =	vsel vm2, $0x2710, v3;
	v1 =	vsel vm3, $0x2710, v1;
	v2 =	vsel vm4, $0x2710, v2;
	[tilespmem:s19+$0x1C00] =	vst v5  }
0x75: {  	s20 =	sshra.s32 s21, $0x2;
	v8 =	vsel vm5, $0x2710, v8;
	v7 =	vsel vm6, $0x2710, v7;
	v6 =	vsel vm0, $0x2710, v9;
	[tilespmem:s19+$0x1C10] =	vst v4  }
.Ltmp4:
0x76: {  	v5 =	vld [tilespmem:s20+$0x0];
	[tilespmem:s19+$0x1C20] =	vst v3;
	(pc) =	sbr.rel @p1 .LBB2_14-.Ltmp4, $4  }
0x77: {  	v4 =	vld [tilespmem:s20+$0x10];
	[tilespmem:s19+$0x1C30] =	vst v1  }
0x78: {  	v3 =	vld [tilespmem:s20+$0x20];
	[tilespmem:s19+$0x1C40] =	vst v2  }
0x79: {  	v1 =	vld [tilespmem:s20+$0x30];
	[tilespmem:s19+$0x1C50] =	vst v8  }
0x7a: {  	s21 =	sadd.s32 $0x200, s21;
	v2 =	vld [tilespmem:s20+$0x40];
	[tilespmem:s19+$0x1C60] =	vst v7  }
0x7b: {  	v7 =	vld [tilespmem:s20+$0x50];
	v8 =	vshrl.u32 v5, $0xE;
	[tilespmem:s19+$0x1C70] =	vst v6  }
0x7c: {  	v60 =	vand.u32 $0x3FFF, v5;
	[tilespmem:s20+$0x0] =	vst v8;
	v59 =	vshrl.u32 v4, $0xE  }
0x7d: {  	vm0 =	veq.s32 v8, v60;
	[tilespmem:s20+$0x10] =	vst v59;
	v10 =	vshrl.u32 v3, $0xE  }
0x7e: {  	v61 =	vand.u32 $0x3FFF, v4;
	v5 =	vsel vm0, $0x2710, v60;
	[tilespmem:s20+$0x20] =	vst v10  }
0x7f: {  	vm1 =	veq.s32 v59, v61;
	v12 =	vshrl.u32 v1, $0xE;
	[tilespmem:s20+$0x1C00] =	vst v5  }
0x80: {  	v9 =	vld [tilespmem:s20+$0x60];
	v3 =	vand.u32 $0x3FFF, v3;
	v4 =	vsel vm1, $0x2710, v61;
	[tilespmem:s20+$0x30] =	vst v12  }
0x81: {  	v11 =	vld [tilespmem:s20+$0x70];
	vm10 =	veq.s32 v10, v3;
	v13 =	vshrl.u32 v2, $0xE;
	[tilespmem:s20+$0x1C10] =	vst v4  }
0x82: {  	v1 =	vand.u32 $0x3FFF, v1;
	v3 =	vsel vm10, $0x2710, v3;
	[tilespmem:s20+$0x40] =	vst v13  }
0x83: {  	vm11 =	veq.s32 v12, v1;
	v14 =	vshrl.u32 v7, $0xE;
	[tilespmem:s20+$0x1C20] =	vst v3  }
0x84: {  	v1 =	vsel vm11, $0x2710, v1;
	[tilespmem:s20+$0x50] =	vst v14  }
0x85: {  	v2 =	vand.u32 $0x3FFF, v2;
	v15 =	vshrl.u32 v9, $0xE;
	[tilespmem:s20+$0x1C30] =	vst v1  }
0x86: {  	vm12 =	veq.s32 v13, v2;
	v63 =	vand.u32 $0x3FFF, v7;
	v62 =	vshrl.u32 v11, $0xE;
	[tilespmem:s20+$0x60] =	vst v15  }
0x87: {  	vm13 =	veq.s32 v14, v63;
	v3 =	vand.u32 $0x3FFF, v9;
	v2 =	vsel vm12, $0x2710, v2;
	[tilespmem:s20+$0x70] =	vst v62  }
0x88: {  	v1 =	vand.u32 $0x3FFF, v11;
	vm14 =	veq.s32 v15, v3;
	v4 =	vsel vm13, $0x2710, v63;
	[tilespmem:s20+$0x1C40] =	vst v2  }
0x89: {  	vm15 =	veq.s32 v62, v1;
	v2 =	vsel vm14, $0x2710, v3;
	[tilespmem:s20+$0x1C50] =	vst v4  }
0x8a: {  	v1 =	vsel vm15, $0x2710, v1;
	[tilespmem:s20+$0x1C60] =	vst v2  }
0x8b: {  	s28 =	simm.s32 $0x0;
	[tilespmem:s20+$0x1C70] =	vst v1  }
0x8c: {  	[tilespmem:s12], [sflag:$0x1] =	stream.indirect.gather [hbm4b:s4+s14], $0x80, s28, s14, $0xb8;
	[tilespmem:$0x1F800] =	vst v63  }
0x8d: {  	s29 =	simm.s32 $0x80  }
0x8e: {  	[tilespmem:s15], [sflag:$0x2] =	stream.indirect.gather [hbm4b:s4+s14], $0x80, s29, s14, $0xb8;
	[tilespmem:$0x1F800] =	vst v63  }
0x8f: {  	_ =	swait.ge [sflag:s16], $0x4000  }
0x90: {  	[sflag:s16] =	ssyncset.done $0x0  }
0x91: {  	s30 =	simm.s32 $0x1C00;
	[sflag:s16] =	ssyncadd.s32 $0xFFFFC000  }
0x92: {  	[spmem:s2] =	stream.indirect.scatter.add.f32 [tilespmem:s12], [sflag:$0x3], $0x80, s30, s14, $0xb8;
	[tilespmem:$0x1F800] =	vst v63  }
0x93: {  	_ =	swait.ge [sflag:s13], $0x4000  }
0x94: {  	[sflag:s13] =	ssyncset.done $0x0  }
0x95: {  	[sflag:s13] =	ssyncadd.s32 $0xFFFFC000  }
0x96: {  	_ =	swait.ge [sflag:s17], $0x4000  }
0x97: {  	[sflag:s17] =	ssyncset.done $0x0  }
0x98: {  	s31 =	simm.s32 $0x1C80;
	[sflag:s17] =	ssyncadd.s32 $0xFFFFC000  }
0x99: {  	[spmem:s2] =	stream.indirect.scatter.add.f32 [tilespmem:s15], [sflag:$0x3], $0x80, s31, s14, $0xb8;
	[tilespmem:$0x1F800] =	vst v63  }
0x9a: {  	_ =	swait.ge [sflag:s13], $0x4000  }
0x9b: {  	s19 =	simm.s32 $0x400;
	s20 =	simm.s32 $0x800;
	[sflag:s13] =	ssyncset.done $0x0  }
.LBB2_16:
0x9c: {  	s21 =	sshra.s32 s19, $0x2  }
0x9d: {  	[sflag:s13] =	ssyncadd.s32 $0xFFFFC000;
	s19 =	smov.u32 s20;
	s22 =	sadd.s32 $0x400, s20  }
0x9e: {  	[tilespmem:s12], [sflag:$0x1] =	stream.indirect.gather [hbm4b:s4+s14], $0x80, s21, s14, $0xb8;
	[tilespmem:$0x1F800] =	vst v63  }
0x9f: {  	p1 =	sne.s32 s20, $0x2C00;
	s20 =	sadd.s32 $0x80, s21  }
0xa0: {  	[tilespmem:s15], [sflag:$0x2] =	stream.indirect.gather [hbm4b:s4+s14], $0x80, s20, s14, $0xb8;
	[tilespmem:$0x1F800] =	vst v63  }
0xa1: {  	_ =	swait.ge [sflag:s16], $0x4000  }
0xa2: {  	[sflag:s16] =	ssyncset.done $0x0  }
0xa3: {  	s20 =	sadd.s32 $0x1C00, s21;
	[sflag:s16] =	ssyncadd.s32 $0xFFFFC000  }
0xa4: {  	[spmem:s2] =	stream.indirect.scatter.add.f32 [tilespmem:s12], [sflag:$0x3], $0x80, s20, s14, $0xb8;
	[tilespmem:$0x1F800] =	vst v63  }
0xa5: {  	_ =	swait.ge [sflag:s13], $0x4000  }
0xa6: {  	[sflag:s13] =	ssyncset.done $0x0  }
0xa7: {  	[sflag:s13] =	ssyncadd.s32 $0xFFFFC000  }
0xa8: {  	_ =	swait.ge [sflag:s17], $0x4000  }
.Ltmp5:
0xa9: {  	[sflag:s17] =	ssyncset.done $0x0;
	(pc) =	sbr.rel @p1 .LBB2_16-.Ltmp5, $4  }
0xaa: {  	s20 =	sadd.s32 $0x1C80, s21;
	[sflag:s17] =	ssyncadd.s32 $0xFFFFC000  }
0xab: {  	[spmem:s2] =	stream.indirect.scatter.add.f32 [tilespmem:s15], [sflag:$0x3], $0x80, s20, s14, $0xb8;
	[tilespmem:$0x1F800] =	vst v63  }
0xac: {  	_ =	swait.ge [sflag:s13], $0x4000  }
0xad: {  	s20 =	smov.u32 s22;
	[sflag:s13] =	ssyncset.done $0x0  }
0xae: {  	s19 =	sshra.s32 s19, $0x2;
	[sflag:s13] =	ssyncadd.s32 $0xFFFFC000  }
0xaf: {  	[tilespmem:s12], [sflag:$0x1] =	stream.indirect.gather [hbm4b:s4+s14], $0x80, s19, s14, $0xb8;
	[tilespmem:$0x1F800] =	vst v63  }
0xb0: {  	s20 =	sadd.s32 $0x80, s19  }
0xb1: {  	[tilespmem:s15], [sflag:$0x2] =	stream.indirect.gather [hbm4b:s4+s14], $0x80, s20, s14, $0xb8;
	[tilespmem:$0x1F800] =	vst v63  }
0xb2: {  	_ =	swait.ge [sflag:s16], $0x4000  }
0xb3: {  	[sflag:s16] =	ssyncset.done $0x0  }
0xb4: {  	s29 =	sadd.s32 $0x1C00, s19;
	[sflag:s16] =	ssyncadd.s32 $0xFFFFC000  }
0xb5: {  	[spmem:s2] =	stream.indirect.scatter.add.f32 [tilespmem:s12], [sflag:$0x3], $0x80, s29, s14, $0xb8;
	[tilespmem:$0x1F800] =	vst v63  }
0xb6: {  	_ =	swait.ge [sflag:s13], $0x4000  }
0xb7: {  	[sflag:s13] =	ssyncset.done $0x0  }
0xb8: {  	[sflag:s13] =	ssyncadd.s32 $0xFFFFC000  }
0xb9: {  	_ =	swait.ge [sflag:s17], $0x4000  }
0xba: {  	[sflag:s17] =	ssyncset.done $0x0  }
0xbb: {  	s19 =	sadd.s32 $0x1C80, s19;
	[sflag:s17] =	ssyncadd.s32 $0xFFFFC000  }
0xbc: {  	[spmem:s2] =	stream.indirect.scatter.add.f32 [tilespmem:s15], [sflag:$0x3], $0x80, s19, s14, $0xb8;
	[tilespmem:$0x1F800] =	vst v63  }
0xbd: {  	_ =	swait.ge [sflag:s13], $0x4000  }
0xbe: {  	[sflag:s13] =	ssyncset.done $0x0  }
0xbf: {  	s30 =	sadd.s32 $0x180, s10;
	s31 =	simm.s32 $0x0;
	[sflag:s13] =	ssyncadd.s32 $0xFFFFC000  }
0xc0: {  	[tilespmem:s31], [sflag:$0x3] =	stream.linear.gather [hbm4b:s30+s31], $0xC00, $0x38;
	[tilespmem:$0x1F800] =	vst v63  }
0xc1: {  	_ =	swait.ge [sflag:s13], $0xC00  }
0xc2: {  	[sflag:s13] =	ssyncset.done $0x0  }
0xc3: {  	s19 =	simm.s32 $0x0;
	[sflag:s13] =	ssyncadd.s32 $0xFFFFF400  }
0xc4: {  	v1 =	vld [tilespmem:s19+$0x0]  }
0xc5: {  	v2 =	vld [tilespmem:s19+$0x10]  }
0xc6: {  	v3 =	vld [tilespmem:s19+$0x20]  }
0xc7: {  	v4 =	vld [tilespmem:s19+$0x30]  }
0xc8: {  	v6 =	vld [tilespmem:s19+$0x40]  }
0xc9: {  	v7 =	vld [tilespmem:s19+$0x50];
	v5 =	vshrl.u32 v1, $0xE  }
0xca: {  	v9 =	vld [tilespmem:s19+$0x60];
	v8 =	vshrl.u32 v2, $0xE;
	[tilespmem:s19+$0x0] =	vst v5  }
0xcb: {  	v10 =	vshrl.u32 v3, $0xE;
	[tilespmem:s19+$0x10] =	vst v8  }
0xcc: {  	v12 =	vshrl.u32 v4, $0xE;
	[tilespmem:s19+$0x20] =	vst v10  }
0xcd: {  	v11 =	vld [tilespmem:s19+$0x70];
	v13 =	vshrl.u32 v6, $0xE;
	[tilespmem:s19+$0x30] =	vst v12  }
0xce: {  	v14 =	vshrl.u32 v7, $0xE;
	v1 =	vand.u32 $0x3FFF, v1;
	[tilespmem:s19+$0x40] =	vst v13  }
0xcf: {  	v15 =	vshrl.u32 v9, $0xE;
	v2 =	vand.u32 $0x3FFF, v2;
	[tilespmem:s19+$0x50] =	vst v14;
	vm0 =	veq.s32 v5, v1  }
0xd0: {  	[tilespmem:s19+$0x60] =	vst v15;
	vm1 =	veq.s32 v8, v2;
	v1 =	vsel vm0, $0x2710, v1  }
0xd1: {  	v2 =	vsel vm1, $0x2710, v2;
	[tilespmem:s19+$0x1C00] =	vst v1;
	v1 =	vand.u32 $0x3FFF, v3  }
0xd2: {  	v16 =	vshrl.u32 v11, $0xE;
	[tilespmem:s19+$0x1C10] =	vst v2;
	v2 =	vand.u32 $0x3FFF, v4;
	vm10 =	veq.s32 v10, v1  }
0xd3: {  	s20 =	simm.s32 $0x80;
	[tilespmem:s19+$0x70] =	vst v16;
	vm11 =	veq.s32 v12, v2;
	v1 =	vsel vm10, $0x2710, v1  }
0xd4: {  	v5 =	vld [tilespmem:s20+$0x0];
	v2 =	vsel vm11, $0x2710, v2;
	[tilespmem:s19+$0x1C20] =	vst v1;
	v1 =	vand.u32 $0x3FFF, v6  }
0xd5: {  	v4 =	vld [tilespmem:s20+$0x10];
	vm12 =	veq.s32 v13, v1;
	[tilespmem:s19+$0x1C30] =	vst v2;
	v2 =	vand.u32 $0x3FFF, v7  }
0xd6: {  	v6 =	vand.u32 $0x3FFF, v9;
	v1 =	vsel vm12, $0x2710, v1;
	vm13 =	veq.s32 v14, v2  }
0xd7: {  	vm14 =	veq.s32 v15, v6;
	v7 =	vand.u32 $0x3FFF, v11;
	v3 =	vld [tilespmem:s20+$0x20];
	[tilespmem:s19+$0x1C40] =	vst v1;
	v2 =	vsel vm13, $0x2710, v2  }
0xd8: {  	vm15 =	veq.s32 v16, v7;
	v8 =	vsel vm14, $0x2710, v6;
	v1 =	vld [tilespmem:s20+$0x30];
	[tilespmem:s19+$0x1C50] =	vst v2  }
0xd9: {  	s21 =	simm.s32 $0x400;
	v6 =	vsel vm15, $0x2710, v7;
	v2 =	vld [tilespmem:s20+$0x40];
	[tilespmem:s19+$0x1C60] =	vst v8  }
.LBB2_18:
0xda: {  	p1 =	sne.s32 s21, $0x2E00;
	v7 =	vshrl.u32 v5, $0xE;
	v5 =	vand.u32 $0x3FFF, v5;
	v8 =	vld [tilespmem:s20+$0x50];
	[tilespmem:s19+$0x1C70] =	vst v6;
	s19 =	smov.u32 s20  }
0xdb: {  	[tilespmem:s19+$0x0] =	vst v7;
	vm0 =	veq.s32 v7, v5;
	v6 =	vshrl.u32 v4, $0xE;
	v4 =	vand.u32 $0x3FFF, v4;
	v7 =	vld [tilespmem:s19+$0x60]  }
0xdc: {  	[tilespmem:s19+$0x10] =	vst v6;
	vm1 =	veq.s32 v6, v4;
	v6 =	vshrl.u32 v3, $0xE;
	v3 =	vand.u32 $0x3FFF, v3;
	v9 =	vld [tilespmem:s19+$0x70]  }
0xdd: {  	[tilespmem:s19+$0x20] =	vst v6;
	vm2 =	veq.s32 v6, v3;
	v6 =	vshrl.u32 v1, $0xE;
	v1 =	vand.u32 $0x3FFF, v1  }
0xde: {  	[tilespmem:s19+$0x30] =	vst v6;
	vm3 =	veq.s32 v6, v1;
	v6 =	vshrl.u32 v2, $0xE;
	v2 =	vand.u32 $0x3FFF, v2  }
0xdf: {  	[tilespmem:s19+$0x40] =	vst v6;
	vm4 =	veq.s32 v6, v2;
	v6 =	vshrl.u32 v8, $0xE;
	v8 =	vand.u32 $0x3FFF, v8  }
0xe0: {  	[tilespmem:s19+$0x50] =	vst v6;
	vm5 =	veq.s32 v6, v8;
	v6 =	vshrl.u32 v7, $0xE;
	v7 =	vand.u32 $0x3FFF, v7  }
0xe1: {  	[tilespmem:s19+$0x60] =	vst v6;
	vm6 =	veq.s32 v6, v7;
	v6 =	vshrl.u32 v9, $0xE;
	v9 =	vand.u32 $0x3FFF, v9  }
0xe2: {  	v5 =	vsel vm0, $0x2710, v5;
	v4 =	vsel vm1, $0x2710, v4;
	[tilespmem:s19+$0x70] =	vst v6;
	vm0 =	veq.s32 v6, v9  }
0xe3: {  	v3 =	vsel vm2, $0x2710, v3;
	v1 =	vsel vm3, $0x2710, v1;
	v2 =	vsel vm4, $0x2710, v2;
	[tilespmem:s19+$0x1C00] =	vst v5  }
0xe4: {  	s20 =	sshra.s32 s21, $0x2;
	v8 =	vsel vm5, $0x2710, v8;
	v7 =	vsel vm6, $0x2710, v7;
	v6 =	vsel vm0, $0x2710, v9;
	[tilespmem:s19+$0x1C10] =	vst v4  }
.Ltmp6:
0xe5: {  	v5 =	vld [tilespmem:s20+$0x0];
	[tilespmem:s19+$0x1C20] =	vst v3;
	(pc) =	sbr.rel @p1 .LBB2_18-.Ltmp6, $4  }
0xe6: {  	v4 =	vld [tilespmem:s20+$0x10];
	[tilespmem:s19+$0x1C30] =	vst v1  }
0xe7: {  	v3 =	vld [tilespmem:s20+$0x20];
	[tilespmem:s19+$0x1C40] =	vst v2  }
0xe8: {  	v1 =	vld [tilespmem:s20+$0x30];
	[tilespmem:s19+$0x1C50] =	vst v8  }
0xe9: {  	s21 =	sadd.s32 $0x200, s21;
	v2 =	vld [tilespmem:s20+$0x40];
	[tilespmem:s19+$0x1C60] =	vst v7  }
0xea: {  	v7 =	vld [tilespmem:s20+$0x50];
	v8 =	vshrl.u32 v5, $0xE;
	[tilespmem:s19+$0x1C70] =	vst v6  }
0xeb: {  	v60 =	vand.u32 $0x3FFF, v5;
	[tilespmem:s20+$0x0] =	vst v8;
	v59 =	vshrl.u32 v4, $0xE  }
0xec: {  	vm0 =	veq.s32 v8, v60;
	[tilespmem:s20+$0x10] =	vst v59;
	v10 =	vshrl.u32 v3, $0xE  }
0xed: {  	v61 =	vand.u32 $0x3FFF, v4;
	v5 =	vsel vm0, $0x2710, v60;
	[tilespmem:s20+$0x20] =	vst v10  }
0xee: {  	vm1 =	veq.s32 v59, v61;
	v12 =	vshrl.u32 v1, $0xE;
	[tilespmem:s20+$0x1C00] =	vst v5  }
0xef: {  	v9 =	vld [tilespmem:s20+$0x60];
	v3 =	vand.u32 $0x3FFF, v3;
	v4 =	vsel vm1, $0x2710, v61;
	[tilespmem:s20+$0x30] =	vst v12  }
0xf0: {  	v11 =	vld [tilespmem:s20+$0x70];
	vm10 =	veq.s32 v10, v3;
	v13 =	vshrl.u32 v2, $0xE;
	[tilespmem:s20+$0x1C10] =	vst v4  }
0xf1: {  	v1 =	vand.u32 $0x3FFF, v1;
	v3 =	vsel vm10, $0x2710, v3;
	[tilespmem:s20+$0x40] =	vst v13  }
0xf2: {  	vm11 =	veq.s32 v12, v1;
	v14 =	vshrl.u32 v7, $0xE;
	[tilespmem:s20+$0x1C20] =	vst v3  }
0xf3: {  	v1 =	vsel vm11, $0x2710, v1;
	[tilespmem:s20+$0x50] =	vst v14  }
0xf4: {  	v2 =	vand.u32 $0x3FFF, v2;
	v15 =	vshrl.u32 v9, $0xE;
	[tilespmem:s20+$0x1C30] =	vst v1  }
0xf5: {  	vm12 =	veq.s32 v13, v2;
	v63 =	vand.u32 $0x3FFF, v7;
	v62 =	vshrl.u32 v11, $0xE;
	[tilespmem:s20+$0x60] =	vst v15  }
0xf6: {  	vm13 =	veq.s32 v14, v63;
	v3 =	vand.u32 $0x3FFF, v9;
	v2 =	vsel vm12, $0x2710, v2;
	[tilespmem:s20+$0x70] =	vst v62  }
0xf7: {  	v1 =	vand.u32 $0x3FFF, v11;
	vm14 =	veq.s32 v15, v3;
	v4 =	vsel vm13, $0x2710, v63;
	[tilespmem:s20+$0x1C40] =	vst v2  }
0xf8: {  	vm15 =	veq.s32 v62, v1;
	v2 =	vsel vm14, $0x2710, v3;
	[tilespmem:s20+$0x1C50] =	vst v4  }
0xf9: {  	v1 =	vsel vm15, $0x2710, v1;
	[tilespmem:s20+$0x1C60] =	vst v2  }
0xfa: {  	s28 =	simm.s32 $0x0;
	[tilespmem:s20+$0x1C70] =	vst v1  }
0xfb: {  	[tilespmem:s12], [sflag:$0x1] =	stream.indirect.gather [hbm4b:s4+s14], $0x80, s28, s14, $0xb8;
	[tilespmem:$0x1F800] =	vst v63  }
0xfc: {  	s29 =	simm.s32 $0x80  }
0xfd: {  	[tilespmem:s15], [sflag:$0x2] =	stream.indirect.gather [hbm4b:s4+s14], $0x80, s29, s14, $0xb8;
	[tilespmem:$0x1F800] =	vst v63  }
0xfe: {  	_ =	swait.ge [sflag:s16], $0x4000  }
0xff: {  	[sflag:s16] =	ssyncset.done $0x0  }
0x100: {  	s30 =	simm.s32 $0x1C00;
	[sflag:s16] =	ssyncadd.s32 $0xFFFFC000  }
0x101: {  	[spmem:s2] =	stream.indirect.scatter.add.f32 [tilespmem:s12], [sflag:$0x3], $0x80, s30, s14, $0xb8;
	[tilespmem:$0x1F800] =	vst v63  }
0x102: {  	_ =	swait.ge [sflag:s13], $0x4000  }
0x103: {  	[sflag:s13] =	ssyncset.done $0x0  }
0x104: {  	[sflag:s13] =	ssyncadd.s32 $0xFFFFC000  }
0x105: {  	_ =	swait.ge [sflag:s17], $0x4000  }
0x106: {  	[sflag:s17] =	ssyncset.done $0x0  }
0x107: {  	s31 =	simm.s32 $0x1C80;
	[sflag:s17] =	ssyncadd.s32 $0xFFFFC000  }
0x108: {  	[spmem:s2] =	stream.indirect.scatter.add.f32 [tilespmem:s15], [sflag:$0x3], $0x80, s31, s14, $0xb8;
	[tilespmem:$0x1F800] =	vst v63  }
0x109: {  	_ =	swait.ge [sflag:s13], $0x4000  }
0x10a: {  	s19 =	simm.s32 $0x400;
	s20 =	simm.s32 $0x800;
	[sflag:s13] =	ssyncset.done $0x0  }
.LBB2_20:
0x10b: {  	s21 =	sshra.s32 s19, $0x2  }
0x10c: {  	[sflag:s13] =	ssyncadd.s32 $0xFFFFC000;
	s19 =	smov.u32 s20;
	s22 =	sadd.s32 $0x400, s20  }
0x10d: {  	[tilespmem:s12], [sflag:$0x1] =	stream.indirect.gather [hbm4b:s4+s14], $0x80, s21, s14, $0xb8;
	[tilespmem:$0x1F800] =	vst v63  }
0x10e: {  	p1 =	sne.s32 s20, $0x2C00;
	s20 =	sadd.s32 $0x80, s21  }
0x10f: {  	[tilespmem:s15], [sflag:$0x2] =	stream.indirect.gather [hbm4b:s4+s14], $0x80, s20, s14, $0xb8;
	[tilespmem:$0x1F800] =	vst v63  }
0x110: {  	_ =	swait.ge [sflag:s16], $0x4000  }
0x111: {  	[sflag:s16] =	ssyncset.done $0x0  }
0x112: {  	s20 =	sadd.s32 $0x1C00, s21;
	[sflag:s16] =	ssyncadd.s32 $0xFFFFC000  }
0x113: {  	[spmem:s2] =	stream.indirect.scatter.add.f32 [tilespmem:s12], [sflag:$0x3], $0x80, s20, s14, $0xb8;
	[tilespmem:$0x1F800] =	vst v63  }
0x114: {  	_ =	swait.ge [sflag:s13], $0x4000  }
0x115: {  	[sflag:s13] =	ssyncset.done $0x0  }
0x116: {  	[sflag:s13] =	ssyncadd.s32 $0xFFFFC000  }
0x117: {  	_ =	swait.ge [sflag:s17], $0x4000  }
.Ltmp7:
0x118: {  	[sflag:s17] =	ssyncset.done $0x0;
	(pc) =	sbr.rel @p1 .LBB2_20-.Ltmp7, $4  }
0x119: {  	s20 =	sadd.s32 $0x1C80, s21;
	[sflag:s17] =	ssyncadd.s32 $0xFFFFC000  }
0x11a: {  	[spmem:s2] =	stream.indirect.scatter.add.f32 [tilespmem:s15], [sflag:$0x3], $0x80, s20, s14, $0xb8;
	[tilespmem:$0x1F800] =	vst v63  }
0x11b: {  	_ =	swait.ge [sflag:s13], $0x4000  }
0x11c: {  	s20 =	smov.u32 s22;
	[sflag:s13] =	ssyncset.done $0x0  }
0x11d: {  	s19 =	sshra.s32 s19, $0x2;
	[sflag:s13] =	ssyncadd.s32 $0xFFFFC000  }
0x11e: {  	[tilespmem:s12], [sflag:$0x1] =	stream.indirect.gather [hbm4b:s4+s14], $0x80, s19, s14, $0xb8;
	[tilespmem:$0x1F800] =	vst v63  }
0x11f: {  	s20 =	sadd.s32 $0x80, s19  }
0x120: {  	[tilespmem:s15], [sflag:$0x2] =	stream.indirect.gather [hbm4b:s4+s14], $0x80, s20, s14, $0xb8;
	[tilespmem:$0x1F800] =	vst v63  }
0x121: {  	_ =	swait.ge [sflag:s16], $0x4000  }
0x122: {  	[sflag:s16] =	ssyncset.done $0x0  }
0x123: {  	s31 =	sadd.s32 $0x1C00, s19;
	[sflag:s16] =	ssyncadd.s32 $0xFFFFC000  }
0x124: {  	[spmem:s2] =	stream.indirect.scatter.add.f32 [tilespmem:s12], [sflag:$0x3], $0x80, s31, s14, $0xb8;
	[tilespmem:$0x1F800] =	vst v63  }
0x125: {  	_ =	swait.ge [sflag:s13], $0x4000  }
0x126: {  	[sflag:s13] =	ssyncset.done $0x0  }
0x127: {  	[sflag:s13] =	ssyncadd.s32 $0xFFFFC000  }
0x128: {  	_ =	swait.ge [sflag:s17], $0x4000  }
0x129: {  	[sflag:s17] =	ssyncset.done $0x0  }
.Ltmp8:
0x12a: {  	s19 =	sadd.s32 $0x1C80, s19;
	[sflag:s17] =	ssyncadd.s32 $0xFFFFC000;
	(pc) =	sbr.rel .LBB2_22-.Ltmp8, $4  }
0x12b: {  	[spmem:s2] =	stream.indirect.scatter.add.f32 [tilespmem:s15], [sflag:$0x3], $0x80, s19, s14, $0xb8;
	[tilespmem:$0x1F800] =	vst v63  }
0x12c: {  	_ =	swait.ge [sflag:s13], $0x4000  }
0x12d: {  	[sflag:s13] =	ssyncset.done $0x0  }
0x12e: {  	[sflag:s13] =	ssyncadd.s32 $0xFFFFC000  }
.LBB2_4:
0x12f: {  	[tilespmem:s19], [sflag:$0x3] =	stream.linear.gather [hbm4b:s10+s19], $0x1C00, $0x38;
	[tilespmem:$0x1F800] =	vst v63  }
0x130: {  	_ =	swait.ge [sflag:s13], $0x1C00  }
0x131: {  	[sflag:s13] =	ssyncset.done $0x0  }
0x132: {  	s19 =	simm.s32 $0x0;
	[sflag:s13] =	ssyncadd.s32 $0xFFFFE400  }
0x133: {  	v1 =	vld [tilespmem:s19+$0x0]  }
0x134: {  	v2 =	vld [tilespmem:s19+$0x10]  }
0x135: {  	v3 =	vld [tilespmem:s19+$0x20]  }
0x136: {  	v4 =	vld [tilespmem:s19+$0x30]  }
0x137: {  	v6 =	vld [tilespmem:s19+$0x40]  }
0x138: {  	v7 =	vld [tilespmem:s19+$0x50];
	v5 =	vshrl.u32 v1, $0xE  }
0x139: {  	v9 =	vld [tilespmem:s19+$0x60];
	v8 =	vshrl.u32 v2, $0xE;
	[tilespmem:s19+$0x0] =	vst v5  }
0x13a: {  	v10 =	vshrl.u32 v3, $0xE;
	[tilespmem:s19+$0x10] =	vst v8  }
0x13b: {  	v12 =	vshrl.u32 v4, $0xE;
	[tilespmem:s19+$0x20] =	vst v10  }
0x13c: {  	v11 =	vld [tilespmem:s19+$0x70];
	v13 =	vshrl.u32 v6, $0xE;
	[tilespmem:s19+$0x30] =	vst v12  }
0x13d: {  	v14 =	vshrl.u32 v7, $0xE;
	v1 =	vand.u32 $0x3FFF, v1;
	[tilespmem:s19+$0x40] =	vst v13  }
0x13e: {  	v15 =	vshrl.u32 v9, $0xE;
	v2 =	vand.u32 $0x3FFF, v2;
	[tilespmem:s19+$0x50] =	vst v14;
	vm0 =	veq.s32 v5, v1  }
0x13f: {  	[tilespmem:s19+$0x60] =	vst v15;
	vm1 =	veq.s32 v8, v2;
	v1 =	vsel vm0, $0x2710, v1  }
0x140: {  	v2 =	vsel vm1, $0x2710, v2;
	[tilespmem:s19+$0x1C00] =	vst v1;
	v1 =	vand.u32 $0x3FFF, v3  }
0x141: {  	v16 =	vshrl.u32 v11, $0xE;
	[tilespmem:s19+$0x1C10] =	vst v2;
	v2 =	vand.u32 $0x3FFF, v4;
	vm10 =	veq.s32 v10, v1  }
0x142: {  	s20 =	simm.s32 $0x80;
	[tilespmem:s19+$0x70] =	vst v16;
	vm11 =	veq.s32 v12, v2;
	v1 =	vsel vm10, $0x2710, v1  }
0x143: {  	v5 =	vld [tilespmem:s20+$0x0];
	v2 =	vsel vm11, $0x2710, v2;
	[tilespmem:s19+$0x1C20] =	vst v1;
	v1 =	vand.u32 $0x3FFF, v6  }
0x144: {  	v4 =	vld [tilespmem:s20+$0x10];
	vm12 =	veq.s32 v13, v1;
	[tilespmem:s19+$0x1C30] =	vst v2;
	v2 =	vand.u32 $0x3FFF, v7  }
0x145: {  	v6 =	vand.u32 $0x3FFF, v9;
	v1 =	vsel vm12, $0x2710, v1;
	vm13 =	veq.s32 v14, v2  }
0x146: {  	vm14 =	veq.s32 v15, v6;
	v7 =	vand.u32 $0x3FFF, v11;
	v3 =	vld [tilespmem:s20+$0x20];
	[tilespmem:s19+$0x1C40] =	vst v1;
	v2 =	vsel vm13, $0x2710, v2  }
0x147: {  	vm15 =	veq.s32 v16, v7;
	v8 =	vsel vm14, $0x2710, v6;
	v1 =	vld [tilespmem:s20+$0x30];
	[tilespmem:s19+$0x1C50] =	vst v2  }
0x148: {  	s21 =	simm.s32 $0x400;
	v6 =	vsel vm15, $0x2710, v7;
	v2 =	vld [tilespmem:s20+$0x40];
	[tilespmem:s19+$0x1C60] =	vst v8  }
.LBB2_5:
0x149: {  	p1 =	sne.s32 s21, $0x6E00;
	v7 =	vshrl.u32 v5, $0xE;
	v5 =	vand.u32 $0x3FFF, v5;
	v8 =	vld [tilespmem:s20+$0x50];
	[tilespmem:s19+$0x1C70] =	vst v6;
	s19 =	smov.u32 s20  }
0x14a: {  	[tilespmem:s19+$0x0] =	vst v7;
	vm0 =	veq.s32 v7, v5;
	v6 =	vshrl.u32 v4, $0xE;
	v4 =	vand.u32 $0x3FFF, v4;
	v7 =	vld [tilespmem:s19+$0x60]  }
0x14b: {  	[tilespmem:s19+$0x10] =	vst v6;
	vm1 =	veq.s32 v6, v4;
	v6 =	vshrl.u32 v3, $0xE;
	v3 =	vand.u32 $0x3FFF, v3;
	v9 =	vld [tilespmem:s19+$0x70]  }
0x14c: {  	[tilespmem:s19+$0x20] =	vst v6;
	vm2 =	veq.s32 v6, v3;
	v6 =	vshrl.u32 v1, $0xE;
	v1 =	vand.u32 $0x3FFF, v1  }
0x14d: {  	[tilespmem:s19+$0x30] =	vst v6;
	vm3 =	veq.s32 v6, v1;
	v6 =	vshrl.u32 v2, $0xE;
	v2 =	vand.u32 $0x3FFF, v2  }
0x14e: {  	[tilespmem:s19+$0x40] =	vst v6;
	vm4 =	veq.s32 v6, v2;
	v6 =	vshrl.u32 v8, $0xE;
	v8 =	vand.u32 $0x3FFF, v8  }
0x14f: {  	[tilespmem:s19+$0x50] =	vst v6;
	vm5 =	veq.s32 v6, v8;
	v6 =	vshrl.u32 v7, $0xE;
	v7 =	vand.u32 $0x3FFF, v7  }
0x150: {  	[tilespmem:s19+$0x60] =	vst v6;
	vm6 =	veq.s32 v6, v7;
	v6 =	vshrl.u32 v9, $0xE;
	v9 =	vand.u32 $0x3FFF, v9  }
0x151: {  	v5 =	vsel vm0, $0x2710, v5;
	v4 =	vsel vm1, $0x2710, v4;
	[tilespmem:s19+$0x70] =	vst v6;
	vm0 =	veq.s32 v6, v9  }
0x152: {  	v3 =	vsel vm2, $0x2710, v3;
	v1 =	vsel vm3, $0x2710, v1;
	v2 =	vsel vm4, $0x2710, v2;
	[tilespmem:s19+$0x1C00] =	vst v5  }
0x153: {  	s20 =	sshra.s32 s21, $0x2;
	v8 =	vsel vm5, $0x2710, v8;
	v7 =	vsel vm6, $0x2710, v7;
	v6 =	vsel vm0, $0x2710, v9;
	[tilespmem:s19+$0x1C10] =	vst v4  }
.Ltmp9:
0x154: {  	v5 =	vld [tilespmem:s20+$0x0];
	[tilespmem:s19+$0x1C20] =	vst v3;
	(pc) =	sbr.rel @p1 .LBB2_5-.Ltmp9, $4  }
0x155: {  	v4 =	vld [tilespmem:s20+$0x10];
	[tilespmem:s19+$0x1C30] =	vst v1  }
0x156: {  	v3 =	vld [tilespmem:s20+$0x20];
	[tilespmem:s19+$0x1C40] =	vst v2  }
0x157: {  	v1 =	vld [tilespmem:s20+$0x30];
	[tilespmem:s19+$0x1C50] =	vst v8  }
0x158: {  	s21 =	sadd.s32 $0x200, s21;
	v2 =	vld [tilespmem:s20+$0x40];
	[tilespmem:s19+$0x1C60] =	vst v7  }
0x159: {  	v7 =	vld [tilespmem:s20+$0x50];
	v8 =	vshrl.u32 v5, $0xE;
	[tilespmem:s19+$0x1C70] =	vst v6  }
0x15a: {  	v60 =	vand.u32 $0x3FFF, v5;
	[tilespmem:s20+$0x0] =	vst v8;
	v59 =	vshrl.u32 v4, $0xE  }
0x15b: {  	vm0 =	veq.s32 v8, v60;
	[tilespmem:s20+$0x10] =	vst v59;
	v10 =	vshrl.u32 v3, $0xE  }
0x15c: {  	v61 =	vand.u32 $0x3FFF, v4;
	v5 =	vsel vm0, $0x2710, v60;
	[tilespmem:s20+$0x20] =	vst v10  }
0x15d: {  	vm1 =	veq.s32 v59, v61;
	v12 =	vshrl.u32 v1, $0xE;
	[tilespmem:s20+$0x1C00] =	vst v5  }
0x15e: {  	v9 =	vld [tilespmem:s20+$0x60];
	v3 =	vand.u32 $0x3FFF, v3;
	v4 =	vsel vm1, $0x2710, v61;
	[tilespmem:s20+$0x30] =	vst v12  }
0x15f: {  	v11 =	vld [tilespmem:s20+$0x70];
	vm10 =	veq.s32 v10, v3;
	v13 =	vshrl.u32 v2, $0xE;
	[tilespmem:s20+$0x1C10] =	vst v4  }
0x160: {  	v1 =	vand.u32 $0x3FFF, v1;
	v3 =	vsel vm10, $0x2710, v3;
	[tilespmem:s20+$0x40] =	vst v13  }
0x161: {  	vm11 =	veq.s32 v12, v1;
	v14 =	vshrl.u32 v7, $0xE;
	[tilespmem:s20+$0x1C20] =	vst v3  }
0x162: {  	v1 =	vsel vm11, $0x2710, v1;
	[tilespmem:s20+$0x50] =	vst v14  }
0x163: {  	v2 =	vand.u32 $0x3FFF, v2;
	v15 =	vshrl.u32 v9, $0xE;
	[tilespmem:s20+$0x1C30] =	vst v1  }
0x164: {  	vm12 =	veq.s32 v13, v2;
	v63 =	vand.u32 $0x3FFF, v7;
	v62 =	vshrl.u32 v11, $0xE;
	[tilespmem:s20+$0x60] =	vst v15  }
0x165: {  	vm13 =	veq.s32 v14, v63;
	v3 =	vand.u32 $0x3FFF, v9;
	v2 =	vsel vm12, $0x2710, v2;
	[tilespmem:s20+$0x70] =	vst v62  }
0x166: {  	v1 =	vand.u32 $0x3FFF, v11;
	vm14 =	veq.s32 v15, v3;
	v4 =	vsel vm13, $0x2710, v63;
	[tilespmem:s20+$0x1C40] =	vst v2  }
0x167: {  	vm15 =	veq.s32 v62, v1;
	v2 =	vsel vm14, $0x2710, v3;
	[tilespmem:s20+$0x1C50] =	vst v4  }
0x168: {  	v1 =	vsel vm15, $0x2710, v1;
	[tilespmem:s20+$0x1C60] =	vst v2  }
0x169: {  	s28 =	simm.s32 $0x0;
	[tilespmem:s20+$0x1C70] =	vst v1  }
0x16a: {  	[tilespmem:s12], [sflag:$0x1] =	stream.indirect.gather [hbm4b:s4+s14], $0x80, s28, s14, $0xb8;
	[tilespmem:$0x1F800] =	vst v63  }
0x16b: {  	s29 =	simm.s32 $0x80  }
0x16c: {  	[tilespmem:s15], [sflag:$0x2] =	stream.indirect.gather [hbm4b:s4+s14], $0x80, s29, s14, $0xb8;
	[tilespmem:$0x1F800] =	vst v63  }
0x16d: {  	_ =	swait.ge [sflag:s16], $0x4000  }
0x16e: {  	[sflag:s16] =	ssyncset.done $0x0  }
0x16f: {  	s30 =	simm.s32 $0x1C00;
	[sflag:s16] =	ssyncadd.s32 $0xFFFFC000  }
0x170: {  	[spmem:s2] =	stream.indirect.scatter.add.f32 [tilespmem:s12], [sflag:$0x3], $0x80, s30, s14, $0xb8;
	[tilespmem:$0x1F800] =	vst v63  }
0x171: {  	_ =	swait.ge [sflag:s13], $0x4000  }
0x172: {  	[sflag:s13] =	ssyncset.done $0x0  }
0x173: {  	[sflag:s13] =	ssyncadd.s32 $0xFFFFC000  }
0x174: {  	_ =	swait.ge [sflag:s17], $0x4000  }
0x175: {  	[sflag:s17] =	ssyncset.done $0x0  }
0x176: {  	s31 =	simm.s32 $0x1C80;
	[sflag:s17] =	ssyncadd.s32 $0xFFFFC000  }
0x177: {  	[spmem:s2] =	stream.indirect.scatter.add.f32 [tilespmem:s15], [sflag:$0x3], $0x80, s31, s14, $0xb8;
	[tilespmem:$0x1F800] =	vst v63  }
0x178: {  	_ =	swait.ge [sflag:s13], $0x4000  }
0x179: {  	s19 =	simm.s32 $0x400;
	s20 =	simm.s32 $0x800;
	[sflag:s13] =	ssyncset.done $0x0  }
.LBB2_7:
0x17a: {  	s21 =	sshra.s32 s19, $0x2  }
0x17b: {  	[sflag:s13] =	ssyncadd.s32 $0xFFFFC000;
	s19 =	smov.u32 s20;
	s22 =	sadd.s32 $0x400, s20  }
0x17c: {  	[tilespmem:s12], [sflag:$0x1] =	stream.indirect.gather [hbm4b:s4+s14], $0x80, s21, s14, $0xb8;
	[tilespmem:$0x1F800] =	vst v63  }
0x17d: {  	p1 =	sne.s32 s20, $0x6C00;
	s20 =	sadd.s32 $0x80, s21  }
0x17e: {  	[tilespmem:s15], [sflag:$0x2] =	stream.indirect.gather [hbm4b:s4+s14], $0x80, s20, s14, $0xb8;
	[tilespmem:$0x1F800] =	vst v63  }
0x17f: {  	_ =	swait.ge [sflag:s16], $0x4000  }
0x180: {  	[sflag:s16] =	ssyncset.done $0x0  }
0x181: {  	s20 =	sadd.s32 $0x1C00, s21;
	[sflag:s16] =	ssyncadd.s32 $0xFFFFC000  }
0x182: {  	[spmem:s2] =	stream.indirect.scatter.add.f32 [tilespmem:s12], [sflag:$0x3], $0x80, s20, s14, $0xb8;
	[tilespmem:$0x1F800] =	vst v63  }
0x183: {  	_ =	swait.ge [sflag:s13], $0x4000  }
0x184: {  	[sflag:s13] =	ssyncset.done $0x0  }
0x185: {  	[sflag:s13] =	ssyncadd.s32 $0xFFFFC000  }
0x186: {  	_ =	swait.ge [sflag:s17], $0x4000  }
.Ltmp10:
0x187: {  	[sflag:s17] =	ssyncset.done $0x0;
	(pc) =	sbr.rel @p1 .LBB2_7-.Ltmp10, $4  }
0x188: {  	s20 =	sadd.s32 $0x1C80, s21;
	[sflag:s17] =	ssyncadd.s32 $0xFFFFC000  }
0x189: {  	[spmem:s2] =	stream.indirect.scatter.add.f32 [tilespmem:s15], [sflag:$0x3], $0x80, s20, s14, $0xb8;
	[tilespmem:$0x1F800] =	vst v63  }
0x18a: {  	_ =	swait.ge [sflag:s13], $0x4000  }
0x18b: {  	s20 =	smov.u32 s22;
	[sflag:s13] =	ssyncset.done $0x0  }
0x18c: {  	s19 =	sshra.s32 s19, $0x2;
	[sflag:s13] =	ssyncadd.s32 $0xFFFFC000  }
0x18d: {  	[tilespmem:s12], [sflag:$0x1] =	stream.indirect.gather [hbm4b:s4+s14], $0x80, s19, s14, $0xb8;
	[tilespmem:$0x1F800] =	vst v63  }
0x18e: {  	s20 =	sadd.s32 $0x80, s19  }
0x18f: {  	[tilespmem:s15], [sflag:$0x2] =	stream.indirect.gather [hbm4b:s4+s14], $0x80, s20, s14, $0xb8;
	[tilespmem:$0x1F800] =	vst v63  }
0x190: {  	_ =	swait.ge [sflag:s16], $0x4000  }
0x191: {  	[sflag:s16] =	ssyncset.done $0x0  }
0x192: {  	s29 =	sadd.s32 $0x1C00, s19;
	[sflag:s16] =	ssyncadd.s32 $0xFFFFC000  }
0x193: {  	[spmem:s2] =	stream.indirect.scatter.add.f32 [tilespmem:s12], [sflag:$0x3], $0x80, s29, s14, $0xb8;
	[tilespmem:$0x1F800] =	vst v63  }
0x194: {  	_ =	swait.ge [sflag:s13], $0x4000  }
0x195: {  	[sflag:s13] =	ssyncset.done $0x0  }
0x196: {  	[sflag:s13] =	ssyncadd.s32 $0xFFFFC000  }
0x197: {  	_ =	swait.ge [sflag:s17], $0x4000  }
0x198: {  	[sflag:s17] =	ssyncset.done $0x0  }
0x199: {  	s19 =	sadd.s32 $0x1C80, s19;
	[sflag:s17] =	ssyncadd.s32 $0xFFFFC000  }
0x19a: {  	[spmem:s2] =	stream.indirect.scatter.add.f32 [tilespmem:s15], [sflag:$0x3], $0x80, s19, s14, $0xb8;
	[tilespmem:$0x1F800] =	vst v63  }
0x19b: {  	_ =	swait.ge [sflag:s13], $0x4000  }
0x19c: {  	[sflag:s13] =	ssyncset.done $0x0  }
0x19d: {  	s30 =	sadd.s32 $0x380, s10;
	s31 =	simm.s32 $0x0;
	[sflag:s13] =	ssyncadd.s32 $0xFFFFC000  }
0x19e: {  	[tilespmem:s31], [sflag:$0x3] =	stream.linear.gather [hbm4b:s30+s31], $0x1C00, $0x38;
	[tilespmem:$0x1F800] =	vst v63  }
0x19f: {  	_ =	swait.ge [sflag:s13], $0x1C00  }
0x1a0: {  	[sflag:s13] =	ssyncset.done $0x0  }
0x1a1: {  	s19 =	simm.s32 $0x0;
	[sflag:s13] =	ssyncadd.s32 $0xFFFFE400  }
0x1a2: {  	v1 =	vld [tilespmem:s19+$0x0]  }
0x1a3: {  	v2 =	vld [tilespmem:s19+$0x10]  }
0x1a4: {  	v3 =	vld [tilespmem:s19+$0x20]  }
0x1a5: {  	v4 =	vld [tilespmem:s19+$0x30]  }
0x1a6: {  	v6 =	vld [tilespmem:s19+$0x40]  }
0x1a7: {  	v7 =	vld [tilespmem:s19+$0x50];
	v5 =	vshrl.u32 v1, $0xE  }
0x1a8: {  	v9 =	vld [tilespmem:s19+$0x60];
	v8 =	vshrl.u32 v2, $0xE;
	[tilespmem:s19+$0x0] =	vst v5  }
0x1a9: {  	v10 =	vshrl.u32 v3, $0xE;
	[tilespmem:s19+$0x10] =	vst v8  }
0x1aa: {  	v12 =	vshrl.u32 v4, $0xE;
	[tilespmem:s19+$0x20] =	vst v10  }
0x1ab: {  	v11 =	vld [tilespmem:s19+$0x70];
	v13 =	vshrl.u32 v6, $0xE;
	[tilespmem:s19+$0x30] =	vst v12  }
0x1ac: {  	v14 =	vshrl.u32 v7, $0xE;
	v1 =	vand.u32 $0x3FFF, v1;
	[tilespmem:s19+$0x40] =	vst v13  }
0x1ad: {  	v15 =	vshrl.u32 v9, $0xE;
	v2 =	vand.u32 $0x3FFF, v2;
	[tilespmem:s19+$0x50] =	vst v14;
	vm0 =	veq.s32 v5, v1  }
0x1ae: {  	[tilespmem:s19+$0x60] =	vst v15;
	vm1 =	veq.s32 v8, v2;
	v1 =	vsel vm0, $0x2710, v1  }
0x1af: {  	v2 =	vsel vm1, $0x2710, v2;
	[tilespmem:s19+$0x1C00] =	vst v1;
	v1 =	vand.u32 $0x3FFF, v3  }
0x1b0: {  	v16 =	vshrl.u32 v11, $0xE;
	[tilespmem:s19+$0x1C10] =	vst v2;
	v2 =	vand.u32 $0x3FFF, v4;
	vm10 =	veq.s32 v10, v1  }
0x1b1: {  	s20 =	simm.s32 $0x80;
	[tilespmem:s19+$0x70] =	vst v16;
	vm11 =	veq.s32 v12, v2;
	v1 =	vsel vm10, $0x2710, v1  }
0x1b2: {  	v5 =	vld [tilespmem:s20+$0x0];
	v2 =	vsel vm11, $0x2710, v2;
	[tilespmem:s19+$0x1C20] =	vst v1;
	v1 =	vand.u32 $0x3FFF, v6  }
0x1b3: {  	v4 =	vld [tilespmem:s20+$0x10];
	vm12 =	veq.s32 v13, v1;
	[tilespmem:s19+$0x1C30] =	vst v2;
	v2 =	vand.u32 $0x3FFF, v7  }
0x1b4: {  	v6 =	vand.u32 $0x3FFF, v9;
	v1 =	vsel vm12, $0x2710, v1;
	vm13 =	veq.s32 v14, v2  }
0x1b5: {  	vm14 =	veq.s32 v15, v6;
	v7 =	vand.u32 $0x3FFF, v11;
	v3 =	vld [tilespmem:s20+$0x20];
	[tilespmem:s19+$0x1C40] =	vst v1;
	v2 =	vsel vm13, $0x2710, v2  }
0x1b6: {  	vm15 =	veq.s32 v16, v7;
	v8 =	vsel vm14, $0x2710, v6;
	v1 =	vld [tilespmem:s20+$0x30];
	[tilespmem:s19+$0x1C50] =	vst v2  }
0x1b7: {  	s21 =	simm.s32 $0x400;
	v6 =	vsel vm15, $0x2710, v7;
	v2 =	vld [tilespmem:s20+$0x40];
	[tilespmem:s19+$0x1C60] =	vst v8  }
.LBB2_9:
0x1b8: {  	p1 =	sne.s32 s21, $0x6E00;
	v7 =	vshrl.u32 v5, $0xE;
	v5 =	vand.u32 $0x3FFF, v5;
	v8 =	vld [tilespmem:s20+$0x50];
	[tilespmem:s19+$0x1C70] =	vst v6;
	s19 =	smov.u32 s20  }
0x1b9: {  	[tilespmem:s19+$0x0] =	vst v7;
	vm0 =	veq.s32 v7, v5;
	v6 =	vshrl.u32 v4, $0xE;
	v4 =	vand.u32 $0x3FFF, v4;
	v7 =	vld [tilespmem:s19+$0x60]  }
0x1ba: {  	[tilespmem:s19+$0x10] =	vst v6;
	vm1 =	veq.s32 v6, v4;
	v6 =	vshrl.u32 v3, $0xE;
	v3 =	vand.u32 $0x3FFF, v3;
	v9 =	vld [tilespmem:s19+$0x70]  }
0x1bb: {  	[tilespmem:s19+$0x20] =	vst v6;
	vm2 =	veq.s32 v6, v3;
	v6 =	vshrl.u32 v1, $0xE;
	v1 =	vand.u32 $0x3FFF, v1  }
0x1bc: {  	[tilespmem:s19+$0x30] =	vst v6;
	vm3 =	veq.s32 v6, v1;
	v6 =	vshrl.u32 v2, $0xE;
	v2 =	vand.u32 $0x3FFF, v2  }
0x1bd: {  	[tilespmem:s19+$0x40] =	vst v6;
	vm4 =	veq.s32 v6, v2;
	v6 =	vshrl.u32 v8, $0xE;
	v8 =	vand.u32 $0x3FFF, v8  }
0x1be: {  	[tilespmem:s19+$0x50] =	vst v6;
	vm5 =	veq.s32 v6, v8;
	v6 =	vshrl.u32 v7, $0xE;
	v7 =	vand.u32 $0x3FFF, v7  }
0x1bf: {  	[tilespmem:s19+$0x60] =	vst v6;
	vm6 =	veq.s32 v6, v7;
	v6 =	vshrl.u32 v9, $0xE;
	v9 =	vand.u32 $0x3FFF, v9  }
0x1c0: {  	v5 =	vsel vm0, $0x2710, v5;
	v4 =	vsel vm1, $0x2710, v4;
	[tilespmem:s19+$0x70] =	vst v6;
	vm0 =	veq.s32 v6, v9  }
0x1c1: {  	v3 =	vsel vm2, $0x2710, v3;
	v1 =	vsel vm3, $0x2710, v1;
	v2 =	vsel vm4, $0x2710, v2;
	[tilespmem:s19+$0x1C00] =	vst v5  }
0x1c2: {  	s20 =	sshra.s32 s21, $0x2;
	v8 =	vsel vm5, $0x2710, v8;
	v7 =	vsel vm6, $0x2710, v7;
	v6 =	vsel vm0, $0x2710, v9;
	[tilespmem:s19+$0x1C10] =	vst v4  }
.Ltmp11:
0x1c3: {  	v5 =	vld [tilespmem:s20+$0x0];
	[tilespmem:s19+$0x1C20] =	vst v3;
	(pc) =	sbr.rel @p1 .LBB2_9-.Ltmp11, $4  }
0x1c4: {  	v4 =	vld [tilespmem:s20+$0x10];
	[tilespmem:s19+$0x1C30] =	vst v1  }
0x1c5: {  	v3 =	vld [tilespmem:s20+$0x20];
	[tilespmem:s19+$0x1C40] =	vst v2  }
0x1c6: {  	v1 =	vld [tilespmem:s20+$0x30];
	[tilespmem:s19+$0x1C50] =	vst v8  }
0x1c7: {  	s21 =	sadd.s32 $0x200, s21;
	v2 =	vld [tilespmem:s20+$0x40];
	[tilespmem:s19+$0x1C60] =	vst v7  }
0x1c8: {  	v7 =	vld [tilespmem:s20+$0x50];
	v8 =	vshrl.u32 v5, $0xE;
	[tilespmem:s19+$0x1C70] =	vst v6  }
0x1c9: {  	v60 =	vand.u32 $0x3FFF, v5;
	[tilespmem:s20+$0x0] =	vst v8;
	v59 =	vshrl.u32 v4, $0xE  }
0x1ca: {  	vm0 =	veq.s32 v8, v60;
	[tilespmem:s20+$0x10] =	vst v59;
	v10 =	vshrl.u32 v3, $0xE  }
0x1cb: {  	v61 =	vand.u32 $0x3FFF, v4;
	v5 =	vsel vm0, $0x2710, v60;
	[tilespmem:s20+$0x20] =	vst v10  }
0x1cc: {  	vm1 =	veq.s32 v59, v61;
	v12 =	vshrl.u32 v1, $0xE;
	[tilespmem:s20+$0x1C00] =	vst v5  }
0x1cd: {  	v9 =	vld [tilespmem:s20+$0x60];
	v3 =	vand.u32 $0x3FFF, v3;
	v4 =	vsel vm1, $0x2710, v61;
	[tilespmem:s20+$0x30] =	vst v12  }
0x1ce: {  	v11 =	vld [tilespmem:s20+$0x70];
	vm10 =	veq.s32 v10, v3;
	v13 =	vshrl.u32 v2, $0xE;
	[tilespmem:s20+$0x1C10] =	vst v4  }
0x1cf: {  	v1 =	vand.u32 $0x3FFF, v1;
	v3 =	vsel vm10, $0x2710, v3;
	[tilespmem:s20+$0x40] =	vst v13  }
0x1d0: {  	vm11 =	veq.s32 v12, v1;
	v14 =	vshrl.u32 v7, $0xE;
	[tilespmem:s20+$0x1C20] =	vst v3  }
0x1d1: {  	v1 =	vsel vm11, $0x2710, v1;
	[tilespmem:s20+$0x50] =	vst v14  }
0x1d2: {  	v2 =	vand.u32 $0x3FFF, v2;
	v15 =	vshrl.u32 v9, $0xE;
	[tilespmem:s20+$0x1C30] =	vst v1  }
0x1d3: {  	vm12 =	veq.s32 v13, v2;
	v63 =	vand.u32 $0x3FFF, v7;
	v62 =	vshrl.u32 v11, $0xE;
	[tilespmem:s20+$0x60] =	vst v15  }
0x1d4: {  	vm13 =	veq.s32 v14, v63;
	v3 =	vand.u32 $0x3FFF, v9;
	v2 =	vsel vm12, $0x2710, v2;
	[tilespmem:s20+$0x70] =	vst v62  }
0x1d5: {  	v1 =	vand.u32 $0x3FFF, v11;
	vm14 =	veq.s32 v15, v3;
	v4 =	vsel vm13, $0x2710, v63;
	[tilespmem:s20+$0x1C40] =	vst v2  }
0x1d6: {  	vm15 =	veq.s32 v62, v1;
	v2 =	vsel vm14, $0x2710, v3;
	[tilespmem:s20+$0x1C50] =	vst v4  }
0x1d7: {  	v1 =	vsel vm15, $0x2710, v1;
	[tilespmem:s20+$0x1C60] =	vst v2  }
0x1d8: {  	s28 =	simm.s32 $0x0;
	[tilespmem:s20+$0x1C70] =	vst v1  }
0x1d9: {  	[tilespmem:s12], [sflag:$0x1] =	stream.indirect.gather [hbm4b:s4+s14], $0x80, s28, s14, $0xb8;
	[tilespmem:$0x1F800] =	vst v63  }
0x1da: {  	s29 =	simm.s32 $0x80  }
0x1db: {  	[tilespmem:s15], [sflag:$0x2] =	stream.indirect.gather [hbm4b:s4+s14], $0x80, s29, s14, $0xb8;
	[tilespmem:$0x1F800] =	vst v63  }
0x1dc: {  	_ =	swait.ge [sflag:s16], $0x4000  }
0x1dd: {  	[sflag:s16] =	ssyncset.done $0x0  }
0x1de: {  	s30 =	simm.s32 $0x1C00;
	[sflag:s16] =	ssyncadd.s32 $0xFFFFC000  }
0x1df: {  	[spmem:s2] =	stream.indirect.scatter.add.f32 [tilespmem:s12], [sflag:$0x3], $0x80, s30, s14, $0xb8;
	[tilespmem:$0x1F800] =	vst v63  }
0x1e0: {  	_ =	swait.ge [sflag:s13], $0x4000  }
0x1e1: {  	[sflag:s13] =	ssyncset.done $0x0  }
0x1e2: {  	[sflag:s13] =	ssyncadd.s32 $0xFFFFC000  }
0x1e3: {  	_ =	swait.ge [sflag:s17], $0x4000  }
0x1e4: {  	[sflag:s17] =	ssyncset.done $0x0  }
0x1e5: {  	s31 =	simm.s32 $0x1C80;
	[sflag:s17] =	ssyncadd.s32 $0xFFFFC000  }
0x1e6: {  	[spmem:s2] =	stream.indirect.scatter.add.f32 [tilespmem:s15], [sflag:$0x3], $0x80, s31, s14, $0xb8;
	[tilespmem:$0x1F800] =	vst v63  }
0x1e7: {  	_ =	swait.ge [sflag:s13], $0x4000  }
0x1e8: {  	s19 =	simm.s32 $0x400;
	s20 =	simm.s32 $0x800;
	[sflag:s13] =	ssyncset.done $0x0  }
.LBB2_11:
0x1e9: {  	s21 =	sshra.s32 s19, $0x2  }
0x1ea: {  	[sflag:s13] =	ssyncadd.s32 $0xFFFFC000;
	s19 =	smov.u32 s20;
	s22 =	sadd.s32 $0x400, s20  }
0x1eb: {  	[tilespmem:s12], [sflag:$0x1] =	stream.indirect.gather [hbm4b:s4+s14], $0x80, s21, s14, $0xb8;
	[tilespmem:$0x1F800] =	vst v63  }
0x1ec: {  	p1 =	seq.s32 s20, $0x6C00;
	s20 =	sadd.s32 $0x80, s21  }
0x1ed: {  	[tilespmem:s15], [sflag:$0x2] =	stream.indirect.gather [hbm4b:s4+s14], $0x80, s20, s14, $0xb8;
	[tilespmem:$0x1F800] =	vst v63  }
0x1ee: {  	_ =	swait.ge [sflag:s16], $0x4000  }
0x1ef: {  	[sflag:s16] =	ssyncset.done $0x0  }
0x1f0: {  	s20 =	sadd.s32 $0x1C00, s21;
	[sflag:s16] =	ssyncadd.s32 $0xFFFFC000  }
0x1f1: {  	[spmem:s2] =	stream.indirect.scatter.add.f32 [tilespmem:s12], [sflag:$0x3], $0x80, s20, s14, $0xb8;
	[tilespmem:$0x1F800] =	vst v63  }
0x1f2: {  	_ =	swait.ge [sflag:s13], $0x4000  }
0x1f3: {  	[sflag:s13] =	ssyncset.done $0x0  }
0x1f4: {  	[sflag:s13] =	ssyncadd.s32 $0xFFFFC000  }
0x1f5: {  	_ =	swait.ge [sflag:s17], $0x4000  }
.Ltmp12:
0x1f6: {  	[sflag:s17] =	ssyncset.done $0x0;
	(pc) =	sbr.rel @!p1 .LBB2_11-.Ltmp12, $4  }
0x1f7: {  	s20 =	sadd.s32 $0x1C80, s21;
	[sflag:s17] =	ssyncadd.s32 $0xFFFFC000  }
0x1f8: {  	[spmem:s2] =	stream.indirect.scatter.add.f32 [tilespmem:s15], [sflag:$0x3], $0x80, s20, s14, $0xb8;
	[tilespmem:$0x1F800] =	vst v63  }
0x1f9: {  	_ =	swait.ge [sflag:s13], $0x4000  }
0x1fa: {  	s20 =	smov.u32 s22;
	[sflag:s13] =	ssyncset.done $0x0  }
.Ltmp13:
0x1fb: {  	_ = 	snop;
	(pc) =	sbr.rel .LBB2_12-.Ltmp13, $1  }
0x1fc: {  	_ =	sdelay $0x3  }
.LBB2_23:
0x1fd: {  	_ =	sfence.sel $0x180000  }
0x1fe: {  	[bflag:$0x0] =	sbarrier.arrive $0xFFFF  }
0x1ff: {  	p0 =	sne.s32 s1, $0x0;
	_ =	strace $0x9000004A  }
0x200: {  	s0 =	sadd.s32 @!p0 $0x100000, s0;
	[bflag:$0x2] =	sbarrier.arrive $0xFFFF  }
0x201: {  	[sflag:s0] =	ssyncadd.tile.s32 @!p0 $0x1;
	_ =	shalt  }
.Lfunc_end2:
_tile_overlayer_lowered:
.L_overlay_start_2:
0x202: {  	(tag) =	ssettag $0x2  }
0x203: {  	s0 =	rddreg [dreg:$0x0];
	s2 =	stileid.u32  }
0x204: {  	s1 =	rddreg [dreg:$0x1];
	p0 =	sne.s32 s2, $0x0  }
0x205: {  	s3 =	rddreg [dreg:$0x2];
	[bflag:$0x3] =	sbarrier.arrive $0xFFFF;
	s2 =	simm.s32 @!p0 $0x1C03  }
0x206: {  	[timem:s3], [sflag:s2] =	dma.local @!p0 [hbm:s0], s1  }
0x207: {  	s0 =	simm.s32 @!p0 $0x3  }
0x208: {  	_ =	swait.ge @!p0 [sflag:s0], s1  }
0x209: {  	s1 =	ssub.s32 @!p0 $0x0, s1;
	[sflag:s0] =	ssyncset.done @!p0 $0x0  }
0x20a: {  	[sflag:s0] =	ssyncadd.s32 @!p0 s1  }
0x20b: {  	[bflag:$0x3] =	sbarrier.arrive $0xFFFF  }
0x20c: {  	_ =	shalt  }

// kernel: kernel.14.cloned.1.call-start
scs
__scs_entry_jumppad:
0x0: {  	(pc) =	sbr.rel $0x88, $3  }
0x1: {  	(tag) =	ssettag $0x0;
	lr =	simm.s32 $0x1  }
0x2: {  	[smem:$0x3F97] =	sst lr;
	_ =	strace $0xD0000000  }
0x3: {  	_ = 	snop  }
0x4: {  	_ = 	snop  }
0x5: {  	_ = 	snop  }
0x6: {  	_ = 	snop  }
0x7: {  	_ = 	snop  }
__scs_overlays_trampoline_lowered:
0x8: {  	[smem:$0x3FA6] =	sst s0  }
0x9: {  	[smem:$0x3FA7] =	sst s1  }
0xa: {  	[smem:$0x3FA8] =	sst s2  }
0xb: {  	[smem:$0x3FA9] =	sst s3  }
0xc: {  	[smem:$0x3FAA] =	sst s4  }
0xd: {  	[smem:$0x3FAB] =	sst s5  }
0xe: {  	[smem:$0x3FAC] =	sst s6  }
0xf: {  	[smem:$0x3FAD] =	sst s7  }
0x10: {  	[smem:$0x3FAE] =	sst s8  }
0x11: {  	[smem:$0x3FAF] =	sst s9;
	s0 =	simm.s32 @!p0 $0x0  }
0x12: {  	s1 =	sld [smem:$0x3F95];
	s0 =	simm.s32 @p0 $0x1  }
0x13: {  	[smem:$0x3FB0] =	sst s0;
	s0 =	simm.s32 @!p1 $0x0  }
0x14: {  	s2 =	sld [smem:$0x3F94];
	s0 =	simm.s32 @p1 $0x1  }
0x15: {  	[smem:$0x3FB1] =	sst s0;
	s0 =	simm.s32 @!p2 $0x0  }
0x16: {  	s3 =	sld [smem:$0x3FDB];
	s0 =	simm.s32 @p2 $0x1  }
0x17: {  	s4 =	simm.s32 $0x1BF5;
	[smem:$0x3FB3] =	sst s0  }
0x18: {  	s0 =	sld [smem:$0x3F96];
	_ =	swait.ge [sflag:s4], $0x0  }
0x19: {  	s7 =	sld [smem:$0x3F97]  }
0x1a: {  	s8 =	sadd.s32 $0xFFFFE003, lr  }
0x1b: {  	s9 =	sadd.s32 $0xFFFFFEF7, lr;
	s5 =	simm.s32 $0xFFFFFFFF;
	p2 =	slt.u32 s8, $0xFFFFF086  }
0x1c: {  	p1 =	slt.u32 s9, $0xF7A;
	s5 =	simm.s32 @!p2 $0x0  }
0x1d: {  	s5 =	simm.s32 @p1 $0x1;
	p0 =	seq.s32 s7, s2  }
0x1e: {  	s7 =	smul.u32 @!p0 $0xF7A, s2;
	p2 =	seq.s32 @!p0 s5, $0x0  }
0x1f: {  	s9 =	smul.u32 $0xF7A, s1;
	s8 =	simm.s32 @!p0 $0x1BF5;
	p2 =	por !p2, p0  }
0x20: {  	[sflag:s8] =	ssyncset.s32 @!p0 $0xFFFFF086;
	s6 =	sadd.s32 @!p0 s3, s7;
	s7 =	simm.s32 @!p0 $0x108  }
0x21: {  	s3 =	sadd.s32 s3, s9;
	s6 =	sadd.s32 @!p0 $0x88, s6;
	s7 =	simm.s32 @p2 $0x1082  }
0x22: {  	[simem:s7], [sflag:s8] =	dma.local @!p0 [hbm:s6], $0xF7A  }
0x23: {  	s9 =	sor.u32 $0xD0000000, s2;
	s6 =	simm.s32 $0x108;
	_ =	swait.ge @!p0 [sflag:s8], $0x0  }
0x24: {  	s3 =	sadd.s32 $0x88, s3;
	s6 =	simm.s32 @!p1 $0x1082;
	[sflag:s4] =	ssyncset.s32 $0xFFFFF086  }
0x25: {  	[simem:s6], [sflag:s4] =	dma.local [hbm:s3], $0xF7A  }
0x26: {  	[smem:$0x3F97] =	sst s1;
	(tag) =	ssettag s2;
	_ =	strace s9  }
0x27: {  	s1 =	sld [smem:$0x3FA7]  }
0x28: {  	s2 =	sld [smem:$0x3FA8]  }
0x29: {  	s4 =	sld [smem:$0x3FAA]  }
0x2a: {  	p0 =	seq.s32 s5, $0x0;
	s5 =	sld [smem:$0x3FAB]  }
0x2b: {  	s6 =	sld [smem:$0x3FAC]  }
0x2c: {  	s7 =	sld [smem:$0x3FAD]  }
0x2d: {  	s3 =	simm.s32 $0x108;
	s8 =	sld [smem:$0x3FAE]  }
0x2e: {  	s3 =	simm.s32 @!p0 $0x1082;
	s9 =	sld [smem:$0x3FAF]  }
0x2f: {  	lr =	sadd.s32 s0, s3;
	s0 =	sld [smem:$0x3FA6]  }
0x30: {  	s3 =	sld [smem:$0x3FA9]  }
0x31: {  	[smem:$0x3FB2] =	sst s10  }
0x32: {  	s10 =	sld [smem:$0x3FB0];
	_ =	sdelay $0x3  }
0x33: {  	p0 =	seq.s32 s10, $0x1;
	s10 =	sld [smem:$0x3FB2];
	_ =	sdelay $0x3  }
0x34: {  	[smem:$0x3FB2] =	sst s10  }
0x35: {  	s10 =	sld [smem:$0x3FB1];
	_ =	sdelay $0x3  }
0x36: {  	p1 =	seq.s32 s10, $0x1;
	s10 =	sld [smem:$0x3FB2];
	_ =	sdelay $0x3  }
0x37: {  	[smem:$0x3FB2] =	sst s10  }
0x38: {  	s10 =	sld [smem:$0x3FB3]  }
0x39: {  	_ = 	snop;
	(pc) =	sbr.ind lr, $3  }
0x3a: {  	_ = 	snop  }
0x3b: {  	_ = 	snop  }
0x3c: {  	p2 =	seq.s32 s10, $0x1;
	s10 =	sld [smem:$0x3FB2]  }
0x3d: {  	_ =	shalt  }
0x3e: {  	_ =	shalt  }
0x3f: {  	_ =	shalt  }
0x40: {  	_ =	shalt  }
0x41: {  	_ =	shalt  }
0x42: {  	_ =	shalt  }
0x43: {  	_ =	shalt  }
0x44: {  	_ =	shalt  }
0x45: {  	_ =	shalt  }
0x46: {  	_ =	shalt  }
0x47: {  	_ =	shalt  }
0x48: {  	_ =	shalt  }
0x49: {  	_ =	shalt  }
0x4a: {  	_ =	shalt  }
0x4b: {  	_ =	shalt  }
0x4c: {  	_ =	shalt  }
0x4d: {  	_ =	shalt  }
0x4e: {  	_ =	shalt  }
0x4f: {  	_ =	shalt  }
0x50: {  	_ =	shalt  }
0x51: {  	_ =	shalt  }
0x52: {  	_ =	shalt  }
0x53: {  	_ =	shalt  }
0x54: {  	_ =	shalt  }
0x55: {  	_ =	shalt  }
0x56: {  	_ =	shalt  }
0x57: {  	_ =	shalt  }
0x58: {  	_ =	shalt  }
0x59: {  	_ =	shalt  }
0x5a: {  	_ =	shalt  }
0x5b: {  	_ =	shalt  }
0x5c: {  	_ =	shalt  }
0x5d: {  	_ =	shalt  }
0x5e: {  	_ =	shalt  }
0x5f: {  	_ =	shalt  }
0x60: {  	_ =	shalt  }
0x61: {  	_ =	shalt  }
0x62: {  	_ =	shalt  }
0x63: {  	_ =	shalt  }
0x64: {  	_ =	shalt  }
0x65: {  	_ =	shalt  }
0x66: {  	_ =	shalt  }
0x67: {  	_ =	shalt  }
0x68: {  	_ =	shalt  }
0x69: {  	_ =	shalt  }
0x6a: {  	_ =	shalt  }
0x6b: {  	_ =	shalt  }
0x6c: {  	_ =	shalt  }
0x6d: {  	_ =	shalt  }
0x6e: {  	_ =	shalt  }
0x6f: {  	_ =	shalt  }
0x70: {  	_ =	shalt  }
0x71: {  	_ =	shalt  }
0x72: {  	_ =	shalt  }
0x73: {  	_ =	shalt  }
0x74: {  	_ =	shalt  }
0x75: {  	_ =	shalt  }
0x76: {  	_ =	shalt  }
0x77: {  	_ =	shalt  }
0x78: {  	_ =	shalt  }
0x79: {  	_ =	shalt  }
0x7a: {  	_ =	shalt  }
0x7b: {  	_ =	shalt  }
0x7c: {  	_ =	shalt  }
0x7d: {  	_ =	shalt  }
0x7e: {  	_ =	shalt  }
0x7f: {  	_ =	shalt  }
0x80: {  	_ =	shalt  }
0x81: {  	_ =	shalt  }
0x82: {  	_ =	shalt  }
0x83: {  	_ =	shalt  }
0x84: {  	_ =	shalt  }
0x85: {  	_ =	shalt  }
0x86: {  	_ =	shalt  }
0x87: {  	_ =	shalt  }
.Lfunc_end0:
.L_simem_size_0:
called_computation.2_lowered:
.L_overlay_start_0:
0x88: {  	s2 =	sld [smem:$0x3FD9]  }
0x89: {  	s3 =	sld [smem:$0x3FFE];
	_ =	sdelay $0x1  }
0x8a: {  	s1 =	srdreg.scid  }
0x8b: {  	s0 =	sand.u32 $0x1, s1  }
0x8c: {  	s17 =	sshll.u32 s0, $0xA;
	s2 =	sadd.s32 s3, s2  }
0x8d: {  	s2 =	sadd.s32 s2, s17  }
0x8e: {  	[smem:$0x3FBE] =	sst s2  }
0x8f: {  	_ = 	snop  }
0x90: {  	s2 =	sld [smem:$0x3FD0];
	(tm) =	ssettm $0x1  }
0x91: {  	s18 =	sld [smem:$0x3FFB];
	_ =	sdelay $0x3  }
0x92: {  	_ =	strace s18  }
0x93: {  	s3 =	sld [smem:$0x3FFC];
	_ =	sdelay $0x3  }
0x94: {  	_ =	strace s3  }
0x95: {  	s3 =	sld [smem:$0x3FFD];
	_ =	sdelay $0x3  }
0x96: {  	_ =	strace s3  }
0x97: {  	_ =	strace $0x8FFFFFFF  }
0x98: {  	s19 =	sld [smem:$0x3FDB];
	_ =	sdelay $0x1  }
0x99: {  	s4 =	simm.s32 $_scs_section_size  }
0x9a: {  	s5 =	simm.s32 $_size__tile_overlayer_lowered;
	s6 =	simm.s32 $_tile_overlayer_lowered  }
0x9b: {  	s22 =	simm.s32 $0x1BFF;
	s21 =	sshll.u32 s6, $0x1;
	s3 =	sadd.s32 s4, s19  }
0x9c: {  	s7 =	simm.s32 $0x0;
	s20 =	sshll.u32 s5, $0x1;
	s5 =	sadd.s32 s21, s3  }
0x9d: {  	[timem:s7], [sflag:s22] =	dma.local [hbm:s5], s20  }
0x9e: {  	_ =	swait.ge [sflag:s22], s20  }
0x9f: {  	s4 =	ssub.s32 $0x0, s20;
	[sflag:s22] =	ssyncset.done $0x0  }
0xa0: {  	[sflag:s22] =	ssyncadd.s32 s4;
	_ =	sdelay $0x1  }
0xa1: {  	s23 =	simm.s32 $0x1B8B  }
0xa2: {  	_ =	swait.ge [sflag:s23], $0x1  }
0xa3: {  	[sflag:s23] =	ssyncset.done $0x0  }
0xa4: {  	s25 =	simm.s32 $0x1B8E;
	s24 =	sld [smem:$0x3FFE];
	[sflag:s23] =	ssyncadd.s32 $0xFFFFFFFF  }
0xa5: {  	s26 =	simm.s32 $execute0_lowered;
	[smem:$0x3FD2] =	sst s25  }
0xa6: {  	s5 =	sshll.u32 s26, $0x1;
	_ =	strace $0x8000004C;
	[dreg:$0x1] =	wrdreg $0xFFFFFFFF  }
0xa7: {  	s28 =	simm.s32 $_size_execute0_lowered;
	s3 =	sadd.s32 s3, s5;
	[dreg:$0x0] =	wrdreg $0x0  }
0xa8: {  	s5 =	sshll.u32 s28, $0x1;
	[dreg:$0x2] =	wrdreg s3  }
0xa9: {  	[dreg:$0x3] =	wrdreg s5  }
0xaa: {  	[dreg:$0x4] =	wrdreg $0xC0  }
0xab: {  	_ =	task [dreg:s7], $0x5FFFF  }
0xac: {  	[dreg:$0x1] =	wrdreg $0xFFFFFFFF  }
0xad: {  	[dreg:$0x0] =	wrdreg $0x60  }
0xae: {  	[dreg:$0x2] =	wrdreg s24  }
0xaf: {  	[dreg:$0x3] =	wrdreg s2  }
0xb0: {  	[dreg:$0x4] =	wrdreg $0xB8000  }
0xb1: {  	[dreg:$0x5] =	wrdreg $0x9  }
0xb2: {  	_ =	task.clear_ibuf [dreg:s7], $0x6FFFF;
	_ =	strace $0x9000004C  }
0xb3: {  	s29 =	simm.s32 $0x9;
	_ =	strace $0x8000004E  }
0xb4: {  	_ =	swait.ge [sflag:s29], $0x1  }
0xb5: {  	[sflag:s29] =	ssyncadd.s32 $0xFFFFFFFF  }
0xb6: {  	_ =	strace $0x9000004E  }
0xb7: {  	_ =	sfence  }
0xb8: {  	s30 =	sld [smem:$0x0];
	_ =	sdelay $0x2  }
0xb9: {  	s31 =	sshll.u32 s1, $0xD;
	s1 =	sshrl.u32 s1, $0x2  }
0xba: {  	s3 =	sand.u32 $0x4000, s31;
	s1 =	sadd.s32 s1, s30  }
0xbb: {  	s0 =	sor.u32 s3, s0;
	s1 =	sshll.u32 s1, $0x11  }
0xbc: {  	s0 =	sor.u32 s1, s0  }
0xbd: {  	s0 =	sadd.s32 $0x8F2B, s0  }
0xbe: {  	[sflag:s0] =	ssyncadd.remote.s32 $0x1  }
0xbf: {  	_ =	sfence.sel $0xFFFF  }
0xc0: {  	[dreg:$0x0] =	wrdreg $0xFFFFFFFF;
	(pc) =	sbr.abs _section_cstart, $3  }
0xc1: {  	[dreg:$0x1] =	wrdreg $0xFFFFFFFF  }
0xc2: {  	_ =	task.clear_ibuf [dreg:s7], $0x2FFFF;
	_ =	strace $0x9FFFFFFF  }
0xc3: {  	(tm) =	ssettm $0x7FFFFFFF  }
tec
execute0_lowered:
.L_overlay_start_1:
0x0: {  	(tag) =	ssettag $0x1  }
0x1: {  	s5 =	rddreg [dreg:$0x0]  }
0x2: {  	s11 =	rddreg [dreg:$0x1]  }
0x3: {  	s2 =	rddreg [dreg:$0x2]  }
0x4: {  	s0 =	rddreg [dreg:$0x3]  }
0x5: {  	s4 =	srdreg.scid;
	s1 =	stileid.u32  }
0x6: {  	s3 =	simm.s32 $0x0;
	s15 =	simm.s32 $0x7800;
	s16 =	simm.s32 $0x1  }
0x7: {  	s17 =	simm.s32 $0x2;
	s10 =	sand.u32 $0x1, s4;
	s6 =	smul.u32 $0x50000, s1  }
0x8: {  	s30 =	sshll.u32 s1, $0x1;
	[smem:$0x7FF] =	sst s3;
	s19 =	smul.u32 $0x2800, s1  }
0x9: {  	s4 =	sor.u32 s10, s30;
	_ =	strace $0x8000004D;
	s14 =	smul.u32 $0x28000, s10  }
0xa: {  	s8 =	ssub.s32 $0x2, s10;
	p0 =	seq.s32 s10, $0x1;
	s7 =	smul.u32 $0x700, s4  }
0xb: {  	s4 =	sadd.s32 $0x1AE00, s5;
	s6 =	sshrl.u32 s6, $0x2;
	s31 =	sshrl.u32 s8, $0x1  }
.Ltmp0:
0xc: {  	s13 =	ssub.s32 s8, s31;
	s18 =	sadd.s32 s11, s14;
	(pc) =	sbr.rel .LBB2_1-.Ltmp0, $4  }
0xd: {  	s14 =	simm.s32 $0x80;
	s12 =	sadd.s32 s7, s5;
	s5 =	sadd.s32 s6, s2  }
0xe: {  	s11 =	smax.u32 s13, $0x1;
	s13 =	simm.s32 $0x3;
	s18 =	sadd.s32 s19, s18  }
0xf: {  	s6 =	sadd.s32 $0x4000, s5;
	s7 =	sadd.s32 $0x8000, s5;
	s8 =	sadd.s32 $0xC000, s5  }
0x10: {  	v0 =	vimm.f32 $0.0e+00;
	s9 =	sadd.s32 $0x10000, s5;
	s10 =	sadd.s32 $0xCE00, s12;
	s12 =	simm.s32 $0x3800  }
.LBB2_12:
0x11: {  	s19 =	sshra.s32 s19, $0x2;
	[sflag:s13] =	ssyncadd.s32 $0xFFFFC000  }
0x12: {  	[tilespmem:s12], [sflag:$0x1] =	stream.indirect.gather [hbm4b:s4+s14], $0x80, s19, s14, $0xb8;
	[tilespmem:$0x1F800] =	vst v63  }
0x13: {  	s20 =	sadd.s32 $0x80, s19  }
0x14: {  	[tilespmem:s15], [sflag:$0x2] =	stream.indirect.gather [hbm4b:s4+s14], $0x80, s20, s14, $0xb8;
	[tilespmem:$0x1F800] =	vst v63  }
0x15: {  	_ =	swait.ge [sflag:s16], $0x4000  }
0x16: {  	[sflag:s16] =	ssyncset.done $0x0  }
0x17: {  	s31 =	sadd.s32 $0x1C00, s19;
	[sflag:s16] =	ssyncadd.s32 $0xFFFFC000  }
0x18: {  	[spmem:s2] =	stream.indirect.scatter.add.f32 [tilespmem:s12], [sflag:$0x3], $0x80, s31, s14, $0xb8;
	[tilespmem:$0x1F800] =	vst v63  }
0x19: {  	_ =	swait.ge [sflag:s13], $0x4000  }
0x1a: {  	[sflag:s13] =	ssyncset.done $0x0  }
0x1b: {  	[sflag:s13] =	ssyncadd.s32 $0xFFFFC000  }
0x1c: {  	_ =	swait.ge [sflag:s17], $0x4000  }
0x1d: {  	[sflag:s17] =	ssyncset.done $0x0  }
0x1e: {  	s19 =	sadd.s32 $0x1C80, s19;
	[sflag:s17] =	ssyncadd.s32 $0xFFFFC000  }
0x1f: {  	[spmem:s2] =	stream.indirect.scatter.add.f32 [tilespmem:s15], [sflag:$0x3], $0x80, s19, s14, $0xb8;
	[tilespmem:$0x1F800] =	vst v63  }
0x20: {  	_ =	swait.ge [sflag:s13], $0x4000  }
0x21: {  	[sflag:s13] =	ssyncset.done $0x0  }
0x22: {  	[sflag:s13] =	ssyncadd.s32 $0xFFFFC000  }
.LBB2_22:
0x23: {  	s3 =	sadd.s32 $0x1, s3  }
0x24: {  	s19 =	sshll.u32 s1, $0x6;
	[bflag:$0x0] =	sbarrier.arrive $0xFFFF;
	p1 =	sne.s32 s3, s11  }
.Ltmp1:
0x25: {  	s20 =	sshrl.u32 s5, $0x3;
	s19 =	sor.u32 $0x1C03, s19;
	(pc) =	sbr.rel @!p1 .LBB2_23-.Ltmp1, $4  }
0x26: {  	[hbm:s18], [sflag:s19] =	dma.local [spmem:s20], $0x2800  }
0x27: {  	_ =	swait.ge [sflag:s13], $0x2800  }
0x28: {  	[sflag:s13] =	ssyncset.done $0x0  }
0x29: {  	[sflag:s13] =	ssyncadd.s32 $0xFFFFD800  }
.LBB2_1:
0x2a: {  	s19 =	simm.s32 $0x0;
	s20 =	simm.s32 $0x200  }
.LBB2_2:
0x2b: {  	p1 =	sne.s32 s20, $0xFE00;
	[tilespmem:s19+$0x3870] =	vst v0  }
0x2c: {  	[tilespmem:s19+$0x3800] =	vst v0  }
0x2d: {  	[tilespmem:s19+$0x3810] =	vst v0  }
.Ltmp2:
0x2e: {  	[tilespmem:s19+$0x3820] =	vst v0;
	(pc) =	sbr.rel @p1 .LBB2_2-.Ltmp2, $4  }
0x2f: {  	[tilespmem:s19+$0x3830] =	vst v0  }
0x30: {  	[tilespmem:s19+$0x3840] =	vst v0  }
0x31: {  	[tilespmem:s19+$0x3850] =	vst v0  }
0x32: {  	[tilespmem:s19+$0x3860] =	vst v0;
	s19 =	sshra.s32 s20, $0x2;
	s20 =	sadd.s32 $0x200, s20  }
0x33: {  	[tilespmem:s19+$0x3870] =	vst v0  }
0x34: {  	[tilespmem:s19+$0x3800] =	vst v0  }
0x35: {  	[tilespmem:s19+$0x3810] =	vst v0  }
0x36: {  	[tilespmem:s19+$0x3820] =	vst v0  }
0x37: {  	[tilespmem:s19+$0x3830] =	vst v0  }
0x38: {  	[tilespmem:s19+$0x3840] =	vst v0  }
0x39: {  	[tilespmem:s19+$0x3850] =	vst v0  }
0x3a: {  	[tilespmem:s19+$0x3860] =	vst v0  }
0x3b: {  	[spmem:s5] =	stream.linear.scatter [tilespmem:s12], [sflag:$0x3], $0x4000, $0x38;
	[tilespmem:$0x1F800] =	vst v63  }
0x3c: {  	_ =	swait.ge [sflag:s13], $0x4000  }
0x3d: {  	[sflag:s13] =	ssyncset.done $0x0  }
0x3e: {  	[sflag:s13] =	ssyncadd.s32 $0xFFFFC000  }
0x3f: {  	[spmem:s6] =	stream.linear.scatter [tilespmem:s12], [sflag:$0x3], $0x4000, $0x38;
	[tilespmem:$0x1F800] =	vst v63  }
0x40: {  	_ =	swait.ge [sflag:s13], $0x4000  }
0x41: {  	[sflag:s13] =	ssyncset.done $0x0  }
0x42: {  	[sflag:s13] =	ssyncadd.s32 $0xFFFFC000  }
0x43: {  	[spmem:s7] =	stream.linear.scatter [tilespmem:s12], [sflag:$0x3], $0x4000, $0x38;
	[tilespmem:$0x1F800] =	vst v63  }
0x44: {  	_ =	swait.ge [sflag:s13], $0x4000  }
0x45: {  	[sflag:s13] =	ssyncset.done $0x0  }
0x46: {  	[sflag:s13] =	ssyncadd.s32 $0xFFFFC000  }
0x47: {  	[spmem:s8] =	stream.linear.scatter [tilespmem:s12], [sflag:$0x3], $0x4000, $0x38;
	[tilespmem:$0x1F800] =	vst v63  }
0x48: {  	_ =	swait.ge [sflag:s13], $0x4000  }
0x49: {  	[sflag:s13] =	ssyncset.done $0x0  }
0x4a: {  	[sflag:s13] =	ssyncadd.s32 $0xFFFFC000  }
0x4b: {  	[spmem:s9] =	stream.linear.scatter [tilespmem:s12], [sflag:$0x3], $0x4000, $0x38;
	[tilespmem:$0x1F800] =	vst v63  }
.Ltmp3:
0x4c: {  	_ =	swait.ge [sflag:s13], $0x4000;
	(pc) =	sbr.rel @!p0 .LBB2_4-.Ltmp3, $4  }
0x4d: {  	[sflag:s13] =	ssyncset.done $0x0  }
0x4e: {  	[sflag:s13] =	ssyncadd.s32 $0xFFFFC000  }
0x4f: {  	[bflag:$0x0] =	sbarrier.arrive $0xFFFF  }
0x50: {  	s19 =	simm.s32 $0x0  }
0x51: {  	[tilespmem:s19], [sflag:$0x3] =	stream.linear.gather [hbm4b:s10+s19], $0xC00, $0x38;
	[tilespmem:$0x1F800] =	vst v63  }
0x52: {  	_ =	swait.ge [sflag:s13], $0xC00  }
0x53: {  	[sflag:s13] =	ssyncset.done $0x0  }
0x54: {  	s19 =	simm.s32 $0x0;
	[sflag:s13] =	ssyncadd.s32 $0xFFFFF400  }
0x55: {  	v1 =	vld [tilespmem:s19+$0x0]  }
0x56: {  	v2 =	vld [tilespmem:s19+$0x10]  }
0x57: {  	v3 =	vld [tilespmem:s19+$0x20]  }
0x58: {  	v4 =	vld [tilespmem:s19+$0x30]  }
0x59: {  	v6 =	vld [tilespmem:s19+$0x40]  }
0x5a: {  	v7 =	vld [tilespmem:s19+$0x50];
	v5 =	vshrl.u32 v1, $0xE  }
0x5b: {  	v9 =	vld [tilespmem:s19+$0x60];
	v8 =	vshrl.u32 v2, $0xE;
	[tilespmem:s19+$0x0] =	vst v5  }
0x5c: {  	v10 =	vshrl.u32 v3, $0xE;
	[tilespmem:s19+$0x10] =	vst v8  }
0x5d: {  	v12 =	vshrl.u32 v4, $0xE;
	[tilespmem:s19+$0x20] =	vst v10  }
0x5e: {  	v11 =	vld [tilespmem:s19+$0x70];
	v13 =	vshrl.u32 v6, $0xE;
	[tilespmem:s19+$0x30] =	vst v12  }
0x5f: {  	v14 =	vshrl.u32 v7, $0xE;
	v1 =	vand.u32 $0x3FFF, v1;
	[tilespmem:s19+$0x40] =	vst v13  }
0x60: {  	v15 =	vshrl.u32 v9, $0xE;
	v2 =	vand.u32 $0x3FFF, v2;
	[tilespmem:s19+$0x50] =	vst v14;
	vm0 =	veq.s32 v5, v1  }
0x61: {  	[tilespmem:s19+$0x60] =	vst v15;
	vm1 =	veq.s32 v8, v2;
	v1 =	vsel vm0, $0x2710, v1  }
0x62: {  	v2 =	vsel vm1, $0x2710, v2;
	[tilespmem:s19+$0x1C00] =	vst v1;
	v1 =	vand.u32 $0x3FFF, v3  }
0x63: {  	v16 =	vshrl.u32 v11, $0xE;
	[tilespmem:s19+$0x1C10] =	vst v2;
	v2 =	vand.u32 $0x3FFF, v4;
	vm10 =	veq.s32 v10, v1  }
0x64: {  	s20 =	simm.s32 $0x80;
	[tilespmem:s19+$0x70] =	vst v16;
	vm11 =	veq.s32 v12, v2;
	v1 =	vsel vm10, $0x2710, v1  }
0x65: {  	v5 =	vld [tilespmem:s20+$0x0];
	v2 =	vsel vm11, $0x2710, v2;
	[tilespmem:s19+$0x1C20] =	vst v1;
	v1 =	vand.u32 $0x3FFF, v6  }
0x66: {  	v4 =	vld [tilespmem:s20+$0x10];
	vm12 =	veq.s32 v13, v1;
	[tilespmem:s19+$0x1C30] =	vst v2;
	v2 =	vand.u32 $0x3FFF, v7  }
0x67: {  	v6 =	vand.u32 $0x3FFF, v9;
	v1 =	vsel vm12, $0x2710, v1;
	vm13 =	veq.s32 v14, v2  }
0x68: {  	vm14 =	veq.s32 v15, v6;
	v7 =	vand.u32 $0x3FFF, v11;
	v3 =	vld [tilespmem:s20+$0x20];
	[tilespmem:s19+$0x1C40] =	vst v1;
	v2 =	vsel vm13, $0x2710, v2  }
0x69: {  	vm15 =	veq.s32 v16, v7;
	v8 =	vsel vm14, $0x2710, v6;
	v1 =	vld [tilespmem:s20+$0x30];
	[tilespmem:s19+$0x1C50] =	vst v2  }
0x6a: {  	s21 =	simm.s32 $0x400;
	v6 =	vsel vm15, $0x2710, v7;
	v2 =	vld [tilespmem:s20+$0x40];
	[tilespmem:s19+$0x1C60] =	vst v8  }
.LBB2_14:
0x6b: {  	p1 =	sne.s32 s21, $0x2E00;
	v7 =	vshrl.u32 v5, $0xE;
	v5 =	vand.u32 $0x3FFF, v5;
	v8 =	vld [tilespmem:s20+$0x50];
	[tilespmem:s19+$0x1C70] =	vst v6;
	s19 =	smov.u32 s20  }
0x6c: {  	[tilespmem:s19+$0x0] =	vst v7;
	vm0 =	veq.s32 v7, v5;
	v6 =	vshrl.u32 v4, $0xE;
	v4 =	vand.u32 $0x3FFF, v4;
	v7 =	vld [tilespmem:s19+$0x60]  }
0x6d: {  	[tilespmem:s19+$0x10] =	vst v6;
	vm1 =	veq.s32 v6, v4;
	v6 =	vshrl.u32 v3, $0xE;
	v3 =	vand.u32 $0x3FFF, v3;
	v9 =	vld [tilespmem:s19+$0x70]  }
0x6e: {  	[tilespmem:s19+$0x20] =	vst v6;
	vm2 =	veq.s32 v6, v3;
	v6 =	vshrl.u32 v1, $0xE;
	v1 =	vand.u32 $0x3FFF, v1  }
0x6f: {  	[tilespmem:s19+$0x30] =	vst v6;
	vm3 =	veq.s32 v6, v1;
	v6 =	vshrl.u32 v2, $0xE;
	v2 =	vand.u32 $0x3FFF, v2  }
0x70: {  	[tilespmem:s19+$0x40] =	vst v6;
	vm4 =	veq.s32 v6, v2;
	v6 =	vshrl.u32 v8, $0xE;
	v8 =	vand.u32 $0x3FFF, v8  }
0x71: {  	[tilespmem:s19+$0x50] =	vst v6;
	vm5 =	veq.s32 v6, v8;
	v6 =	vshrl.u32 v7, $0xE;
	v7 =	vand.u32 $0x3FFF, v7  }
0x72: {  	[tilespmem:s19+$0x60] =	vst v6;
	vm6 =	veq.s32 v6, v7;
	v6 =	vshrl.u32 v9, $0xE;
	v9 =	vand.u32 $0x3FFF, v9  }
0x73: {  	v5 =	vsel vm0, $0x2710, v5;
	v4 =	vsel vm1, $0x2710, v4;
	[tilespmem:s19+$0x70] =	vst v6;
	vm0 =	veq.s32 v6, v9  }
0x74: {  	v3 =	vsel vm2, $0x2710, v3;
	v1 =	vsel vm3, $0x2710, v1;
	v2 =	vsel vm4, $0x2710, v2;
	[tilespmem:s19+$0x1C00] =	vst v5  }
0x75: {  	s20 =	sshra.s32 s21, $0x2;
	v8 =	vsel vm5, $0x2710, v8;
	v7 =	vsel vm6, $0x2710, v7;
	v6 =	vsel vm0, $0x2710, v9;
	[tilespmem:s19+$0x1C10] =	vst v4  }
.Ltmp4:
0x76: {  	v5 =	vld [tilespmem:s20+$0x0];
	[tilespmem:s19+$0x1C20] =	vst v3;
	(pc) =	sbr.rel @p1 .LBB2_14-.Ltmp4, $4  }
0x77: {  	v4 =	vld [tilespmem:s20+$0x10];
	[tilespmem:s19+$0x1C30] =	vst v1  }
0x78: {  	v3 =	vld [tilespmem:s20+$0x20];
	[tilespmem:s19+$0x1C40] =	vst v2  }
0x79: {  	v1 =	vld [tilespmem:s20+$0x30];
	[tilespmem:s19+$0x1C50] =	vst v8  }
0x7a: {  	s21 =	sadd.s32 $0x200, s21;
	v2 =	vld [tilespmem:s20+$0x40];
	[tilespmem:s19+$0x1C60] =	vst v7  }
0x7b: {  	v7 =	vld [tilespmem:s20+$0x50];
	v8 =	vshrl.u32 v5, $0xE;
	[tilespmem:s19+$0x1C70] =	vst v6  }
0x7c: {  	v60 =	vand.u32 $0x3FFF, v5;
	[tilespmem:s20+$0x0] =	vst v8;
	v59 =	vshrl.u32 v4, $0xE  }
0x7d: {  	vm0 =	veq.s32 v8, v60;
	[tilespmem:s20+$0x10] =	vst v59;
	v10 =	vshrl.u32 v3, $0xE  }
0x7e: {  	v61 =	vand.u32 $0x3FFF, v4;
	v5 =	vsel vm0, $0x2710, v60;
	[tilespmem:s20+$0x20] =	vst v10  }
0x7f: {  	vm1 =	veq.s32 v59, v61;
	v12 =	vshrl.u32 v1, $0xE;
	[tilespmem:s20+$0x1C00] =	vst v5  }
0x80: {  	v9 =	vld [tilespmem:s20+$0x60];
	v3 =	vand.u32 $0x3FFF, v3;
	v4 =	vsel vm1, $0x2710, v61;
	[tilespmem:s20+$0x30] =	vst v12  }
0x81: {  	v11 =	vld [tilespmem:s20+$0x70];
	vm10 =	veq.s32 v10, v3;
	v13 =	vshrl.u32 v2, $0xE;
	[tilespmem:s20+$0x1C10] =	vst v4  }
0x82: {  	v1 =	vand.u32 $0x3FFF, v1;
	v3 =	vsel vm10, $0x2710, v3;
	[tilespmem:s20+$0x40] =	vst v13  }
0x83: {  	vm11 =	veq.s32 v12, v1;
	v14 =	vshrl.u32 v7, $0xE;
	[tilespmem:s20+$0x1C20] =	vst v3  }
0x84: {  	v1 =	vsel vm11, $0x2710, v1;
	[tilespmem:s20+$0x50] =	vst v14  }
0x85: {  	v2 =	vand.u32 $0x3FFF, v2;
	v15 =	vshrl.u32 v9, $0xE;
	[tilespmem:s20+$0x1C30] =	vst v1  }
0x86: {  	vm12 =	veq.s32 v13, v2;
	v63 =	vand.u32 $0x3FFF, v7;
	v62 =	vshrl.u32 v11, $0xE;
	[tilespmem:s20+$0x60] =	vst v15  }
0x87: {  	vm13 =	veq.s32 v14, v63;
	v3 =	vand.u32 $0x3FFF, v9;
	v2 =	vsel vm12, $0x2710, v2;
	[tilespmem:s20+$0x70] =	vst v62  }
0x88: {  	v1 =	vand.u32 $0x3FFF, v11;
	vm14 =	veq.s32 v15, v3;
	v4 =	vsel vm13, $0x2710, v63;
	[tilespmem:s20+$0x1C40] =	vst v2  }
0x89: {  	vm15 =	veq.s32 v62, v1;
	v2 =	vsel vm14, $0x2710, v3;
	[tilespmem:s20+$0x1C50] =	vst v4  }
0x8a: {  	v1 =	vsel vm15, $0x2710, v1;
	[tilespmem:s20+$0x1C60] =	vst v2  }
0x8b: {  	s28 =	simm.s32 $0x0;
	[tilespmem:s20+$0x1C70] =	vst v1  }
0x8c: {  	[tilespmem:s12], [sflag:$0x1] =	stream.indirect.gather [hbm4b:s4+s14], $0x80, s28, s14, $0xb8;
	[tilespmem:$0x1F800] =	vst v63  }
0x8d: {  	s29 =	simm.s32 $0x80  }
0x8e: {  	[tilespmem:s15], [sflag:$0x2] =	stream.indirect.gather [hbm4b:s4+s14], $0x80, s29, s14, $0xb8;
	[tilespmem:$0x1F800] =	vst v63  }
0x8f: {  	_ =	swait.ge [sflag:s16], $0x4000  }
0x90: {  	[sflag:s16] =	ssyncset.done $0x0  }
0x91: {  	s30 =	simm.s32 $0x1C00;
	[sflag:s16] =	ssyncadd.s32 $0xFFFFC000  }
0x92: {  	[spmem:s2] =	stream.indirect.scatter.add.f32 [tilespmem:s12], [sflag:$0x3], $0x80, s30, s14, $0xb8;
	[tilespmem:$0x1F800] =	vst v63  }
0x93: {  	_ =	swait.ge [sflag:s13], $0x4000  }
0x94: {  	[sflag:s13] =	ssyncset.done $0x0  }
0x95: {  	[sflag:s13] =	ssyncadd.s32 $0xFFFFC000  }
0x96: {  	_ =	swait.ge [sflag:s17], $0x4000  }
0x97: {  	[sflag:s17] =	ssyncset.done $0x0  }
0x98: {  	s31 =	simm.s32 $0x1C80;
	[sflag:s17] =	ssyncadd.s32 $0xFFFFC000  }
0x99: {  	[spmem:s2] =	stream.indirect.scatter.add.f32 [tilespmem:s15], [sflag:$0x3], $0x80, s31, s14, $0xb8;
	[tilespmem:$0x1F800] =	vst v63  }
0x9a: {  	_ =	swait.ge [sflag:s13], $0x4000  }
0x9b: {  	s19 =	simm.s32 $0x400;
	s20 =	simm.s32 $0x800;
	[sflag:s13] =	ssyncset.done $0x0  }
.LBB2_16:
0x9c: {  	s21 =	sshra.s32 s19, $0x2  }
0x9d: {  	[sflag:s13] =	ssyncadd.s32 $0xFFFFC000;
	s19 =	smov.u32 s20;
	s22 =	sadd.s32 $0x400, s20  }
0x9e: {  	[tilespmem:s12], [sflag:$0x1] =	stream.indirect.gather [hbm4b:s4+s14], $0x80, s21, s14, $0xb8;
	[tilespmem:$0x1F800] =	vst v63  }
0x9f: {  	p1 =	sne.s32 s20, $0x2C00;
	s20 =	sadd.s32 $0x80, s21  }
0xa0: {  	[tilespmem:s15], [sflag:$0x2] =	stream.indirect.gather [hbm4b:s4+s14], $0x80, s20, s14, $0xb8;
	[tilespmem:$0x1F800] =	vst v63  }
0xa1: {  	_ =	swait.ge [sflag:s16], $0x4000  }
0xa2: {  	[sflag:s16] =	ssyncset.done $0x0  }
0xa3: {  	s20 =	sadd.s32 $0x1C00, s21;
	[sflag:s16] =	ssyncadd.s32 $0xFFFFC000  }
0xa4: {  	[spmem:s2] =	stream.indirect.scatter.add.f32 [tilespmem:s12], [sflag:$0x3], $0x80, s20, s14, $0xb8;
	[tilespmem:$0x1F800] =	vst v63  }
0xa5: {  	_ =	swait.ge [sflag:s13], $0x4000  }
0xa6: {  	[sflag:s13] =	ssyncset.done $0x0  }
0xa7: {  	[sflag:s13] =	ssyncadd.s32 $0xFFFFC000  }
0xa8: {  	_ =	swait.ge [sflag:s17], $0x4000  }
.Ltmp5:
0xa9: {  	[sflag:s17] =	ssyncset.done $0x0;
	(pc) =	sbr.rel @p1 .LBB2_16-.Ltmp5, $4  }
0xaa: {  	s20 =	sadd.s32 $0x1C80, s21;
	[sflag:s17] =	ssyncadd.s32 $0xFFFFC000  }
0xab: {  	[spmem:s2] =	stream.indirect.scatter.add.f32 [tilespmem:s15], [sflag:$0x3], $0x80, s20, s14, $0xb8;
	[tilespmem:$0x1F800] =	vst v63  }
0xac: {  	_ =	swait.ge [sflag:s13], $0x4000  }
0xad: {  	s20 =	smov.u32 s22;
	[sflag:s13] =	ssyncset.done $0x0  }
0xae: {  	s19 =	sshra.s32 s19, $0x2;
	[sflag:s13] =	ssyncadd.s32 $0xFFFFC000  }
0xaf: {  	[tilespmem:s12], [sflag:$0x1] =	stream.indirect.gather [hbm4b:s4+s14], $0x80, s19, s14, $0xb8;
	[tilespmem:$0x1F800] =	vst v63  }
0xb0: {  	s20 =	sadd.s32 $0x80, s19  }
0xb1: {  	[tilespmem:s15], [sflag:$0x2] =	stream.indirect.gather [hbm4b:s4+s14], $0x80, s20, s14, $0xb8;
	[tilespmem:$0x1F800] =	vst v63  }
0xb2: {  	_ =	swait.ge [sflag:s16], $0x4000  }
0xb3: {  	[sflag:s16] =	ssyncset.done $0x0  }
0xb4: {  	s29 =	sadd.s32 $0x1C00, s19;
	[sflag:s16] =	ssyncadd.s32 $0xFFFFC000  }
0xb5: {  	[spmem:s2] =	stream.indirect.scatter.add.f32 [tilespmem:s12], [sflag:$0x3], $0x80, s29, s14, $0xb8;
	[tilespmem:$0x1F800] =	vst v63  }
0xb6: {  	_ =	swait.ge [sflag:s13], $0x4000  }
0xb7: {  	[sflag:s13] =	ssyncset.done $0x0  }
0xb8: {  	[sflag:s13] =	ssyncadd.s32 $0xFFFFC000  }
0xb9: {  	_ =	swait.ge [sflag:s17], $0x4000  }
0xba: {  	[sflag:s17] =	ssyncset.done $0x0  }
0xbb: {  	s19 =	sadd.s32 $0x1C80, s19;
	[sflag:s17] =	ssyncadd.s32 $0xFFFFC000  }
0xbc: {  	[spmem:s2] =	stream.indirect.scatter.add.f32 [tilespmem:s15], [sflag:$0x3], $0x80, s19, s14, $0xb8;
	[tilespmem:$0x1F800] =	vst v63  }
0xbd: {  	_ =	swait.ge [sflag:s13], $0x4000  }
0xbe: {  	[sflag:s13] =	ssyncset.done $0x0  }
0xbf: {  	s30 =	sadd.s32 $0x180, s10;
	s31 =	simm.s32 $0x0;
	[sflag:s13] =	ssyncadd.s32 $0xFFFFC000  }
0xc0: {  	[tilespmem:s31], [sflag:$0x3] =	stream.linear.gather [hbm4b:s30+s31], $0xC00, $0x38;
	[tilespmem:$0x1F800] =	vst v63  }
0xc1: {  	_ =	swait.ge [sflag:s13], $0xC00  }
0xc2: {  	[sflag:s13] =	ssyncset.done $0x0  }
0xc3: {  	s19 =	simm.s32 $0x0;
	[sflag:s13] =	ssyncadd.s32 $0xFFFFF400  }
0xc4: {  	v1 =	vld [tilespmem:s19+$0x0]  }
0xc5: {  	v2 =	vld [tilespmem:s19+$0x10]  }
0xc6: {  	v3 =	vld [tilespmem:s19+$0x20]  }
0xc7: {  	v4 =	vld [tilespmem:s19+$0x30]  }
0xc8: {  	v6 =	vld [tilespmem:s19+$0x40]  }
0xc9: {  	v7 =	vld [tilespmem:s19+$0x50];
	v5 =	vshrl.u32 v1, $0xE  }
0xca: {  	v9 =	vld [tilespmem:s19+$0x60];
	v8 =	vshrl.u32 v2, $0xE;
	[tilespmem:s19+$0x0] =	vst v5  }
0xcb: {  	v10 =	vshrl.u32 v3, $0xE;
	[tilespmem:s19+$0x10] =	vst v8  }
0xcc: {  	v12 =	vshrl.u32 v4, $0xE;
	[tilespmem:s19+$0x20] =	vst v10  }
0xcd: {  	v11 =	vld [tilespmem:s19+$0x70];
	v13 =	vshrl.u32 v6, $0xE;
	[tilespmem:s19+$0x30] =	vst v12  }
0xce: {  	v14 =	vshrl.u32 v7, $0xE;
	v1 =	vand.u32 $0x3FFF, v1;
	[tilespmem:s19+$0x40] =	vst v13  }
0xcf: {  	v15 =	vshrl.u32 v9, $0xE;
	v2 =	vand.u32 $0x3FFF, v2;
	[tilespmem:s19+$0x50] =	vst v14;
	vm0 =	veq.s32 v5, v1  }
0xd0: {  	[tilespmem:s19+$0x60] =	vst v15;
	vm1 =	veq.s32 v8, v2;
	v1 =	vsel vm0, $0x2710, v1  }
0xd1: {  	v2 =	vsel vm1, $0x2710, v2;
	[tilespmem:s19+$0x1C00] =	vst v1;
	v1 =	vand.u32 $0x3FFF, v3  }
0xd2: {  	v16 =	vshrl.u32 v11, $0xE;
	[tilespmem:s19+$0x1C10] =	vst v2;
	v2 =	vand.u32 $0x3FFF, v4;
	vm10 =	veq.s32 v10, v1  }
0xd3: {  	s20 =	simm.s32 $0x80;
	[tilespmem:s19+$0x70] =	vst v16;
	vm11 =	veq.s32 v12, v2;
	v1 =	vsel vm10, $0x2710, v1  }
0xd4: {  	v5 =	vld [tilespmem:s20+$0x0];
	v2 =	vsel vm11, $0x2710, v2;
	[tilespmem:s19+$0x1C20] =	vst v1;
	v1 =	vand.u32 $0x3FFF, v6  }
0xd5: {  	v4 =	vld [tilespmem:s20+$0x10];
	vm12 =	veq.s32 v13, v1;
	[tilespmem:s19+$0x1C30] =	vst v2;
	v2 =	vand.u32 $0x3FFF, v7  }
0xd6: {  	v6 =	vand.u32 $0x3FFF, v9;
	v1 =	vsel vm12, $0x2710, v1;
	vm13 =	veq.s32 v14, v2  }
0xd7: {  	vm14 =	veq.s32 v15, v6;
	v7 =	vand.u32 $0x3FFF, v11;
	v3 =	vld [tilespmem:s20+$0x20];
	[tilespmem:s19+$0x1C40] =	vst v1;
	v2 =	vsel vm13, $0x2710, v2  }
0xd8: {  	vm15 =	veq.s32 v16, v7;
	v8 =	vsel vm14, $0x2710, v6;
	v1 =	vld [tilespmem:s20+$0x30];
	[tilespmem:s19+$0x1C50] =	vst v2  }
0xd9: {  	s21 =	simm.s32 $0x400;
	v6 =	vsel vm15, $0x2710, v7;
	v2 =	vld [tilespmem:s20+$0x40];
	[tilespmem:s19+$0x1C60] =	vst v8  }
.LBB2_18:
0xda: {  	p1 =	sne.s32 s21, $0x2E00;
	v7 =	vshrl.u32 v5, $0xE;
	v5 =	vand.u32 $0x3FFF, v5;
	v8 =	vld [tilespmem:s20+$0x50];
	[tilespmem:s19+$0x1C70] =	vst v6;
	s19 =	smov.u32 s20  }
0xdb: {  	[tilespmem:s19+$0x0] =	vst v7;
	vm0 =	veq.s32 v7, v5;
	v6 =	vshrl.u32 v4, $0xE;
	v4 =	vand.u32 $0x3FFF, v4;
	v7 =	vld [tilespmem:s19+$0x60]  }
0xdc: {  	[tilespmem:s19+$0x10] =	vst v6;
	vm1 =	veq.s32 v6, v4;
	v6 =	vshrl.u32 v3, $0xE;
	v3 =	vand.u32 $0x3FFF, v3;
	v9 =	vld [tilespmem:s19+$0x70]  }
0xdd: {  	[tilespmem:s19+$0x20] =	vst v6;
	vm2 =	veq.s32 v6, v3;
	v6 =	vshrl.u32 v1, $0xE;
	v1 =	vand.u32 $0x3FFF, v1  }
0xde: {  	[tilespmem:s19+$0x30] =	vst v6;
	vm3 =	veq.s32 v6, v1;
	v6 =	vshrl.u32 v2, $0xE;
	v2 =	vand.u32 $0x3FFF, v2  }
0xdf: {  	[tilespmem:s19+$0x40] =	vst v6;
	vm4 =	veq.s32 v6, v2;
	v6 =	vshrl.u32 v8, $0xE;
	v8 =	vand.u32 $0x3FFF, v8  }
0xe0: {  	[tilespmem:s19+$0x50] =	vst v6;
	vm5 =	veq.s32 v6, v8;
	v6 =	vshrl.u32 v7, $0xE;
	v7 =	vand.u32 $0x3FFF, v7  }
0xe1: {  	[tilespmem:s19+$0x60] =	vst v6;
	vm6 =	veq.s32 v6, v7;
	v6 =	vshrl.u32 v9, $0xE;
	v9 =	vand.u32 $0x3FFF, v9  }
0xe2: {  	v5 =	vsel vm0, $0x2710, v5;
	v4 =	vsel vm1, $0x2710, v4;
	[tilespmem:s19+$0x70] =	vst v6;
	vm0 =	veq.s32 v6, v9  }
0xe3: {  	v3 =	vsel vm2, $0x2710, v3;
	v1 =	vsel vm3, $0x2710, v1;
	v2 =	vsel vm4, $0x2710, v2;
	[tilespmem:s19+$0x1C00] =	vst v5  }
0xe4: {  	s20 =	sshra.s32 s21, $0x2;
	v8 =	vsel vm5, $0x2710, v8;
	v7 =	vsel vm6, $0x2710, v7;
	v6 =	vsel vm0, $0x2710, v9;
	[tilespmem:s19+$0x1C10] =	vst v4  }
.Ltmp6:
0xe5: {  	v5 =	vld [tilespmem:s20+$0x0];
	[tilespmem:s19+$0x1C20] =	vst v3;
	(pc) =	sbr.rel @p1 .LBB2_18-.Ltmp6, $4  }
0xe6: {  	v4 =	vld [tilespmem:s20+$0x10];
	[tilespmem:s19+$0x1C30] =	vst v1  }
0xe7: {  	v3 =	vld [tilespmem:s20+$0x20];
	[tilespmem:s19+$0x1C40] =	vst v2  }
0xe8: {  	v1 =	vld [tilespmem:s20+$0x30];
	[tilespmem:s19+$0x1C50] =	vst v8  }
0xe9: {  	s21 =	sadd.s32 $0x200, s21;
	v2 =	vld [tilespmem:s20+$0x40];
	[tilespmem:s19+$0x1C60] =	vst v7  }
0xea: {  	v7 =	vld [tilespmem:s20+$0x50];
	v8 =	vshrl.u32 v5, $0xE;
	[tilespmem:s19+$0x1C70] =	vst v6  }
0xeb: {  	v60 =	vand.u32 $0x3FFF, v5;
	[tilespmem:s20+$0x0] =	vst v8;
	v59 =	vshrl.u32 v4, $0xE  }
0xec: {  	vm0 =	veq.s32 v8, v60;
	[tilespmem:s20+$0x10] =	vst v59;
	v10 =	vshrl.u32 v3, $0xE  }
0xed: {  	v61 =	vand.u32 $0x3FFF, v4;
	v5 =	vsel vm0, $0x2710, v60;
	[tilespmem:s20+$0x20] =	vst v10  }
0xee: {  	vm1 =	veq.s32 v59, v61;
	v12 =	vshrl.u32 v1, $0xE;
	[tilespmem:s20+$0x1C00] =	vst v5  }
0xef: {  	v9 =	vld [tilespmem:s20+$0x60];
	v3 =	vand.u32 $0x3FFF, v3;
	v4 =	vsel vm1, $0x2710, v61;
	[tilespmem:s20+$0x30] =	vst v12  }
0xf0: {  	v11 =	vld [tilespmem:s20+$0x70];
	vm10 =	veq.s32 v10, v3;
	v13 =	vshrl.u32 v2, $0xE;
	[tilespmem:s20+$0x1C10] =	vst v4  }
0xf1: {  	v1 =	vand.u32 $0x3FFF, v1;
	v3 =	vsel vm10, $0x2710, v3;
	[tilespmem:s20+$0x40] =	vst v13  }
0xf2: {  	vm11 =	veq.s32 v12, v1;
	v14 =	vshrl.u32 v7, $0xE;
	[tilespmem:s20+$0x1C20] =	vst v3  }
0xf3: {  	v1 =	vsel vm11, $0x2710, v1;
	[tilespmem:s20+$0x50] =	vst v14  }
0xf4: {  	v2 =	vand.u32 $0x3FFF, v2;
	v15 =	vshrl.u32 v9, $0xE;
	[tilespmem:s20+$0x1C30] =	vst v1  }
0xf5: {  	vm12 =	veq.s32 v13, v2;
	v63 =	vand.u32 $0x3FFF, v7;
	v62 =	vshrl.u32 v11, $0xE;
	[tilespmem:s20+$0x60] =	vst v15  }
0xf6: {  	vm13 =	veq.s32 v14, v63;
	v3 =	vand.u32 $0x3FFF, v9;
	v2 =	vsel vm12, $0x2710, v2;
	[tilespmem:s20+$0x70] =	vst v62  }
0xf7: {  	v1 =	vand.u32 $0x3FFF, v11;
	vm14 =	veq.s32 v15, v3;
	v4 =	vsel vm13, $0x2710, v63;
	[tilespmem:s20+$0x1C40] =	vst v2  }
0xf8: {  	vm15 =	veq.s32 v62, v1;
	v2 =	vsel vm14, $0x2710, v3;
	[tilespmem:s20+$0x1C50] =	vst v4  }
0xf9: {  	v1 =	vsel vm15, $0x2710, v1;
	[tilespmem:s20+$0x1C60] =	vst v2  }
0xfa: {  	s28 =	simm.s32 $0x0;
	[tilespmem:s20+$0x1C70] =	vst v1  }
0xfb: {  	[tilespmem:s12], [sflag:$0x1] =	stream.indirect.gather [hbm4b:s4+s14], $0x80, s28, s14, $0xb8;
	[tilespmem:$0x1F800] =	vst v63  }
0xfc: {  	s29 =	simm.s32 $0x80  }
0xfd: {  	[tilespmem:s15], [sflag:$0x2] =	stream.indirect.gather [hbm4b:s4+s14], $0x80, s29, s14, $0xb8;
	[tilespmem:$0x1F800] =	vst v63  }
0xfe: {  	_ =	swait.ge [sflag:s16], $0x4000  }
0xff: {  	[sflag:s16] =	ssyncset.done $0x0  }
0x100: {  	s30 =	simm.s32 $0x1C00;
	[sflag:s16] =	ssyncadd.s32 $0xFFFFC000  }
0x101: {  	[spmem:s2] =	stream.indirect.scatter.add.f32 [tilespmem:s12], [sflag:$0x3], $0x80, s30, s14, $0xb8;
	[tilespmem:$0x1F800] =	vst v63  }
0x102: {  	_ =	swait.ge [sflag:s13], $0x4000  }
0x103: {  	[sflag:s13] =	ssyncset.done $0x0  }
0x104: {  	[sflag:s13] =	ssyncadd.s32 $0xFFFFC000  }
0x105: {  	_ =	swait.ge [sflag:s17], $0x4000  }
0x106: {  	[sflag:s17] =	ssyncset.done $0x0  }
0x107: {  	s31 =	simm.s32 $0x1C80;
	[sflag:s17] =	ssyncadd.s32 $0xFFFFC000  }
0x108: {  	[spmem:s2] =	stream.indirect.scatter.add.f32 [tilespmem:s15], [sflag:$0x3], $0x80, s31, s14, $0xb8;
	[tilespmem:$0x1F800] =	vst v63  }
0x109: {  	_ =	swait.ge [sflag:s13], $0x4000  }
0x10a: {  	s19 =	simm.s32 $0x400;
	s20 =	simm.s32 $0x800;
	[sflag:s13] =	ssyncset.done $0x0  }
.LBB2_20:
0x10b: {  	s21 =	sshra.s32 s19, $0x2  }
0x10c: {  	[sflag:s13] =	ssyncadd.s32 $0xFFFFC000;
	s19 =	smov.u32 s20;
	s22 =	sadd.s32 $0x400, s20  }
0x10d: {  	[tilespmem:s12], [sflag:$0x1] =	stream.indirect.gather [hbm4b:s4+s14], $0x80, s21, s14, $0xb8;
	[tilespmem:$0x1F800] =	vst v63  }
0x10e: {  	p1 =	sne.s32 s20, $0x2C00;
	s20 =	sadd.s32 $0x80, s21  }
0x10f: {  	[tilespmem:s15], [sflag:$0x2] =	stream.indirect.gather [hbm4b:s4+s14], $0x80, s20, s14, $0xb8;
	[tilespmem:$0x1F800] =	vst v63  }
0x110: {  	_ =	swait.ge [sflag:s16], $0x4000  }
0x111: {  	[sflag:s16] =	ssyncset.done $0x0  }
0x112: {  	s20 =	sadd.s32 $0x1C00, s21;
	[sflag:s16] =	ssyncadd.s32 $0xFFFFC000  }
0x113: {  	[spmem:s2] =	stream.indirect.scatter.add.f32 [tilespmem:s12], [sflag:$0x3], $0x80, s20, s14, $0xb8;
	[tilespmem:$0x1F800] =	vst v63  }
0x114: {  	_ =	swait.ge [sflag:s13], $0x4000  }
0x115: {  	[sflag:s13] =	ssyncset.done $0x0  }
0x116: {  	[sflag:s13] =	ssyncadd.s32 $0xFFFFC000  }
0x117: {  	_ =	swait.ge [sflag:s17], $0x4000  }
.Ltmp7:
0x118: {  	[sflag:s17] =	ssyncset.done $0x0;
	(pc) =	sbr.rel @p1 .LBB2_20-.Ltmp7, $4  }
0x119: {  	s20 =	sadd.s32 $0x1C80, s21;
	[sflag:s17] =	ssyncadd.s32 $0xFFFFC000  }
0x11a: {  	[spmem:s2] =	stream.indirect.scatter.add.f32 [tilespmem:s15], [sflag:$0x3], $0x80, s20, s14, $0xb8;
	[tilespmem:$0x1F800] =	vst v63  }
0x11b: {  	_ =	swait.ge [sflag:s13], $0x4000  }
0x11c: {  	s20 =	smov.u32 s22;
	[sflag:s13] =	ssyncset.done $0x0  }
0x11d: {  	s19 =	sshra.s32 s19, $0x2;
	[sflag:s13] =	ssyncadd.s32 $0xFFFFC000  }
0x11e: {  	[tilespmem:s12], [sflag:$0x1] =	stream.indirect.gather [hbm4b:s4+s14], $0x80, s19, s14, $0xb8;
	[tilespmem:$0x1F800] =	vst v63  }
0x11f: {  	s20 =	sadd.s32 $0x80, s19  }
0x120: {  	[tilespmem:s15], [sflag:$0x2] =	stream.indirect.gather [hbm4b:s4+s14], $0x80, s20, s14, $0xb8;
	[tilespmem:$0x1F800] =	vst v63  }
0x121: {  	_ =	swait.ge [sflag:s16], $0x4000  }
0x122: {  	[sflag:s16] =	ssyncset.done $0x0  }
0x123: {  	s31 =	sadd.s32 $0x1C00, s19;
	[sflag:s16] =	ssyncadd.s32 $0xFFFFC000  }
0x124: {  	[spmem:s2] =	stream.indirect.scatter.add.f32 [tilespmem:s12], [sflag:$0x3], $0x80, s31, s14, $0xb8;
	[tilespmem:$0x1F800] =	vst v63  }
0x125: {  	_ =	swait.ge [sflag:s13], $0x4000  }
0x126: {  	[sflag:s13] =	ssyncset.done $0x0  }
0x127: {  	[sflag:s13] =	ssyncadd.s32 $0xFFFFC000  }
0x128: {  	_ =	swait.ge [sflag:s17], $0x4000  }
0x129: {  	[sflag:s17] =	ssyncset.done $0x0  }
.Ltmp8:
0x12a: {  	s19 =	sadd.s32 $0x1C80, s19;
	[sflag:s17] =	ssyncadd.s32 $0xFFFFC000;
	(pc) =	sbr.rel .LBB2_22-.Ltmp8, $4  }
0x12b: {  	[spmem:s2] =	stream.indirect.scatter.add.f32 [tilespmem:s15], [sflag:$0x3], $0x80, s19, s14, $0xb8;
	[tilespmem:$0x1F800] =	vst v63  }
0x12c: {  	_ =	swait.ge [sflag:s13], $0x4000  }
0x12d: {  	[sflag:s13] =	ssyncset.done $0x0  }
0x12e: {  	[sflag:s13] =	ssyncadd.s32 $0xFFFFC000  }
.LBB2_4:
0x12f: {  	[tilespmem:s19], [sflag:$0x3] =	stream.linear.gather [hbm4b:s10+s19], $0x1C00, $0x38;
	[tilespmem:$0x1F800] =	vst v63  }
0x130: {  	_ =	swait.ge [sflag:s13], $0x1C00  }
0x131: {  	[sflag:s13] =	ssyncset.done $0x0  }
0x132: {  	s19 =	simm.s32 $0x0;
	[sflag:s13] =	ssyncadd.s32 $0xFFFFE400  }
0x133: {  	v1 =	vld [tilespmem:s19+$0x0]  }
0x134: {  	v2 =	vld [tilespmem:s19+$0x10]  }
0x135: {  	v3 =	vld [tilespmem:s19+$0x20]  }
0x136: {  	v4 =	vld [tilespmem:s19+$0x30]  }
0x137: {  	v6 =	vld [tilespmem:s19+$0x40]  }
0x138: {  	v7 =	vld [tilespmem:s19+$0x50];
	v5 =	vshrl.u32 v1, $0xE  }
0x139: {  	v9 =	vld [tilespmem:s19+$0x60];
	v8 =	vshrl.u32 v2, $0xE;
	[tilespmem:s19+$0x0] =	vst v5  }
0x13a: {  	v10 =	vshrl.u32 v3, $0xE;
	[tilespmem:s19+$0x10] =	vst v8  }
0x13b: {  	v12 =	vshrl.u32 v4, $0xE;
	[tilespmem:s19+$0x20] =	vst v10  }
0x13c: {  	v11 =	vld [tilespmem:s19+$0x70];
	v13 =	vshrl.u32 v6, $0xE;
	[tilespmem:s19+$0x30] =	vst v12  }
0x13d: {  	v14 =	vshrl.u32 v7, $0xE;
	v1 =	vand.u32 $0x3FFF, v1;
	[tilespmem:s19+$0x40] =	vst v13  }
0x13e: {  	v15 =	vshrl.u32 v9, $0xE;
	v2 =	vand.u32 $0x3FFF, v2;
	[tilespmem:s19+$0x50] =	vst v14;
	vm0 =	veq.s32 v5, v1  }
0x13f: {  	[tilespmem:s19+$0x60] =	vst v15;
	vm1 =	veq.s32 v8, v2;
	v1 =	vsel vm0, $0x2710, v1  }
0x140: {  	v2 =	vsel vm1, $0x2710, v2;
	[tilespmem:s19+$0x1C00] =	vst v1;
	v1 =	vand.u32 $0x3FFF, v3  }
0x141: {  	v16 =	vshrl.u32 v11, $0xE;
	[tilespmem:s19+$0x1C10] =	vst v2;
	v2 =	vand.u32 $0x3FFF, v4;
	vm10 =	veq.s32 v10, v1  }
0x142: {  	s20 =	simm.s32 $0x80;
	[tilespmem:s19+$0x70] =	vst v16;
	vm11 =	veq.s32 v12, v2;
	v1 =	vsel vm10, $0x2710, v1  }
0x143: {  	v5 =	vld [tilespmem:s20+$0x0];
	v2 =	vsel vm11, $0x2710, v2;
	[tilespmem:s19+$0x1C20] =	vst v1;
	v1 =	vand.u32 $0x3FFF, v6  }
0x144: {  	v4 =	vld [tilespmem:s20+$0x10];
	vm12 =	veq.s32 v13, v1;
	[tilespmem:s19+$0x1C30] =	vst v2;
	v2 =	vand.u32 $0x3FFF, v7  }
0x145: {  	v6 =	vand.u32 $0x3FFF, v9;
	v1 =	vsel vm12, $0x2710, v1;
	vm13 =	veq.s32 v14, v2  }
0x146: {  	vm14 =	veq.s32 v15, v6;
	v7 =	vand.u32 $0x3FFF, v11;
	v3 =	vld [tilespmem:s20+$0x20];
	[tilespmem:s19+$0x1C40] =	vst v1;
	v2 =	vsel vm13, $0x2710, v2  }
0x147: {  	vm15 =	veq.s32 v16, v7;
	v8 =	vsel vm14, $0x2710, v6;
	v1 =	vld [tilespmem:s20+$0x30];
	[tilespmem:s19+$0x1C50] =	vst v2  }
0x148: {  	s21 =	simm.s32 $0x400;
	v6 =	vsel vm15, $0x2710, v7;
	v2 =	vld [tilespmem:s20+$0x40];
	[tilespmem:s19+$0x1C60] =	vst v8  }
.LBB2_5:
0x149: {  	p1 =	sne.s32 s21, $0x6E00;
	v7 =	vshrl.u32 v5, $0xE;
	v5 =	vand.u32 $0x3FFF, v5;
	v8 =	vld [tilespmem:s20+$0x50];
	[tilespmem:s19+$0x1C70] =	vst v6;
	s19 =	smov.u32 s20  }
0x14a: {  	[tilespmem:s19+$0x0] =	vst v7;
	vm0 =	veq.s32 v7, v5;
	v6 =	vshrl.u32 v4, $0xE;
	v4 =	vand.u32 $0x3FFF, v4;
	v7 =	vld [tilespmem:s19+$0x60]  }
0x14b: {  	[tilespmem:s19+$0x10] =	vst v6;
	vm1 =	veq.s32 v6, v4;
	v6 =	vshrl.u32 v3, $0xE;
	v3 =	vand.u32 $0x3FFF, v3;
	v9 =	vld [tilespmem:s19+$0x70]  }
0x14c: {  	[tilespmem:s19+$0x20] =	vst v6;
	vm2 =	veq.s32 v6, v3;
	v6 =	vshrl.u32 v1, $0xE;
	v1 =	vand.u32 $0x3FFF, v1  }
0x14d: {  	[tilespmem:s19+$0x30] =	vst v6;
	vm3 =	veq.s32 v6, v1;
	v6 =	vshrl.u32 v2, $0xE;
	v2 =	vand.u32 $0x3FFF, v2  }
0x14e: {  	[tilespmem:s19+$0x40] =	vst v6;
	vm4 =	veq.s32 v6, v2;
	v6 =	vshrl.u32 v8, $0xE;
	v8 =	vand.u32 $0x3FFF, v8  }
0x14f: {  	[tilespmem:s19+$0x50] =	vst v6;
	vm5 =	veq.s32 v6, v8;
	v6 =	vshrl.u32 v7, $0xE;
	v7 =	vand.u32 $0x3FFF, v7  }
0x150: {  	[tilespmem:s19+$0x60] =	vst v6;
	vm6 =	veq.s32 v6, v7;
	v6 =	vshrl.u32 v9, $0xE;
	v9 =	vand.u32 $0x3FFF, v9  }
0x151: {  	v5 =	vsel vm0, $0x2710, v5;
	v4 =	vsel vm1, $0x2710, v4;
	[tilespmem:s19+$0x70] =	vst v6;
	vm0 =	veq.s32 v6, v9  }
0x152: {  	v3 =	vsel vm2, $0x2710, v3;
	v1 =	vsel vm3, $0x2710, v1;
	v2 =	vsel vm4, $0x2710, v2;
	[tilespmem:s19+$0x1C00] =	vst v5  }
0x153: {  	s20 =	sshra.s32 s21, $0x2;
	v8 =	vsel vm5, $0x2710, v8;
	v7 =	vsel vm6, $0x2710, v7;
	v6 =	vsel vm0, $0x2710, v9;
	[tilespmem:s19+$0x1C10] =	vst v4  }
.Ltmp9:
0x154: {  	v5 =	vld [tilespmem:s20+$0x0];
	[tilespmem:s19+$0x1C20] =	vst v3;
	(pc) =	sbr.rel @p1 .LBB2_5-.Ltmp9, $4  }
0x155: {  	v4 =	vld [tilespmem:s20+$0x10];
	[tilespmem:s19+$0x1C30] =	vst v1  }
0x156: {  	v3 =	vld [tilespmem:s20+$0x20];
	[tilespmem:s19+$0x1C40] =	vst v2  }
0x157: {  	v1 =	vld [tilespmem:s20+$0x30];
	[tilespmem:s19+$0x1C50] =	vst v8  }
0x158: {  	s21 =	sadd.s32 $0x200, s21;
	v2 =	vld [tilespmem:s20+$0x40];
	[tilespmem:s19+$0x1C60] =	vst v7  }
0x159: {  	v7 =	vld [tilespmem:s20+$0x50];
	v8 =	vshrl.u32 v5, $0xE;
	[tilespmem:s19+$0x1C70] =	vst v6  }
0x15a: {  	v60 =	vand.u32 $0x3FFF, v5;
	[tilespmem:s20+$0x0] =	vst v8;
	v59 =	vshrl.u32 v4, $0xE  }
0x15b: {  	vm0 =	veq.s32 v8, v60;
	[tilespmem:s20+$0x10] =	vst v59;
	v10 =	vshrl.u32 v3, $0xE  }
0x15c: {  	v61 =	vand.u32 $0x3FFF, v4;
	v5 =	vsel vm0, $0x2710, v60;
	[tilespmem:s20+$0x20] =	vst v10  }
0x15d: {  	vm1 =	veq.s32 v59, v61;
	v12 =	vshrl.u32 v1, $0xE;
	[tilespmem:s20+$0x1C00] =	vst v5  }
0x15e: {  	v9 =	vld [tilespmem:s20+$0x60];
	v3 =	vand.u32 $0x3FFF, v3;
	v4 =	vsel vm1, $0x2710, v61;
	[tilespmem:s20+$0x30] =	vst v12  }
0x15f: {  	v11 =	vld [tilespmem:s20+$0x70];
	vm10 =	veq.s32 v10, v3;
	v13 =	vshrl.u32 v2, $0xE;
	[tilespmem:s20+$0x1C10] =	vst v4  }
0x160: {  	v1 =	vand.u32 $0x3FFF, v1;
	v3 =	vsel vm10, $0x2710, v3;
	[tilespmem:s20+$0x40] =	vst v13  }
0x161: {  	vm11 =	veq.s32 v12, v1;
	v14 =	vshrl.u32 v7, $0xE;
	[tilespmem:s20+$0x1C20] =	vst v3  }
0x162: {  	v1 =	vsel vm11, $0x2710, v1;
	[tilespmem:s20+$0x50] =	vst v14  }
0x163: {  	v2 =	vand.u32 $0x3FFF, v2;
	v15 =	vshrl.u32 v9, $0xE;
	[tilespmem:s20+$0x1C30] =	vst v1  }
0x164: {  	vm12 =	veq.s32 v13, v2;
	v63 =	vand.u32 $0x3FFF, v7;
	v62 =	vshrl.u32 v11, $0xE;
	[tilespmem:s20+$0x60] =	vst v15  }
0x165: {  	vm13 =	veq.s32 v14, v63;
	v3 =	vand.u32 $0x3FFF, v9;
	v2 =	vsel vm12, $0x2710, v2;
	[tilespmem:s20+$0x70] =	vst v62  }
0x166: {  	v1 =	vand.u32 $0x3FFF, v11;
	vm14 =	veq.s32 v15, v3;
	v4 =	vsel vm13, $0x2710, v63;
	[tilespmem:s20+$0x1C40] =	vst v2  }
0x167: {  	vm15 =	veq.s32 v62, v1;
	v2 =	vsel vm14, $0x2710, v3;
	[tilespmem:s20+$0x1C50] =	vst v4  }
0x168: {  	v1 =	vsel vm15, $0x2710, v1;
	[tilespmem:s20+$0x1C60] =	vst v2  }
0x169: {  	s28 =	simm.s32 $0x0;
	[tilespmem:s20+$0x1C70] =	vst v1  }
0x16a: {  	[tilespmem:s12], [sflag:$0x1] =	stream.indirect.gather [hbm4b:s4+s14], $0x80, s28, s14, $0xb8;
	[tilespmem:$0x1F800] =	vst v63  }
0x16b: {  	s29 =	simm.s32 $0x80  }
0x16c: {  	[tilespmem:s15], [sflag:$0x2] =	stream.indirect.gather [hbm4b:s4+s14], $0x80, s29, s14, $0xb8;
	[tilespmem:$0x1F800] =	vst v63  }
0x16d: {  	_ =	swait.ge [sflag:s16], $0x4000  }
0x16e: {  	[sflag:s16] =	ssyncset.done $0x0  }
0x16f: {  	s30 =	simm.s32 $0x1C00;
	[sflag:s16] =	ssyncadd.s32 $0xFFFFC000  }
0x170: {  	[spmem:s2] =	stream.indirect.scatter.add.f32 [tilespmem:s12], [sflag:$0x3], $0x80, s30, s14, $0xb8;
	[tilespmem:$0x1F800] =	vst v63  }
0x171: {  	_ =	swait.ge [sflag:s13], $0x4000  }
0x172: {  	[sflag:s13] =	ssyncset.done $0x0  }
0x173: {  	[sflag:s13] =	ssyncadd.s32 $0xFFFFC000  }
0x174: {  	_ =	swait.ge [sflag:s17], $0x4000  }
0x175: {  	[sflag:s17] =	ssyncset.done $0x0  }
0x176: {  	s31 =	simm.s32 $0x1C80;
	[sflag:s17] =	ssyncadd.s32 $0xFFFFC000  }
0x177: {  	[spmem:s2] =	stream.indirect.scatter.add.f32 [tilespmem:s15], [sflag:$0x3], $0x80, s31, s14, $0xb8;
	[tilespmem:$0x1F800] =	vst v63  }
0x178: {  	_ =	swait.ge [sflag:s13], $0x4000  }
0x179: {  	s19 =	simm.s32 $0x400;
	s20 =	simm.s32 $0x800;
	[sflag:s13] =	ssyncset.done $0x0  }
.LBB2_7:
0x17a: {  	s21 =	sshra.s32 s19, $0x2  }
0x17b: {  	[sflag:s13] =	ssyncadd.s32 $0xFFFFC000;
	s19 =	smov.u32 s20;
	s22 =	sadd.s32 $0x400, s20  }
0x17c: {  	[tilespmem:s12], [sflag:$0x1] =	stream.indirect.gather [hbm4b:s4+s14], $0x80, s21, s14, $0xb8;
	[tilespmem:$0x1F800] =	vst v63  }
0x17d: {  	p1 =	sne.s32 s20, $0x6C00;
	s20 =	sadd.s32 $0x80, s21  }
0x17e: {  	[tilespmem:s15], [sflag:$0x2] =	stream.indirect.gather [hbm4b:s4+s14], $0x80, s20, s14, $0xb8;
	[tilespmem:$0x1F800] =	vst v63  }
0x17f: {  	_ =	swait.ge [sflag:s16], $0x4000  }
0x180: {  	[sflag:s16] =	ssyncset.done $0x0  }
0x181: {  	s20 =	sadd.s32 $0x1C00, s21;
	[sflag:s16] =	ssyncadd.s32 $0xFFFFC000  }
0x182: {  	[spmem:s2] =	stream.indirect.scatter.add.f32 [tilespmem:s12], [sflag:$0x3], $0x80, s20, s14, $0xb8;
	[tilespmem:$0x1F800] =	vst v63  }
0x183: {  	_ =	swait.ge [sflag:s13], $0x4000  }
0x184: {  	[sflag:s13] =	ssyncset.done $0x0  }
0x185: {  	[sflag:s13] =	ssyncadd.s32 $0xFFFFC000  }
0x186: {  	_ =	swait.ge [sflag:s17], $0x4000  }
.Ltmp10:
0x187: {  	[sflag:s17] =	ssyncset.done $0x0;
	(pc) =	sbr.rel @p1 .LBB2_7-.Ltmp10, $4  }
0x188: {  	s20 =	sadd.s32 $0x1C80, s21;
	[sflag:s17] =	ssyncadd.s32 $0xFFFFC000  }
0x189: {  	[spmem:s2] =	stream.indirect.scatter.add.f32 [tilespmem:s15], [sflag:$0x3], $0x80, s20, s14, $0xb8;
	[tilespmem:$0x1F800] =	vst v63  }
0x18a: {  	_ =	swait.ge [sflag:s13], $0x4000  }
0x18b: {  	s20 =	smov.u32 s22;
	[sflag:s13] =	ssyncset.done $0x0  }
0x18c: {  	s19 =	sshra.s32 s19, $0x2;
	[sflag:s13] =	ssyncadd.s32 $0xFFFFC000  }
0x18d: {  	[tilespmem:s12], [sflag:$0x1] =	stream.indirect.gather [hbm4b:s4+s14], $0x80, s19, s14, $0xb8;
	[tilespmem:$0x1F800] =	vst v63  }
0x18e: {  	s20 =	sadd.s32 $0x80, s19  }
0x18f: {  	[tilespmem:s15], [sflag:$0x2] =	stream.indirect.gather [hbm4b:s4+s14], $0x80, s20, s14, $0xb8;
	[tilespmem:$0x1F800] =	vst v63  }
0x190: {  	_ =	swait.ge [sflag:s16], $0x4000  }
0x191: {  	[sflag:s16] =	ssyncset.done $0x0  }
0x192: {  	s29 =	sadd.s32 $0x1C00, s19;
	[sflag:s16] =	ssyncadd.s32 $0xFFFFC000  }
0x193: {  	[spmem:s2] =	stream.indirect.scatter.add.f32 [tilespmem:s12], [sflag:$0x3], $0x80, s29, s14, $0xb8;
	[tilespmem:$0x1F800] =	vst v63  }
0x194: {  	_ =	swait.ge [sflag:s13], $0x4000  }
0x195: {  	[sflag:s13] =	ssyncset.done $0x0  }
0x196: {  	[sflag:s13] =	ssyncadd.s32 $0xFFFFC000  }
0x197: {  	_ =	swait.ge [sflag:s17], $0x4000  }
0x198: {  	[sflag:s17] =	ssyncset.done $0x0  }
0x199: {  	s19 =	sadd.s32 $0x1C80, s19;
	[sflag:s17] =	ssyncadd.s32 $0xFFFFC000  }
0x19a: {  	[spmem:s2] =	stream.indirect.scatter.add.f32 [tilespmem:s15], [sflag:$0x3], $0x80, s19, s14, $0xb8;
	[tilespmem:$0x1F800] =	vst v63  }
0x19b: {  	_ =	swait.ge [sflag:s13], $0x4000  }
0x19c: {  	[sflag:s13] =	ssyncset.done $0x0  }
0x19d: {  	s30 =	sadd.s32 $0x380, s10;
	s31 =	simm.s32 $0x0;
	[sflag:s13] =	ssyncadd.s32 $0xFFFFC000  }
0x19e: {  	[tilespmem:s31], [sflag:$0x3] =	stream.linear.gather [hbm4b:s30+s31], $0x1C00, $0x38;
	[tilespmem:$0x1F800] =	vst v63  }
0x19f: {  	_ =	swait.ge [sflag:s13], $0x1C00  }
0x1a0: {  	[sflag:s13] =	ssyncset.done $0x0  }
0x1a1: {  	s19 =	simm.s32 $0x0;
	[sflag:s13] =	ssyncadd.s32 $0xFFFFE400  }
0x1a2: {  	v1 =	vld [tilespmem:s19+$0x0]  }
0x1a3: {  	v2 =	vld [tilespmem:s19+$0x10]  }
0x1a4: {  	v3 =	vld [tilespmem:s19+$0x20]  }
0x1a5: {  	v4 =	vld [tilespmem:s19+$0x30]  }
0x1a6: {  	v6 =	vld [tilespmem:s19+$0x40]  }
0x1a7: {  	v7 =	vld [tilespmem:s19+$0x50];
	v5 =	vshrl.u32 v1, $0xE  }
0x1a8: {  	v9 =	vld [tilespmem:s19+$0x60];
	v8 =	vshrl.u32 v2, $0xE;
	[tilespmem:s19+$0x0] =	vst v5  }
0x1a9: {  	v10 =	vshrl.u32 v3, $0xE;
	[tilespmem:s19+$0x10] =	vst v8  }
0x1aa: {  	v12 =	vshrl.u32 v4, $0xE;
	[tilespmem:s19+$0x20] =	vst v10  }
0x1ab: {  	v11 =	vld [tilespmem:s19+$0x70];
	v13 =	vshrl.u32 v6, $0xE;
	[tilespmem:s19+$0x30] =	vst v12  }
0x1ac: {  	v14 =	vshrl.u32 v7, $0xE;
	v1 =	vand.u32 $0x3FFF, v1;
	[tilespmem:s19+$0x40] =	vst v13  }
0x1ad: {  	v15 =	vshrl.u32 v9, $0xE;
	v2 =	vand.u32 $0x3FFF, v2;
	[tilespmem:s19+$0x50] =	vst v14;
	vm0 =	veq.s32 v5, v1  }
0x1ae: {  	[tilespmem:s19+$0x60] =	vst v15;
	vm1 =	veq.s32 v8, v2;
	v1 =	vsel vm0, $0x2710, v1  }
0x1af: {  	v2 =	vsel vm1, $0x2710, v2;
	[tilespmem:s19+$0x1C00] =	vst v1;
	v1 =	vand.u32 $0x3FFF, v3  }
0x1b0: {  	v16 =	vshrl.u32 v11, $0xE;
	[tilespmem:s19+$0x1C10] =	vst v2;
	v2 =	vand.u32 $0x3FFF, v4;
	vm10 =	veq.s32 v10, v1  }
0x1b1: {  	s20 =	simm.s32 $0x80;
	[tilespmem:s19+$0x70] =	vst v16;
	vm11 =	veq.s32 v12, v2;
	v1 =	vsel vm10, $0x2710, v1  }
0x1b2: {  	v5 =	vld [tilespmem:s20+$0x0];
	v2 =	vsel vm11, $0x2710, v2;
	[tilespmem:s19+$0x1C20] =	vst v1;
	v1 =	vand.u32 $0x3FFF, v6  }
0x1b3: {  	v4 =	vld [tilespmem:s20+$0x10];
	vm12 =	veq.s32 v13, v1;
	[tilespmem:s19+$0x1C30] =	vst v2;
	v2 =	vand.u32 $0x3FFF, v7  }
0x1b4: {  	v6 =	vand.u32 $0x3FFF, v9;
	v1 =	vsel vm12, $0x2710, v1;
	vm13 =	veq.s32 v14, v2  }
0x1b5: {  	vm14 =	veq.s32 v15, v6;
	v7 =	vand.u32 $0x3FFF, v11;
	v3 =	vld [tilespmem:s20+$0x20];
	[tilespmem:s19+$0x1C40] =	vst v1;
	v2 =	vsel vm13, $0x2710, v2  }
0x1b6: {  	vm15 =	veq.s32 v16, v7;
	v8 =	vsel vm14, $0x2710, v6;
	v1 =	vld [tilespmem:s20+$0x30];
	[tilespmem:s19+$0x1C50] =	vst v2  }
0x1b7: {  	s21 =	simm.s32 $0x400;
	v6 =	vsel vm15, $0x2710, v7;
	v2 =	vld [tilespmem:s20+$0x40];
	[tilespmem:s19+$0x1C60] =	vst v8  }
.LBB2_9:
0x1b8: {  	p1 =	sne.s32 s21, $0x6E00;
	v7 =	vshrl.u32 v5, $0xE;
	v5 =	vand.u32 $0x3FFF, v5;
	v8 =	vld [tilespmem:s20+$0x50];
	[tilespmem:s19+$0x1C70] =	vst v6;
	s19 =	smov.u32 s20  }
0x1b9: {  	[tilespmem:s19+$0x0] =	vst v7;
	vm0 =	veq.s32 v7, v5;
	v6 =	vshrl.u32 v4, $0xE;
	v4 =	vand.u32 $0x3FFF, v4;
	v7 =	vld [tilespmem:s19+$0x60]  }
0x1ba: {  	[tilespmem:s19+$0x10] =	vst v6;
	vm1 =	veq.s32 v6, v4;
	v6 =	vshrl.u32 v3, $0xE;
	v3 =	vand.u32 $0x3FFF, v3;
	v9 =	vld [tilespmem:s19+$0x70]  }
0x1bb: {  	[tilespmem:s19+$0x20] =	vst v6;
	vm2 =	veq.s32 v6, v3;
	v6 =	vshrl.u32 v1, $0xE;
	v1 =	vand.u32 $0x3FFF, v1  }
0x1bc: {  	[tilespmem:s19+$0x30] =	vst v6;
	vm3 =	veq.s32 v6, v1;
	v6 =	vshrl.u32 v2, $0xE;
	v2 =	vand.u32 $0x3FFF, v2  }
0x1bd: {  	[tilespmem:s19+$0x40] =	vst v6;
	vm4 =	veq.s32 v6, v2;
	v6 =	vshrl.u32 v8, $0xE;
	v8 =	vand.u32 $0x3FFF, v8  }
0x1be: {  	[tilespmem:s19+$0x50] =	vst v6;
	vm5 =	veq.s32 v6, v8;
	v6 =	vshrl.u32 v7, $0xE;
	v7 =	vand.u32 $0x3FFF, v7  }
0x1bf: {  	[tilespmem:s19+$0x60] =	vst v6;
	vm6 =	veq.s32 v6, v7;
	v6 =	vshrl.u32 v9, $0xE;
	v9 =	vand.u32 $0x3FFF, v9  }
0x1c0: {  	v5 =	vsel vm0, $0x2710, v5;
	v4 =	vsel vm1, $0x2710, v4;
	[tilespmem:s19+$0x70] =	vst v6;
	vm0 =	veq.s32 v6, v9  }
0x1c1: {  	v3 =	vsel vm2, $0x2710, v3;
	v1 =	vsel vm3, $0x2710, v1;
	v2 =	vsel vm4, $0x2710, v2;
	[tilespmem:s19+$0x1C00] =	vst v5  }
0x1c2: {  	s20 =	sshra.s32 s21, $0x2;
	v8 =	vsel vm5, $0x2710, v8;
	v7 =	vsel vm6, $0x2710, v7;
	v6 =	vsel vm0, $0x2710, v9;
	[tilespmem:s19+$0x1C10] =	vst v4  }
.Ltmp11:
0x1c3: {  	v5 =	vld [tilespmem:s20+$0x0];
	[tilespmem:s19+$0x1C20] =	vst v3;
	(pc) =	sbr.rel @p1 .LBB2_9-.Ltmp11, $4  }
0x1c4: {  	v4 =	vld [tilespmem:s20+$0x10];
	[tilespmem:s19+$0x1C30] =	vst v1  }
0x1c5: {  	v3 =	vld [tilespmem:s20+$0x20];
	[tilespmem:s19+$0x1C40] =	vst v2  }
0x1c6: {  	v1 =	vld [tilespmem:s20+$0x30];
	[tilespmem:s19+$0x1C50] =	vst v8  }
0x1c7: {  	s21 =	sadd.s32 $0x200, s21;
	v2 =	vld [tilespmem:s20+$0x40];
	[tilespmem:s19+$0x1C60] =	vst v7  }
0x1c8: {  	v7 =	vld [tilespmem:s20+$0x50];
	v8 =	vshrl.u32 v5, $0xE;
	[tilespmem:s19+$0x1C70] =	vst v6  }
0x1c9: {  	v60 =	vand.u32 $0x3FFF, v5;
	[tilespmem:s20+$0x0] =	vst v8;
	v59 =	vshrl.u32 v4, $0xE  }
0x1ca: {  	vm0 =	veq.s32 v8, v60;
	[tilespmem:s20+$0x10] =	vst v59;
	v10 =	vshrl.u32 v3, $0xE  }
0x1cb: {  	v61 =	vand.u32 $0x3FFF, v4;
	v5 =	vsel vm0, $0x2710, v60;
	[tilespmem:s20+$0x20] =	vst v10  }
0x1cc: {  	vm1 =	veq.s32 v59, v61;
	v12 =	vshrl.u32 v1, $0xE;
	[tilespmem:s20+$0x1C00] =	vst v5  }
0x1cd: {  	v9 =	vld [tilespmem:s20+$0x60];
	v3 =	vand.u32 $0x3FFF, v3;
	v4 =	vsel vm1, $0x2710, v61;
	[tilespmem:s20+$0x30] =	vst v12  }
0x1ce: {  	v11 =	vld [tilespmem:s20+$0x70];
	vm10 =	veq.s32 v10, v3;
	v13 =	vshrl.u32 v2, $0xE;
	[tilespmem:s20+$0x1C10] =	vst v4  }
0x1cf: {  	v1 =	vand.u32 $0x3FFF, v1;
	v3 =	vsel vm10, $0x2710, v3;
	[tilespmem:s20+$0x40] =	vst v13  }
0x1d0: {  	vm11 =	veq.s32 v12, v1;
	v14 =	vshrl.u32 v7, $0xE;
	[tilespmem:s20+$0x1C20] =	vst v3  }
0x1d1: {  	v1 =	vsel vm11, $0x2710, v1;
	[tilespmem:s20+$0x50] =	vst v14  }
0x1d2: {  	v2 =	vand.u32 $0x3FFF, v2;
	v15 =	vshrl.u32 v9, $0xE;
	[tilespmem:s20+$0x1C30] =	vst v1  }
0x1d3: {  	vm12 =	veq.s32 v13, v2;
	v63 =	vand.u32 $0x3FFF, v7;
	v62 =	vshrl.u32 v11, $0xE;
	[tilespmem:s20+$0x60] =	vst v15  }
0x1d4: {  	vm13 =	veq.s32 v14, v63;
	v3 =	vand.u32 $0x3FFF, v9;
	v2 =	vsel vm12, $0x2710, v2;
	[tilespmem:s20+$0x70] =	vst v62  }
0x1d5: {  	v1 =	vand.u32 $0x3FFF, v11;
	vm14 =	veq.s32 v15, v3;
	v4 =	vsel vm13, $0x2710, v63;
	[tilespmem:s20+$0x1C40] =	vst v2  }
0x1d6: {  	vm15 =	veq.s32 v62, v1;
	v2 =	vsel vm14, $0x2710, v3;
	[tilespmem:s20+$0x1C50] =	vst v4  }
0x1d7: {  	v1 =	vsel vm15, $0x2710, v1;
	[tilespmem:s20+$0x1C60] =	vst v2  }
0x1d8: {  	s28 =	simm.s32 $0x0;
	[tilespmem:s20+$0x1C70] =	vst v1  }
0x1d9: {  	[tilespmem:s12], [sflag:$0x1] =	stream.indirect.gather [hbm4b:s4+s14], $0x80, s28, s14, $0xb8;
	[tilespmem:$0x1F800] =	vst v63  }
0x1da: {  	s29 =	simm.s32 $0x80  }
0x1db: {  	[tilespmem:s15], [sflag:$0x2] =	stream.indirect.gather [hbm4b:s4+s14], $0x80, s29, s14, $0xb8;
	[tilespmem:$0x1F800] =	vst v63  }
0x1dc: {  	_ =	swait.ge [sflag:s16], $0x4000  }
0x1dd: {  	[sflag:s16] =	ssyncset.done $0x0  }
0x1de: {  	s30 =	simm.s32 $0x1C00;
	[sflag:s16] =	ssyncadd.s32 $0xFFFFC000  }
0x1df: {  	[spmem:s2] =	stream.indirect.scatter.add.f32 [tilespmem:s12], [sflag:$0x3], $0x80, s30, s14, $0xb8;
	[tilespmem:$0x1F800] =	vst v63  }
0x1e0: {  	_ =	swait.ge [sflag:s13], $0x4000  }
0x1e1: {  	[sflag:s13] =	ssyncset.done $0x0  }
0x1e2: {  	[sflag:s13] =	ssyncadd.s32 $0xFFFFC000  }
0x1e3: {  	_ =	swait.ge [sflag:s17], $0x4000  }
0x1e4: {  	[sflag:s17] =	ssyncset.done $0x0  }
0x1e5: {  	s31 =	simm.s32 $0x1C80;
	[sflag:s17] =	ssyncadd.s32 $0xFFFFC000  }
0x1e6: {  	[spmem:s2] =	stream.indirect.scatter.add.f32 [tilespmem:s15], [sflag:$0x3], $0x80, s31, s14, $0xb8;
	[tilespmem:$0x1F800] =	vst v63  }
0x1e7: {  	_ =	swait.ge [sflag:s13], $0x4000  }
0x1e8: {  	s19 =	simm.s32 $0x400;
	s20 =	simm.s32 $0x800;
	[sflag:s13] =	ssyncset.done $0x0  }
.LBB2_11:
0x1e9: {  	s21 =	sshra.s32 s19, $0x2  }
0x1ea: {  	[sflag:s13] =	ssyncadd.s32 $0xFFFFC000;
	s19 =	smov.u32 s20;
	s22 =	sadd.s32 $0x400, s20  }
0x1eb: {  	[tilespmem:s12], [sflag:$0x1] =	stream.indirect.gather [hbm4b:s4+s14], $0x80, s21, s14, $0xb8;
	[tilespmem:$0x1F800] =	vst v63  }
0x1ec: {  	p1 =	seq.s32 s20, $0x6C00;
	s20 =	sadd.s32 $0x80, s21  }
0x1ed: {  	[tilespmem:s15], [sflag:$0x2] =	stream.indirect.gather [hbm4b:s4+s14], $0x80, s20, s14, $0xb8;
	[tilespmem:$0x1F800] =	vst v63  }
0x1ee: {  	_ =	swait.ge [sflag:s16], $0x4000  }
0x1ef: {  	[sflag:s16] =	ssyncset.done $0x0  }
0x1f0: {  	s20 =	sadd.s32 $0x1C00, s21;
	[sflag:s16] =	ssyncadd.s32 $0xFFFFC000  }
0x1f1: {  	[spmem:s2] =	stream.indirect.scatter.add.f32 [tilespmem:s12], [sflag:$0x3], $0x80, s20, s14, $0xb8;
	[tilespmem:$0x1F800] =	vst v63  }
0x1f2: {  	_ =	swait.ge [sflag:s13], $0x4000  }
0x1f3: {  	[sflag:s13] =	ssyncset.done $0x0  }
0x1f4: {  	[sflag:s13] =	ssyncadd.s32 $0xFFFFC000  }
0x1f5: {  	_ =	swait.ge [sflag:s17], $0x4000  }
.Ltmp12:
0x1f6: {  	[sflag:s17] =	ssyncset.done $0x0;
	(pc) =	sbr.rel @!p1 .LBB2_11-.Ltmp12, $4  }
0x1f7: {  	s20 =	sadd.s32 $0x1C80, s21;
	[sflag:s17] =	ssyncadd.s32 $0xFFFFC000  }
0x1f8: {  	[spmem:s2] =	stream.indirect.scatter.add.f32 [tilespmem:s15], [sflag:$0x3], $0x80, s20, s14, $0xb8;
	[tilespmem:$0x1F800] =	vst v63  }
0x1f9: {  	_ =	swait.ge [sflag:s13], $0x4000  }
0x1fa: {  	s20 =	smov.u32 s22;
	[sflag:s13] =	ssyncset.done $0x0  }
.Ltmp13:
0x1fb: {  	_ = 	snop;
	(pc) =	sbr.rel .LBB2_12-.Ltmp13, $1  }
0x1fc: {  	_ =	sdelay $0x3  }
.LBB2_23:
0x1fd: {  	_ =	sfence.sel $0x180000  }
0x1fe: {  	[bflag:$0x0] =	sbarrier.arrive $0xFFFF  }
0x1ff: {  	p0 =	sne.s32 s1, $0x0;
	_ =	strace $0x9000004D  }
0x200: {  	s0 =	sadd.s32 @!p0 $0x100000, s0;
	[bflag:$0x2] =	sbarrier.arrive $0xFFFF  }
0x201: {  	[sflag:s0] =	ssyncadd.tile.s32 @!p0 $0x1;
	_ =	shalt  }
.Lfunc_end2:
_tile_overlayer_lowered:
.L_overlay_start_2:
0x202: {  	(tag) =	ssettag $0x2  }
0x203: {  	s0 =	rddreg [dreg:$0x0];
	s2 =	stileid.u32  }
0x204: {  	s1 =	rddreg [dreg:$0x1];
	p0 =	sne.s32 s2, $0x0  }
0x205: {  	s3 =	rddreg [dreg:$0x2];
	[bflag:$0x3] =	sbarrier.arrive $0xFFFF;
	s2 =	simm.s32 @!p0 $0x1C03  }
0x206: {  	[timem:s3], [sflag:s2] =	dma.local @!p0 [hbm:s0], s1  }
0x207: {  	s0 =	simm.s32 @!p0 $0x3  }
0x208: {  	_ =	swait.ge @!p0 [sflag:s0], s1  }
0x209: {  	s1 =	ssub.s32 @!p0 $0x0, s1;
	[sflag:s0] =	ssyncset.done @!p0 $0x0  }
0x20a: {  	[sflag:s0] =	ssyncadd.s32 @!p0 s1  }
0x20b: {  	[bflag:$0x3] =	sbarrier.arrive $0xFFFF  }
0x20c: {  	_ =	shalt  }

// kernel: kernel.8.cloned.1.call-start
scs
__scs_entry_jumppad:
0x0: {  	(pc) =	sbr.rel $0x88, $3  }
0x1: {  	(tag) =	ssettag $0x0;
	lr =	simm.s32 $0x1  }
0x2: {  	[smem:$0x3F97] =	sst lr;
	_ =	strace $0xD0000000  }
0x3: {  	_ = 	snop  }
0x4: {  	_ = 	snop  }
0x5: {  	_ = 	snop  }
0x6: {  	_ = 	snop  }
0x7: {  	_ = 	snop  }
__scs_overlays_trampoline_lowered:
0x8: {  	[smem:$0x3FA6] =	sst s0  }
0x9: {  	[smem:$0x3FA7] =	sst s1  }
0xa: {  	[smem:$0x3FA8] =	sst s2  }
0xb: {  	[smem:$0x3FA9] =	sst s3  }
0xc: {  	[smem:$0x3FAA] =	sst s4  }
0xd: {  	[smem:$0x3FAB] =	sst s5  }
0xe: {  	[smem:$0x3FAC] =	sst s6  }
0xf: {  	[smem:$0x3FAD] =	sst s7  }
0x10: {  	[smem:$0x3FAE] =	sst s8  }
0x11: {  	[smem:$0x3FAF] =	sst s9;
	s0 =	simm.s32 @!p0 $0x0  }
0x12: {  	s1 =	sld [smem:$0x3F95];
	s0 =	simm.s32 @p0 $0x1  }
0x13: {  	[smem:$0x3FB0] =	sst s0;
	s0 =	simm.s32 @!p1 $0x0  }
0x14: {  	s2 =	sld [smem:$0x3F94];
	s0 =	simm.s32 @p1 $0x1  }
0x15: {  	[smem:$0x3FB1] =	sst s0;
	s0 =	simm.s32 @!p2 $0x0  }
0x16: {  	s3 =	sld [smem:$0x3FDB];
	s0 =	simm.s32 @p2 $0x1  }
0x17: {  	s4 =	simm.s32 $0x1BF5;
	[smem:$0x3FB3] =	sst s0  }
0x18: {  	s0 =	sld [smem:$0x3F96];
	_ =	swait.ge [sflag:s4], $0x0  }
0x19: {  	s7 =	sld [smem:$0x3F97]  }
0x1a: {  	s8 =	sadd.s32 $0xFFFFE003, lr  }
0x1b: {  	s9 =	sadd.s32 $0xFFFFFEF7, lr;
	s5 =	simm.s32 $0xFFFFFFFF;
	p2 =	slt.u32 s8, $0xFFFFF086  }
0x1c: {  	p1 =	slt.u32 s9, $0xF7A;
	s5 =	simm.s32 @!p2 $0x0  }
0x1d: {  	s5 =	simm.s32 @p1 $0x1;
	p0 =	seq.s32 s7, s2  }
0x1e: {  	s7 =	smul.u32 @!p0 $0xF7A, s2;
	p2 =	seq.s32 @!p0 s5, $0x0  }
0x1f: {  	s9 =	smul.u32 $0xF7A, s1;
	s8 =	simm.s32 @!p0 $0x1BF5;
	p2 =	por !p2, p0  }
0x20: {  	[sflag:s8] =	ssyncset.s32 @!p0 $0xFFFFF086;
	s6 =	sadd.s32 @!p0 s3, s7;
	s7 =	simm.s32 @!p0 $0x108  }
0x21: {  	s3 =	sadd.s32 s3, s9;
	s6 =	sadd.s32 @!p0 $0x88, s6;
	s7 =	simm.s32 @p2 $0x1082  }
0x22: {  	[simem:s7], [sflag:s8] =	dma.local @!p0 [hbm:s6], $0xF7A  }
0x23: {  	s9 =	sor.u32 $0xD0000000, s2;
	s6 =	simm.s32 $0x108;
	_ =	swait.ge @!p0 [sflag:s8], $0x0  }
0x24: {  	s3 =	sadd.s32 $0x88, s3;
	s6 =	simm.s32 @!p1 $0x1082;
	[sflag:s4] =	ssyncset.s32 $0xFFFFF086  }
0x25: {  	[simem:s6], [sflag:s4] =	dma.local [hbm:s3], $0xF7A  }
0x26: {  	[smem:$0x3F97] =	sst s1;
	(tag) =	ssettag s2;
	_ =	strace s9  }
0x27: {  	s1 =	sld [smem:$0x3FA7]  }
0x28: {  	s2 =	sld [smem:$0x3FA8]  }
0x29: {  	s4 =	sld [smem:$0x3FAA]  }
0x2a: {  	p0 =	seq.s32 s5, $0x0;
	s5 =	sld [smem:$0x3FAB]  }
0x2b: {  	s6 =	sld [smem:$0x3FAC]  }
0x2c: {  	s7 =	sld [smem:$0x3FAD]  }
0x2d: {  	s3 =	simm.s32 $0x108;
	s8 =	sld [smem:$0x3FAE]  }
0x2e: {  	s3 =	simm.s32 @!p0 $0x1082;
	s9 =	sld [smem:$0x3FAF]  }
0x2f: {  	lr =	sadd.s32 s0, s3;
	s0 =	sld [smem:$0x3FA6]  }
0x30: {  	s3 =	sld [smem:$0x3FA9]  }
0x31: {  	[smem:$0x3FB2] =	sst s10  }
0x32: {  	s10 =	sld [smem:$0x3FB0];
	_ =	sdelay $0x3  }
0x33: {  	p0 =	seq.s32 s10, $0x1;
	s10 =	sld [smem:$0x3FB2];
	_ =	sdelay $0x3  }
0x34: {  	[smem:$0x3FB2] =	sst s10  }
0x35: {  	s10 =	sld [smem:$0x3FB1];
	_ =	sdelay $0x3  }
0x36: {  	p1 =	seq.s32 s10, $0x1;
	s10 =	sld [smem:$0x3FB2];
	_ =	sdelay $0x3  }
0x37: {  	[smem:$0x3FB2] =	sst s10  }
0x38: {  	s10 =	sld [smem:$0x3FB3]  }
0x39: {  	_ = 	snop;
	(pc) =	sbr.ind lr, $3  }
0x3a: {  	_ = 	snop  }
0x3b: {  	_ = 	snop  }
0x3c: {  	p2 =	seq.s32 s10, $0x1;
	s10 =	sld [smem:$0x3FB2]  }
0x3d: {  	_ =	shalt  }
0x3e: {  	_ =	shalt  }
0x3f: {  	_ =	shalt  }
0x40: {  	_ =	shalt  }
0x41: {  	_ =	shalt  }
0x42: {  	_ =	shalt  }
0x43: {  	_ =	shalt  }
0x44: {  	_ =	shalt  }
0x45: {  	_ =	shalt  }
0x46: {  	_ =	shalt  }
0x47: {  	_ =	shalt  }
0x48: {  	_ =	shalt  }
0x49: {  	_ =	shalt  }
0x4a: {  	_ =	shalt  }
0x4b: {  	_ =	shalt  }
0x4c: {  	_ =	shalt  }
0x4d: {  	_ =	shalt  }
0x4e: {  	_ =	shalt  }
0x4f: {  	_ =	shalt  }
0x50: {  	_ =	shalt  }
0x51: {  	_ =	shalt  }
0x52: {  	_ =	shalt  }
0x53: {  	_ =	shalt  }
0x54: {  	_ =	shalt  }
0x55: {  	_ =	shalt  }
0x56: {  	_ =	shalt  }
0x57: {  	_ =	shalt  }
0x58: {  	_ =	shalt  }
0x59: {  	_ =	shalt  }
0x5a: {  	_ =	shalt  }
0x5b: {  	_ =	shalt  }
0x5c: {  	_ =	shalt  }
0x5d: {  	_ =	shalt  }
0x5e: {  	_ =	shalt  }
0x5f: {  	_ =	shalt  }
0x60: {  	_ =	shalt  }
0x61: {  	_ =	shalt  }
0x62: {  	_ =	shalt  }
0x63: {  	_ =	shalt  }
0x64: {  	_ =	shalt  }
0x65: {  	_ =	shalt  }
0x66: {  	_ =	shalt  }
0x67: {  	_ =	shalt  }
0x68: {  	_ =	shalt  }
0x69: {  	_ =	shalt  }
0x6a: {  	_ =	shalt  }
0x6b: {  	_ =	shalt  }
0x6c: {  	_ =	shalt  }
0x6d: {  	_ =	shalt  }
0x6e: {  	_ =	shalt  }
0x6f: {  	_ =	shalt  }
0x70: {  	_ =	shalt  }
0x71: {  	_ =	shalt  }
0x72: {  	_ =	shalt  }
0x73: {  	_ =	shalt  }
0x74: {  	_ =	shalt  }
0x75: {  	_ =	shalt  }
0x76: {  	_ =	shalt  }
0x77: {  	_ =	shalt  }
0x78: {  	_ =	shalt  }
0x79: {  	_ =	shalt  }
0x7a: {  	_ =	shalt  }
0x7b: {  	_ =	shalt  }
0x7c: {  	_ =	shalt  }
0x7d: {  	_ =	shalt  }
0x7e: {  	_ =	shalt  }
0x7f: {  	_ =	shalt  }
0x80: {  	_ =	shalt  }
0x81: {  	_ =	shalt  }
0x82: {  	_ =	shalt  }
0x83: {  	_ =	shalt  }
0x84: {  	_ =	shalt  }
0x85: {  	_ =	shalt  }
0x86: {  	_ =	shalt  }
0x87: {  	_ =	shalt  }
.Lfunc_end0:
.L_simem_size_0:
called_computation_lowered:
.L_overlay_start_0:
0x88: {  	s2 =	sld [smem:$0x3FD9]  }
0x89: {  	s3 =	sld [smem:$0x3FFE];
	_ =	sdelay $0x1  }
0x8a: {  	s1 =	srdreg.scid  }
0x8b: {  	s0 =	sand.u32 $0x1, s1  }
0x8c: {  	s17 =	sshll.u32 s0, $0xA;
	s2 =	sadd.s32 s3, s2  }
0x8d: {  	s2 =	sadd.s32 s2, s17  }
0x8e: {  	[smem:$0x3FBE] =	sst s2  }
0x8f: {  	_ = 	snop  }
0x90: {  	s2 =	sld [smem:$0x3FD0];
	(tm) =	ssettm $0x1  }
0x91: {  	s18 =	sld [smem:$0x3FFB];
	_ =	sdelay $0x3  }
0x92: {  	_ =	strace s18  }
0x93: {  	s3 =	sld [smem:$0x3FFC];
	_ =	sdelay $0x3  }
0x94: {  	_ =	strace s3  }
0x95: {  	s3 =	sld [smem:$0x3FFD];
	_ =	sdelay $0x3  }
0x96: {  	_ =	strace s3  }
0x97: {  	_ =	strace $0x8FFFFFFF  }
0x98: {  	s19 =	sld [smem:$0x3FDB];
	_ =	sdelay $0x1  }
0x99: {  	s4 =	simm.s32 $_scs_section_size  }
0x9a: {  	s5 =	simm.s32 $_size__tile_overlayer_lowered;
	s6 =	simm.s32 $_tile_overlayer_lowered  }
0x9b: {  	s22 =	simm.s32 $0x1BFF;
	s21 =	sshll.u32 s6, $0x1;
	s3 =	sadd.s32 s4, s19  }
0x9c: {  	s7 =	simm.s32 $0x0;
	s20 =	sshll.u32 s5, $0x1;
	s5 =	sadd.s32 s21, s3  }
0x9d: {  	[timem:s7], [sflag:s22] =	dma.local [hbm:s5], s20  }
0x9e: {  	_ =	swait.ge [sflag:s22], s20  }
0x9f: {  	s4 =	ssub.s32 $0x0, s20;
	[sflag:s22] =	ssyncset.done $0x0  }
0xa0: {  	[sflag:s22] =	ssyncadd.s32 s4;
	_ =	sdelay $0x1  }
0xa1: {  	s23 =	simm.s32 $0x1B8B  }
0xa2: {  	_ =	swait.ge [sflag:s23], $0x1  }
0xa3: {  	[sflag:s23] =	ssyncset.done $0x0  }
0xa4: {  	s25 =	simm.s32 $0x1B8E;
	s24 =	sld [smem:$0x3FFE];
	[sflag:s23] =	ssyncadd.s32 $0xFFFFFFFF  }
0xa5: {  	s26 =	simm.s32 $execute0_lowered;
	[smem:$0x3FD2] =	sst s25  }
0xa6: {  	s5 =	sshll.u32 s26, $0x1;
	_ =	strace $0x80000046;
	[dreg:$0x1] =	wrdreg $0xFFFFFFFF  }
0xa7: {  	s28 =	simm.s32 $_size_execute0_lowered;
	s3 =	sadd.s32 s3, s5;
	[dreg:$0x0] =	wrdreg $0x0  }
0xa8: {  	s5 =	sshll.u32 s28, $0x1;
	[dreg:$0x2] =	wrdreg s3  }
0xa9: {  	[dreg:$0x3] =	wrdreg s5  }
0xaa: {  	[dreg:$0x4] =	wrdreg $0xC0  }
0xab: {  	_ =	task [dreg:s7], $0x5FFFF  }
0xac: {  	[dreg:$0x1] =	wrdreg $0xFFFFFFFF  }
0xad: {  	[dreg:$0x0] =	wrdreg $0x60  }
0xae: {  	[dreg:$0x2] =	wrdreg s2  }
0xaf: {  	[dreg:$0x3] =	wrdreg s24  }
0xb0: {  	[dreg:$0x4] =	wrdreg $0x9  }
0xb1: {  	_ =	task.clear_ibuf [dreg:s7], $0x5FFFF;
	_ =	strace $0x90000046  }
0xb2: {  	s29 =	simm.s32 $0x9;
	_ =	strace $0x80000048  }
0xb3: {  	_ =	swait.ge [sflag:s29], $0x1  }
0xb4: {  	[sflag:s29] =	ssyncadd.s32 $0xFFFFFFFF  }
0xb5: {  	_ =	strace $0x90000048  }
0xb6: {  	_ =	sfence  }
0xb7: {  	s30 =	sld [smem:$0x0];
	_ =	sdelay $0x2  }
0xb8: {  	s31 =	sshll.u32 s1, $0xD;
	s1 =	sshrl.u32 s1, $0x2  }
0xb9: {  	s3 =	sand.u32 $0x4000, s31;
	s1 =	sadd.s32 s1, s30  }
0xba: {  	s0 =	sor.u32 s3, s0;
	s1 =	sshll.u32 s1, $0x11  }
0xbb: {  	s0 =	sor.u32 s1, s0  }
0xbc: {  	s0 =	sadd.s32 $0x8F2B, s0  }
0xbd: {  	[sflag:s0] =	ssyncadd.remote.s32 $0x1  }
0xbe: {  	_ =	sfence.sel $0xFFFF  }
0xbf: {  	[dreg:$0x0] =	wrdreg $0xFFFFFFFF;
	(pc) =	sbr.abs _section_cstart, $3  }
0xc0: {  	[dreg:$0x1] =	wrdreg $0xFFFFFFFF  }
0xc1: {  	_ =	task.clear_ibuf [dreg:s7], $0x2FFFF;
	_ =	strace $0x9FFFFFFF  }
0xc2: {  	(tm) =	ssettm $0x7FFFFFFF  }
0xc3: {  	_ =	shalt  }
tec
execute0_lowered:
.L_overlay_start_1:
0x0: {  	(tag) =	ssettag $0x1  }
0x1: {  	s3 =	rddreg [dreg:$0x0];
	s1 =	srdreg.scid  }
0x2: {  	s0 =	stileid.u32;
	s6 =	rddreg [dreg:$0x1];
	s8 =	simm.s32 $0x1  }
0x3: {  	s9 =	simm.s32 $0x2800;
	s10 =	simm.s32 $0x0;
	s4 =	sand.u32 $0x1, s1  }
0x4: {  	s29 =	sshrl.u32 s0, $0x2;
	s2 =	sshll.u32 s0, $0x8;
	s1 =	rddreg [dreg:$0x2]  }
0x5: {  	s5 =	smul.u32 $0x14000, s29;
	s30 =	sshll.u32 s4, $0x7;
	s2 =	sand.u32 $0x300, s2  }
0x6: {  	s4 =	ssub.s32 $0x2, s4;
	s7 =	sor.u32 s30, s2;
	s2 =	simm.s32 $0x0  }
0x7: {  	s31 =	sshrl.u32 s4, $0x1;
	s5 =	sor.u32 s5, s7;
	[smem:$0x7FF] =	sst s2  }
0x8: {  	s7 =	ssub.s32 s4, s31;
	s5 =	sshrl.u32 s5, $0x3;
	_ =	strace $0x80000047  }
0x9: {  	s6 =	sadd.s32 s5, s6;
	s3 =	sadd.s32 s3, s5;
	s5 =	smax.u32 s7, $0x1  }
0xa: {  	v0 =	vimm.f32 $0.0e+00;
	v1 =	vimm.f32 $1.000000000e+00;
	s7 =	simm.s32 $0x400;
	s4 =	sadd.s32 $0x2E00, s6;
	s6 =	simm.s32 $0x80  }
.LBB2_1:
0xb: {  	[tilespmem:s2], [sflag:$0x1] =	stream.strided.gather [hbm4b:s3+s6], $0x2800, s7, s6, $0x38;
	[tilespmem:$0x5000] =	vst v63  }
0xc: {  	_ =	swait.ge [sflag:s8], $0x2800  }
0xd: {  	[sflag:s8] =	ssyncset.done $0x0  }
0xe: {  	s11 =	simm.s32 $0x0;
	[sflag:s8] =	ssyncadd.s32 $0xFFFFD800  }
.LBB2_2:
0xf: {  	p0 =	sne.s32 s11, $0x9FC0  }
.Ltmp0:
0x10: {  	_ = 	snop;
	(pc) =	sbr.rel @p0 .LBB2_2-.Ltmp0, $3  }
0x11: {  	_ =	sdelay $0x1  }
0x12: {  	s12 =	sshra.s32 s11, $0x2  }
0x13: {  	s11 =	sadd.s32 $0x40, s11;
	[tilespmem:s12+$0x2800] =	vst v0  }
0x14: {  	s12 =	simm.s32 $0x0;
	s11 =	simm.s32 $0x40  }
.LBB2_4:
0x15: {  	p0 =	sne.s32 s11, $0x9FC0;
	v2 =	vld [tilespmem:s12+$0x0];
	_ =	sdelay $0x4  }
0x16: {  	v3 =	vshrl.u32 v2, $0xE;
	v2 =	vand.u32 $0x3FFF, v2  }
0x17: {  	vm0 =	veq.s32 v3, v2  }
0x18: {  	v2 =	vsel vm0, $0x2710, v3  }
.Ltmp1:
0x19: {  	(pc) =	sbr.rel @p0 .LBB2_4-.Ltmp1, $2  }
0x1a: {  	_ =	sdelay $0x2  }
0x1b: {  	s12 =	sshra.s32 s11, $0x2;
	s11 =	sadd.s32 $0x40, s11;
	[tilespmem:v2+s9+$0x0] =	vst.idx.add.f32.msk $0xffff, v1  }
0x1c: {  	v2 =	vld [tilespmem:s12+$0x0];
	_ =	sdelay $0x4  }
0x1d: {  	v3 =	vshrl.u32 v2, $0xE;
	v2 =	vand.u32 $0x3FFF, v2  }
0x1e: {  	vm0 =	veq.s32 v3, v2  }
0x1f: {  	v2 =	vsel vm0, $0x2710, v3;
	_ =	sdelay $0x2  }
0x20: {  	s10 =	sadd.s32 $0x1, s10  }
0x21: {  	p0 =	sne.s32 s10, s5  }
.Ltmp2:
0x22: {  	[tilespmem:v2+s9+$0x0] =	vst.idx.add.f32.msk $0xffff, v1;
	(pc) =	sbr.rel @p0 .LBB2_1-.Ltmp2, $4  }
0x23: {  	[hbm4b:s4+s6] =	stream.strided.scatter [tilespmem:s9], [sflag:$0x1], $0x2800, s7, s6, $0x38;
	[tilespmem:$0x5000] =	vst v63  }
0x24: {  	_ =	swait.ge [sflag:s8], $0x2800  }
0x25: {  	[sflag:s8] =	ssyncset.done $0x0  }
0x26: {  	[sflag:s8] =	ssyncadd.s32 $0xFFFFD800  }
0x27: {  	_ =	sfence.sel $0x180000  }
0x28: {  	[bflag:$0x0] =	sbarrier.arrive $0xFFFF  }
0x29: {  	p0 =	sne.s32 s0, $0x0;
	_ =	strace $0x90000047  }
0x2a: {  	s0 =	sadd.s32 @!p0 $0x100000, s1;
	[bflag:$0x2] =	sbarrier.arrive $0xFFFF  }
0x2b: {  	[sflag:s0] =	ssyncadd.tile.s32 @!p0 $0x1;
	_ =	shalt  }
.Lfunc_end2:
_tile_overlayer_lowered:
.L_overlay_start_2:
0x2c: {  	(tag) =	ssettag $0x2  }
0x2d: {  	s0 =	rddreg [dreg:$0x0];
	s2 =	stileid.u32  }
0x2e: {  	s1 =	rddreg [dreg:$0x1];
	p0 =	sne.s32 s2, $0x0  }
0x2f: {  	s3 =	rddreg [dreg:$0x2];
	[bflag:$0x3] =	sbarrier.arrive $0xFFFF;
	s2 =	simm.s32 @!p0 $0x1C01  }
0x30: {  	[timem:s3], [sflag:s2] =	dma.local @!p0 [hbm:s0], s1  }
0x31: {  	s0 =	simm.s32 @!p0 $0x1  }
0x32: {  	_ =	swait.ge @!p0 [sflag:s0], s1  }
0x33: {  	s1 =	ssub.s32 @!p0 $0x0, s1;
	[sflag:s0] =	ssyncset.done @!p0 $0x0  }
0x34: {  	[sflag:s0] =	ssyncadd.s32 @!p0 s1  }
0x35: {  	[bflag:$0x3] =	sbarrier.arrive $0xFFFF  }
0x36: {  	_ =	shalt  }

</sc_bundles>
